<compile_context>
chip_gen: v7x
topology: tpu7x:2x2x1
jax: 0.10.2.dev20260603
libtpu: 0.0.44.dev20260713+nightly
codegen_flags: <defaults>
</compile_context>

<pallas_src>
import functools

import jax
import jax.numpy as jnp
import numpy as np
from jax import lax
from jax.experimental import pallas as pl
from jax.experimental.pallas import tpu as pltpu
from jax.experimental.pallas import tpu_sc as plsc

E = 8
D = 768
H = 768
KM1 = 7
K = 8
B = 32768
T = 256
P = B + E * T
NTILES = P // T
OUTW = 16

NC = 2
NS = 16
NW = NC * NS


@functools.cache
def _make_sc_row_gather(n_src, n_out, d, chunk, nbuf):
    rows_per_w = n_out // NW
    n_chunks = rows_per_w // chunk
    assert rows_per_w % chunk == 0 and n_out % NW == 0 and chunk <= 128
    mesh = plsc.VectorSubcoreMesh(core_axis_name="c", subcore_axis_name="s")

    @functools.partial(
        pl.kernel,
        out_type=jax.ShapeDtypeStruct((n_out, d), jnp.float32),
        mesh=mesh,
        scratch_types=(
            [pltpu.VMEM((rows_per_w,), jnp.int32)]
            + [pltpu.VMEM((chunk, d), jnp.float32) for _ in range(nbuf)]
            + [pltpu.SemaphoreType.DMA for _ in range(2 * nbuf)]
        ),
    )
    def gather_k(table_hbm, idx_hbm, out_hbm, idx_v, *rest):
        bufs = rest[:nbuf]
        gsems = rest[nbuf:2 * nbuf]
        wsems = rest[2 * nbuf:]
        wid = lax.axis_index("s") * NC + lax.axis_index("c")
        base = wid * rows_per_w
        pltpu.sync_copy(idx_hbm.at[pl.ds(base, rows_per_w)], idx_v)

        def start_gather(c, b):
            return pltpu.async_copy(
                table_hbm.at[idx_v.at[pl.ds(c * chunk, chunk)]],
                bufs[b], gsems[b])

        def start_write(c, b):
            return pltpu.async_copy(
                bufs[b], out_hbm.at[pl.ds(base + c * chunk, chunk)], wsems[b])

        cps_g = [start_gather(b, b) for b in range(min(nbuf, n_chunks))]
        cps_w = [None] * nbuf
        for c in range(n_chunks):
            b = c % nbuf
            cps_g[b].wait()
            cps_w[b] = start_write(c, b)
            nxt = c + nbuf
            if nxt < n_chunks:
                cps_w[b].wait()
                cps_g[b] = start_gather(nxt, b)
        for c in range(max(0, n_chunks - nbuf), n_chunks):
            cps_w[c % nbuf].wait()

    return gather_k


@functools.cache
def _make_sc_reorder(n_src, n_out, d, chunk, nbuf):
    n_rows = n_out
    rows_per_w = n_rows // NW
    n_chunks = rows_per_w // chunk
    assert rows_per_w % chunk == 0 and chunk <= 128
    mesh = plsc.VectorSubcoreMesh(core_axis_name="c", subcore_axis_name="s")

    @functools.partial(
        pl.kernel,
        out_type=jax.ShapeDtypeStruct((n_out, d), jnp.float32),
        mesh=mesh,
        scratch_types=(
            [pltpu.VMEM((n_chunks, chunk), jnp.int32),
             pltpu.VMEM((n_chunks, chunk), jnp.int32)]
            + [pltpu.VMEM((chunk, d), jnp.float32) for _ in range(nbuf)]
            + [pltpu.SemaphoreType.DMA for _ in range(2 * nbuf)]
        ),
        compiler_params=pltpu.CompilerParams(use_tc_tiling_on_sc=False),
    )
    def reorder_k(table_hbm, src_hbm, dst_hbm, out_hbm, src_v, dst_v, *rest):
        bufs = rest[:nbuf]
        gsems = rest[nbuf:2 * nbuf]
        wsems = rest[2 * nbuf:]
        wid = lax.axis_index("s") * NC + lax.axis_index("c")
        pltpu.sync_copy(src_hbm.at[pl.ds(wid * n_chunks, n_chunks)], src_v)
        pltpu.sync_copy(dst_hbm.at[pl.ds(wid * n_chunks, n_chunks)], dst_v)

        def start_gather(c, b):
            return pltpu.async_copy(table_hbm.at[src_v.at[c]], bufs[b],
                                    gsems[b])

        def start_write(c, b):
            return pltpu.async_copy(bufs[b], out_hbm.at[dst_v.at[c]],
                                    wsems[b])

        cps_g = [start_gather(b, b) for b in range(min(nbuf, n_chunks))]
        cps_w = [None] * nbuf
        for c in range(n_chunks):
            b = c % nbuf
            cps_g[b].wait()
            cps_w[b] = start_write(c, b)
            nxt = c + nbuf
            if nxt < n_chunks:
                cps_w[b].wait()
                cps_g[b] = start_gather(nxt, b)
        for c in range(max(0, n_chunks - nbuf), n_chunks):
            cps_w[c % nbuf].wait()

    return reorder_k


_DIFF = np.zeros((8, 8), np.float32)
for _k in range(7):
    _DIFF[_k, _k] -= 1.0
    _DIFF[_k, _k + 1] += 1.0
_DIFF[7, 0] = 1.0
_DMAT = np.stack([_DIFF, np.ones((8, 8), np.float32)])


def _tc_tile_kernel(eid_ref, xs_ref, w1_ref, b1_ref, w2_ref, b2_ref,
                    dmat_ref, out_ref):
    xb = xs_ref[...].astype(jnp.bfloat16)
    h = jnp.dot(xb, w1_ref[0], preferred_element_type=jnp.float32)
    h = jnp.maximum(h + b1_ref[0], 0.0)
    h16 = h.astype(jnp.bfloat16)
    logits8 = jnp.dot(h16, w2_ref[0], preferred_element_type=jnp.float32)
    logits8 = logits8 + b2_ref[0]
    q8 = jax.nn.sigmoid(logits8)
    lane = jax.lax.broadcasted_iota(jnp.int32, (T, K), 1)
    q8 = jnp.where(lane == K - 1, 1.0, q8)
    pu = jnp.dot(q8, dmat_ref[0], preferred_element_type=jnp.float32)
    probs = jnp.maximum(pu, 1e-8)
    s = jnp.dot(probs, dmat_ref[1], preferred_element_type=jnp.float32)
    probs = probs / jnp.maximum(s, 1e-8)
    out_ref[:, 0:8] = logits8
    out_ref[:, 8:16] = probs


def _tc_experts(xs, w1, b1r, w2p, b2r, tile_eid):
    grid_spec = pltpu.PrefetchScalarGridSpec(
        num_scalar_prefetch=1,
        grid=(NTILES,),
        in_specs=[
            pl.BlockSpec((T, D), lambda i, eid: (i, 0)),
            pl.BlockSpec((1, D, H), lambda i, eid: (eid[i], 0, 0)),
            pl.BlockSpec((1, 1, H), lambda i, eid: (eid[i], 0, 0)),
            pl.BlockSpec((1, H, K), lambda i, eid: (eid[i], 0, 0)),
            pl.BlockSpec((1, 1, K), lambda i, eid: (eid[i], 0, 0)),
            pl.BlockSpec((2, K, K), lambda i, eid: (0, 0, 0)),
        ],
        out_specs=pl.BlockSpec((T, OUTW), lambda i, eid: (i, 0)),
    )
    return pl.pallas_call(
        _tc_tile_kernel,
        grid_spec=grid_spec,
        out_shape=jax.ShapeDtypeStruct((P, OUTW), jnp.float32),
        compiler_params=pltpu.CompilerParams(
            dimension_semantics=("arbitrary",),
        ),
    )(tile_eid, xs, w1, b1r, w2p, b2r, jnp.asarray(_DMAT))


def kernel(x, size_idx, W1, b1, W2, b2):
    si = size_idx.astype(jnp.int32)

    iota_b = jnp.arange(B, dtype=jnp.int32)
    sorted_e, perm = lax.sort((si, iota_b), num_keys=1)
    counts = jnp.sum(sorted_e[:, None] == jnp.arange(E, dtype=jnp.int32)[None, :],
                     axis=0, dtype=jnp.int32)
    padded = ((counts + T - 1) // T) * T
    seg_end = jnp.cumsum(padded).astype(jnp.int32)
    pstart = seg_end - padded
    off = jnp.cumsum(counts).astype(jnp.int32) - counts
    ppos = pstart[sorted_e] + (iota_b - off[sorted_e])

    tile_start = jnp.arange(NTILES, dtype=jnp.int32) * T
    tile_eid = jnp.sum(tile_start[:, None] >= seg_end[None, :],
                       axis=1, dtype=jnp.int32)
    tile_eid = jnp.minimum(tile_eid, E - 1)

    e_full = jnp.broadcast_to(tile_eid[:, None], (NTILES, T)).reshape(P)
    jj = jnp.arange(P, dtype=jnp.int32)
    r = jj - pstart[e_full]
    valid = r < counts[e_full]
    sidx = jnp.where(valid, off[e_full] + r, B)
    perm_pad = jnp.concatenate([perm, jnp.zeros((1,), jnp.int32)])
    pad_src = jnp.where(jj < B, jj, jj - B)
    row_ids = jnp.where(valid, perm_pad[sidx], pad_src)

    xs = _make_sc_row_gather(B, P, D, 32, 4)(x, row_ids)

    b1r = b1.reshape(E, 1, H)
    w1bf = W1.astype(jnp.bfloat16)
    w2p = jnp.pad(W2, ((0, 0), (0, 0), (0, 1))).astype(jnp.bfloat16)
    b2r = jnp.pad(b2, ((0, 0), (0, 1))).reshape(E, 1, K)
    packed = _tc_experts(xs, w1bf, b1r, w2p, b2r, tile_eid)

    rc = B // (NW * 128)
    src2 = ppos.reshape(NW * rc, 128)
    dst2 = perm.reshape(NW * rc, 128)
    out16 = _make_sc_reorder(P, B, OUTW, 128, 2)(packed, src2, dst2)
    logits = out16[:, :KM1]
    probs = out16[:, 8:16]
    return (logits, probs)

# --- scband reference (transcript-rebuilt; emitter-appended) ---
"""Pipeline reference for scband-size-conditioned-depth-experts-49426483642688 (READ-ONLY COPY).

The authoritative reference and input builder live on the scoring server;
editing this copy changes nothing except your own understanding.
"""

import jax, jax.numpy as jnp
import numpy as np

E = 8
D = 768
H = 768  # hidden = max(64, in_dim)
K = 8    # num_depth_classes
B = 32768


def setup_inputs(seed: int = 0) -> dict:
    key = jax.random.key(seed)
    ks = jax.random.split(key, 5)
    x = jax.random.normal(ks[0], (B, D), dtype=jnp.float32)
    size_idx = jax.random.randint(ks[1], (B,), 0, E)
    W1 = jax.random.normal(ks[2], (E, D, H), dtype=jnp.float32) * 0.02
    b1 = jnp.zeros((E, H), dtype=jnp.float32)
    W2 = jax.random.normal(ks[3], (E, H, K - 1), dtype=jnp.float32) * 0.02
    b2 = jnp.zeros((E, K - 1), dtype=jnp.float32)
    return {"x": x, "size_idx": size_idx, "W1": W1, "b1": b1, "W2": W2, "b2": b2}


def _ordinal_logits_to_probs(logits):
    # logits: [B, K-1]
    q = jax.nn.sigmoid(logits)
    p_first = 1.0 - q[:, :1]
    p_mid = q[:, :-1] - q[:, 1:]
    p_last = q[:, -1:]
    probs = jnp.concatenate([p_first, p_mid, p_last], axis=1)  # [B, K]
    probs = jnp.clip(probs, 1e-8, None)
    probs = probs / jnp.clip(probs.sum(axis=1, keepdims=True), 1e-8, None)
    return probs


def reference(x, size_idx, W1, b1, W2, b2):
    # Hard routing: each token is processed by the expert selected by size_idx.
    # Dropout is identity at inference. Compute all experts, then gather per-token
    # expert output (mathematically identical to the torch masked assignment).
    def expert(Wa, ba, Wb, bb):
        h = jax.nn.relu(x @ Wa + ba)
        return h @ Wb + bb

    outs = jax.vmap(expert)(W1, b1, W2, b2)  # [E, B, K-1]
    tok = jnp.arange(x.shape[0])
    logits = outs[size_idx.astype(jnp.int32), tok]  # [B, K-1] gather per token
    probs = _ordinal_logits_to_probs(logits)
    return (logits, probs)

if __name__ == "__main__":
    import jax
    _d = setup_inputs()
    print(jax.jit(kernel)(*tuple(_d.values())))

</pallas_src>

<mosaic_0001>
#map = affine_map<(d0, d1) -> (0, 0)>
#map1 = affine_map<(d0, d1) -> (0)>
module attributes {stable_mosaic.version = 14 : i64} {
  func.func @gather_k(%arg0: i32, %arg1: i32, %arg2: memref<32768x768xf32, #tpu.memory_space<hbm>>, %arg3: memref<34816xi32, #tpu.memory_space<hbm>>, %arg4: memref<34816x768xf32, #tpu.memory_space<hbm>>, %arg5: memref<1088xi32, #tpu.memory_space<vmem>>, %arg6: memref<32x768xf32, #tpu.memory_space<vmem>>, %arg7: memref<32x768xf32, #tpu.memory_space<vmem>>, %arg8: memref<32x768xf32, #tpu.memory_space<vmem>>, %arg9: memref<32x768xf32, #tpu.memory_space<vmem>>, %arg10: memref<!tpu.dma_semaphore, #tpu.memory_space<semaphore_mem>>, %arg11: memref<!tpu.dma_semaphore, #tpu.memory_space<semaphore_mem>>, %arg12: memref<!tpu.dma_semaphore, #tpu.memory_space<semaphore_mem>>, %arg13: memref<!tpu.dma_semaphore, #tpu.memory_space<semaphore_mem>>, %arg14: memref<!tpu.dma_semaphore, #tpu.memory_space<semaphore_mem>>, %arg15: memref<!tpu.dma_semaphore, #tpu.memory_space<semaphore_mem>>, %arg16: memref<!tpu.dma_semaphore, #tpu.memory_space<semaphore_mem>>, %arg17: memref<!tpu.dma_semaphore, #tpu.memory_space<semaphore_mem>>) attributes {dimension_semantics = [#tpu.dimension_semantics<core_parallel>, #tpu.dimension_semantics<subcore_parallel>], iteration_bounds = array<i64: 2, 16>, scalar_prefetch = 0 : i64, scratch_operands = 13 : i64, tpu.core_type = #tpu.core_type<sc_vector_subcore>, window_params = [{transform_indices = #map}, {transform_indices = #map1}, {transform_indices = #map}]} {
    %mul3A = arith.constant 2 : i32
    %mul3A_0 = arith.muli %arg1, %mul3A : i32
    %add3A = arith.addi %mul3A_0, %arg0 : i32
    %mul3A_1 = arith.constant 1088 : i32
    %mul3A_2 = arith.muli %add3A, %mul3A_1 : i32
    "tpu.region"() ({
      %run_scoped3A = tpu.sem_alloc : memref<!tpu.dma_semaphore, #tpu.memory_space<semaphore_mem>>
      %dma_start3A_681 = tpu.memref_slice %arg3[%mul3A_2] : memref<34816xi32, #tpu.memory_space<hbm>> -> memref<1088xi32, #tpu.memory_space<hbm>>
      %dma_start3A_682 = tpu.memref_slice %arg3[%mul3A_2] : memref<34816xi32, #tpu.memory_space<hbm>> -> memref<1088xi32, #tpu.memory_space<hbm>>
      tpu.enqueue_dma source(%dma_start3A_682 : memref<1088xi32, #tpu.memory_space<hbm>>) target(%arg5 : memref<1088xi32, #tpu.memory_space<vmem>>) target_semaphore(%run_scoped3A : memref<!tpu.dma_semaphore, #tpu.memory_space<semaphore_mem>>)
      %dma_wait3A_683 = tpu.memref_slice %arg3[%mul3A_2] : memref<34816xi32, #tpu.memory_space<hbm>> -> memref<1088xi32, #tpu.memory_space<hbm>>
      %dma_wait3A_684 = tpu.memref_slice %arg3[%mul3A_2] : memref<34816xi32, #tpu.memory_space<hbm>> -> memref<1088xi32, #tpu.memory_space<hbm>>
      tpu.wait_dma2 semaphore(%run_scoped3A : memref<!tpu.dma_semaphore, #tpu.memory_space<semaphore_mem>>) src(%dma_wait3A_684 : memref<1088xi32, #tpu.memory_space<hbm>>) dst(%arg5 : memref<1088xi32, #tpu.memory_space<vmem>>)
      tpu.yield
    }) : () -> ()
    %dma_start3A = arith.constant 0 : i32
    %dma_start3A_3 = tpu.memref_slice %arg5[%dma_start3A] : memref<1088xi32, #tpu.memory_space<vmem>> -> memref<32xi32, #tpu.memory_space<vmem>>
    %dma_start3A_4 = arith.constant 0 : i32
    %dma_start3A_5 = arith.constant 0 : i32
    %dma_start3A_6 = tpu.memref_slice %arg2[%dma_start3A_4, %dma_start3A_5] : memref<32768x768xf32, #tpu.memory_space<hbm>> -> memref<32768x768xf32, #tpu.memory_space<hbm>>
    tpu.enqueue_indirect_dma source(%dma_start3A_6 : memref<32768x768xf32, #tpu.memory_space<hbm>>) target(%arg6 : memref<32x768xf32, #tpu.memory_space<vmem>>) offsets(%dma_start3A_3 : memref<32xi32, #tpu.memory_space<vmem>>) semaphore(%arg10 : memref<!tpu.dma_semaphore, #tpu.memory_space<semaphore_mem>>)
    %dma_start3A_7 = arith.constant 32 : i32
    %dma_start3A_8 = tpu.memref_slice %arg5[%dma_start3A_7] : memref<1088xi32, #tpu.memory_space<vmem>> -> memref<32xi32, #tpu.memory_space<vmem>>
    %dma_start3A_9 = arith.constant 0 : i32
    %dma_start3A_10 = arith.constant 0 : i32
    %dma_start3A_11 = tpu.memref_slice %arg2[%dma_start3A_9, %dma_start3A_10] : memref<32768x768xf32, #tpu.memory_space<hbm>> -> memref<32768x768xf32, #tpu.memory_space<hbm>>
    tpu.enqueue_indirect_dma source(%dma_start3A_11 : memref<32768x768xf32, #tpu.memory_space<hbm>>) target(%arg7 : memref<32x768xf32, #tpu.memory_space<vmem>>) offsets(%dma_start3A_8 : memref<32xi32, #tpu.memory_space<vmem>>) semaphore(%arg11 : memref<!tpu.dma_semaphore, #tpu.memory_space<semaphore_mem>>)
    %dma_start3A_12 = arith.constant 64 : i32
    %dma_start3A_13 = tpu.memref_slice %arg5[%dma_start3A_12] : memref<1088xi32, #tpu.memory_space<vmem>> -> memref<32xi32, #tpu.memory_space<vmem>>
    %dma_start3A_14 = arith.constant 0 : i32
    %dma_start3A_15 = arith.constant 0 : i32
    %dma_start3A_16 = tpu.memref_slice %arg2[%dma_start3A_14, %dma_start3A_15] : memref<32768x768xf32, #tpu.memory_space<hbm>> -> memref<32768x768xf32, #tpu.memory_space<hbm>>
    tpu.enqueue_indirect_dma source(%dma_start3A_16 : memref<32768x768xf32, #tpu.memory_space<hbm>>) target(%arg8 : memref<32x768xf32, #tpu.memory_space<vmem>>) offsets(%dma_start3A_13 : memref<32xi32, #tpu.memory_space<vmem>>) semaphore(%arg12 : memref<!tpu.dma_semaphore, #tpu.memory_space<semaphore_mem>>)
    %dma_start3A_17 = arith.constant 96 : i32
    %dma_start3A_18 = tpu.memref_slice %arg5[%dma_start3A_17] : memref<1088xi32, #tpu.memory_space<vmem>> -> memref<32xi32, #tpu.memory_space<vmem>>
    %dma_start3A_19 = arith.constant 0 : i32
    %dma_start3A_20 = arith.constant 0 : i32
    %dma_start3A_21 = tpu.memref_slice %arg2[%dma_start3A_19, %dma_start3A_20] : memref<32768x768xf32, #tpu.memory_space<hbm>> -> memref<32768x768xf32, #tpu.memory_space<hbm>>
    tpu.enqueue_indirect_dma source(%dma_start3A_21 : memref<32768x768xf32, #tpu.memory_space<hbm>>) target(%arg9 : memref<32x768xf32, #tpu.memory_space<vmem>>) offsets(%dma_start3A_18 : memref<32xi32, #tpu.memory_space<vmem>>) semaphore(%arg13 : memref<!tpu.dma_semaphore, #tpu.memory_space<semaphore_mem>>)
    %dma_wait3A = arith.constant 0 : i32
    %dma_wait3A_22 = tpu.memref_slice %arg5[%dma_wait3A] : memref<1088xi32, #tpu.memory_space<vmem>> -> memref<32xi32, #tpu.memory_space<vmem>>
    %dma_wait3A_23 = arith.constant 0 : i32
    %dma_wait3A_24 = arith.constant 0 : i32
    %dma_wait3A_25 = tpu.memref_slice %arg2[%dma_wait3A_23, %dma_wait3A_24] : memref<32768x768xf32, #tpu.memory_space<hbm>> -> memref<32768x768xf32, #tpu.memory_space<hbm>>
    tpu.wait_indirect_dma semaphore(%arg10 : memref<!tpu.dma_semaphore, #tpu.memory_space<semaphore_mem>>) src(%dma_wait3A_25 : memref<32768x768xf32, #tpu.memory_space<hbm>>) dst(%arg6 : memref<32x768xf32, #tpu.memory_space<vmem>>)
    %add3A_26 = arith.constant 0 : i32
    %add3A_27 = arith.addi %mul3A_2, %add3A_26 : i32
    %dma_start3A_28 = arith.constant 0 : i32
    %dma_start3A_29 = tpu.memref_slice %arg4[%add3A_27, %dma_start3A_28] : memref<34816x768xf32, #tpu.memory_space<hbm>> -> memref<32x768xf32, #tpu.memory_space<hbm>>
    %dma_start3A_30 = arith.constant 0 : i32
    %dma_start3A_31 = tpu.memref_slice %arg4[%add3A_27, %dma_start3A_30] : memref<34816x768xf32, #tpu.memory_space<hbm>> -> memref<32x768xf32, #tpu.memory_space<hbm>>
    tpu.enqueue_dma source(%arg6 : memref<32x768xf32, #tpu.memory_space<vmem>>) target(%dma_start3A_31 : memref<32x768xf32, #tpu.memory_space<hbm>>) target_semaphore(%arg14 : memref<!tpu.dma_semaphore, #tpu.memory_space<semaphore_mem>>)
    %dma_wait3A_32 = arith.constant 0 : i32
    %dma_wait3A_33 = tpu.memref_slice %arg4[%add3A_27, %dma_wait3A_32] : memref<34816x768xf32, #tpu.memory_space<hbm>> -> memref<32x768xf32, #tpu.memory_space<hbm>>
    %dma_wait3A_34 = arith.constant 0 : i32
    %dma_wait3A_35 = tpu.memref_slice %arg4[%add3A_27, %dma_wait3A_34] : memref<34816x768xf32, #tpu.memory_space<hbm>> -> memref<32x768xf32, #tpu.memory_space<hbm>>
    tpu.wait_dma2 semaphore(%arg14 : memref<!tpu.dma_semaphore, #tpu.memory_space<semaphore_mem>>) src(%arg6 : memref<32x768xf32, #tpu.memory_space<vmem>>) dst(%dma_wait3A_35 : memref<32x768xf32, #tpu.memory_space<hbm>>)
    %dma_start3A_36 = arith.constant 128 : i32
    %dma_start3A_37 = tpu.memref_slice %arg5[%dma_start3A_36] : memref<1088xi32, #tpu.memory_space<vmem>> -> memref<32xi32, #tpu.memory_space<vmem>>
    %dma_start3A_38 = arith.constant 0 : i32
    %dma_start3A_39 = arith.constant 0 : i32
    %dma_start3A_40 = tpu.memref_slice %arg2[%dma_start3A_38, %dma_start3A_39] : memref<32768x768xf32, #tpu.memory_space<hbm>> -> memref<32768x768xf32, #tpu.memory_space<hbm>>
    tpu.enqueue_indirect_dma source(%dma_start3A_40 : memref<32768x768xf32, #tpu.memory_space<hbm>>) target(%arg6 : memref<32x768xf32, #tpu.memory_space<vmem>>) offsets(%dma_start3A_37 : memref<32xi32, #tpu.memory_space<vmem>>) semaphore(%arg10 : memref<!tpu.dma_semaphore, #tpu.memory_space<semaphore_mem>>)
    %dma_wait3A_41 = arith.constant 32 : i32
    %dma_wait3A_42 = tpu.memref_slice %arg5[%dma_wait3A_41] : memref<1088xi32, #tpu.memory_space<vmem>> -> memref<32xi32, #tpu.memory_space<vmem>>
    %dma_wait3A_43 = arith.constant 0 : i32
    %dma_wait3A_44 = arith.constant 0 : i32
    %dma_wait3A_45 = tpu.memref_slice %arg2[%dma_wait3A_43, %dma_wait3A_44] : memref<32768x768xf32, #tpu.memory_space<hbm>> -> memref<32768x768xf32, #tpu.memory_space<hbm>>
    tpu.wait_indirect_dma semaphore(%arg11 : memref<!tpu.dma_semaphore, #tpu.memory_space<semaphore_mem>>) src(%dma_wait3A_45 : memref<32768x768xf32, #tpu.memory_space<hbm>>) dst(%arg7 : memref<32x768xf32, #tpu.memory_space<vmem>>)
    %add3A_46 = arith.constant 32 : i32
    %add3A_47 = arith.addi %mul3A_2, %add3A_46 : i32
    %dma_start3A_48 = arith.constant 0 : i32
    %dma_start3A_49 = tpu.memref_slice %arg4[%add3A_47, %dma_start3A_48] : memref<34816x768xf32, #tpu.memory_space<hbm>> -> memref<32x768xf32, #tpu.memory_space<hbm>>
    %dma_start3A_50 = arith.constant 0 : i32
    %dma_start3A_51 = tpu.memref_slice %arg4[%add3A_47, %dma_start3A_50] : memref<34816x768xf32, #tpu.memory_space<hbm>> -> memref<32x768xf32, #tpu.memory_space<hbm>>
    tpu.enqueue_dma source(%arg7 : memref<32x768xf32, #tpu.memory_space<vmem>>) target(%dma_start3A_51 : memref<32x768xf32, #tpu.memory_space<hbm>>) target_semaphore(%arg15 : memref<!tpu.dma_semaphore, #tpu.memory_space<semaphore_mem>>)
    %dma_wait3A_52 = arith.constant 0 : i32
    %dma_wait3A_53 = tpu.memref_slice %arg4[%add3A_47, %dma_wait3A_52] : memref<34816x768xf32, #tpu.memory_space<hbm>> -> memref<32x768xf32, #tpu.memory_space<hbm>>
    %dma_wait3A_54 = arith.constant 0 : i32
    %dma_wait3A_55 = tpu.memref_slice %arg4[%add3A_47, %dma_wait3A_54] : memref<34816x768xf32, #tpu.memory_space<hbm>> -> memref<32x768xf32, #tpu.memory_space<hbm>>
    tpu.wait_dma2 semaphore(%arg15 : memref<!tpu.dma_semaphore, #tpu.memory_space<semaphore_mem>>) src(%arg7 : memref<32x768xf32, #tpu.memory_space<vmem>>) dst(%dma_wait3A_55 : memref<32x768xf32, #tpu.memory_space<hbm>>)
    %dma_start3A_56 = arith.constant 160 : i32
    %dma_start3A_57 = tpu.memref_slice %arg5[%dma_start3A_56] : memref<1088xi32, #tpu.memory_space<vmem>> -> memref<32xi32, #tpu.memory_space<vmem>>
    %dma_start3A_58 = arith.constant 0 : i32
    %dma_start3A_59 = arith.constant 0 : i32
    %dma_start3A_60 = tpu.memref_slice %arg2[%dma_start3A_58, %dma_start3A_59] : memref<32768x768xf32, #tpu.memory_space<hbm>> -> memref<32768x768xf32, #tpu.memory_space<hbm>>
    tpu.enqueue_indirect_dma source(%dma_start3A_60 : memref<32768x768xf32, #tpu.memory_space<hbm>>) target(%arg7 : memref<32x768xf32, #tpu.memory_space<vmem>>) offsets(%dma_start3A_57 : memref<32xi32, #tpu.memory_space<vmem>>) semaphore(%arg11 : memref<!tpu.dma_semaphore, #tpu.memory_space<semaphore_mem>>)
    %dma_wait3A_61 = arith.constant 64 : i32
    %dma_wait3A_62 = tpu.memref_slice %arg5[%dma_wait3A_61] : memref<1088xi32, #tpu.memory_space<vmem>> -> memref<32xi32, #tpu.memory_space<vmem>>
    %dma_wait3A_63 = arith.constant 0 : i32
    %dma_wait3A_64 = arith.constant 0 : i32
    %dma_wait3A_65 = tpu.memref_slice %arg2[%dma_wait3A_63, %dma_wait3A_64] : memref<32768x768xf32, #tpu.memory_space<hbm>> -> memref<32768x768xf32, #tpu.memory_space<hbm>>
    tpu.wait_indirect_dma semaphore(%arg12 : memref<!tpu.dma_semaphore, #tpu.memory_space<semaphore_mem>>) src(%dma_wait3A_65 : memref<32768x768xf32, #tpu.memory_space<hbm>>) dst(%arg8 : memref<32x768xf32, #tpu.memory_space<vmem>>)
    %add3A_66 = arith.constant 64 : i32
    %add3A_67 = arith.addi %mul3A_2, %add3A_66 : i32
    %dma_start3A_68 = arith.constant 0 : i32
    %dma_start3A_69 = tpu.memref_slice %arg4[%add3A_67, %dma_start3A_68] : memref<34816x768xf32, #tpu.memory_space<hbm>> -> memref<32x768xf32, #tpu.memory_space<hbm>>
    %dma_start3A_70 = arith.constant 0 : i32
    %dma_start3A_71 = tpu.memref_slice %arg4[%add3A_67, %dma_start3A_70] : memref<34816x768xf32, #tpu.memory_space<hbm>> -> memref<32x768xf32, #tpu.memory_space<hbm>>
    tpu.enqueue_dma source(%arg8 : memref<32x768xf32, #tpu.memory_space<vmem>>) target(%dma_start3A_71 : memref<32x768xf32, #tpu.memory_space<hbm>>) target_semaphore(%arg16 : memref<!tpu.dma_semaphore, #tpu.memory_space<semaphore_mem>>)
    %dma_wait3A_72 = arith.constant 0 : i32
    %dma_wait3A_73 = tpu.memref_slice %arg4[%add3A_67, %dma_wait3A_72] : memref<34816x768xf32, #tpu.memory_space<hbm>> -> memref<32x768xf32, #tpu.memory_space<hbm>>
    %dma_wait3A_74 = arith.constant 0 : i32
    %dma_wait3A_75 = tpu.memref_slice %arg4[%add3A_67, %dma_wait3A_74] : memref<34816x768xf32, #tpu.memory_space<hbm>> -> memref<32x768xf32, #tpu.memory_space<hbm>>
    tpu.wait_dma2 semaphore(%arg16 : memref<!tpu.dma_semaphore, #tpu.memory_space<semaphore_mem>>) src(%arg8 : memref<32x768xf32, #tpu.memory_space<vmem>>) dst(%dma_wait3A_75 : memref<32x768xf32, #tpu.memory_space<hbm>>)
    %dma_start3A_76 = arith.constant 192 : i32
    %dma_start3A_77 = tpu.memref_slice %arg5[%dma_start3A_76] : memref<1088xi32, #tpu.memory_space<vmem>> -> memref<32xi32, #tpu.memory_space<vmem>>
    %dma_start3A_78 = arith.constant 0 : i32
    %dma_start3A_79 = arith.constant 0 : i32
    %dma_start3A_80 = tpu.memref_slice %arg2[%dma_start3A_78, %dma_start3A_79] : memref<32768x768xf32, #tpu.memory_space<hbm>> -> memref<32768x768xf32, #tpu.memory_space<hbm>>
    tpu.enqueue_indirect_dma source(%dma_start3A_80 : memref<32768x768xf32, #tpu.memory_space<hbm>>) target(%arg8 : memref<32x768xf32, #tpu.memory_space<vmem>>) offsets(%dma_start3A_77 : memref<32xi32, #tpu.memory_space<vmem>>) semaphore(%arg12 : memref<!tpu.dma_semaphore, #tpu.memory_space<semaphore_mem>>)
    %dma_wait3A_81 = arith.constant 96 : i32
    %dma_wait3A_82 = tpu.memref_slice %arg5[%dma_wait3A_81] : memref<1088xi32, #tpu.memory_space<vmem>> -> memref<32xi32, #tpu.memory_space<vmem>>
    %dma_wait3A_83 = arith.constant 0 : i32
    %dma_wait3A_84 = arith.constant 0 : i32
    %dma_wait3A_85 = tpu.memref_slice %arg2[%dma_wait3A_83, %dma_wait3A_84] : memref<32768x768xf32, #tpu.memory_space<hbm>> -> memref<32768x768xf32, #tpu.memory_space<hbm>>
    tpu.wait_indirect_dma semaphore(%arg13 : memref<!tpu.dma_semaphore, #tpu.memory_space<semaphore_mem>>) src(%dma_wait3A_85 : memref<32768x768xf32, #tpu.memory_space<hbm>>) dst(%arg9 : memref<32x768xf32, #tpu.memory_space<vmem>>)
    %add3A_86 = arith.constant 96 : i32
    %add3A_87 = arith.addi %mul3A_2, %add3A_86 : i32
    %dma_start3A_88 = arith.constant 0 : i32
    %dma_start3A_89 = tpu.memref_slice %arg4[%add3A_87, %dma_start3A_88] : memref<34816x768xf32, #tpu.memory_space<hbm>> -> memref<32x768xf32, #tpu.memory_space<hbm>>
    %dma_start3A_90 = arith.constant 0 : i32
    %dma_start3A_91 = tpu.memref_slice %arg4[%add3A_87, %dma_start3A_90] : memref<34816x768xf32, #tpu.memory_space<hbm>> -> memref<32x768xf32, #tpu.memory_space<hbm>>
    tpu.enqueue_dma source(%arg9 : memref<32x768xf32, #tpu.memory_space<vmem>>) target(%dma_start3A_91 : memref<32x768xf32, #tpu.memory_space<hbm>>) target_semaphore(%arg17 : memref<!tpu.dma_semaphore, #tpu.memory_space<semaphore_mem>>)
    %dma_wait3A_92 = arith.constant 0 : i32
    %dma_wait3A_93 = tpu.memref_slice %arg4[%add3A_87, %dma_wait3A_92] : memref<34816x768xf32, #tpu.memory_space<hbm>> -> memref<32x768xf32, #tpu.memory_space<hbm>>
    %dma_wait3A_94 = arith.constant 0 : i32
    %dma_wait3A_95 = tpu.memref_slice %arg4[%add3A_87, %dma_wait3A_94] : memref<34816x768xf32, #tpu.memory_space<hbm>> -> memref<32x768xf32, #tpu.memory_space<hbm>>
    tpu.wait_dma2 semaphore(%arg17 : memref<!tpu.dma_semaphore, #tpu.memory_space<semaphore_mem>>) src(%arg9 : memref<32x768xf32, #tpu.memory_space<vmem>>) dst(%dma_wait3A_95 : memref<32x768xf32, #tpu.memory_space<hbm>>)
    %dma_start3A_96 = arith.constant 224 : i32
    %dma_start3A_97 = tpu.memref_slice %arg5[%dma_start3A_96] : memref<1088xi32, #tpu.memory_space<vmem>> -> memref<32xi32, #tpu.memory_space<vmem>>
    %dma_start3A_98 = arith.constant 0 : i32
    %dma_start3A_99 = arith.constant 0 : i32
    %dma_start3A_100 = tpu.memref_slice %arg2[%dma_start3A_98, %dma_start3A_99] : memref<32768x768xf32, #tpu.memory_space<hbm>> -> memref<32768x768xf32, #tpu.memory_space<hbm>>
    tpu.enqueue_indirect_dma source(%dma_start3A_100 : memref<32768x768xf32, #tpu.memory_space<hbm>>) target(%arg9 : memref<32x768xf32, #tpu.memory_space<vmem>>) offsets(%dma_start3A_97 : memref<32xi32, #tpu.memory_space<vmem>>) semaphore(%arg13 : memref<!tpu.dma_semaphore, #tpu.memory_space<semaphore_mem>>)
    %dma_wait3A_101 = arith.constant 128 : i32
    %dma_wait3A_102 = tpu.memref_slice %arg5[%dma_wait3A_101] : memref<1088xi32, #tpu.memory_space<vmem>> -> memref<32xi32, #tpu.memory_space<vmem>>
    %dma_wait3A_103 = arith.constant 0 : i32
    %dma_wait3A_104 = arith.constant 0 : i32
    %dma_wait3A_105 = tpu.memref_slice %arg2[%dma_wait3A_103, %dma_wait3A_104] : memref<32768x768xf32, #tpu.memory_space<hbm>> -> memref<32768x768xf32, #tpu.memory_space<hbm>>
    tpu.wait_indirect_dma semaphore(%arg10 : memref<!tpu.dma_semaphore, #tpu.memory_space<semaphore_mem>>) src(%dma_wait3A_105 : memref<32768x768xf32, #tpu.memory_space<hbm>>) dst(%arg6 : memref<32x768xf32, #tpu.memory_space<vmem>>)
    %add3A_106 = arith.constant 128 : i32
    %add3A_107 = arith.addi %mul3A_2, %add3A_106 : i32
    %dma_start3A_108 = arith.constant 0 : i32
    %dma_start3A_109 = tpu.memref_slice %arg4[%add3A_107, %dma_start3A_108] : memref<34816x768xf32, #tpu.memory_space<hbm>> -> memref<32x768xf32, #tpu.memory_space<hbm>>
    %dma_start3A_110 = arith.constant 0 : i32
    %dma_start3A_111 = tpu.memref_slice %arg4[%add3A_107, %dma_start3A_110] : memref<34816x768xf32, #tpu.memory_space<hbm>> -> memref<32x768xf32, #tpu.memory_space<hbm>>
    tpu.enqueue_dma source(%arg6 : memref<32x768xf32, #tpu.memory_space<vmem>>) target(%dma_start3A_111 : memref<32x768xf32, #tpu.memory_space<hbm>>) target_semaphore(%arg14 : memref<!tpu.dma_semaphore, #tpu.memory_space<semaphore_mem>>)
    %dma_wait3A_112 = arith.constant 0 : i32
    %dma_wait3A_113 = tpu.memref_slice %arg4[%add3A_107, %dma_wait3A_112] : memref<34816x768xf32, #tpu.memory_space<hbm>> -> memref<32x768xf32, #tpu.memory_space<hbm>>
    %dma_wait3A_114 = arith.constant 0 : i32
    %dma_wait3A_115 = tpu.memref_slice %arg4[%add3A_107, %dma_wait3A_114] : memref<34816x768xf32, #tpu.memory_space<hbm>> -> memref<32x768xf32, #tpu.memory_space<hbm>>
    tpu.wait_dma2 semaphore(%arg14 : memref<!tpu.dma_semaphore, #tpu.memory_space<semaphore_mem>>) src(%arg6 : memref<32x768xf32, #tpu.memory_space<vmem>>) dst(%dma_wait3A_115 : memref<32x768xf32, #tpu.memory_space<hbm>>)
    %dma_start3A_116 = arith.constant 256 : i32
    %dma_start3A_117 = tpu.memref_slice %arg5[%dma_start3A_116] : memref<1088xi32, #tpu.memory_space<vmem>> -> memref<32xi32, #tpu.memory_space<vmem>>
    %dma_start3A_118 = arith.constant 0 : i32
    %dma_start3A_119 = arith.constant 0 : i32
    %dma_start3A_120 = tpu.memref_slice %arg2[%dma_start3A_118, %dma_start3A_119] : memref<32768x768xf32, #tpu.memory_space<hbm>> -> memref<32768x768xf32, #tpu.memory_space<hbm>>
    tpu.enqueue_indirect_dma source(%dma_start3A_120 : memref<32768x768xf32, #tpu.memory_space<hbm>>) target(%arg6 : memref<32x768xf32, #tpu.memory_space<vmem>>) offsets(%dma_start3A_117 : memref<32xi32, #tpu.memory_space<vmem>>) semaphore(%arg10 : memref<!tpu.dma_semaphore, #tpu.memory_space<semaphore_mem>>)
    %dma_wait3A_121 = arith.constant 160 : i32
    %dma_wait3A_122 = tpu.memref_slice %arg5[%dma_wait3A_121] : memref<1088xi32, #tpu.memory_space<vmem>> -> memref<32xi32, #tpu.memory_space<vmem>>
    %dma_wait3A_123 = arith.constant 0 : i32
    %dma_wait3A_124 = arith.constant 0 : i32
    %dma_wait3A_125 = tpu.memref_slice %arg2[%dma_wait3A_123, %dma_wait3A_124] : memref<32768x768xf32, #tpu.memory_space<hbm>> -> memref<32768x768xf32, #tpu.memory_space<hbm>>
    tpu.wait_indirect_dma semaphore(%arg11 : memref<!tpu.dma_semaphore, #tpu.memory_space<semaphore_mem>>) src(%dma_wait3A_125 : memref<32768x768xf32, #tpu.memory_space<hbm>>) dst(%arg7 : memref<32x768xf32, #tpu.memory_space<vmem>>)
    %add3A_126 = arith.constant 160 : i32
    %add3A_127 = arith.addi %mul3A_2, %add3A_126 : i32
    %dma_start3A_128 = arith.constant 0 : i32
    %dma_start3A_129 = tpu.memref_slice %arg4[%add3A_127, %dma_start3A_128] : memref<34816x768xf32, #tpu.memory_space<hbm>> -> memref<32x768xf32, #tpu.memory_space<hbm>>
    %dma_start3A_130 = arith.constant 0 : i32
    %dma_start3A_131 = tpu.memref_slice %arg4[%add3A_127, %dma_start3A_130] : memref<34816x768xf32, #tpu.memory_space<hbm>> -> memref<32x768xf32, #tpu.memory_space<hbm>>
    tpu.enqueue_dma source(%arg7 : memref<32x768xf32, #tpu.memory_space<vmem>>) target(%dma_start3A_131 : memref<32x768xf32, #tpu.memory_space<hbm>>) target_semaphore(%arg15 : memref<!tpu.dma_semaphore, #tpu.memory_space<semaphore_mem>>)
    %dma_wait3A_132 = arith.constant 0 : i32
    %dma_wait3A_133 = tpu.memref_slice %arg4[%add3A_127, %dma_wait3A_132] : memref<34816x768xf32, #tpu.memory_space<hbm>> -> memref<32x768xf32, #tpu.memory_space<hbm>>
    %dma_wait3A_134 = arith.constant 0 : i32
    %dma_wait3A_135 = tpu.memref_slice %arg4[%add3A_127, %dma_wait3A_134] : memref<34816x768xf32, #tpu.memory_space<hbm>> -> memref<32x768xf32, #tpu.memory_space<hbm>>
    tpu.wait_dma2 semaphore(%arg15 : memref<!tpu.dma_semaphore, #tpu.memory_space<semaphore_mem>>) src(%arg7 : memref<32x768xf32, #tpu.memory_space<vmem>>) dst(%dma_wait3A_135 : memref<32x768xf32, #tpu.memory_space<hbm>>)
    %dma_start3A_136 = arith.constant 288 : i32
    %dma_start3A_137 = tpu.memref_slice %arg5[%dma_start3A_136] : memref<1088xi32, #tpu.memory_space<vmem>> -> memref<32xi32, #tpu.memory_space<vmem>>
    %dma_start3A_138 = arith.constant 0 : i32
    %dma_start3A_139 = arith.constant 0 : i32
    %dma_start3A_140 = tpu.memref_slice %arg2[%dma_start3A_138, %dma_start3A_139] : memref<32768x768xf32, #tpu.memory_space<hbm>> -> memref<32768x768xf32, #tpu.memory_space<hbm>>
    tpu.enqueue_indirect_dma source(%dma_start3A_140 : memref<32768x768xf32, #tpu.memory_space<hbm>>) target(%arg7 : memref<32x768xf32, #tpu.memory_space<vmem>>) offsets(%dma_start3A_137 : memref<32xi32, #tpu.memory_space<vmem>>) semaphore(%arg11 : memref<!tpu.dma_semaphore, #tpu.memory_space<semaphore_mem>>)
    %dma_wait3A_141 = arith.constant 192 : i32
    %dma_wait3A_142 = tpu.memref_slice %arg5[%dma_wait3A_141] : memref<1088xi32, #tpu.memory_space<vmem>> -> memref<32xi32, #tpu.memory_space<vmem>>
    %dma_wait3A_143 = arith.constant 0 : i32
    %dma_wait3A_144 = arith.constant 0 : i32
    %dma_wait3A_145 = tpu.memref_slice %arg2[%dma_wait3A_143, %dma_wait3A_144] : memref<32768x768xf32, #tpu.memory_space<hbm>> -> memref<32768x768xf32, #tpu.memory_space<hbm>>
    tpu.wait_indirect_dma semaphore(%arg12 : memref<!tpu.dma_semaphore, #tpu.memory_space<semaphore_mem>>) src(%dma_wait3A_145 : memref<32768x768xf32, #tpu.memory_space<hbm>>) dst(%arg8 : memref<32x768xf32, #tpu.memory_space<vmem>>)
    %add3A_146 = arith.constant 192 : i32
    %add3A_147 = arith.addi %mul3A_2, %add3A_146 : i32
    %dma_start3A_148 = arith.constant 0 : i32
    %dma_start3A_149 = tpu.memref_slice %arg4[%add3A_147, %dma_start3A_148] : memref<34816x768xf32, #tpu.memory_space<hbm>> -> memref<32x768xf32, #tpu.memory_space<hbm>>
    %dma_start3A_150 = arith.constant 0 : i32
    %dma_start3A_151 = tpu.memref_slice %arg4[%add3A_147, %dma_start3A_150] : memref<34816x768xf32, #tpu.memory_space<hbm>> -> memref<32x768xf32, #tpu.memory_space<hbm>>
    tpu.enqueue_dma source(%arg8 : memref<32x768xf32, #tpu.memory_space<vmem>>) target(%dma_start3A_151 : memref<32x768xf32, #tpu.memory_space<hbm>>) target_semaphore(%arg16 : memref<!tpu.dma_semaphore, #tpu.memory_space<semaphore_mem>>)
    %dma_wait3A_152 = arith.constant 0 : i32
    %dma_wait3A_153 = tpu.memref_slice %arg4[%add3A_147, %dma_wait3A_152] : memref<34816x768xf32, #tpu.memory_space<hbm>> -> memref<32x768xf32, #tpu.memory_space<hbm>>
    %dma_wait3A_154 = arith.constant 0 : i32
    %dma_wait3A_155 = tpu.memref_slice %arg4[%add3A_147, %dma_wait3A_154] : memref<34816x768xf32, #tpu.memory_space<hbm>> -> memref<32x768xf32, #tpu.memory_space<hbm>>
    tpu.wait_dma2 semaphore(%arg16 : memref<!tpu.dma_semaphore, #tpu.memory_space<semaphore_mem>>) src(%arg8 : memref<32x768xf32, #tpu.memory_space<vmem>>) dst(%dma_wait3A_155 : memref<32x768xf32, #tpu.memory_space<hbm>>)
    %dma_start3A_156 = arith.constant 320 : i32
    %dma_start3A_157 = tpu.memref_slice %arg5[%dma_start3A_156] : memref<1088xi32, #tpu.memory_space<vmem>> -> memref<32xi32, #tpu.memory_space<vmem>>
    %dma_start3A_158 = arith.constant 0 : i32
    %dma_start3A_159 = arith.constant 0 : i32
    %dma_start3A_160 = tpu.memref_slice %arg2[%dma_start3A_158, %dma_start3A_159] : memref<32768x768xf32, #tpu.memory_space<hbm>> -> memref<32768x768xf32, #tpu.memory_space<hbm>>
    tpu.enqueue_indirect_dma source(%dma_start3A_160 : memref<32768x768xf32, #tpu.memory_space<hbm>>) target(%arg8 : memref<32x768xf32, #tpu.memory_space<vmem>>) offsets(%dma_start3A_157 : memref<32xi32, #tpu.memory_space<vmem>>) semaphore(%arg12 : memref<!tpu.dma_semaphore, #tpu.memory_space<semaphore_mem>>)
    %dma_wait3A_161 = arith.constant 224 : i32
    %dma_wait3A_162 = tpu.memref_slice %arg5[%dma_wait3A_161] : memref<1088xi32, #tpu.memory_space<vmem>> -> memref<32xi32, #tpu.memory_space<vmem>>
    %dma_wait3A_163 = arith.constant 0 : i32
    %dma_wait3A_164 = arith.constant 0 : i32
    %dma_wait3A_165 = tpu.memref_slice %arg2[%dma_wait3A_163, %dma_wait3A_164] : memref<32768x768xf32, #tpu.memory_space<hbm>> -> memref<32768x768xf32, #tpu.memory_space<hbm>>
    tpu.wait_indirect_dma semaphore(%arg13 : memref<!tpu.dma_semaphore, #tpu.memory_space<semaphore_mem>>) src(%dma_wait3A_165 : memref<32768x768xf32, #tpu.memory_space<hbm>>) dst(%arg9 : memref<32x768xf32, #tpu.memory_space<vmem>>)
    %add3A_166 = arith.constant 224 : i32
    %add3A_167 = arith.addi %mul3A_2, %add3A_166 : i32
    %dma_start3A_168 = arith.constant 0 : i32
    %dma_start3A_169 = tpu.memref_slice %arg4[%add3A_167, %dma_start3A_168] : memref<34816x768xf32, #tpu.memory_space<hbm>> -> memref<32x768xf32, #tpu.memory_space<hbm>>
    %dma_start3A_170 = arith.constant 0 : i32
    %dma_start3A_171 = tpu.memref_slice %arg4[%add3A_167, %dma_start3A_170] : memref<34816x768xf32, #tpu.memory_space<hbm>> -> memref<32x768xf32, #tpu.memory_space<hbm>>
    tpu.enqueue_dma source(%arg9 : memref<32x768xf32, #tpu.memory_space<vmem>>) target(%dma_start3A_171 : memref<32x768xf32, #tpu.memory_space<hbm>>) target_semaphore(%arg17 : memref<!tpu.dma_semaphore, #tpu.memory_space<semaphore_mem>>)
    %dma_wait3A_172 = arith.constant 0 : i32
    %dma_wait3A_173 = tpu.memref_slice %arg4[%add3A_167, %dma_wait3A_172] : memref<34816x768xf32, #tpu.memory_space<hbm>> -> memref<32x768xf32, #tpu.memory_space<hbm>>
    %dma_wait3A_174 = arith.constant 0 : i32
    %dma_wait3A_175 = tpu.memref_slice %arg4[%add3A_167, %dma_wait3A_174] : memref<34816x768xf32, #tpu.memory_space<hbm>> -> memref<32x768xf32, #tpu.memory_space<hbm>>
    tpu.wait_dma2 semaphore(%arg17 : memref<!tpu.dma_semaphore, #tpu.memory_space<semaphore_mem>>) src(%arg9 : memref<32x768xf32, #tpu.memory_space<vmem>>) dst(%dma_wait3A_175 : memref<32x768xf32, #tpu.memory_space<hbm>>)
    %dma_start3A_176 = arith.constant 352 : i32
    %dma_start3A_177 = tpu.memref_slice %arg5[%dma_start3A_176] : memref<1088xi32, #tpu.memory_space<vmem>> -> memref<32xi32, #tpu.memory_space<vmem>>
    %dma_start3A_178 = arith.constant 0 : i32
    %dma_start3A_179 = arith.constant 0 : i32
    %dma_start3A_180 = tpu.memref_slice %arg2[%dma_start3A_178, %dma_start3A_179] : memref<32768x768xf32, #tpu.memory_space<hbm>> -> memref<32768x768xf32, #tpu.memory_space<hbm>>
    tpu.enqueue_indirect_dma source(%dma_start3A_180 : memref<32768x768xf32, #tpu.memory_space<hbm>>) target(%arg9 : memref<32x768xf32, #tpu.memory_space<vmem>>) offsets(%dma_start3A_177 : memref<32xi32, #tpu.memory_space<vmem>>) semaphore(%arg13 : memref<!tpu.dma_semaphore, #tpu.memory_space<semaphore_mem>>)
    %dma_wait3A_181 = arith.constant 256 : i32
    %dma_wait3A_182 = tpu.memref_slice %arg5[%dma_wait3A_181] : memref<1088xi32, #tpu.memory_space<vmem>> -> memref<32xi32, #tpu.memory_space<vmem>>
    %dma_wait3A_183 = arith.constant 0 : i32
    %dma_wait3A_184 = arith.constant 0 : i32
    %dma_wait3A_185 = tpu.memref_slice %arg2[%dma_wait3A_183, %dma_wait3A_184] : memref<32768x768xf32, #tpu.memory_space<hbm>> -> memref<32768x768xf32, #tpu.memory_space<hbm>>
    tpu.wait_indirect_dma semaphore(%arg10 : memref<!tpu.dma_semaphore, #tpu.memory_space<semaphore_mem>>) src(%dma_wait3A_185 : memref<32768x768xf32, #tpu.memory_space<hbm>>) dst(%arg6 : memref<32x768xf32, #tpu.memory_space<vmem>>)
    %add3A_186 = arith.constant 256 : i32
    %add3A_187 = arith.addi %mul3A_2, %add3A_186 : i32
    %dma_start3A_188 = arith.constant 0 : i32
    %dma_start3A_189 = tpu.memref_slice %arg4[%add3A_187, %dma_start3A_188] : memref<34816x768xf32, #tpu.memory_space<hbm>> -> memref<32x768xf32, #tpu.memory_space<hbm>>
    %dma_start3A_190 = arith.constant 0 : i32
    %dma_start3A_191 = tpu.memref_slice %arg4[%add3A_187, %dma_start3A_190] : memref<34816x768xf32, #tpu.memory_space<hbm>> -> memref<32x768xf32, #tpu.memory_space<hbm>>
    tpu.enqueue_dma source(%arg6 : memref<32x768xf32, #tpu.memory_space<vmem>>) target(%dma_start3A_191 : memref<32x768xf32, #tpu.memory_space<hbm>>) target_semaphore(%arg14 : memref<!tpu.dma_semaphore, #tpu.memory_space<semaphore_mem>>)
    %dma_wait3A_192 = arith.constant 0 : i32
    %dma_wait3A_193 = tpu.memref_slice %arg4[%add3A_187, %dma_wait3A_192] : memref<34816x768xf32, #tpu.memory_space<hbm>> -> memref<32x768xf32, #tpu.memory_space<hbm>>
    %dma_wait3A_194 = arith.constant 0 : i32
    %dma_wait3A_195 = tpu.memref_slice %arg4[%add3A_187, %dma_wait3A_194] : memref<34816x768xf32, #tpu.memory_space<hbm>> -> memref<32x768xf32, #tpu.memory_space<hbm>>
    tpu.wait_dma2 semaphore(%arg14 : memref<!tpu.dma_semaphore, #tpu.memory_space<semaphore_mem>>) src(%arg6 : memref<32x768xf32, #tpu.memory_space<vmem>>) dst(%dma_wait3A_195 : memref<32x768xf32, #tpu.memory_space<hbm>>)
    %dma_start3A_196 = arith.constant 384 : i32
    %dma_start3A_197 = tpu.memref_slice %arg5[%dma_start3A_196] : memref<1088xi32, #tpu.memory_space<vmem>> -> memref<32xi32, #tpu.memory_space<vmem>>
    %dma_start3A_198 = arith.constant 0 : i32
    %dma_start3A_199 = arith.constant 0 : i32
    %dma_start3A_200 = tpu.memref_slice %arg2[%dma_start3A_198, %dma_start3A_199] : memref<32768x768xf32, #tpu.memory_space<hbm>> -> memref<32768x768xf32, #tpu.memory_space<hbm>>
    tpu.enqueue_indirect_dma source(%dma_start3A_200 : memref<32768x768xf32, #tpu.memory_space<hbm>>) target(%arg6 : memref<32x768xf32, #tpu.memory_space<vmem>>) offsets(%dma_start3A_197 : memref<32xi32, #tpu.memory_space<vmem>>) semaphore(%arg10 : memref<!tpu.dma_semaphore, #tpu.memory_space<semaphore_mem>>)
    %dma_wait3A_201 = arith.constant 288 : i32
    %dma_wait3A_202 = tpu.memref_slice %arg5[%dma_wait3A_201] : memref<1088xi32, #tpu.memory_space<vmem>> -> memref<32xi32, #tpu.memory_space<vmem>>
    %dma_wait3A_203 = arith.constant 0 : i32
    %dma_wait3A_204 = arith.constant 0 : i32
    %dma_wait3A_205 = tpu.memref_slice %arg2[%dma_wait3A_203, %dma_wait3A_204] : memref<32768x768xf32, #tpu.memory_space<hbm>> -> memref<32768x768xf32, #tpu.memory_space<hbm>>
    tpu.wait_indirect_dma semaphore(%arg11 : memref<!tpu.dma_semaphore, #tpu.memory_space<semaphore_mem>>) src(%dma_wait3A_205 : memref<32768x768xf32, #tpu.memory_space<hbm>>) dst(%arg7 : memref<32x768xf32, #tpu.memory_space<vmem>>)
    %add3A_206 = arith.constant 288 : i32
    %add3A_207 = arith.addi %mul3A_2, %add3A_206 : i32
    %dma_start3A_208 = arith.constant 0 : i32
    %dma_start3A_209 = tpu.memref_slice %arg4[%add3A_207, %dma_start3A_208] : memref<34816x768xf32, #tpu.memory_space<hbm>> -> memref<32x768xf32, #tpu.memory_space<hbm>>
    %dma_start3A_210 = arith.constant 0 : i32
    %dma_start3A_211 = tpu.memref_slice %arg4[%add3A_207, %dma_start3A_210] : memref<34816x768xf32, #tpu.memory_space<hbm>> -> memref<32x768xf32, #tpu.memory_space<hbm>>
    tpu.enqueue_dma source(%arg7 : memref<32x768xf32, #tpu.memory_space<vmem>>) target(%dma_start3A_211 : memref<32x768xf32, #tpu.memory_space<hbm>>) target_semaphore(%arg15 : memref<!tpu.dma_semaphore, #tpu.memory_space<semaphore_mem>>)
    %dma_wait3A_212 = arith.constant 0 : i32
    %dma_wait3A_213 = tpu.memref_slice %arg4[%add3A_207, %dma_wait3A_212] : memref<34816x768xf32, #tpu.memory_space<hbm>> -> memref<32x768xf32, #tpu.memory_space<hbm>>
    %dma_wait3A_214 = arith.constant 0 : i32
    %dma_wait3A_215 = tpu.memref_slice %arg4[%add3A_207, %dma_wait3A_214] : memref<34816x768xf32, #tpu.memory_space<hbm>> -> memref<32x768xf32, #tpu.memory_space<hbm>>
    tpu.wait_dma2 semaphore(%arg15 : memref<!tpu.dma_semaphore, #tpu.memory_space<semaphore_mem>>) src(%arg7 : memref<32x768xf32, #tpu.memory_space<vmem>>) dst(%dma_wait3A_215 : memref<32x768xf32, #tpu.memory_space<hbm>>)
    %dma_start3A_216 = arith.constant 416 : i32
    %dma_start3A_217 = tpu.memref_slice %arg5[%dma_start3A_216] : memref<1088xi32, #tpu.memory_space<vmem>> -> memref<32xi32, #tpu.memory_space<vmem>>
    %dma_start3A_218 = arith.constant 0 : i32
    %dma_start3A_219 = arith.constant 0 : i32
    %dma_start3A_220 = tpu.memref_slice %arg2[%dma_start3A_218, %dma_start3A_219] : memref<32768x768xf32, #tpu.memory_space<hbm>> -> memref<32768x768xf32, #tpu.memory_space<hbm>>
    tpu.enqueue_indirect_dma source(%dma_start3A_220 : memref<32768x768xf32, #tpu.memory_space<hbm>>) target(%arg7 : memref<32x768xf32, #tpu.memory_space<vmem>>) offsets(%dma_start3A_217 : memref<32xi32, #tpu.memory_space<vmem>>) semaphore(%arg11 : memref<!tpu.dma_semaphore, #tpu.memory_space<semaphore_mem>>)
    %dma_wait3A_221 = arith.constant 320 : i32
    %dma_wait3A_222 = tpu.memref_slice %arg5[%dma_wait3A_221] : memref<1088xi32, #tpu.memory_space<vmem>> -> memref<32xi32, #tpu.memory_space<vmem>>
    %dma_wait3A_223 = arith.constant 0 : i32
    %dma_wait3A_224 = arith.constant 0 : i32
    %dma_wait3A_225 = tpu.memref_slice %arg2[%dma_wait3A_223, %dma_wait3A_224] : memref<32768x768xf32, #tpu.memory_space<hbm>> -> memref<32768x768xf32, #tpu.memory_space<hbm>>
    tpu.wait_indirect_dma semaphore(%arg12 : memref<!tpu.dma_semaphore, #tpu.memory_space<semaphore_mem>>) src(%dma_wait3A_225 : memref<32768x768xf32, #tpu.memory_space<hbm>>) dst(%arg8 : memref<32x768xf32, #tpu.memory_space<vmem>>)
    %add3A_226 = arith.constant 320 : i32
    %add3A_227 = arith.addi %mul3A_2, %add3A_226 : i32
    %dma_start3A_228 = arith.constant 0 : i32
    %dma_start3A_229 = tpu.memref_slice %arg4[%add3A_227, %dma_start3A_228] : memref<34816x768xf32, #tpu.memory_space<hbm>> -> memref<32x768xf32, #tpu.memory_space<hbm>>
    %dma_start3A_230 = arith.constant 0 : i32
    %dma_start3A_231 = tpu.memref_slice %arg4[%add3A_227, %dma_start3A_230] : memref<34816x768xf32, #tpu.memory_space<hbm>> -> memref<32x768xf32, #tpu.memory_space<hbm>>
    tpu.enqueue_dma source(%arg8 : memref<32x768xf32, #tpu.memory_space<vmem>>) target(%dma_start3A_231 : memref<32x768xf32, #tpu.memory_space<hbm>>) target_semaphore(%arg16 : memref<!tpu.dma_semaphore, #tpu.memory_space<semaphore_mem>>)
    %dma_wait3A_232 = arith.constant 0 : i32
    %dma_wait3A_233 = tpu.memref_slice %arg4[%add3A_227, %dma_wait3A_232] : memref<34816x768xf32, #tpu.memory_space<hbm>> -> memref<32x768xf32, #tpu.memory_space<hbm>>
    %dma_wait3A_234 = arith.constant 0 : i32
    %dma_wait3A_235 = tpu.memref_slice %arg4[%add3A_227, %dma_wait3A_234] : memref<34816x768xf32, #tpu.memory_space<hbm>> -> memref<32x768xf32, #tpu.memory_space<hbm>>
    tpu.wait_dma2 semaphore(%arg16 : memref<!tpu.dma_semaphore, #tpu.memory_space<semaphore_mem>>) src(%arg8 : memref<32x768xf32, #tpu.memory_space<vmem>>) dst(%dma_wait3A_235 : memref<32x768xf32, #tpu.memory_space<hbm>>)
    %dma_start3A_236 = arith.constant 448 : i32
    %dma_start3A_237 = tpu.memref_slice %arg5[%dma_start3A_236] : memref<1088xi32, #tpu.memory_space<vmem>> -> memref<32xi32, #tpu.memory_space<vmem>>
    %dma_start3A_238 = arith.constant 0 : i32
    %dma_start3A_239 = arith.constant 0 : i32
    %dma_start3A_240 = tpu.memref_slice %arg2[%dma_start3A_238, %dma_start3A_239] : memref<32768x768xf32, #tpu.memory_space<hbm>> -> memref<32768x768xf32, #tpu.memory_space<hbm>>
    tpu.enqueue_indirect_dma source(%dma_start3A_240 : memref<32768x768xf32, #tpu.memory_space<hbm>>) target(%arg8 : memref<32x768xf32, #tpu.memory_space<vmem>>) offsets(%dma_start3A_237 : memref<32xi32, #tpu.memory_space<vmem>>) semaphore(%arg12 : memref<!tpu.dma_semaphore, #tpu.memory_space<semaphore_mem>>)
    %dma_wait3A_241 = arith.constant 352 : i32
    %dma_wait3A_242 = tpu.memref_slice %arg5[%dma_wait3A_241] : memref<1088xi32, #tpu.memory_space<vmem>> -> memref<32xi32, #tpu.memory_space<vmem>>
    %dma_wait3A_243 = arith.constant 0 : i32
    %dma_wait3A_244 = arith.constant 0 : i32
    %dma_wait3A_245 = tpu.memref_slice %arg2[%dma_wait3A_243, %dma_wait3A_244] : memref<32768x768xf32, #tpu.memory_space<hbm>> -> memref<32768x768xf32, #tpu.memory_space<hbm>>
    tpu.wait_indirect_dma semaphore(%arg13 : memref<!tpu.dma_semaphore, #tpu.memory_space<semaphore_mem>>) src(%dma_wait3A_245 : memref<32768x768xf32, #tpu.memory_space<hbm>>) dst(%arg9 : memref<32x768xf32, #tpu.memory_space<vmem>>)
    %add3A_246 = arith.constant 352 : i32
    %add3A_247 = arith.addi %mul3A_2, %add3A_246 : i32
    %dma_start3A_248 = arith.constant 0 : i32
    %dma_start3A_249 = tpu.memref_slice %arg4[%add3A_247, %dma_start3A_248] : memref<34816x768xf32, #tpu.memory_space<hbm>> -> memref<32x768xf32, #tpu.memory_space<hbm>>
    %dma_start3A_250 = arith.constant 0 : i32
    %dma_start3A_251 = tpu.memref_slice %arg4[%add3A_247, %dma_start3A_250] : memref<34816x768xf32, #tpu.memory_space<hbm>> -> memref<32x768xf32, #tpu.memory_space<hbm>>
    tpu.enqueue_dma source(%arg9 : memref<32x768xf32, #tpu.memory_space<vmem>>) target(%dma_start3A_251 : memref<32x768xf32, #tpu.memory_space<hbm>>) target_semaphore(%arg17 : memref<!tpu.dma_semaphore, #tpu.memory_space<semaphore_mem>>)
    %dma_wait3A_252 = arith.constant 0 : i32
    %dma_wait3A_253 = tpu.memref_slice %arg4[%add3A_247, %dma_wait3A_252] : memref<34816x768xf32, #tpu.memory_space<hbm>> -> memref<32x768xf32, #tpu.memory_space<hbm>>
    %dma_wait3A_254 = arith.constant 0 : i32
    %dma_wait3A_255 = tpu.memref_slice %arg4[%add3A_247, %dma_wait3A_254] : memref<34816x768xf32, #tpu.memory_space<hbm>> -> memref<32x768xf32, #tpu.memory_space<hbm>>
    tpu.wait_dma2 semaphore(%arg17 : memref<!tpu.dma_semaphore, #tpu.memory_space<semaphore_mem>>) src(%arg9 : memref<32x768xf32, #tpu.memory_space<vmem>>) dst(%dma_wait3A_255 : memref<32x768xf32, #tpu.memory_space<hbm>>)
    %dma_start3A_256 = arith.constant 480 : i32
    %dma_start3A_257 = tpu.memref_slice %arg5[%dma_start3A_256] : memref<1088xi32, #tpu.memory_space<vmem>> -> memref<32xi32, #tpu.memory_space<vmem>>
    %dma_start3A_258 = arith.constant 0 : i32
    %dma_start3A_259 = arith.constant 0 : i32
    %dma_start3A_260 = tpu.memref_slice %arg2[%dma_start3A_258, %dma_start3A_259] : memref<32768x768xf32, #tpu.memory_space<hbm>> -> memref<32768x768xf32, #tpu.memory_space<hbm>>
    tpu.enqueue_indirect_dma source(%dma_start3A_260 : memref<32768x768xf32, #tpu.memory_space<hbm>>) target(%arg9 : memref<32x768xf32, #tpu.memory_space<vmem>>) offsets(%dma_start3A_257 : memref<32xi32, #tpu.memory_space<vmem>>) semaphore(%arg13 : memref<!tpu.dma_semaphore, #tpu.memory_space<semaphore_mem>>)
    %dma_wait3A_261 = arith.constant 384 : i32
    %dma_wait3A_262 = tpu.memref_slice %arg5[%dma_wait3A_261] : memref<1088xi32, #tpu.memory_space<vmem>> -> memref<32xi32, #tpu.memory_space<vmem>>
    %dma_wait3A_263 = arith.constant 0 : i32
    %dma_wait3A_264 = arith.constant 0 : i32
    %dma_wait3A_265 = tpu.memref_slice %arg2[%dma_wait3A_263, %dma_wait3A_264] : memref<32768x768xf32, #tpu.memory_space<hbm>> -> memref<32768x768xf32, #tpu.memory_space<hbm>>
    tpu.wait_indirect_dma semaphore(%arg10 : memref<!tpu.dma_semaphore, #tpu.memory_space<semaphore_mem>>) src(%dma_wait3A_265 : memref<32768x768xf32, #tpu.memory_space<hbm>>) dst(%arg6 : memref<32x768xf32, #tpu.memory_space<vmem>>)
    %add3A_266 = arith.constant 384 : i32
    %add3A_267 = arith.addi %mul3A_2, %add3A_266 : i32
    %dma_start3A_268 = arith.constant 0 : i32
    %dma_start3A_269 = tpu.memref_slice %arg4[%add3A_267, %dma_start3A_268] : memref<34816x768xf32, #tpu.memory_space<hbm>> -> memref<32x768xf32, #tpu.memory_space<hbm>>
    %dma_start3A_270 = arith.constant 0 : i32
    %dma_start3A_271 = tpu.memref_slice %arg4[%add3A_267, %dma_start3A_270] : memref<34816x768xf32, #tpu.memory_space<hbm>> -> memref<32x768xf32, #tpu.memory_space<hbm>>
    tpu.enqueue_dma source(%arg6 : memref<32x768xf32, #tpu.memory_space<vmem>>) target(%dma_start3A_271 : memref<32x768xf32, #tpu.memory_space<hbm>>) target_semaphore(%arg14 : memref<!tpu.dma_semaphore, #tpu.memory_space<semaphore_mem>>)
    %dma_wait3A_272 = arith.constant 0 : i32
    %dma_wait3A_273 = tpu.memref_slice %arg4[%add3A_267, %dma_wait3A_272] : memref<34816x768xf32, #tpu.memory_space<hbm>> -> memref<32x768xf32, #tpu.memory_space<hbm>>
    %dma_wait3A_274 = arith.constant 0 : i32
    %dma_wait3A_275 = tpu.memref_slice %arg4[%add3A_267, %dma_wait3A_274] : memref<34816x768xf32, #tpu.memory_space<hbm>> -> memref<32x768xf32, #tpu.memory_space<hbm>>
    tpu.wait_dma2 semaphore(%arg14 : memref<!tpu.dma_semaphore, #tpu.memory_space<semaphore_mem>>) src(%arg6 : memref<32x768xf32, #tpu.memory_space<vmem>>) dst(%dma_wait3A_275 : memref<32x768xf32, #tpu.memory_space<hbm>>)
    %dma_start3A_276 = arith.constant 512 : i32
    %dma_start3A_277 = tpu.memref_slice %arg5[%dma_start3A_276] : memref<1088xi32, #tpu.memory_space<vmem>> -> memref<32xi32, #tpu.memory_space<vmem>>
    %dma_start3A_278 = arith.constant 0 : i32
    %dma_start3A_279 = arith.constant 0 : i32
    %dma_start3A_280 = tpu.memref_slice %arg2[%dma_start3A_278, %dma_start3A_279] : memref<32768x768xf32, #tpu.memory_space<hbm>> -> memref<32768x768xf32, #tpu.memory_space<hbm>>
    tpu.enqueue_indirect_dma source(%dma_start3A_280 : memref<32768x768xf32, #tpu.memory_space<hbm>>) target(%arg6 : memref<32x768xf32, #tpu.memory_space<vmem>>) offsets(%dma_start3A_277 : memref<32xi32, #tpu.memory_space<vmem>>) semaphore(%arg10 : memref<!tpu.dma_semaphore, #tpu.memory_space<semaphore_mem>>)
    %dma_wait3A_281 = arith.constant 416 : i32
    %dma_wait3A_282 = tpu.memref_slice %arg5[%dma_wait3A_281] : memref<1088xi32, #tpu.memory_space<vmem>> -> memref<32xi32, #tpu.memory_space<vmem>>
    %dma_wait3A_283 = arith.constant 0 : i32
    %dma_wait3A_284 = arith.constant 0 : i32
    %dma_wait3A_285 = tpu.memref_slice %arg2[%dma_wait3A_283, %dma_wait3A_284] : memref<32768x768xf32, #tpu.memory_space<hbm>> -> memref<32768x768xf32, #tpu.memory_space<hbm>>
    tpu.wait_indirect_dma semaphore(%arg11 : memref<!tpu.dma_semaphore, #tpu.memory_space<semaphore_mem>>) src(%dma_wait3A_285 : memref<32768x768xf32, #tpu.memory_space<hbm>>) dst(%arg7 : memref<32x768xf32, #tpu.memory_space<vmem>>)
    %add3A_286 = arith.constant 416 : i32
    %add3A_287 = arith.addi %mul3A_2, %add3A_286 : i32
    %dma_start3A_288 = arith.constant 0 : i32
    %dma_start3A_289 = tpu.memref_slice %arg4[%add3A_287, %dma_start3A_288] : memref<34816x768xf32, #tpu.memory_space<hbm>> -> memref<32x768xf32, #tpu.memory_space<hbm>>
    %dma_start3A_290 = arith.constant 0 : i32
    %dma_start3A_291 = tpu.memref_slice %arg4[%add3A_287, %dma_start3A_290] : memref<34816x768xf32, #tpu.memory_space<hbm>> -> memref<32x768xf32, #tpu.memory_space<hbm>>
    tpu.enqueue_dma source(%arg7 : memref<32x768xf32, #tpu.memory_space<vmem>>) target(%dma_start3A_291 : memref<32x768xf32, #tpu.memory_space<hbm>>) target_semaphore(%arg15 : memref<!tpu.dma_semaphore, #tpu.memory_space<semaphore_mem>>)
    %dma_wait3A_292 = arith.constant 0 : i32
    %dma_wait3A_293 = tpu.memref_slice %arg4[%add3A_287, %dma_wait3A_292] : memref<34816x768xf32, #tpu.memory_space<hbm>> -> memref<32x768xf32, #tpu.memory_space<hbm>>
    %dma_wait3A_294 = arith.constant 0 : i32
    %dma_wait3A_295 = tpu.memref_slice %arg4[%add3A_287, %dma_wait3A_294] : memref<34816x768xf32, #tpu.memory_space<hbm>> -> memref<32x768xf32, #tpu.memory_space<hbm>>
    tpu.wait_dma2 semaphore(%arg15 : memref<!tpu.dma_semaphore, #tpu.memory_space<semaphore_mem>>) src(%arg7 : memref<32x768xf32, #tpu.memory_space<vmem>>) dst(%dma_wait3A_295 : memref<32x768xf32, #tpu.memory_space<hbm>>)
    %dma_start3A_296 = arith.constant 544 : i32
    %dma_start3A_297 = tpu.memref_slice %arg5[%dma_start3A_296] : memref<1088xi32, #tpu.memory_space<vmem>> -> memref<32xi32, #tpu.memory_space<vmem>>
    %dma_start3A_298 = arith.constant 0 : i32
    %dma_start3A_299 = arith.constant 0 : i32
    %dma_start3A_300 = tpu.memref_slice %arg2[%dma_start3A_298, %dma_start3A_299] : memref<32768x768xf32, #tpu.memory_space<hbm>> -> memref<32768x768xf32, #tpu.memory_space<hbm>>
    tpu.enqueue_indirect_dma source(%dma_start3A_300 : memref<32768x768xf32, #tpu.memory_space<hbm>>) target(%arg7 : memref<32x768xf32, #tpu.memory_space<vmem>>) offsets(%dma_start3A_297 : memref<32xi32, #tpu.memory_space<vmem>>) semaphore(%arg11 : memref<!tpu.dma_semaphore, #tpu.memory_space<semaphore_mem>>)
    %dma_wait3A_301 = arith.constant 448 : i32
    %dma_wait3A_302 = tpu.memref_slice %arg5[%dma_wait3A_301] : memref<1088xi32, #tpu.memory_space<vmem>> -> memref<32xi32, #tpu.memory_space<vmem>>
    %dma_wait3A_303 = arith.constant 0 : i32
    %dma_wait3A_304 = arith.constant 0 : i32
    %dma_wait3A_305 = tpu.memref_slice %arg2[%dma_wait3A_303, %dma_wait3A_304] : memref<32768x768xf32, #tpu.memory_space<hbm>> -> memref<32768x768xf32, #tpu.memory_space<hbm>>
    tpu.wait_indirect_dma semaphore(%arg12 : memref<!tpu.dma_semaphore, #tpu.memory_space<semaphore_mem>>) src(%dma_wait3A_305 : memref<32768x768xf32, #tpu.memory_space<hbm>>) dst(%arg8 : memref<32x768xf32, #tpu.memory_space<vmem>>)
    %add3A_306 = arith.constant 448 : i32
    %add3A_307 = arith.addi %mul3A_2, %add3A_306 : i32
    %dma_start3A_308 = arith.constant 0 : i32
    %dma_start3A_309 = tpu.memref_slice %arg4[%add3A_307, %dma_start3A_308] : memref<34816x768xf32, #tpu.memory_space<hbm>> -> memref<32x768xf32, #tpu.memory_space<hbm>>
    %dma_start3A_310 = arith.constant 0 : i32
    %dma_start3A_311 = tpu.memref_slice %arg4[%add3A_307, %dma_start3A_310] : memref<34816x768xf32, #tpu.memory_space<hbm>> -> memref<32x768xf32, #tpu.memory_space<hbm>>
    tpu.enqueue_dma source(%arg8 : memref<32x768xf32, #tpu.memory_space<vmem>>) target(%dma_start3A_311 : memref<32x768xf32, #tpu.memory_space<hbm>>) target_semaphore(%arg16 : memref<!tpu.dma_semaphore, #tpu.memory_space<semaphore_mem>>)
    %dma_wait3A_312 = arith.constant 0 : i32
    %dma_wait3A_313 = tpu.memref_slice %arg4[%add3A_307, %dma_wait3A_312] : memref<34816x768xf32, #tpu.memory_space<hbm>> -> memref<32x768xf32, #tpu.memory_space<hbm>>
    %dma_wait3A_314 = arith.constant 0 : i32
    %dma_wait3A_315 = tpu.memref_slice %arg4[%add3A_307, %dma_wait3A_314] : memref<34816x768xf32, #tpu.memory_space<hbm>> -> memref<32x768xf32, #tpu.memory_space<hbm>>
    tpu.wait_dma2 semaphore(%arg16 : memref<!tpu.dma_semaphore, #tpu.memory_space<semaphore_mem>>) src(%arg8 : memref<32x768xf32, #tpu.memory_space<vmem>>) dst(%dma_wait3A_315 : memref<32x768xf32, #tpu.memory_space<hbm>>)
    %dma_start3A_316 = arith.constant 576 : i32
    %dma_start3A_317 = tpu.memref_slice %arg5[%dma_start3A_316] : memref<1088xi32, #tpu.memory_space<vmem>> -> memref<32xi32, #tpu.memory_space<vmem>>
    %dma_start3A_318 = arith.constant 0 : i32
    %dma_start3A_319 = arith.constant 0 : i32
    %dma_start3A_320 = tpu.memref_slice %arg2[%dma_start3A_318, %dma_start3A_319] : memref<32768x768xf32, #tpu.memory_space<hbm>> -> memref<32768x768xf32, #tpu.memory_space<hbm>>
    tpu.enqueue_indirect_dma source(%dma_start3A_320 : memref<32768x768xf32, #tpu.memory_space<hbm>>) target(%arg8 : memref<32x768xf32, #tpu.memory_space<vmem>>) offsets(%dma_start3A_317 : memref<32xi32, #tpu.memory_space<vmem>>) semaphore(%arg12 : memref<!tpu.dma_semaphore, #tpu.memory_space<semaphore_mem>>)
    %dma_wait3A_321 = arith.constant 480 : i32
    %dma_wait3A_322 = tpu.memref_slice %arg5[%dma_wait3A_321] : memref<1088xi32, #tpu.memory_space<vmem>> -> memref<32xi32, #tpu.memory_space<vmem>>
    %dma_wait3A_323 = arith.constant 0 : i32
    %dma_wait3A_324 = arith.constant 0 : i32
    %dma_wait3A_325 = tpu.memref_slice %arg2[%dma_wait3A_323, %dma_wait3A_324] : memref<32768x768xf32, #tpu.memory_space<hbm>> -> memref<32768x768xf32, #tpu.memory_space<hbm>>
    tpu.wait_indirect_dma semaphore(%arg13 : memref<!tpu.dma_semaphore, #tpu.memory_space<semaphore_mem>>) src(%dma_wait3A_325 : memref<32768x768xf32, #tpu.memory_space<hbm>>) dst(%arg9 : memref<32x768xf32, #tpu.memory_space<vmem>>)
    %add3A_326 = arith.constant 480 : i32
    %add3A_327 = arith.addi %mul3A_2, %add3A_326 : i32
    %dma_start3A_328 = arith.constant 0 : i32
    %dma_start3A_329 = tpu.memref_slice %arg4[%add3A_327, %dma_start3A_328] : memref<34816x768xf32, #tpu.memory_space<hbm>> -> memref<32x768xf32, #tpu.memory_space<hbm>>
    %dma_start3A_330 = arith.constant 0 : i32
    %dma_start3A_331 = tpu.memref_slice %arg4[%add3A_327, %dma_start3A_330] : memref<34816x768xf32, #tpu.memory_space<hbm>> -> memref<32x768xf32, #tpu.memory_space<hbm>>
    tpu.enqueue_dma source(%arg9 : memref<32x768xf32, #tpu.memory_space<vmem>>) target(%dma_start3A_331 : memref<32x768xf32, #tpu.memory_space<hbm>>) target_semaphore(%arg17 : memref<!tpu.dma_semaphore, #tpu.memory_space<semaphore_mem>>)
    %dma_wait3A_332 = arith.constant 0 : i32
    %dma_wait3A_333 = tpu.memref_slice %arg4[%add3A_327, %dma_wait3A_332] : memref<34816x768xf32, #tpu.memory_space<hbm>> -> memref<32x768xf32, #tpu.memory_space<hbm>>
    %dma_wait3A_334 = arith.constant 0 : i32
    %dma_wait3A_335 = tpu.memref_slice %arg4[%add3A_327, %dma_wait3A_334] : memref<34816x768xf32, #tpu.memory_space<hbm>> -> memref<32x768xf32, #tpu.memory_space<hbm>>
    tpu.wait_dma2 semaphore(%arg17 : memref<!tpu.dma_semaphore, #tpu.memory_space<semaphore_mem>>) src(%arg9 : memref<32x768xf32, #tpu.memory_space<vmem>>) dst(%dma_wait3A_335 : memref<32x768xf32, #tpu.memory_space<hbm>>)
    %dma_start3A_336 = arith.constant 608 : i32
    %dma_start3A_337 = tpu.memref_slice %arg5[%dma_start3A_336] : memref<1088xi32, #tpu.memory_space<vmem>> -> memref<32xi32, #tpu.memory_space<vmem>>
    %dma_start3A_338 = arith.constant 0 : i32
    %dma_start3A_339 = arith.constant 0 : i32
    %dma_start3A_340 = tpu.memref_slice %arg2[%dma_start3A_338, %dma_start3A_339] : memref<32768x768xf32, #tpu.memory_space<hbm>> -> memref<32768x768xf32, #tpu.memory_space<hbm>>
    tpu.enqueue_indirect_dma source(%dma_start3A_340 : memref<32768x768xf32, #tpu.memory_space<hbm>>) target(%arg9 : memref<32x768xf32, #tpu.memory_space<vmem>>) offsets(%dma_start3A_337 : memref<32xi32, #tpu.memory_space<vmem>>) semaphore(%arg13 : memref<!tpu.dma_semaphore, #tpu.memory_space<semaphore_mem>>)
    %dma_wait3A_341 = arith.constant 512 : i32
    %dma_wait3A_342 = tpu.memref_slice %arg5[%dma_wait3A_341] : memref<1088xi32, #tpu.memory_space<vmem>> -> memref<32xi32, #tpu.memory_space<vmem>>
    %dma_wait3A_343 = arith.constant 0 : i32
    %dma_wait3A_344 = arith.constant 0 : i32
    %dma_wait3A_345 = tpu.memref_slice %arg2[%dma_wait3A_343, %dma_wait3A_344] : memref<32768x768xf32, #tpu.memory_space<hbm>> -> memref<32768x768xf32, #tpu.memory_space<hbm>>
    tpu.wait_indirect_dma semaphore(%arg10 : memref<!tpu.dma_semaphore, #tpu.memory_space<semaphore_mem>>) src(%dma_wait3A_345 : memref<32768x768xf32, #tpu.memory_space<hbm>>) dst(%arg6 : memref<32x768xf32, #tpu.memory_space<vmem>>)
    %add3A_346 = arith.constant 512 : i32
    %add3A_347 = arith.addi %mul3A_2, %add3A_346 : i32
    %dma_start3A_348 = arith.constant 0 : i32
    %dma_start3A_349 = tpu.memref_slice %arg4[%add3A_347, %dma_start3A_348] : memref<34816x768xf32, #tpu.memory_space<hbm>> -> memref<32x768xf32, #tpu.memory_space<hbm>>
    %dma_start3A_350 = arith.constant 0 : i32
    %dma_start3A_351 = tpu.memref_slice %arg4[%add3A_347, %dma_start3A_350] : memref<34816x768xf32, #tpu.memory_space<hbm>> -> memref<32x768xf32, #tpu.memory_space<hbm>>
    tpu.enqueue_dma source(%arg6 : memref<32x768xf32, #tpu.memory_space<vmem>>) target(%dma_start3A_351 : memref<32x768xf32, #tpu.memory_space<hbm>>) target_semaphore(%arg14 : memref<!tpu.dma_semaphore, #tpu.memory_space<semaphore_mem>>)
    %dma_wait3A_352 = arith.constant 0 : i32
    %dma_wait3A_353 = tpu.memref_slice %arg4[%add3A_347, %dma_wait3A_352] : memref<34816x768xf32, #tpu.memory_space<hbm>> -> memref<32x768xf32, #tpu.memory_space<hbm>>
    %dma_wait3A_354 = arith.constant 0 : i32
    %dma_wait3A_355 = tpu.memref_slice %arg4[%add3A_347, %dma_wait3A_354] : memref<34816x768xf32, #tpu.memory_space<hbm>> -> memref<32x768xf32, #tpu.memory_space<hbm>>
    tpu.wait_dma2 semaphore(%arg14 : memref<!tpu.dma_semaphore, #tpu.memory_space<semaphore_mem>>) src(%arg6 : memref<32x768xf32, #tpu.memory_space<vmem>>) dst(%dma_wait3A_355 : memref<32x768xf32, #tpu.memory_space<hbm>>)
    %dma_start3A_356 = arith.constant 640 : i32
    %dma_start3A_357 = tpu.memref_slice %arg5[%dma_start3A_356] : memref<1088xi32, #tpu.memory_space<vmem>> -> memref<32xi32, #tpu.memory_space<vmem>>
    %dma_start3A_358 = arith.constant 0 : i32
    %dma_start3A_359 = arith.constant 0 : i32
    %dma_start3A_360 = tpu.memref_slice %arg2[%dma_start3A_358, %dma_start3A_359] : memref<32768x768xf32, #tpu.memory_space<hbm>> -> memref<32768x768xf32, #tpu.memory_space<hbm>>
    tpu.enqueue_indirect_dma source(%dma_start3A_360 : memref<32768x768xf32, #tpu.memory_space<hbm>>) target(%arg6 : memref<32x768xf32, #tpu.memory_space<vmem>>) offsets(%dma_start3A_357 : memref<32xi32, #tpu.memory_space<vmem>>) semaphore(%arg10 : memref<!tpu.dma_semaphore, #tpu.memory_space<semaphore_mem>>)
    %dma_wait3A_361 = arith.constant 544 : i32
    %dma_wait3A_362 = tpu.memref_slice %arg5[%dma_wait3A_361] : memref<1088xi32, #tpu.memory_space<vmem>> -> memref<32xi32, #tpu.memory_space<vmem>>
    %dma_wait3A_363 = arith.constant 0 : i32
    %dma_wait3A_364 = arith.constant 0 : i32
    %dma_wait3A_365 = tpu.memref_slice %arg2[%dma_wait3A_363, %dma_wait3A_364] : memref<32768x768xf32, #tpu.memory_space<hbm>> -> memref<32768x768xf32, #tpu.memory_space<hbm>>
    tpu.wait_indirect_dma semaphore(%arg11 : memref<!tpu.dma_semaphore, #tpu.memory_space<semaphore_mem>>) src(%dma_wait3A_365 : memref<32768x768xf32, #tpu.memory_space<hbm>>) dst(%arg7 : memref<32x768xf32, #tpu.memory_space<vmem>>)
    %add3A_366 = arith.constant 544 : i32
    %add3A_367 = arith.addi %mul3A_2, %add3A_366 : i32
    %dma_start3A_368 = arith.constant 0 : i32
    %dma_start3A_369 = tpu.memref_slice %arg4[%add3A_367, %dma_start3A_368] : memref<34816x768xf32, #tpu.memory_space<hbm>> -> memref<32x768xf32, #tpu.memory_space<hbm>>
    %dma_start3A_370 = arith.constant 0 : i32
    %dma_start3A_371 = tpu.memref_slice %arg4[%add3A_367, %dma_start3A_370] : memref<34816x768xf32, #tpu.memory_space<hbm>> -> memref<32x768xf32, #tpu.memory_space<hbm>>
    tpu.enqueue_dma source(%arg7 : memref<32x768xf32, #tpu.memory_space<vmem>>) target(%dma_start3A_371 : memref<32x768xf32, #tpu.memory_space<hbm>>) target_semaphore(%arg15 : memref<!tpu.dma_semaphore, #tpu.memory_space<semaphore_mem>>)
    %dma_wait3A_372 = arith.constant 0 : i32
    %dma_wait3A_373 = tpu.memref_slice %arg4[%add3A_367, %dma_wait3A_372] : memref<34816x768xf32, #tpu.memory_space<hbm>> -> memref<32x768xf32, #tpu.memory_space<hbm>>
    %dma_wait3A_374 = arith.constant 0 : i32
    %dma_wait3A_375 = tpu.memref_slice %arg4[%add3A_367, %dma_wait3A_374] : memref<34816x768xf32, #tpu.memory_space<hbm>> -> memref<32x768xf32, #tpu.memory_space<hbm>>
    tpu.wait_dma2 semaphore(%arg15 : memref<!tpu.dma_semaphore, #tpu.memory_space<semaphore_mem>>) src(%arg7 : memref<32x768xf32, #tpu.memory_space<vmem>>) dst(%dma_wait3A_375 : memref<32x768xf32, #tpu.memory_space<hbm>>)
    %dma_start3A_376 = arith.constant 672 : i32
    %dma_start3A_377 = tpu.memref_slice %arg5[%dma_start3A_376] : memref<1088xi32, #tpu.memory_space<vmem>> -> memref<32xi32, #tpu.memory_space<vmem>>
    %dma_start3A_378 = arith.constant 0 : i32
    %dma_start3A_379 = arith.constant 0 : i32
    %dma_start3A_380 = tpu.memref_slice %arg2[%dma_start3A_378, %dma_start3A_379] : memref<32768x768xf32, #tpu.memory_space<hbm>> -> memref<32768x768xf32, #tpu.memory_space<hbm>>
    tpu.enqueue_indirect_dma source(%dma_start3A_380 : memref<32768x768xf32, #tpu.memory_space<hbm>>) target(%arg7 : memref<32x768xf32, #tpu.memory_space<vmem>>) offsets(%dma_start3A_377 : memref<32xi32, #tpu.memory_space<vmem>>) semaphore(%arg11 : memref<!tpu.dma_semaphore, #tpu.memory_space<semaphore_mem>>)
    %dma_wait3A_381 = arith.constant 576 : i32
    %dma_wait3A_382 = tpu.memref_slice %arg5[%dma_wait3A_381] : memref<1088xi32, #tpu.memory_space<vmem>> -> memref<32xi32, #tpu.memory_space<vmem>>
    %dma_wait3A_383 = arith.constant 0 : i32
    %dma_wait3A_384 = arith.constant 0 : i32
    %dma_wait3A_385 = tpu.memref_slice %arg2[%dma_wait3A_383, %dma_wait3A_384] : memref<32768x768xf32, #tpu.memory_space<hbm>> -> memref<32768x768xf32, #tpu.memory_space<hbm>>
    tpu.wait_indirect_dma semaphore(%arg12 : memref<!tpu.dma_semaphore, #tpu.memory_space<semaphore_mem>>) src(%dma_wait3A_385 : memref<32768x768xf32, #tpu.memory_space<hbm>>) dst(%arg8 : memref<32x768xf32, #tpu.memory_space<vmem>>)
    %add3A_386 = arith.constant 576 : i32
    %add3A_387 = arith.addi %mul3A_2, %add3A_386 : i32
    %dma_start3A_388 = arith.constant 0 : i32
    %dma_start3A_389 = tpu.memref_slice %arg4[%add3A_387, %dma_start3A_388] : memref<34816x768xf32, #tpu.memory_space<hbm>> -> memref<32x768xf32, #tpu.memory_space<hbm>>
    %dma_start3A_390 = arith.constant 0 : i32
    %dma_start3A_391 = tpu.memref_slice %arg4[%add3A_387, %dma_start3A_390] : memref<34816x768xf32, #tpu.memory_space<hbm>> -> memref<32x768xf32, #tpu.memory_space<hbm>>
    tpu.enqueue_dma source(%arg8 : memref<32x768xf32, #tpu.memory_space<vmem>>) target(%dma_start3A_391 : memref<32x768xf32, #tpu.memory_space<hbm>>) target_semaphore(%arg16 : memref<!tpu.dma_semaphore, #tpu.memory_space<semaphore_mem>>)
    %dma_wait3A_392 = arith.constant 0 : i32
    %dma_wait3A_393 = tpu.memref_slice %arg4[%add3A_387, %dma_wait3A_392] : memref<34816x768xf32, #tpu.memory_space<hbm>> -> memref<32x768xf32, #tpu.memory_space<hbm>>
    %dma_wait3A_394 = arith.constant 0 : i32
    %dma_wait3A_395 = tpu.memref_slice %arg4[%add3A_387, %dma_wait3A_394] : memref<34816x768xf32, #tpu.memory_space<hbm>> -> memref<32x768xf32, #tpu.memory_space<hbm>>
    tpu.wait_dma2 semaphore(%arg16 : memref<!tpu.dma_semaphore, #tpu.memory_space<semaphore_mem>>) src(%arg8 : memref<32x768xf32, #tpu.memory_space<vmem>>) dst(%dma_wait3A_395 : memref<32x768xf32, #tpu.memory_space<hbm>>)
    %dma_start3A_396 = arith.constant 704 : i32
    %dma_start3A_397 = tpu.memref_slice %arg5[%dma_start3A_396] : memref<1088xi32, #tpu.memory_space<vmem>> -> memref<32xi32, #tpu.memory_space<vmem>>
    %dma_start3A_398 = arith.constant 0 : i32
    %dma_start3A_399 = arith.constant 0 : i32
    %dma_start3A_400 = tpu.memref_slice %arg2[%dma_start3A_398, %dma_start3A_399] : memref<32768x768xf32, #tpu.memory_space<hbm>> -> memref<32768x768xf32, #tpu.memory_space<hbm>>
    tpu.enqueue_indirect_dma source(%dma_start3A_400 : memref<32768x768xf32, #tpu.memory_space<hbm>>) target(%arg8 : memref<32x768xf32, #tpu.memory_space<vmem>>) offsets(%dma_start3A_397 : memref<32xi32, #tpu.memory_space<vmem>>) semaphore(%arg12 : memref<!tpu.dma_semaphore, #tpu.memory_space<semaphore_mem>>)
    %dma_wait3A_401 = arith.constant 608 : i32
    %dma_wait3A_402 = tpu.memref_slice %arg5[%dma_wait3A_401] : memref<1088xi32, #tpu.memory_space<vmem>> -> memref<32xi32, #tpu.memory_space<vmem>>
    %dma_wait3A_403 = arith.constant 0 : i32
    %dma_wait3A_404 = arith.constant 0 : i32
    %dma_wait3A_405 = tpu.memref_slice %arg2[%dma_wait3A_403, %dma_wait3A_404] : memref<32768x768xf32, #tpu.memory_space<hbm>> -> memref<32768x768xf32, #tpu.memory_space<hbm>>
    tpu.wait_indirect_dma semaphore(%arg13 : memref<!tpu.dma_semaphore, #tpu.memory_space<semaphore_mem>>) src(%dma_wait3A_405 : memref<32768x768xf32, #tpu.memory_space<hbm>>) dst(%arg9 : memref<32x768xf32, #tpu.memory_space<vmem>>)
    %add3A_406 = arith.constant 608 : i32
    %add3A_407 = arith.addi %mul3A_2, %add3A_406 : i32
    %dma_start3A_408 = arith.constant 0 : i32
    %dma_start3A_409 = tpu.memref_slice %arg4[%add3A_407, %dma_start3A_408] : memref<34816x768xf32, #tpu.memory_space<hbm>> -> memref<32x768xf32, #tpu.memory_space<hbm>>
    %dma_start3A_410 = arith.constant 0 : i32
    %dma_start3A_411 = tpu.memref_slice %arg4[%add3A_407, %dma_start3A_410] : memref<34816x768xf32, #tpu.memory_space<hbm>> -> memref<32x768xf32, #tpu.memory_space<hbm>>
    tpu.enqueue_dma source(%arg9 : memref<32x768xf32, #tpu.memory_space<vmem>>) target(%dma_start3A_411 : memref<32x768xf32, #tpu.memory_space<hbm>>) target_semaphore(%arg17 : memref<!tpu.dma_semaphore, #tpu.memory_space<semaphore_mem>>)
    %dma_wait3A_412 = arith.constant 0 : i32
    %dma_wait3A_413 = tpu.memref_slice %arg4[%add3A_407, %dma_wait3A_412] : memref<34816x768xf32, #tpu.memory_space<hbm>> -> memref<32x768xf32, #tpu.memory_space<hbm>>
    %dma_wait3A_414 = arith.constant 0 : i32
    %dma_wait3A_415 = tpu.memref_slice %arg4[%add3A_407, %dma_wait3A_414] : memref<34816x768xf32, #tpu.memory_space<hbm>> -> memref<32x768xf32, #tpu.memory_space<hbm>>
    tpu.wait_dma2 semaphore(%arg17 : memref<!tpu.dma_semaphore, #tpu.memory_space<semaphore_mem>>) src(%arg9 : memref<32x768xf32, #tpu.memory_space<vmem>>) dst(%dma_wait3A_415 : memref<32x768xf32, #tpu.memory_space<hbm>>)
    %dma_start3A_416 = arith.constant 736 : i32
    %dma_start3A_417 = tpu.memref_slice %arg5[%dma_start3A_416] : memref<1088xi32, #tpu.memory_space<vmem>> -> memref<32xi32, #tpu.memory_space<vmem>>
    %dma_start3A_418 = arith.constant 0 : i32
    %dma_start3A_419 = arith.constant 0 : i32
    %dma_start3A_420 = tpu.memref_slice %arg2[%dma_start3A_418, %dma_start3A_419] : memref<32768x768xf32, #tpu.memory_space<hbm>> -> memref<32768x768xf32, #tpu.memory_space<hbm>>
    tpu.enqueue_indirect_dma source(%dma_start3A_420 : memref<32768x768xf32, #tpu.memory_space<hbm>>) target(%arg9 : memref<32x768xf32, #tpu.memory_space<vmem>>) offsets(%dma_start3A_417 : memref<32xi32, #tpu.memory_space<vmem>>) semaphore(%arg13 : memref<!tpu.dma_semaphore, #tpu.memory_space<semaphore_mem>>)
    %dma_wait3A_421 = arith.constant 640 : i32
    %dma_wait3A_422 = tpu.memref_slice %arg5[%dma_wait3A_421] : memref<1088xi32, #tpu.memory_space<vmem>> -> memref<32xi32, #tpu.memory_space<vmem>>
    %dma_wait3A_423 = arith.constant 0 : i32
    %dma_wait3A_424 = arith.constant 0 : i32
    %dma_wait3A_425 = tpu.memref_slice %arg2[%dma_wait3A_423, %dma_wait3A_424] : memref<32768x768xf32, #tpu.memory_space<hbm>> -> memref<32768x768xf32, #tpu.memory_space<hbm>>
    tpu.wait_indirect_dma semaphore(%arg10 : memref<!tpu.dma_semaphore, #tpu.memory_space<semaphore_mem>>) src(%dma_wait3A_425 : memref<32768x768xf32, #tpu.memory_space<hbm>>) dst(%arg6 : memref<32x768xf32, #tpu.memory_space<vmem>>)
    %add3A_426 = arith.constant 640 : i32
    %add3A_427 = arith.addi %mul3A_2, %add3A_426 : i32
    %dma_start3A_428 = arith.constant 0 : i32
    %dma_start3A_429 = tpu.memref_slice %arg4[%add3A_427, %dma_start3A_428] : memref<34816x768xf32, #tpu.memory_space<hbm>> -> memref<32x768xf32, #tpu.memory_space<hbm>>
    %dma_start3A_430 = arith.constant 0 : i32
    %dma_start3A_431 = tpu.memref_slice %arg4[%add3A_427, %dma_start3A_430] : memref<34816x768xf32, #tpu.memory_space<hbm>> -> memref<32x768xf32, #tpu.memory_space<hbm>>
    tpu.enqueue_dma source(%arg6 : memref<32x768xf32, #tpu.memory_space<vmem>>) target(%dma_start3A_431 : memref<32x768xf32, #tpu.memory_space<hbm>>) target_semaphore(%arg14 : memref<!tpu.dma_semaphore, #tpu.memory_space<semaphore_mem>>)
    %dma_wait3A_432 = arith.constant 0 : i32
    %dma_wait3A_433 = tpu.memref_slice %arg4[%add3A_427, %dma_wait3A_432] : memref<34816x768xf32, #tpu.memory_space<hbm>> -> memref<32x768xf32, #tpu.memory_space<hbm>>
    %dma_wait3A_434 = arith.constant 0 : i32
    %dma_wait3A_435 = tpu.memref_slice %arg4[%add3A_427, %dma_wait3A_434] : memref<34816x768xf32, #tpu.memory_space<hbm>> -> memref<32x768xf32, #tpu.memory_space<hbm>>
    tpu.wait_dma2 semaphore(%arg14 : memref<!tpu.dma_semaphore, #tpu.memory_space<semaphore_mem>>) src(%arg6 : memref<32x768xf32, #tpu.memory_space<vmem>>) dst(%dma_wait3A_435 : memref<32x768xf32, #tpu.memory_space<hbm>>)
    %dma_start3A_436 = arith.constant 768 : i32
    %dma_start3A_437 = tpu.memref_slice %arg5[%dma_start3A_436] : memref<1088xi32, #tpu.memory_space<vmem>> -> memref<32xi32, #tpu.memory_space<vmem>>
    %dma_start3A_438 = arith.constant 0 : i32
    %dma_start3A_439 = arith.constant 0 : i32
    %dma_start3A_440 = tpu.memref_slice %arg2[%dma_start3A_438, %dma_start3A_439] : memref<32768x768xf32, #tpu.memory_space<hbm>> -> memref<32768x768xf32, #tpu.memory_space<hbm>>
    tpu.enqueue_indirect_dma source(%dma_start3A_440 : memref<32768x768xf32, #tpu.memory_space<hbm>>) target(%arg6 : memref<32x768xf32, #tpu.memory_space<vmem>>) offsets(%dma_start3A_437 : memref<32xi32, #tpu.memory_space<vmem>>) semaphore(%arg10 : memref<!tpu.dma_semaphore, #tpu.memory_space<semaphore_mem>>)
    %dma_wait3A_441 = arith.constant 672 : i32
    %dma_wait3A_442 = tpu.memref_slice %arg5[%dma_wait3A_441] : memref<1088xi32, #tpu.memory_space<vmem>> -> memref<32xi32, #tpu.memory_space<vmem>>
    %dma_wait3A_443 = arith.constant 0 : i32
    %dma_wait3A_444 = arith.constant 0 : i32
    %dma_wait3A_445 = tpu.memref_slice %arg2[%dma_wait3A_443, %dma_wait3A_444] : memref<32768x768xf32, #tpu.memory_space<hbm>> -> memref<32768x768xf32, #tpu.memory_space<hbm>>
    tpu.wait_indirect_dma semaphore(%arg11 : memref<!tpu.dma_semaphore, #tpu.memory_space<semaphore_mem>>) src(%dma_wait3A_445 : memref<32768x768xf32, #tpu.memory_space<hbm>>) dst(%arg7 : memref<32x768xf32, #tpu.memory_space<vmem>>)
    %add3A_446 = arith.constant 672 : i32
    %add3A_447 = arith.addi %mul3A_2, %add3A_446 : i32
    %dma_start3A_448 = arith.constant 0 : i32
    %dma_start3A_449 = tpu.memref_slice %arg4[%add3A_447, %dma_start3A_448] : memref<34816x768xf32, #tpu.memory_space<hbm>> -> memref<32x768xf32, #tpu.memory_space<hbm>>
    %dma_start3A_450 = arith.constant 0 : i32
    %dma_start3A_451 = tpu.memref_slice %arg4[%add3A_447, %dma_start3A_450] : memref<34816x768xf32, #tpu.memory_space<hbm>> -> memref<32x768xf32, #tpu.memory_space<hbm>>
    tpu.enqueue_dma source(%arg7 : memref<32x768xf32, #tpu.memory_space<vmem>>) target(%dma_start3A_451 : memref<32x768xf32, #tpu.memory_space<hbm>>) target_semaphore(%arg15 : memref<!tpu.dma_semaphore, #tpu.memory_space<semaphore_mem>>)
    %dma_wait3A_452 = arith.constant 0 : i32
    %dma_wait3A_453 = tpu.memref_slice %arg4[%add3A_447, %dma_wait3A_452] : memref<34816x768xf32, #tpu.memory_space<hbm>> -> memref<32x768xf32, #tpu.memory_space<hbm>>
    %dma_wait3A_454 = arith.constant 0 : i32
    %dma_wait3A_455 = tpu.memref_slice %arg4[%add3A_447, %dma_wait3A_454] : memref<34816x768xf32, #tpu.memory_space<hbm>> -> memref<32x768xf32, #tpu.memory_space<hbm>>
    tpu.wait_dma2 semaphore(%arg15 : memref<!tpu.dma_semaphore, #tpu.memory_space<semaphore_mem>>) src(%arg7 : memref<32x768xf32, #tpu.memory_space<vmem>>) dst(%dma_wait3A_455 : memref<32x768xf32, #tpu.memory_space<hbm>>)
    %dma_start3A_456 = arith.constant 800 : i32
    %dma_start3A_457 = tpu.memref_slice %arg5[%dma_start3A_456] : memref<1088xi32, #tpu.memory_space<vmem>> -> memref<32xi32, #tpu.memory_space<vmem>>
    %dma_start3A_458 = arith.constant 0 : i32
    %dma_start3A_459 = arith.constant 0 : i32
    %dma_start3A_460 = tpu.memref_slice %arg2[%dma_start3A_458, %dma_start3A_459] : memref<32768x768xf32, #tpu.memory_space<hbm>> -> memref<32768x768xf32, #tpu.memory_space<hbm>>
    tpu.enqueue_indirect_dma source(%dma_start3A_460 : memref<32768x768xf32, #tpu.memory_space<hbm>>) target(%arg7 : memref<32x768xf32, #tpu.memory_space<vmem>>) offsets(%dma_start3A_457 : memref<32xi32, #tpu.memory_space<vmem>>) semaphore(%arg11 : memref<!tpu.dma_semaphore, #tpu.memory_space<semaphore_mem>>)
    %dma_wait3A_461 = arith.constant 704 : i32
    %dma_wait3A_462 = tpu.memref_slice %arg5[%dma_wait3A_461] : memref<1088xi32, #tpu.memory_space<vmem>> -> memref<32xi32, #tpu.memory_space<vmem>>
    %dma_wait3A_463 = arith.constant 0 : i32
    %dma_wait3A_464 = arith.constant 0 : i32
    %dma_wait3A_465 = tpu.memref_slice %arg2[%dma_wait3A_463, %dma_wait3A_464] : memref<32768x768xf32, #tpu.memory_space<hbm>> -> memref<32768x768xf32, #tpu.memory_space<hbm>>
    tpu.wait_indirect_dma semaphore(%arg12 : memref<!tpu.dma_semaphore, #tpu.memory_space<semaphore_mem>>) src(%dma_wait3A_465 : memref<32768x768xf32, #tpu.memory_space<hbm>>) dst(%arg8 : memref<32x768xf32, #tpu.memory_space<vmem>>)
    %add3A_466 = arith.constant 704 : i32
    %add3A_467 = arith.addi %mul3A_2, %add3A_466 : i32
    %dma_start3A_468 = arith.constant 0 : i32
    %dma_start3A_469 = tpu.memref_slice %arg4[%add3A_467, %dma_start3A_468] : memref<34816x768xf32, #tpu.memory_space<hbm>> -> memref<32x768xf32, #tpu.memory_space<hbm>>
    %dma_start3A_470 = arith.constant 0 : i32
    %dma_start3A_471 = tpu.memref_slice %arg4[%add3A_467, %dma_start3A_470] : memref<34816x768xf32, #tpu.memory_space<hbm>> -> memref<32x768xf32, #tpu.memory_space<hbm>>
    tpu.enqueue_dma source(%arg8 : memref<32x768xf32, #tpu.memory_space<vmem>>) target(%dma_start3A_471 : memref<32x768xf32, #tpu.memory_space<hbm>>) target_semaphore(%arg16 : memref<!tpu.dma_semaphore, #tpu.memory_space<semaphore_mem>>)
    %dma_wait3A_472 = arith.constant 0 : i32
    %dma_wait3A_473 = tpu.memref_slice %arg4[%add3A_467, %dma_wait3A_472] : memref<34816x768xf32, #tpu.memory_space<hbm>> -> memref<32x768xf32, #tpu.memory_space<hbm>>
    %dma_wait3A_474 = arith.constant 0 : i32
    %dma_wait3A_475 = tpu.memref_slice %arg4[%add3A_467, %dma_wait3A_474] : memref<34816x768xf32, #tpu.memory_space<hbm>> -> memref<32x768xf32, #tpu.memory_space<hbm>>
    tpu.wait_dma2 semaphore(%arg16 : memref<!tpu.dma_semaphore, #tpu.memory_space<semaphore_mem>>) src(%arg8 : memref<32x768xf32, #tpu.memory_space<vmem>>) dst(%dma_wait3A_475 : memref<32x768xf32, #tpu.memory_space<hbm>>)
    %dma_start3A_476 = arith.constant 832 : i32
    %dma_start3A_477 = tpu.memref_slice %arg5[%dma_start3A_476] : memref<1088xi32, #tpu.memory_space<vmem>> -> memref<32xi32, #tpu.memory_space<vmem>>
    %dma_start3A_478 = arith.constant 0 : i32
    %dma_start3A_479 = arith.constant 0 : i32
    %dma_start3A_480 = tpu.memref_slice %arg2[%dma_start3A_478, %dma_start3A_479] : memref<32768x768xf32, #tpu.memory_space<hbm>> -> memref<32768x768xf32, #tpu.memory_space<hbm>>
    tpu.enqueue_indirect_dma source(%dma_start3A_480 : memref<32768x768xf32, #tpu.memory_space<hbm>>) target(%arg8 : memref<32x768xf32, #tpu.memory_space<vmem>>) offsets(%dma_start3A_477 : memref<32xi32, #tpu.memory_space<vmem>>) semaphore(%arg12 : memref<!tpu.dma_semaphore, #tpu.memory_space<semaphore_mem>>)
    %dma_wait3A_481 = arith.constant 736 : i32
    %dma_wait3A_482 = tpu.memref_slice %arg5[%dma_wait3A_481] : memref<1088xi32, #tpu.memory_space<vmem>> -> memref<32xi32, #tpu.memory_space<vmem>>
    %dma_wait3A_483 = arith.constant 0 : i32
    %dma_wait3A_484 = arith.constant 0 : i32
    %dma_wait3A_485 = tpu.memref_slice %arg2[%dma_wait3A_483, %dma_wait3A_484] : memref<32768x768xf32, #tpu.memory_space<hbm>> -> memref<32768x768xf32, #tpu.memory_space<hbm>>
    tpu.wait_indirect_dma semaphore(%arg13 : memref<!tpu.dma_semaphore, #tpu.memory_space<semaphore_mem>>) src(%dma_wait3A_485 : memref<32768x768xf32, #tpu.memory_space<hbm>>) dst(%arg9 : memref<32x768xf32, #tpu.memory_space<vmem>>)
    %add3A_486 = arith.constant 736 : i32
    %add3A_487 = arith.addi %mul3A_2, %add3A_486 : i32
    %dma_start3A_488 = arith.constant 0 : i32
    %dma_start3A_489 = tpu.memref_slice %arg4[%add3A_487, %dma_start3A_488] : memref<34816x768xf32, #tpu.memory_space<hbm>> -> memref<32x768xf32, #tpu.memory_space<hbm>>
    %dma_start3A_490 = arith.constant 0 : i32
    %dma_start3A_491 = tpu.memref_slice %arg4[%add3A_487, %dma_start3A_490] : memref<34816x768xf32, #tpu.memory_space<hbm>> -> memref<32x768xf32, #tpu.memory_space<hbm>>
    tpu.enqueue_dma source(%arg9 : memref<32x768xf32, #tpu.memory_space<vmem>>) target(%dma_start3A_491 : memref<32x768xf32, #tpu.memory_space<hbm>>) target_semaphore(%arg17 : memref<!tpu.dma_semaphore, #tpu.memory_space<semaphore_mem>>)
    %dma_wait3A_492 = arith.constant 0 : i32
    %dma_wait3A_493 = tpu.memref_slice %arg4[%add3A_487, %dma_wait3A_492] : memref<34816x768xf32, #tpu.memory_space<hbm>> -> memref<32x768xf32, #tpu.memory_space<hbm>>
    %dma_wait3A_494 = arith.constant 0 : i32
    %dma_wait3A_495 = tpu.memref_slice %arg4[%add3A_487, %dma_wait3A_494] : memref<34816x768xf32, #tpu.memory_space<hbm>> -> memref<32x768xf32, #tpu.memory_space<hbm>>
    tpu.wait_dma2 semaphore(%arg17 : memref<!tpu.dma_semaphore, #tpu.memory_space<semaphore_mem>>) src(%arg9 : memref<32x768xf32, #tpu.memory_space<vmem>>) dst(%dma_wait3A_495 : memref<32x768xf32, #tpu.memory_space<hbm>>)
    %dma_start3A_496 = arith.constant 864 : i32
    %dma_start3A_497 = tpu.memref_slice %arg5[%dma_start3A_496] : memref<1088xi32, #tpu.memory_space<vmem>> -> memref<32xi32, #tpu.memory_space<vmem>>
    %dma_start3A_498 = arith.constant 0 : i32
    %dma_start3A_499 = arith.constant 0 : i32
    %dma_start3A_500 = tpu.memref_slice %arg2[%dma_start3A_498, %dma_start3A_499] : memref<32768x768xf32, #tpu.memory_space<hbm>> -> memref<32768x768xf32, #tpu.memory_space<hbm>>
    tpu.enqueue_indirect_dma source(%dma_start3A_500 : memref<32768x768xf32, #tpu.memory_space<hbm>>) target(%arg9 : memref<32x768xf32, #tpu.memory_space<vmem>>) offsets(%dma_start3A_497 : memref<32xi32, #tpu.memory_space<vmem>>) semaphore(%arg13 : memref<!tpu.dma_semaphore, #tpu.memory_space<semaphore_mem>>)
    %dma_wait3A_501 = arith.constant 768 : i32
    %dma_wait3A_502 = tpu.memref_slice %arg5[%dma_wait3A_501] : memref<1088xi32, #tpu.memory_space<vmem>> -> memref<32xi32, #tpu.memory_space<vmem>>
    %dma_wait3A_503 = arith.constant 0 : i32
    %dma_wait3A_504 = arith.constant 0 : i32
    %dma_wait3A_505 = tpu.memref_slice %arg2[%dma_wait3A_503, %dma_wait3A_504] : memref<32768x768xf32, #tpu.memory_space<hbm>> -> memref<32768x768xf32, #tpu.memory_space<hbm>>
    tpu.wait_indirect_dma semaphore(%arg10 : memref<!tpu.dma_semaphore, #tpu.memory_space<semaphore_mem>>) src(%dma_wait3A_505 : memref<32768x768xf32, #tpu.memory_space<hbm>>) dst(%arg6 : memref<32x768xf32, #tpu.memory_space<vmem>>)
    %add3A_506 = arith.constant 768 : i32
    %add3A_507 = arith.addi %mul3A_2, %add3A_506 : i32
    %dma_start3A_508 = arith.constant 0 : i32
    %dma_start3A_509 = tpu.memref_slice %arg4[%add3A_507, %dma_start3A_508] : memref<34816x768xf32, #tpu.memory_space<hbm>> -> memref<32x768xf32, #tpu.memory_space<hbm>>
    %dma_start3A_510 = arith.constant 0 : i32
    %dma_start3A_511 = tpu.memref_slice %arg4[%add3A_507, %dma_start3A_510] : memref<34816x768xf32, #tpu.memory_space<hbm>> -> memref<32x768xf32, #tpu.memory_space<hbm>>
    tpu.enqueue_dma source(%arg6 : memref<32x768xf32, #tpu.memory_space<vmem>>) target(%dma_start3A_511 : memref<32x768xf32, #tpu.memory_space<hbm>>) target_semaphore(%arg14 : memref<!tpu.dma_semaphore, #tpu.memory_space<semaphore_mem>>)
    %dma_wait3A_512 = arith.constant 0 : i32
    %dma_wait3A_513 = tpu.memref_slice %arg4[%add3A_507, %dma_wait3A_512] : memref<34816x768xf32, #tpu.memory_space<hbm>> -> memref<32x768xf32, #tpu.memory_space<hbm>>
    %dma_wait3A_514 = arith.constant 0 : i32
    %dma_wait3A_515 = tpu.memref_slice %arg4[%add3A_507, %dma_wait3A_514] : memref<34816x768xf32, #tpu.memory_space<hbm>> -> memref<32x768xf32, #tpu.memory_space<hbm>>
    tpu.wait_dma2 semaphore(%arg14 : memref<!tpu.dma_semaphore, #tpu.memory_space<semaphore_mem>>) src(%arg6 : memref<32x768xf32, #tpu.memory_space<vmem>>) dst(%dma_wait3A_515 : memref<32x768xf32, #tpu.memory_space<hbm>>)
    %dma_start3A_516 = arith.constant 896 : i32
    %dma_start3A_517 = tpu.memref_slice %arg5[%dma_start3A_516] : memref<1088xi32, #tpu.memory_space<vmem>> -> memref<32xi32, #tpu.memory_space<vmem>>
    %dma_start3A_518 = arith.constant 0 : i32
    %dma_start3A_519 = arith.constant 0 : i32
    %dma_start3A_520 = tpu.memref_slice %arg2[%dma_start3A_518, %dma_start3A_519] : memref<32768x768xf32, #tpu.memory_space<hbm>> -> memref<32768x768xf32, #tpu.memory_space<hbm>>
    tpu.enqueue_indirect_dma source(%dma_start3A_520 : memref<32768x768xf32, #tpu.memory_space<hbm>>) target(%arg6 : memref<32x768xf32, #tpu.memory_space<vmem>>) offsets(%dma_start3A_517 : memref<32xi32, #tpu.memory_space<vmem>>) semaphore(%arg10 : memref<!tpu.dma_semaphore, #tpu.memory_space<semaphore_mem>>)
    %dma_wait3A_521 = arith.constant 800 : i32
    %dma_wait3A_522 = tpu.memref_slice %arg5[%dma_wait3A_521] : memref<1088xi32, #tpu.memory_space<vmem>> -> memref<32xi32, #tpu.memory_space<vmem>>
    %dma_wait3A_523 = arith.constant 0 : i32
    %dma_wait3A_524 = arith.constant 0 : i32
    %dma_wait3A_525 = tpu.memref_slice %arg2[%dma_wait3A_523, %dma_wait3A_524] : memref<32768x768xf32, #tpu.memory_space<hbm>> -> memref<32768x768xf32, #tpu.memory_space<hbm>>
    tpu.wait_indirect_dma semaphore(%arg11 : memref<!tpu.dma_semaphore, #tpu.memory_space<semaphore_mem>>) src(%dma_wait3A_525 : memref<32768x768xf32, #tpu.memory_space<hbm>>) dst(%arg7 : memref<32x768xf32, #tpu.memory_space<vmem>>)
    %add3A_526 = arith.constant 800 : i32
    %add3A_527 = arith.addi %mul3A_2, %add3A_526 : i32
    %dma_start3A_528 = arith.constant 0 : i32
    %dma_start3A_529 = tpu.memref_slice %arg4[%add3A_527, %dma_start3A_528] : memref<34816x768xf32, #tpu.memory_space<hbm>> -> memref<32x768xf32, #tpu.memory_space<hbm>>
    %dma_start3A_530 = arith.constant 0 : i32
    %dma_start3A_531 = tpu.memref_slice %arg4[%add3A_527, %dma_start3A_530] : memref<34816x768xf32, #tpu.memory_space<hbm>> -> memref<32x768xf32, #tpu.memory_space<hbm>>
    tpu.enqueue_dma source(%arg7 : memref<32x768xf32, #tpu.memory_space<vmem>>) target(%dma_start3A_531 : memref<32x768xf32, #tpu.memory_space<hbm>>) target_semaphore(%arg15 : memref<!tpu.dma_semaphore, #tpu.memory_space<semaphore_mem>>)
    %dma_wait3A_532 = arith.constant 0 : i32
    %dma_wait3A_533 = tpu.memref_slice %arg4[%add3A_527, %dma_wait3A_532] : memref<34816x768xf32, #tpu.memory_space<hbm>> -> memref<32x768xf32, #tpu.memory_space<hbm>>
    %dma_wait3A_534 = arith.constant 0 : i32
    %dma_wait3A_535 = tpu.memref_slice %arg4[%add3A_527, %dma_wait3A_534] : memref<34816x768xf32, #tpu.memory_space<hbm>> -> memref<32x768xf32, #tpu.memory_space<hbm>>
    tpu.wait_dma2 semaphore(%arg15 : memref<!tpu.dma_semaphore, #tpu.memory_space<semaphore_mem>>) src(%arg7 : memref<32x768xf32, #tpu.memory_space<vmem>>) dst(%dma_wait3A_535 : memref<32x768xf32, #tpu.memory_space<hbm>>)
    %dma_start3A_536 = arith.constant 928 : i32
    %dma_start3A_537 = tpu.memref_slice %arg5[%dma_start3A_536] : memref<1088xi32, #tpu.memory_space<vmem>> -> memref<32xi32, #tpu.memory_space<vmem>>
    %dma_start3A_538 = arith.constant 0 : i32
    %dma_start3A_539 = arith.constant 0 : i32
    %dma_start3A_540 = tpu.memref_slice %arg2[%dma_start3A_538, %dma_start3A_539] : memref<32768x768xf32, #tpu.memory_space<hbm>> -> memref<32768x768xf32, #tpu.memory_space<hbm>>
    tpu.enqueue_indirect_dma source(%dma_start3A_540 : memref<32768x768xf32, #tpu.memory_space<hbm>>) target(%arg7 : memref<32x768xf32, #tpu.memory_space<vmem>>) offsets(%dma_start3A_537 : memref<32xi32, #tpu.memory_space<vmem>>) semaphore(%arg11 : memref<!tpu.dma_semaphore, #tpu.memory_space<semaphore_mem>>)
    %dma_wait3A_541 = arith.constant 832 : i32
    %dma_wait3A_542 = tpu.memref_slice %arg5[%dma_wait3A_541] : memref<1088xi32, #tpu.memory_space<vmem>> -> memref<32xi32, #tpu.memory_space<vmem>>
    %dma_wait3A_543 = arith.constant 0 : i32
    %dma_wait3A_544 = arith.constant 0 : i32
    %dma_wait3A_545 = tpu.memref_slice %arg2[%dma_wait3A_543, %dma_wait3A_544] : memref<32768x768xf32, #tpu.memory_space<hbm>> -> memref<32768x768xf32, #tpu.memory_space<hbm>>
    tpu.wait_indirect_dma semaphore(%arg12 : memref<!tpu.dma_semaphore, #tpu.memory_space<semaphore_mem>>) src(%dma_wait3A_545 : memref<32768x768xf32, #tpu.memory_space<hbm>>) dst(%arg8 : memref<32x768xf32, #tpu.memory_space<vmem>>)
    %add3A_546 = arith.constant 832 : i32
    %add3A_547 = arith.addi %mul3A_2, %add3A_546 : i32
    %dma_start3A_548 = arith.constant 0 : i32
    %dma_start3A_549 = tpu.memref_slice %arg4[%add3A_547, %dma_start3A_548] : memref<34816x768xf32, #tpu.memory_space<hbm>> -> memref<32x768xf32, #tpu.memory_space<hbm>>
    %dma_start3A_550 = arith.constant 0 : i32
    %dma_start3A_551 = tpu.memref_slice %arg4[%add3A_547, %dma_start3A_550] : memref<34816x768xf32, #tpu.memory_space<hbm>> -> memref<32x768xf32, #tpu.memory_space<hbm>>
    tpu.enqueue_dma source(%arg8 : memref<32x768xf32, #tpu.memory_space<vmem>>) target(%dma_start3A_551 : memref<32x768xf32, #tpu.memory_space<hbm>>) target_semaphore(%arg16 : memref<!tpu.dma_semaphore, #tpu.memory_space<semaphore_mem>>)
    %dma_wait3A_552 = arith.constant 0 : i32
    %dma_wait3A_553 = tpu.memref_slice %arg4[%add3A_547, %dma_wait3A_552] : memref<34816x768xf32, #tpu.memory_space<hbm>> -> memref<32x768xf32, #tpu.memory_space<hbm>>
    %dma_wait3A_554 = arith.constant 0 : i32
    %dma_wait3A_555 = tpu.memref_slice %arg4[%add3A_547, %dma_wait3A_554] : memref<34816x768xf32, #tpu.memory_space<hbm>> -> memref<32x768xf32, #tpu.memory_space<hbm>>
    tpu.wait_dma2 semaphore(%arg16 : memref<!tpu.dma_semaphore, #tpu.memory_space<semaphore_mem>>) src(%arg8 : memref<32x768xf32, #tpu.memory_space<vmem>>) dst(%dma_wait3A_555 : memref<32x768xf32, #tpu.memory_space<hbm>>)
    %dma_start3A_556 = arith.constant 960 : i32
    %dma_start3A_557 = tpu.memref_slice %arg5[%dma_start3A_556] : memref<1088xi32, #tpu.memory_space<vmem>> -> memref<32xi32, #tpu.memory_space<vmem>>
    %dma_start3A_558 = arith.constant 0 : i32
    %dma_start3A_559 = arith.constant 0 : i32
    %dma_start3A_560 = tpu.memref_slice %arg2[%dma_start3A_558, %dma_start3A_559] : memref<32768x768xf32, #tpu.memory_space<hbm>> -> memref<32768x768xf32, #tpu.memory_space<hbm>>
    tpu.enqueue_indirect_dma source(%dma_start3A_560 : memref<32768x768xf32, #tpu.memory_space<hbm>>) target(%arg8 : memref<32x768xf32, #tpu.memory_space<vmem>>) offsets(%dma_start3A_557 : memref<32xi32, #tpu.memory_space<vmem>>) semaphore(%arg12 : memref<!tpu.dma_semaphore, #tpu.memory_space<semaphore_mem>>)
    %dma_wait3A_561 = arith.constant 864 : i32
    %dma_wait3A_562 = tpu.memref_slice %arg5[%dma_wait3A_561] : memref<1088xi32, #tpu.memory_space<vmem>> -> memref<32xi32, #tpu.memory_space<vmem>>
    %dma_wait3A_563 = arith.constant 0 : i32
    %dma_wait3A_564 = arith.constant 0 : i32
    %dma_wait3A_565 = tpu.memref_slice %arg2[%dma_wait3A_563, %dma_wait3A_564] : memref<32768x768xf32, #tpu.memory_space<hbm>> -> memref<32768x768xf32, #tpu.memory_space<hbm>>
    tpu.wait_indirect_dma semaphore(%arg13 : memref<!tpu.dma_semaphore, #tpu.memory_space<semaphore_mem>>) src(%dma_wait3A_565 : memref<32768x768xf32, #tpu.memory_space<hbm>>) dst(%arg9 : memref<32x768xf32, #tpu.memory_space<vmem>>)
    %add3A_566 = arith.constant 864 : i32
    %add3A_567 = arith.addi %mul3A_2, %add3A_566 : i32
    %dma_start3A_568 = arith.constant 0 : i32
    %dma_start3A_569 = tpu.memref_slice %arg4[%add3A_567, %dma_start3A_568] : memref<34816x768xf32, #tpu.memory_space<hbm>> -> memref<32x768xf32, #tpu.memory_space<hbm>>
    %dma_start3A_570 = arith.constant 0 : i32
    %dma_start3A_571 = tpu.memref_slice %arg4[%add3A_567, %dma_start3A_570] : memref<34816x768xf32, #tpu.memory_space<hbm>> -> memref<32x768xf32, #tpu.memory_space<hbm>>
    tpu.enqueue_dma source(%arg9 : memref<32x768xf32, #tpu.memory_space<vmem>>) target(%dma_start3A_571 : memref<32x768xf32, #tpu.memory_space<hbm>>) target_semaphore(%arg17 : memref<!tpu.dma_semaphore, #tpu.memory_space<semaphore_mem>>)
    %dma_wait3A_572 = arith.constant 0 : i32
    %dma_wait3A_573 = tpu.memref_slice %arg4[%add3A_567, %dma_wait3A_572] : memref<34816x768xf32, #tpu.memory_space<hbm>> -> memref<32x768xf32, #tpu.memory_space<hbm>>
    %dma_wait3A_574 = arith.constant 0 : i32
    %dma_wait3A_575 = tpu.memref_slice %arg4[%add3A_567, %dma_wait3A_574] : memref<34816x768xf32, #tpu.memory_space<hbm>> -> memref<32x768xf32, #tpu.memory_space<hbm>>
    tpu.wait_dma2 semaphore(%arg17 : memref<!tpu.dma_semaphore, #tpu.memory_space<semaphore_mem>>) src(%arg9 : memref<32x768xf32, #tpu.memory_space<vmem>>) dst(%dma_wait3A_575 : memref<32x768xf32, #tpu.memory_space<hbm>>)
    %dma_start3A_576 = arith.constant 992 : i32
    %dma_start3A_577 = tpu.memref_slice %arg5[%dma_start3A_576] : memref<1088xi32, #tpu.memory_space<vmem>> -> memref<32xi32, #tpu.memory_space<vmem>>
    %dma_start3A_578 = arith.constant 0 : i32
    %dma_start3A_579 = arith.constant 0 : i32
    %dma_start3A_580 = tpu.memref_slice %arg2[%dma_start3A_578, %dma_start3A_579] : memref<32768x768xf32, #tpu.memory_space<hbm>> -> memref<32768x768xf32, #tpu.memory_space<hbm>>
    tpu.enqueue_indirect_dma source(%dma_start3A_580 : memref<32768x768xf32, #tpu.memory_space<hbm>>) target(%arg9 : memref<32x768xf32, #tpu.memory_space<vmem>>) offsets(%dma_start3A_577 : memref<32xi32, #tpu.memory_space<vmem>>) semaphore(%arg13 : memref<!tpu.dma_semaphore, #tpu.memory_space<semaphore_mem>>)
    %dma_wait3A_581 = arith.constant 896 : i32
    %dma_wait3A_582 = tpu.memref_slice %arg5[%dma_wait3A_581] : memref<1088xi32, #tpu.memory_space<vmem>> -> memref<32xi32, #tpu.memory_space<vmem>>
    %dma_wait3A_583 = arith.constant 0 : i32
    %dma_wait3A_584 = arith.constant 0 : i32
    %dma_wait3A_585 = tpu.memref_slice %arg2[%dma_wait3A_583, %dma_wait3A_584] : memref<32768x768xf32, #tpu.memory_space<hbm>> -> memref<32768x768xf32, #tpu.memory_space<hbm>>
    tpu.wait_indirect_dma semaphore(%arg10 : memref<!tpu.dma_semaphore, #tpu.memory_space<semaphore_mem>>) src(%dma_wait3A_585 : memref<32768x768xf32, #tpu.memory_space<hbm>>) dst(%arg6 : memref<32x768xf32, #tpu.memory_space<vmem>>)
    %add3A_586 = arith.constant 896 : i32
    %add3A_587 = arith.addi %mul3A_2, %add3A_586 : i32
    %dma_start3A_588 = arith.constant 0 : i32
    %dma_start3A_589 = tpu.memref_slice %arg4[%add3A_587, %dma_start3A_588] : memref<34816x768xf32, #tpu.memory_space<hbm>> -> memref<32x768xf32, #tpu.memory_space<hbm>>
    %dma_start3A_590 = arith.constant 0 : i32
    %dma_start3A_591 = tpu.memref_slice %arg4[%add3A_587, %dma_start3A_590] : memref<34816x768xf32, #tpu.memory_space<hbm>> -> memref<32x768xf32, #tpu.memory_space<hbm>>
    tpu.enqueue_dma source(%arg6 : memref<32x768xf32, #tpu.memory_space<vmem>>) target(%dma_start3A_591 : memref<32x768xf32, #tpu.memory_space<hbm>>) target_semaphore(%arg14 : memref<!tpu.dma_semaphore, #tpu.memory_space<semaphore_mem>>)
    %dma_wait3A_592 = arith.constant 0 : i32
    %dma_wait3A_593 = tpu.memref_slice %arg4[%add3A_587, %dma_wait3A_592] : memref<34816x768xf32, #tpu.memory_space<hbm>> -> memref<32x768xf32, #tpu.memory_space<hbm>>
    %dma_wait3A_594 = arith.constant 0 : i32
    %dma_wait3A_595 = tpu.memref_slice %arg4[%add3A_587, %dma_wait3A_594] : memref<34816x768xf32, #tpu.memory_space<hbm>> -> memref<32x768xf32, #tpu.memory_space<hbm>>
    tpu.wait_dma2 semaphore(%arg14 : memref<!tpu.dma_semaphore, #tpu.memory_space<semaphore_mem>>) src(%arg6 : memref<32x768xf32, #tpu.memory_space<vmem>>) dst(%dma_wait3A_595 : memref<32x768xf32, #tpu.memory_space<hbm>>)
    %dma_start3A_596 = arith.constant 1024 : i32
    %dma_start3A_597 = tpu.memref_slice %arg5[%dma_start3A_596] : memref<1088xi32, #tpu.memory_space<vmem>> -> memref<32xi32, #tpu.memory_space<vmem>>
    %dma_start3A_598 = arith.constant 0 : i32
    %dma_start3A_599 = arith.constant 0 : i32
    %dma_start3A_600 = tpu.memref_slice %arg2[%dma_start3A_598, %dma_start3A_599] : memref<32768x768xf32, #tpu.memory_space<hbm>> -> memref<32768x768xf32, #tpu.memory_space<hbm>>
    tpu.enqueue_indirect_dma source(%dma_start3A_600 : memref<32768x768xf32, #tpu.memory_space<hbm>>) target(%arg6 : memref<32x768xf32, #tpu.memory_space<vmem>>) offsets(%dma_start3A_597 : memref<32xi32, #tpu.memory_space<vmem>>) semaphore(%arg10 : memref<!tpu.dma_semaphore, #tpu.memory_space<semaphore_mem>>)
    %dma_wait3A_601 = arith.constant 928 : i32
    %dma_wait3A_602 = tpu.memref_slice %arg5[%dma_wait3A_601] : memref<1088xi32, #tpu.memory_space<vmem>> -> memref<32xi32, #tpu.memory_space<vmem>>
    %dma_wait3A_603 = arith.constant 0 : i32
    %dma_wait3A_604 = arith.constant 0 : i32
    %dma_wait3A_605 = tpu.memref_slice %arg2[%dma_wait3A_603, %dma_wait3A_604] : memref<32768x768xf32, #tpu.memory_space<hbm>> -> memref<32768x768xf32, #tpu.memory_space<hbm>>
    tpu.wait_indirect_dma semaphore(%arg11 : memref<!tpu.dma_semaphore, #tpu.memory_space<semaphore_mem>>) src(%dma_wait3A_605 : memref<32768x768xf32, #tpu.memory_space<hbm>>) dst(%arg7 : memref<32x768xf32, #tpu.memory_space<vmem>>)
    %add3A_606 = arith.constant 928 : i32
    %add3A_607 = arith.addi %mul3A_2, %add3A_606 : i32
    %dma_start3A_608 = arith.constant 0 : i32
    %dma_start3A_609 = tpu.memref_slice %arg4[%add3A_607, %dma_start3A_608] : memref<34816x768xf32, #tpu.memory_space<hbm>> -> memref<32x768xf32, #tpu.memory_space<hbm>>
    %dma_start3A_610 = arith.constant 0 : i32
    %dma_start3A_611 = tpu.memref_slice %arg4[%add3A_607, %dma_start3A_610] : memref<34816x768xf32, #tpu.memory_space<hbm>> -> memref<32x768xf32, #tpu.memory_space<hbm>>
    tpu.enqueue_dma source(%arg7 : memref<32x768xf32, #tpu.memory_space<vmem>>) target(%dma_start3A_611 : memref<32x768xf32, #tpu.memory_space<hbm>>) target_semaphore(%arg15 : memref<!tpu.dma_semaphore, #tpu.memory_space<semaphore_mem>>)
    %dma_wait3A_612 = arith.constant 0 : i32
    %dma_wait3A_613 = tpu.memref_slice %arg4[%add3A_607, %dma_wait3A_612] : memref<34816x768xf32, #tpu.memory_space<hbm>> -> memref<32x768xf32, #tpu.memory_space<hbm>>
    %dma_wait3A_614 = arith.constant 0 : i32
    %dma_wait3A_615 = tpu.memref_slice %arg4[%add3A_607, %dma_wait3A_614] : memref<34816x768xf32, #tpu.memory_space<hbm>> -> memref<32x768xf32, #tpu.memory_space<hbm>>
    tpu.wait_dma2 semaphore(%arg15 : memref<!tpu.dma_semaphore, #tpu.memory_space<semaphore_mem>>) src(%arg7 : memref<32x768xf32, #tpu.memory_space<vmem>>) dst(%dma_wait3A_615 : memref<32x768xf32, #tpu.memory_space<hbm>>)
    %dma_start3A_616 = arith.constant 1056 : i32
    %dma_start3A_617 = tpu.memref_slice %arg5[%dma_start3A_616] : memref<1088xi32, #tpu.memory_space<vmem>> -> memref<32xi32, #tpu.memory_space<vmem>>
    %dma_start3A_618 = arith.constant 0 : i32
    %dma_start3A_619 = arith.constant 0 : i32
    %dma_start3A_620 = tpu.memref_slice %arg2[%dma_start3A_618, %dma_start3A_619] : memref<32768x768xf32, #tpu.memory_space<hbm>> -> memref<32768x768xf32, #tpu.memory_space<hbm>>
    tpu.enqueue_indirect_dma source(%dma_start3A_620 : memref<32768x768xf32, #tpu.memory_space<hbm>>) target(%arg7 : memref<32x768xf32, #tpu.memory_space<vmem>>) offsets(%dma_start3A_617 : memref<32xi32, #tpu.memory_space<vmem>>) semaphore(%arg11 : memref<!tpu.dma_semaphore, #tpu.memory_space<semaphore_mem>>)
    %dma_wait3A_621 = arith.constant 960 : i32
    %dma_wait3A_622 = tpu.memref_slice %arg5[%dma_wait3A_621] : memref<1088xi32, #tpu.memory_space<vmem>> -> memref<32xi32, #tpu.memory_space<vmem>>
    %dma_wait3A_623 = arith.constant 0 : i32
    %dma_wait3A_624 = arith.constant 0 : i32
    %dma_wait3A_625 = tpu.memref_slice %arg2[%dma_wait3A_623, %dma_wait3A_624] : memref<32768x768xf32, #tpu.memory_space<hbm>> -> memref<32768x768xf32, #tpu.memory_space<hbm>>
    tpu.wait_indirect_dma semaphore(%arg12 : memref<!tpu.dma_semaphore, #tpu.memory_space<semaphore_mem>>) src(%dma_wait3A_625 : memref<32768x768xf32, #tpu.memory_space<hbm>>) dst(%arg8 : memref<32x768xf32, #tpu.memory_space<vmem>>)
    %add3A_626 = arith.constant 960 : i32
    %add3A_627 = arith.addi %mul3A_2, %add3A_626 : i32
    %dma_start3A_628 = arith.constant 0 : i32
    %dma_start3A_629 = tpu.memref_slice %arg4[%add3A_627, %dma_start3A_628] : memref<34816x768xf32, #tpu.memory_space<hbm>> -> memref<32x768xf32, #tpu.memory_space<hbm>>
    %dma_start3A_630 = arith.constant 0 : i32
    %dma_start3A_631 = tpu.memref_slice %arg4[%add3A_627, %dma_start3A_630] : memref<34816x768xf32, #tpu.memory_space<hbm>> -> memref<32x768xf32, #tpu.memory_space<hbm>>
    tpu.enqueue_dma source(%arg8 : memref<32x768xf32, #tpu.memory_space<vmem>>) target(%dma_start3A_631 : memref<32x768xf32, #tpu.memory_space<hbm>>) target_semaphore(%arg16 : memref<!tpu.dma_semaphore, #tpu.memory_space<semaphore_mem>>)
    %dma_wait3A_632 = arith.constant 992 : i32
    %dma_wait3A_633 = tpu.memref_slice %arg5[%dma_wait3A_632] : memref<1088xi32, #tpu.memory_space<vmem>> -> memref<32xi32, #tpu.memory_space<vmem>>
    %dma_wait3A_634 = arith.constant 0 : i32
    %dma_wait3A_635 = arith.constant 0 : i32
    %dma_wait3A_636 = tpu.memref_slice %arg2[%dma_wait3A_634, %dma_wait3A_635] : memref<32768x768xf32, #tpu.memory_space<hbm>> -> memref<32768x768xf32, #tpu.memory_space<hbm>>
    tpu.wait_indirect_dma semaphore(%arg13 : memref<!tpu.dma_semaphore, #tpu.memory_space<semaphore_mem>>) src(%dma_wait3A_636 : memref<32768x768xf32, #tpu.memory_space<hbm>>) dst(%arg9 : memref<32x768xf32, #tpu.memory_space<vmem>>)
    %add3A_637 = arith.constant 992 : i32
    %add3A_638 = arith.addi %mul3A_2, %add3A_637 : i32
    %dma_start3A_639 = arith.constant 0 : i32
    %dma_start3A_640 = tpu.memref_slice %arg4[%add3A_638, %dma_start3A_639] : memref<34816x768xf32, #tpu.memory_space<hbm>> -> memref<32x768xf32, #tpu.memory_space<hbm>>
    %dma_start3A_641 = arith.constant 0 : i32
    %dma_start3A_642 = tpu.memref_slice %arg4[%add3A_638, %dma_start3A_641] : memref<34816x768xf32, #tpu.memory_space<hbm>> -> memref<32x768xf32, #tpu.memory_space<hbm>>
    tpu.enqueue_dma source(%arg9 : memref<32x768xf32, #tpu.memory_space<vmem>>) target(%dma_start3A_642 : memref<32x768xf32, #tpu.memory_space<hbm>>) target_semaphore(%arg17 : memref<!tpu.dma_semaphore, #tpu.memory_space<semaphore_mem>>)
    %dma_wait3A_643 = arith.constant 1024 : i32
    %dma_wait3A_644 = tpu.memref_slice %arg5[%dma_wait3A_643] : memref<1088xi32, #tpu.memory_space<vmem>> -> memref<32xi32, #tpu.memory_space<vmem>>
    %dma_wait3A_645 = arith.constant 0 : i32
    %dma_wait3A_646 = arith.constant 0 : i32
    %dma_wait3A_647 = tpu.memref_slice %arg2[%dma_wait3A_645, %dma_wait3A_646] : memref<32768x768xf32, #tpu.memory_space<hbm>> -> memref<32768x768xf32, #tpu.memory_space<hbm>>
    tpu.wait_indirect_dma semaphore(%arg10 : memref<!tpu.dma_semaphore, #tpu.memory_space<semaphore_mem>>) src(%dma_wait3A_647 : memref<32768x768xf32, #tpu.memory_space<hbm>>) dst(%arg6 : memref<32x768xf32, #tpu.memory_space<vmem>>)
    %add3A_648 = arith.constant 1024 : i32
    %add3A_649 = arith.addi %mul3A_2, %add3A_648 : i32
    %dma_start3A_650 = arith.constant 0 : i32
    %dma_start3A_651 = tpu.memref_slice %arg4[%add3A_649, %dma_start3A_650] : memref<34816x768xf32, #tpu.memory_space<hbm>> -> memref<32x768xf32, #tpu.memory_space<hbm>>
    %dma_start3A_652 = arith.constant 0 : i32
    %dma_start3A_653 = tpu.memref_slice %arg4[%add3A_649, %dma_start3A_652] : memref<34816x768xf32, #tpu.memory_space<hbm>> -> memref<32x768xf32, #tpu.memory_space<hbm>>
    tpu.enqueue_dma source(%arg6 : memref<32x768xf32, #tpu.memory_space<vmem>>) target(%dma_start3A_653 : memref<32x768xf32, #tpu.memory_space<hbm>>) target_semaphore(%arg14 : memref<!tpu.dma_semaphore, #tpu.memory_space<semaphore_mem>>)
    %dma_wait3A_654 = arith.constant 1056 : i32
    %dma_wait3A_655 = tpu.memref_slice %arg5[%dma_wait3A_654] : memref<1088xi32, #tpu.memory_space<vmem>> -> memref<32xi32, #tpu.memory_space<vmem>>
    %dma_wait3A_656 = arith.constant 0 : i32
    %dma_wait3A_657 = arith.constant 0 : i32
    %dma_wait3A_658 = tpu.memref_slice %arg2[%dma_wait3A_656, %dma_wait3A_657] : memref<32768x768xf32, #tpu.memory_space<hbm>> -> memref<32768x768xf32, #tpu.memory_space<hbm>>
    tpu.wait_indirect_dma semaphore(%arg11 : memref<!tpu.dma_semaphore, #tpu.memory_space<semaphore_mem>>) src(%dma_wait3A_658 : memref<32768x768xf32, #tpu.memory_space<hbm>>) dst(%arg7 : memref<32x768xf32, #tpu.memory_space<vmem>>)
    %add3A_659 = arith.constant 1056 : i32
    %add3A_660 = arith.addi %mul3A_2, %add3A_659 : i32
    %dma_start3A_661 = arith.constant 0 : i32
    %dma_start3A_662 = tpu.memref_slice %arg4[%add3A_660, %dma_start3A_661] : memref<34816x768xf32, #tpu.memory_space<hbm>> -> memref<32x768xf32, #tpu.memory_space<hbm>>
    %dma_start3A_663 = arith.constant 0 : i32
    %dma_start3A_664 = tpu.memref_slice %arg4[%add3A_660, %dma_start3A_663] : memref<34816x768xf32, #tpu.memory_space<hbm>> -> memref<32x768xf32, #tpu.memory_space<hbm>>
    tpu.enqueue_dma source(%arg7 : memref<32x768xf32, #tpu.memory_space<vmem>>) target(%dma_start3A_664 : memref<32x768xf32, #tpu.memory_space<hbm>>) target_semaphore(%arg15 : memref<!tpu.dma_semaphore, #tpu.memory_space<semaphore_mem>>)
    %dma_wait3A_665 = arith.constant 0 : i32
    %dma_wait3A_666 = tpu.memref_slice %arg4[%add3A_627, %dma_wait3A_665] : memref<34816x768xf32, #tpu.memory_space<hbm>> -> memref<32x768xf32, #tpu.memory_space<hbm>>
    %dma_wait3A_667 = arith.constant 0 : i32
    %dma_wait3A_668 = tpu.memref_slice %arg4[%add3A_627, %dma_wait3A_667] : memref<34816x768xf32, #tpu.memory_space<hbm>> -> memref<32x768xf32, #tpu.memory_space<hbm>>
    tpu.wait_dma2 semaphore(%arg16 : memref<!tpu.dma_semaphore, #tpu.memory_space<semaphore_mem>>) src(%arg8 : memref<32x768xf32, #tpu.memory_space<vmem>>) dst(%dma_wait3A_668 : memref<32x768xf32, #tpu.memory_space<hbm>>)
    %dma_wait3A_669 = arith.constant 0 : i32
    %dma_wait3A_670 = tpu.memref_slice %arg4[%add3A_638, %dma_wait3A_669] : memref<34816x768xf32, #tpu.memory_space<hbm>> -> memref<32x768xf32, #tpu.memory_space<hbm>>
    %dma_wait3A_671 = arith.constant 0 : i32
    %dma_wait3A_672 = tpu.memref_slice %arg4[%add3A_638, %dma_wait3A_671] : memref<34816x768xf32, #tpu.memory_space<hbm>> -> memref<32x768xf32, #tpu.memory_space<hbm>>
    tpu.wait_dma2 semaphore(%arg17 : memref<!tpu.dma_semaphore, #tpu.memory_space<semaphore_mem>>) src(%arg9 : memref<32x768xf32, #tpu.memory_space<vmem>>) dst(%dma_wait3A_672 : memref<32x768xf32, #tpu.memory_space<hbm>>)
    %dma_wait3A_673 = arith.constant 0 : i32
    %dma_wait3A_674 = tpu.memref_slice %arg4[%add3A_649, %dma_wait3A_673] : memref<34816x768xf32, #tpu.memory_space<hbm>> -> memref<32x768xf32, #tpu.memory_space<hbm>>
    %dma_wait3A_675 = arith.constant 0 : i32
    %dma_wait3A_676 = tpu.memref_slice %arg4[%add3A_649, %dma_wait3A_675] : memref<34816x768xf32, #tpu.memory_space<hbm>> -> memref<32x768xf32, #tpu.memory_space<hbm>>
    tpu.wait_dma2 semaphore(%arg14 : memref<!tpu.dma_semaphore, #tpu.memory_space<semaphore_mem>>) src(%arg6 : memref<32x768xf32, #tpu.memory_space<vmem>>) dst(%dma_wait3A_676 : memref<32x768xf32, #tpu.memory_space<hbm>>)
    %dma_wait3A_677 = arith.constant 0 : i32
    %dma_wait3A_678 = tpu.memref_slice %arg4[%add3A_660, %dma_wait3A_677] : memref<34816x768xf32, #tpu.memory_space<hbm>> -> memref<32x768xf32, #tpu.memory_space<hbm>>
    %dma_wait3A_679 = arith.constant 0 : i32
    %dma_wait3A_680 = tpu.memref_slice %arg4[%add3A_660, %dma_wait3A_679] : memref<34816x768xf32, #tpu.memory_space<hbm>> -> memref<32x768xf32, #tpu.memory_space<hbm>>
    tpu.wait_dma2 semaphore(%arg15 : memref<!tpu.dma_semaphore, #tpu.memory_space<semaphore_mem>>) src(%arg7 : memref<32x768xf32, #tpu.memory_space<vmem>>) dst(%dma_wait3A_680 : memref<32x768xf32, #tpu.memory_space<hbm>>)
    return
  }
}

#map = affine_map<(d0, d1) -> (0, 0)>
module attributes {stable_mosaic.version = 14 : i64} {
  func.func @reorder_k(%arg0: i32, %arg1: i32, %arg2: memref<34816x16xf32, #tpu.memory_space<hbm>>, %arg3: memref<256x128xi32, #tpu.memory_space<hbm>>, %arg4: memref<256x128xi32, #tpu.memory_space<hbm>>, %arg5: memref<32768x16xf32, #tpu.memory_space<hbm>>, %arg6: memref<8x128xi32, #tpu.memory_space<vmem>>, %arg7: memref<8x128xi32, #tpu.memory_space<vmem>>, %arg8: memref<128x16xf32, #tpu.memory_space<vmem>>, %arg9: memref<128x16xf32, #tpu.memory_space<vmem>>, %arg10: memref<!tpu.dma_semaphore, #tpu.memory_space<semaphore_mem>>, %arg11: memref<!tpu.dma_semaphore, #tpu.memory_space<semaphore_mem>>, %arg12: memref<!tpu.dma_semaphore, #tpu.memory_space<semaphore_mem>>, %arg13: memref<!tpu.dma_semaphore, #tpu.memory_space<semaphore_mem>>) attributes {dimension_semantics = [#tpu.dimension_semantics<core_parallel>, #tpu.dimension_semantics<subcore_parallel>], iteration_bounds = array<i64: 2, 16>, scalar_prefetch = 0 : i64, scratch_operands = 8 : i64, tpu.core_type = #tpu.core_type<sc_vector_subcore>, window_params = [{transform_indices = #map}, {transform_indices = #map}, {transform_indices = #map}, {transform_indices = #map}]} {
    %mul3A = arith.constant 2 : i32
    %mul3A_0 = arith.muli %arg1, %mul3A : i32
    %add3A = arith.addi %mul3A_0, %arg0 : i32
    %mul3A_1 = arith.constant 8 : i32
    %mul3A_2 = arith.muli %add3A, %mul3A_1 : i32
    "tpu.region"() ({
      %run_scoped3A = tpu.sem_alloc : memref<!tpu.dma_semaphore, #tpu.memory_space<semaphore_mem>>
      %dma_start3A_227 = arith.constant 0 : i32
      %dma_start3A_228 = tpu.memref_slice %arg3[%mul3A_2, %dma_start3A_227] : memref<256x128xi32, #tpu.memory_space<hbm>> -> memref<8x128xi32, #tpu.memory_space<hbm>>
      %dma_start3A_229 = arith.constant 0 : i32
      %dma_start3A_230 = tpu.memref_slice %arg3[%mul3A_2, %dma_start3A_229] : memref<256x128xi32, #tpu.memory_space<hbm>> -> memref<8x128xi32, #tpu.memory_space<hbm>>
      tpu.enqueue_dma source(%dma_start3A_230 : memref<8x128xi32, #tpu.memory_space<hbm>>) target(%arg6 : memref<8x128xi32, #tpu.memory_space<vmem>>) target_semaphore(%run_scoped3A : memref<!tpu.dma_semaphore, #tpu.memory_space<semaphore_mem>>)
      %dma_wait3A_231 = arith.constant 0 : i32
      %dma_wait3A_232 = tpu.memref_slice %arg3[%mul3A_2, %dma_wait3A_231] : memref<256x128xi32, #tpu.memory_space<hbm>> -> memref<8x128xi32, #tpu.memory_space<hbm>>
      %dma_wait3A_233 = arith.constant 0 : i32
      %dma_wait3A_234 = tpu.memref_slice %arg3[%mul3A_2, %dma_wait3A_233] : memref<256x128xi32, #tpu.memory_space<hbm>> -> memref<8x128xi32, #tpu.memory_space<hbm>>
      tpu.wait_dma2 semaphore(%run_scoped3A : memref<!tpu.dma_semaphore, #tpu.memory_space<semaphore_mem>>) src(%dma_wait3A_234 : memref<8x128xi32, #tpu.memory_space<hbm>>) dst(%arg6 : memref<8x128xi32, #tpu.memory_space<vmem>>)
      tpu.yield
    }) : () -> ()
    %mul3A_3 = arith.constant 8 : i32
    %mul3A_4 = arith.muli %add3A, %mul3A_3 : i32
    "tpu.region"() ({
      %run_scoped3A = tpu.sem_alloc : memref<!tpu.dma_semaphore, #tpu.memory_space<semaphore_mem>>
      %dma_start3A_227 = arith.constant 0 : i32
      %dma_start3A_228 = tpu.memref_slice %arg4[%mul3A_4, %dma_start3A_227] : memref<256x128xi32, #tpu.memory_space<hbm>> -> memref<8x128xi32, #tpu.memory_space<hbm>>
      %dma_start3A_229 = arith.constant 0 : i32
      %dma_start3A_230 = tpu.memref_slice %arg4[%mul3A_4, %dma_start3A_229] : memref<256x128xi32, #tpu.memory_space<hbm>> -> memref<8x128xi32, #tpu.memory_space<hbm>>
      tpu.enqueue_dma source(%dma_start3A_230 : memref<8x128xi32, #tpu.memory_space<hbm>>) target(%arg7 : memref<8x128xi32, #tpu.memory_space<vmem>>) target_semaphore(%run_scoped3A : memref<!tpu.dma_semaphore, #tpu.memory_space<semaphore_mem>>)
      %dma_wait3A_231 = arith.constant 0 : i32
      %dma_wait3A_232 = tpu.memref_slice %arg4[%mul3A_4, %dma_wait3A_231] : memref<256x128xi32, #tpu.memory_space<hbm>> -> memref<8x128xi32, #tpu.memory_space<hbm>>
      %dma_wait3A_233 = arith.constant 0 : i32
      %dma_wait3A_234 = tpu.memref_slice %arg4[%mul3A_4, %dma_wait3A_233] : memref<256x128xi32, #tpu.memory_space<hbm>> -> memref<8x128xi32, #tpu.memory_space<hbm>>
      tpu.wait_dma2 semaphore(%run_scoped3A : memref<!tpu.dma_semaphore, #tpu.memory_space<semaphore_mem>>) src(%dma_wait3A_234 : memref<8x128xi32, #tpu.memory_space<hbm>>) dst(%arg7 : memref<8x128xi32, #tpu.memory_space<vmem>>)
      tpu.yield
    }) : () -> ()
    %dma_start3A = arith.constant 0 : i32
    %dma_start3A_5 = arith.constant 0 : i32
    %dma_start3A_6 = tpu.memref_slice %arg6[%dma_start3A, %dma_start3A_5] : memref<8x128xi32, #tpu.memory_space<vmem>> -> memref<1x128xi32, #tpu.memory_space<vmem>>
    %dma_start3A_7 = tpu.memref_squeeze %dma_start3A_6 : memref<1x128xi32, #tpu.memory_space<vmem>> -> memref<128xi32, #tpu.memory_space<vmem>>
    %dma_start3A_8 = arith.constant 0 : i32
    %dma_start3A_9 = arith.constant 0 : i32
    %dma_start3A_10 = tpu.memref_slice %arg2[%dma_start3A_8, %dma_start3A_9] : memref<34816x16xf32, #tpu.memory_space<hbm>> -> memref<34816x16xf32, #tpu.memory_space<hbm>>
    tpu.enqueue_indirect_dma source(%dma_start3A_10 : memref<34816x16xf32, #tpu.memory_space<hbm>>) target(%arg8 : memref<128x16xf32, #tpu.memory_space<vmem>>) offsets(%dma_start3A_7 : memref<128xi32, #tpu.memory_space<vmem>>) semaphore(%arg10 : memref<!tpu.dma_semaphore, #tpu.memory_space<semaphore_mem>>)
    %dma_start3A_11 = arith.constant 1 : i32
    %dma_start3A_12 = arith.constant 0 : i32
    %dma_start3A_13 = tpu.memref_slice %arg6[%dma_start3A_11, %dma_start3A_12] : memref<8x128xi32, #tpu.memory_space<vmem>> -> memref<1x128xi32, #tpu.memory_space<vmem>>
    %dma_start3A_14 = tpu.memref_squeeze %dma_start3A_13 : memref<1x128xi32, #tpu.memory_space<vmem>> -> memref<128xi32, #tpu.memory_space<vmem>>
    %dma_start3A_15 = arith.constant 0 : i32
    %dma_start3A_16 = arith.constant 0 : i32
    %dma_start3A_17 = tpu.memref_slice %arg2[%dma_start3A_15, %dma_start3A_16] : memref<34816x16xf32, #tpu.memory_space<hbm>> -> memref<34816x16xf32, #tpu.memory_space<hbm>>
    tpu.enqueue_indirect_dma source(%dma_start3A_17 : memref<34816x16xf32, #tpu.memory_space<hbm>>) target(%arg9 : memref<128x16xf32, #tpu.memory_space<vmem>>) offsets(%dma_start3A_14 : memref<128xi32, #tpu.memory_space<vmem>>) semaphore(%arg11 : memref<!tpu.dma_semaphore, #tpu.memory_space<semaphore_mem>>)
    %dma_wait3A = arith.constant 0 : i32
    %dma_wait3A_18 = arith.constant 0 : i32
    %dma_wait3A_19 = tpu.memref_slice %arg6[%dma_wait3A, %dma_wait3A_18] : memref<8x128xi32, #tpu.memory_space<vmem>> -> memref<1x128xi32, #tpu.memory_space<vmem>>
    %dma_wait3A_20 = tpu.memref_squeeze %dma_wait3A_19 : memref<1x128xi32, #tpu.memory_space<vmem>> -> memref<128xi32, #tpu.memory_space<vmem>>
    %dma_wait3A_21 = arith.constant 0 : i32
    %dma_wait3A_22 = arith.constant 0 : i32
    %dma_wait3A_23 = tpu.memref_slice %arg2[%dma_wait3A_21, %dma_wait3A_22] : memref<34816x16xf32, #tpu.memory_space<hbm>> -> memref<34816x16xf32, #tpu.memory_space<hbm>>
    tpu.wait_indirect_dma semaphore(%arg10 : memref<!tpu.dma_semaphore, #tpu.memory_space<semaphore_mem>>) src(%dma_wait3A_23 : memref<34816x16xf32, #tpu.memory_space<hbm>>) dst(%arg8 : memref<128x16xf32, #tpu.memory_space<vmem>>)
    %dma_start3A_24 = arith.constant 0 : i32
    %dma_start3A_25 = arith.constant 0 : i32
    %dma_start3A_26 = tpu.memref_slice %arg7[%dma_start3A_24, %dma_start3A_25] : memref<8x128xi32, #tpu.memory_space<vmem>> -> memref<1x128xi32, #tpu.memory_space<vmem>>
    %dma_start3A_27 = tpu.memref_squeeze %dma_start3A_26 : memref<1x128xi32, #tpu.memory_space<vmem>> -> memref<128xi32, #tpu.memory_space<vmem>>
    %dma_start3A_28 = arith.constant 0 : i32
    %dma_start3A_29 = arith.constant 0 : i32
    %dma_start3A_30 = tpu.memref_slice %arg5[%dma_start3A_28, %dma_start3A_29] : memref<32768x16xf32, #tpu.memory_space<hbm>> -> memref<32768x16xf32, #tpu.memory_space<hbm>>
    tpu.enqueue_indirect_dma source(%arg8 : memref<128x16xf32, #tpu.memory_space<vmem>>) target(%dma_start3A_30 : memref<32768x16xf32, #tpu.memory_space<hbm>>) offsets(%dma_start3A_27 : memref<128xi32, #tpu.memory_space<vmem>>) semaphore(%arg12 : memref<!tpu.dma_semaphore, #tpu.memory_space<semaphore_mem>>)
    %dma_wait3A_31 = arith.constant 0 : i32
    %dma_wait3A_32 = arith.constant 0 : i32
    %dma_wait3A_33 = tpu.memref_slice %arg7[%dma_wait3A_31, %dma_wait3A_32] : memref<8x128xi32, #tpu.memory_space<vmem>> -> memref<1x128xi32, #tpu.memory_space<vmem>>
    %dma_wait3A_34 = tpu.memref_squeeze %dma_wait3A_33 : memref<1x128xi32, #tpu.memory_space<vmem>> -> memref<128xi32, #tpu.memory_space<vmem>>
    %dma_wait3A_35 = arith.constant 0 : i32
    %dma_wait3A_36 = arith.constant 0 : i32
    %dma_wait3A_37 = tpu.memref_slice %arg5[%dma_wait3A_35, %dma_wait3A_36] : memref<32768x16xf32, #tpu.memory_space<hbm>> -> memref<32768x16xf32, #tpu.memory_space<hbm>>
    tpu.wait_indirect_dma semaphore(%arg12 : memref<!tpu.dma_semaphore, #tpu.memory_space<semaphore_mem>>) src(%arg8 : memref<128x16xf32, #tpu.memory_space<vmem>>) dst(%dma_wait3A_37 : memref<32768x16xf32, #tpu.memory_space<hbm>>)
    %dma_start3A_38 = arith.constant 2 : i32
    %dma_start3A_39 = arith.constant 0 : i32
    %dma_start3A_40 = tpu.memref_slice %arg6[%dma_start3A_38, %dma_start3A_39] : memref<8x128xi32, #tpu.memory_space<vmem>> -> memref<1x128xi32, #tpu.memory_space<vmem>>
    %dma_start3A_41 = tpu.memref_squeeze %dma_start3A_40 : memref<1x128xi32, #tpu.memory_space<vmem>> -> memref<128xi32, #tpu.memory_space<vmem>>
    %dma_start3A_42 = arith.constant 0 : i32
    %dma_start3A_43 = arith.constant 0 : i32
    %dma_start3A_44 = tpu.memref_slice %arg2[%dma_start3A_42, %dma_start3A_43] : memref<34816x16xf32, #tpu.memory_space<hbm>> -> memref<34816x16xf32, #tpu.memory_space<hbm>>
    tpu.enqueue_indirect_dma source(%dma_start3A_44 : memref<34816x16xf32, #tpu.memory_space<hbm>>) target(%arg8 : memref<128x16xf32, #tpu.memory_space<vmem>>) offsets(%dma_start3A_41 : memref<128xi32, #tpu.memory_space<vmem>>) semaphore(%arg10 : memref<!tpu.dma_semaphore, #tpu.memory_space<semaphore_mem>>)
    %dma_wait3A_45 = arith.constant 1 : i32
    %dma_wait3A_46 = arith.constant 0 : i32
    %dma_wait3A_47 = tpu.memref_slice %arg6[%dma_wait3A_45, %dma_wait3A_46] : memref<8x128xi32, #tpu.memory_space<vmem>> -> memref<1x128xi32, #tpu.memory_space<vmem>>
    %dma_wait3A_48 = tpu.memref_squeeze %dma_wait3A_47 : memref<1x128xi32, #tpu.memory_space<vmem>> -> memref<128xi32, #tpu.memory_space<vmem>>
    %dma_wait3A_49 = arith.constant 0 : i32
    %dma_wait3A_50 = arith.constant 0 : i32
    %dma_wait3A_51 = tpu.memref_slice %arg2[%dma_wait3A_49, %dma_wait3A_50] : memref<34816x16xf32, #tpu.memory_space<hbm>> -> memref<34816x16xf32, #tpu.memory_space<hbm>>
    tpu.wait_indirect_dma semaphore(%arg11 : memref<!tpu.dma_semaphore, #tpu.memory_space<semaphore_mem>>) src(%dma_wait3A_51 : memref<34816x16xf32, #tpu.memory_space<hbm>>) dst(%arg9 : memref<128x16xf32, #tpu.memory_space<vmem>>)
    %dma_start3A_52 = arith.constant 1 : i32
    %dma_start3A_53 = arith.constant 0 : i32
    %dma_start3A_54 = tpu.memref_slice %arg7[%dma_start3A_52, %dma_start3A_53] : memref<8x128xi32, #tpu.memory_space<vmem>> -> memref<1x128xi32, #tpu.memory_space<vmem>>
    %dma_start3A_55 = tpu.memref_squeeze %dma_start3A_54 : memref<1x128xi32, #tpu.memory_space<vmem>> -> memref<128xi32, #tpu.memory_space<vmem>>
    %dma_start3A_56 = arith.constant 0 : i32
    %dma_start3A_57 = arith.constant 0 : i32
    %dma_start3A_58 = tpu.memref_slice %arg5[%dma_start3A_56, %dma_start3A_57] : memref<32768x16xf32, #tpu.memory_space<hbm>> -> memref<32768x16xf32, #tpu.memory_space<hbm>>
    tpu.enqueue_indirect_dma source(%arg9 : memref<128x16xf32, #tpu.memory_space<vmem>>) target(%dma_start3A_58 : memref<32768x16xf32, #tpu.memory_space<hbm>>) offsets(%dma_start3A_55 : memref<128xi32, #tpu.memory_space<vmem>>) semaphore(%arg13 : memref<!tpu.dma_semaphore, #tpu.memory_space<semaphore_mem>>)
    %dma_wait3A_59 = arith.constant 1 : i32
    %dma_wait3A_60 = arith.constant 0 : i32
    %dma_wait3A_61 = tpu.memref_slice %arg7[%dma_wait3A_59, %dma_wait3A_60] : memref<8x128xi32, #tpu.memory_space<vmem>> -> memref<1x128xi32, #tpu.memory_space<vmem>>
    %dma_wait3A_62 = tpu.memref_squeeze %dma_wait3A_61 : memref<1x128xi32, #tpu.memory_space<vmem>> -> memref<128xi32, #tpu.memory_space<vmem>>
    %dma_wait3A_63 = arith.constant 0 : i32
    %dma_wait3A_64 = arith.constant 0 : i32
    %dma_wait3A_65 = tpu.memref_slice %arg5[%dma_wait3A_63, %dma_wait3A_64] : memref<32768x16xf32, #tpu.memory_space<hbm>> -> memref<32768x16xf32, #tpu.memory_space<hbm>>
    tpu.wait_indirect_dma semaphore(%arg13 : memref<!tpu.dma_semaphore, #tpu.memory_space<semaphore_mem>>) src(%arg9 : memref<128x16xf32, #tpu.memory_space<vmem>>) dst(%dma_wait3A_65 : memref<32768x16xf32, #tpu.memory_space<hbm>>)
    %dma_start3A_66 = arith.constant 3 : i32
    %dma_start3A_67 = arith.constant 0 : i32
    %dma_start3A_68 = tpu.memref_slice %arg6[%dma_start3A_66, %dma_start3A_67] : memref<8x128xi32, #tpu.memory_space<vmem>> -> memref<1x128xi32, #tpu.memory_space<vmem>>
    %dma_start3A_69 = tpu.memref_squeeze %dma_start3A_68 : memref<1x128xi32, #tpu.memory_space<vmem>> -> memref<128xi32, #tpu.memory_space<vmem>>
    %dma_start3A_70 = arith.constant 0 : i32
    %dma_start3A_71 = arith.constant 0 : i32
    %dma_start3A_72 = tpu.memref_slice %arg2[%dma_start3A_70, %dma_start3A_71] : memref<34816x16xf32, #tpu.memory_space<hbm>> -> memref<34816x16xf32, #tpu.memory_space<hbm>>
    tpu.enqueue_indirect_dma source(%dma_start3A_72 : memref<34816x16xf32, #tpu.memory_space<hbm>>) target(%arg9 : memref<128x16xf32, #tpu.memory_space<vmem>>) offsets(%dma_start3A_69 : memref<128xi32, #tpu.memory_space<vmem>>) semaphore(%arg11 : memref<!tpu.dma_semaphore, #tpu.memory_space<semaphore_mem>>)
    %dma_wait3A_73 = arith.constant 2 : i32
    %dma_wait3A_74 = arith.constant 0 : i32
    %dma_wait3A_75 = tpu.memref_slice %arg6[%dma_wait3A_73, %dma_wait3A_74] : memref<8x128xi32, #tpu.memory_space<vmem>> -> memref<1x128xi32, #tpu.memory_space<vmem>>
    %dma_wait3A_76 = tpu.memref_squeeze %dma_wait3A_75 : memref<1x128xi32, #tpu.memory_space<vmem>> -> memref<128xi32, #tpu.memory_space<vmem>>
    %dma_wait3A_77 = arith.constant 0 : i32
    %dma_wait3A_78 = arith.constant 0 : i32
    %dma_wait3A_79 = tpu.memref_slice %arg2[%dma_wait3A_77, %dma_wait3A_78] : memref<34816x16xf32, #tpu.memory_space<hbm>> -> memref<34816x16xf32, #tpu.memory_space<hbm>>
    tpu.wait_indirect_dma semaphore(%arg10 : memref<!tpu.dma_semaphore, #tpu.memory_space<semaphore_mem>>) src(%dma_wait3A_79 : memref<34816x16xf32, #tpu.memory_space<hbm>>) dst(%arg8 : memref<128x16xf32, #tpu.memory_space<vmem>>)
    %dma_start3A_80 = arith.constant 2 : i32
    %dma_start3A_81 = arith.constant 0 : i32
    %dma_start3A_82 = tpu.memref_slice %arg7[%dma_start3A_80, %dma_start3A_81] : memref<8x128xi32, #tpu.memory_space<vmem>> -> memref<1x128xi32, #tpu.memory_space<vmem>>
    %dma_start3A_83 = tpu.memref_squeeze %dma_start3A_82 : memref<1x128xi32, #tpu.memory_space<vmem>> -> memref<128xi32, #tpu.memory_space<vmem>>
    %dma_start3A_84 = arith.constant 0 : i32
    %dma_start3A_85 = arith.constant 0 : i32
    %dma_start3A_86 = tpu.memref_slice %arg5[%dma_start3A_84, %dma_start3A_85] : memref<32768x16xf32, #tpu.memory_space<hbm>> -> memref<32768x16xf32, #tpu.memory_space<hbm>>
    tpu.enqueue_indirect_dma source(%arg8 : memref<128x16xf32, #tpu.memory_space<vmem>>) target(%dma_start3A_86 : memref<32768x16xf32, #tpu.memory_space<hbm>>) offsets(%dma_start3A_83 : memref<128xi32, #tpu.memory_space<vmem>>) semaphore(%arg12 : memref<!tpu.dma_semaphore, #tpu.memory_space<semaphore_mem>>)
    %dma_wait3A_87 = arith.constant 2 : i32
    %dma_wait3A_88 = arith.constant 0 : i32
    %dma_wait3A_89 = tpu.memref_slice %arg7[%dma_wait3A_87, %dma_wait3A_88] : memref<8x128xi32, #tpu.memory_space<vmem>> -> memref<1x128xi32, #tpu.memory_space<vmem>>
    %dma_wait3A_90 = tpu.memref_squeeze %dma_wait3A_89 : memref<1x128xi32, #tpu.memory_space<vmem>> -> memref<128xi32, #tpu.memory_space<vmem>>
    %dma_wait3A_91 = arith.constant 0 : i32
    %dma_wait3A_92 = arith.constant 0 : i32
    %dma_wait3A_93 = tpu.memref_slice %arg5[%dma_wait3A_91, %dma_wait3A_92] : memref<32768x16xf32, #tpu.memory_space<hbm>> -> memref<32768x16xf32, #tpu.memory_space<hbm>>
    tpu.wait_indirect_dma semaphore(%arg12 : memref<!tpu.dma_semaphore, #tpu.memory_space<semaphore_mem>>) src(%arg8 : memref<128x16xf32, #tpu.memory_space<vmem>>) dst(%dma_wait3A_93 : memref<32768x16xf32, #tpu.memory_space<hbm>>)
    %dma_start3A_94 = arith.constant 4 : i32
    %dma_start3A_95 = arith.constant 0 : i32
    %dma_start3A_96 = tpu.memref_slice %arg6[%dma_start3A_94, %dma_start3A_95] : memref<8x128xi32, #tpu.memory_space<vmem>> -> memref<1x128xi32, #tpu.memory_space<vmem>>
    %dma_start3A_97 = tpu.memref_squeeze %dma_start3A_96 : memref<1x128xi32, #tpu.memory_space<vmem>> -> memref<128xi32, #tpu.memory_space<vmem>>
    %dma_start3A_98 = arith.constant 0 : i32
    %dma_start3A_99 = arith.constant 0 : i32
    %dma_start3A_100 = tpu.memref_slice %arg2[%dma_start3A_98, %dma_start3A_99] : memref<34816x16xf32, #tpu.memory_space<hbm>> -> memref<34816x16xf32, #tpu.memory_space<hbm>>
    tpu.enqueue_indirect_dma source(%dma_start3A_100 : memref<34816x16xf32, #tpu.memory_space<hbm>>) target(%arg8 : memref<128x16xf32, #tpu.memory_space<vmem>>) offsets(%dma_start3A_97 : memref<128xi32, #tpu.memory_space<vmem>>) semaphore(%arg10 : memref<!tpu.dma_semaphore, #tpu.memory_space<semaphore_mem>>)
    %dma_wait3A_101 = arith.constant 3 : i32
    %dma_wait3A_102 = arith.constant 0 : i32
    %dma_wait3A_103 = tpu.memref_slice %arg6[%dma_wait3A_101, %dma_wait3A_102] : memref<8x128xi32, #tpu.memory_space<vmem>> -> memref<1x128xi32, #tpu.memory_space<vmem>>
    %dma_wait3A_104 = tpu.memref_squeeze %dma_wait3A_103 : memref<1x128xi32, #tpu.memory_space<vmem>> -> memref<128xi32, #tpu.memory_space<vmem>>
    %dma_wait3A_105 = arith.constant 0 : i32
    %dma_wait3A_106 = arith.constant 0 : i32
    %dma_wait3A_107 = tpu.memref_slice %arg2[%dma_wait3A_105, %dma_wait3A_106] : memref<34816x16xf32, #tpu.memory_space<hbm>> -> memref<34816x16xf32, #tpu.memory_space<hbm>>
    tpu.wait_indirect_dma semaphore(%arg11 : memref<!tpu.dma_semaphore, #tpu.memory_space<semaphore_mem>>) src(%dma_wait3A_107 : memref<34816x16xf32, #tpu.memory_space<hbm>>) dst(%arg9 : memref<128x16xf32, #tpu.memory_space<vmem>>)
    %dma_start3A_108 = arith.constant 3 : i32
    %dma_start3A_109 = arith.constant 0 : i32
    %dma_start3A_110 = tpu.memref_slice %arg7[%dma_start3A_108, %dma_start3A_109] : memref<8x128xi32, #tpu.memory_space<vmem>> -> memref<1x128xi32, #tpu.memory_space<vmem>>
    %dma_start3A_111 = tpu.memref_squeeze %dma_start3A_110 : memref<1x128xi32, #tpu.memory_space<vmem>> -> memref<128xi32, #tpu.memory_space<vmem>>
    %dma_start3A_112 = arith.constant 0 : i32
    %dma_start3A_113 = arith.constant 0 : i32
    %dma_start3A_114 = tpu.memref_slice %arg5[%dma_start3A_112, %dma_start3A_113] : memref<32768x16xf32, #tpu.memory_space<hbm>> -> memref<32768x16xf32, #tpu.memory_space<hbm>>
    tpu.enqueue_indirect_dma source(%arg9 : memref<128x16xf32, #tpu.memory_space<vmem>>) target(%dma_start3A_114 : memref<32768x16xf32, #tpu.memory_space<hbm>>) offsets(%dma_start3A_111 : memref<128xi32, #tpu.memory_space<vmem>>) semaphore(%arg13 : memref<!tpu.dma_semaphore, #tpu.memory_space<semaphore_mem>>)
    %dma_wait3A_115 = arith.constant 3 : i32
    %dma_wait3A_116 = arith.constant 0 : i32
    %dma_wait3A_117 = tpu.memref_slice %arg7[%dma_wait3A_115, %dma_wait3A_116] : memref<8x128xi32, #tpu.memory_space<vmem>> -> memref<1x128xi32, #tpu.memory_space<vmem>>
    %dma_wait3A_118 = tpu.memref_squeeze %dma_wait3A_117 : memref<1x128xi32, #tpu.memory_space<vmem>> -> memref<128xi32, #tpu.memory_space<vmem>>
    %dma_wait3A_119 = arith.constant 0 : i32
    %dma_wait3A_120 = arith.constant 0 : i32
    %dma_wait3A_121 = tpu.memref_slice %arg5[%dma_wait3A_119, %dma_wait3A_120] : memref<32768x16xf32, #tpu.memory_space<hbm>> -> memref<32768x16xf32, #tpu.memory_space<hbm>>
    tpu.wait_indirect_dma semaphore(%arg13 : memref<!tpu.dma_semaphore, #tpu.memory_space<semaphore_mem>>) src(%arg9 : memref<128x16xf32, #tpu.memory_space<vmem>>) dst(%dma_wait3A_121 : memref<32768x16xf32, #tpu.memory_space<hbm>>)
    %dma_start3A_122 = arith.constant 5 : i32
    %dma_start3A_123 = arith.constant 0 : i32
    %dma_start3A_124 = tpu.memref_slice %arg6[%dma_start3A_122, %dma_start3A_123] : memref<8x128xi32, #tpu.memory_space<vmem>> -> memref<1x128xi32, #tpu.memory_space<vmem>>
    %dma_start3A_125 = tpu.memref_squeeze %dma_start3A_124 : memref<1x128xi32, #tpu.memory_space<vmem>> -> memref<128xi32, #tpu.memory_space<vmem>>
    %dma_start3A_126 = arith.constant 0 : i32
    %dma_start3A_127 = arith.constant 0 : i32
    %dma_start3A_128 = tpu.memref_slice %arg2[%dma_start3A_126, %dma_start3A_127] : memref<34816x16xf32, #tpu.memory_space<hbm>> -> memref<34816x16xf32, #tpu.memory_space<hbm>>
    tpu.enqueue_indirect_dma source(%dma_start3A_128 : memref<34816x16xf32, #tpu.memory_space<hbm>>) target(%arg9 : memref<128x16xf32, #tpu.memory_space<vmem>>) offsets(%dma_start3A_125 : memref<128xi32, #tpu.memory_space<vmem>>) semaphore(%arg11 : memref<!tpu.dma_semaphore, #tpu.memory_space<semaphore_mem>>)
    %dma_wait3A_129 = arith.constant 4 : i32
    %dma_wait3A_130 = arith.constant 0 : i32
    %dma_wait3A_131 = tpu.memref_slice %arg6[%dma_wait3A_129, %dma_wait3A_130] : memref<8x128xi32, #tpu.memory_space<vmem>> -> memref<1x128xi32, #tpu.memory_space<vmem>>
    %dma_wait3A_132 = tpu.memref_squeeze %dma_wait3A_131 : memref<1x128xi32, #tpu.memory_space<vmem>> -> memref<128xi32, #tpu.memory_space<vmem>>
    %dma_wait3A_133 = arith.constant 0 : i32
    %dma_wait3A_134 = arith.constant 0 : i32
    %dma_wait3A_135 = tpu.memref_slice %arg2[%dma_wait3A_133, %dma_wait3A_134] : memref<34816x16xf32, #tpu.memory_space<hbm>> -> memref<34816x16xf32, #tpu.memory_space<hbm>>
    tpu.wait_indirect_dma semaphore(%arg10 : memref<!tpu.dma_semaphore, #tpu.memory_space<semaphore_mem>>) src(%dma_wait3A_135 : memref<34816x16xf32, #tpu.memory_space<hbm>>) dst(%arg8 : memref<128x16xf32, #tpu.memory_space<vmem>>)
    %dma_start3A_136 = arith.constant 4 : i32
    %dma_start3A_137 = arith.constant 0 : i32
    %dma_start3A_138 = tpu.memref_slice %arg7[%dma_start3A_136, %dma_start3A_137] : memref<8x128xi32, #tpu.memory_space<vmem>> -> memref<1x128xi32, #tpu.memory_space<vmem>>
    %dma_start3A_139 = tpu.memref_squeeze %dma_start3A_138 : memref<1x128xi32, #tpu.memory_space<vmem>> -> memref<128xi32, #tpu.memory_space<vmem>>
    %dma_start3A_140 = arith.constant 0 : i32
    %dma_start3A_141 = arith.constant 0 : i32
    %dma_start3A_142 = tpu.memref_slice %arg5[%dma_start3A_140, %dma_start3A_141] : memref<32768x16xf32, #tpu.memory_space<hbm>> -> memref<32768x16xf32, #tpu.memory_space<hbm>>
    tpu.enqueue_indirect_dma source(%arg8 : memref<128x16xf32, #tpu.memory_space<vmem>>) target(%dma_start3A_142 : memref<32768x16xf32, #tpu.memory_space<hbm>>) offsets(%dma_start3A_139 : memref<128xi32, #tpu.memory_space<vmem>>) semaphore(%arg12 : memref<!tpu.dma_semaphore, #tpu.memory_space<semaphore_mem>>)
    %dma_wait3A_143 = arith.constant 4 : i32
    %dma_wait3A_144 = arith.constant 0 : i32
    %dma_wait3A_145 = tpu.memref_slice %arg7[%dma_wait3A_143, %dma_wait3A_144] : memref<8x128xi32, #tpu.memory_space<vmem>> -> memref<1x128xi32, #tpu.memory_space<vmem>>
    %dma_wait3A_146 = tpu.memref_squeeze %dma_wait3A_145 : memref<1x128xi32, #tpu.memory_space<vmem>> -> memref<128xi32, #tpu.memory_space<vmem>>
    %dma_wait3A_147 = arith.constant 0 : i32
    %dma_wait3A_148 = arith.constant 0 : i32
    %dma_wait3A_149 = tpu.memref_slice %arg5[%dma_wait3A_147, %dma_wait3A_148] : memref<32768x16xf32, #tpu.memory_space<hbm>> -> memref<32768x16xf32, #tpu.memory_space<hbm>>
    tpu.wait_indirect_dma semaphore(%arg12 : memref<!tpu.dma_semaphore, #tpu.memory_space<semaphore_mem>>) src(%arg8 : memref<128x16xf32, #tpu.memory_space<vmem>>) dst(%dma_wait3A_149 : memref<32768x16xf32, #tpu.memory_space<hbm>>)
    %dma_start3A_150 = arith.constant 6 : i32
    %dma_start3A_151 = arith.constant 0 : i32
    %dma_start3A_152 = tpu.memref_slice %arg6[%dma_start3A_150, %dma_start3A_151] : memref<8x128xi32, #tpu.memory_space<vmem>> -> memref<1x128xi32, #tpu.memory_space<vmem>>
    %dma_start3A_153 = tpu.memref_squeeze %dma_start3A_152 : memref<1x128xi32, #tpu.memory_space<vmem>> -> memref<128xi32, #tpu.memory_space<vmem>>
    %dma_start3A_154 = arith.constant 0 : i32
    %dma_start3A_155 = arith.constant 0 : i32
    %dma_start3A_156 = tpu.memref_slice %arg2[%dma_start3A_154, %dma_start3A_155] : memref<34816x16xf32, #tpu.memory_space<hbm>> -> memref<34816x16xf32, #tpu.memory_space<hbm>>
    tpu.enqueue_indirect_dma source(%dma_start3A_156 : memref<34816x16xf32, #tpu.memory_space<hbm>>) target(%arg8 : memref<128x16xf32, #tpu.memory_space<vmem>>) offsets(%dma_start3A_153 : memref<128xi32, #tpu.memory_space<vmem>>) semaphore(%arg10 : memref<!tpu.dma_semaphore, #tpu.memory_space<semaphore_mem>>)
    %dma_wait3A_157 = arith.constant 5 : i32
    %dma_wait3A_158 = arith.constant 0 : i32
    %dma_wait3A_159 = tpu.memref_slice %arg6[%dma_wait3A_157, %dma_wait3A_158] : memref<8x128xi32, #tpu.memory_space<vmem>> -> memref<1x128xi32, #tpu.memory_space<vmem>>
    %dma_wait3A_160 = tpu.memref_squeeze %dma_wait3A_159 : memref<1x128xi32, #tpu.memory_space<vmem>> -> memref<128xi32, #tpu.memory_space<vmem>>
    %dma_wait3A_161 = arith.constant 0 : i32
    %dma_wait3A_162 = arith.constant 0 : i32
    %dma_wait3A_163 = tpu.memref_slice %arg2[%dma_wait3A_161, %dma_wait3A_162] : memref<34816x16xf32, #tpu.memory_space<hbm>> -> memref<34816x16xf32, #tpu.memory_space<hbm>>
    tpu.wait_indirect_dma semaphore(%arg11 : memref<!tpu.dma_semaphore, #tpu.memory_space<semaphore_mem>>) src(%dma_wait3A_163 : memref<34816x16xf32, #tpu.memory_space<hbm>>) dst(%arg9 : memref<128x16xf32, #tpu.memory_space<vmem>>)
    %dma_start3A_164 = arith.constant 5 : i32
    %dma_start3A_165 = arith.constant 0 : i32
    %dma_start3A_166 = tpu.memref_slice %arg7[%dma_start3A_164, %dma_start3A_165] : memref<8x128xi32, #tpu.memory_space<vmem>> -> memref<1x128xi32, #tpu.memory_space<vmem>>
    %dma_start3A_167 = tpu.memref_squeeze %dma_start3A_166 : memref<1x128xi32, #tpu.memory_space<vmem>> -> memref<128xi32, #tpu.memory_space<vmem>>
    %dma_start3A_168 = arith.constant 0 : i32
    %dma_start3A_169 = arith.constant 0 : i32
    %dma_start3A_170 = tpu.memref_slice %arg5[%dma_start3A_168, %dma_start3A_169] : memref<32768x16xf32, #tpu.memory_space<hbm>> -> memref<32768x16xf32, #tpu.memory_space<hbm>>
    tpu.enqueue_indirect_dma source(%arg9 : memref<128x16xf32, #tpu.memory_space<vmem>>) target(%dma_start3A_170 : memref<32768x16xf32, #tpu.memory_space<hbm>>) offsets(%dma_start3A_167 : memref<128xi32, #tpu.memory_space<vmem>>) semaphore(%arg13 : memref<!tpu.dma_semaphore, #tpu.memory_space<semaphore_mem>>)
    %dma_wait3A_171 = arith.constant 5 : i32
    %dma_wait3A_172 = arith.constant 0 : i32
    %dma_wait3A_173 = tpu.memref_slice %arg7[%dma_wait3A_171, %dma_wait3A_172] : memref<8x128xi32, #tpu.memory_space<vmem>> -> memref<1x128xi32, #tpu.memory_space<vmem>>
    %dma_wait3A_174 = tpu.memref_squeeze %dma_wait3A_173 : memref<1x128xi32, #tpu.memory_space<vmem>> -> memref<128xi32, #tpu.memory_space<vmem>>
    %dma_wait3A_175 = arith.constant 0 : i32
    %dma_wait3A_176 = arith.constant 0 : i32
    %dma_wait3A_177 = tpu.memref_slice %arg5[%dma_wait3A_175, %dma_wait3A_176] : memref<32768x16xf32, #tpu.memory_space<hbm>> -> memref<32768x16xf32, #tpu.memory_space<hbm>>
    tpu.wait_indirect_dma semaphore(%arg13 : memref<!tpu.dma_semaphore, #tpu.memory_space<semaphore_mem>>) src(%arg9 : memref<128x16xf32, #tpu.memory_space<vmem>>) dst(%dma_wait3A_177 : memref<32768x16xf32, #tpu.memory_space<hbm>>)
    %dma_start3A_178 = arith.constant 7 : i32
    %dma_start3A_179 = arith.constant 0 : i32
    %dma_start3A_180 = tpu.memref_slice %arg6[%dma_start3A_178, %dma_start3A_179] : memref<8x128xi32, #tpu.memory_space<vmem>> -> memref<1x128xi32, #tpu.memory_space<vmem>>
    %dma_start3A_181 = tpu.memref_squeeze %dma_start3A_180 : memref<1x128xi32, #tpu.memory_space<vmem>> -> memref<128xi32, #tpu.memory_space<vmem>>
    %dma_start3A_182 = arith.constant 0 : i32
    %dma_start3A_183 = arith.constant 0 : i32
    %dma_start3A_184 = tpu.memref_slice %arg2[%dma_start3A_182, %dma_start3A_183] : memref<34816x16xf32, #tpu.memory_space<hbm>> -> memref<34816x16xf32, #tpu.memory_space<hbm>>
    tpu.enqueue_indirect_dma source(%dma_start3A_184 : memref<34816x16xf32, #tpu.memory_space<hbm>>) target(%arg9 : memref<128x16xf32, #tpu.memory_space<vmem>>) offsets(%dma_start3A_181 : memref<128xi32, #tpu.memory_space<vmem>>) semaphore(%arg11 : memref<!tpu.dma_semaphore, #tpu.memory_space<semaphore_mem>>)
    %dma_wait3A_185 = arith.constant 6 : i32
    %dma_wait3A_186 = arith.constant 0 : i32
    %dma_wait3A_187 = tpu.memref_slice %arg6[%dma_wait3A_185, %dma_wait3A_186] : memref<8x128xi32, #tpu.memory_space<vmem>> -> memref<1x128xi32, #tpu.memory_space<vmem>>
    %dma_wait3A_188 = tpu.memref_squeeze %dma_wait3A_187 : memref<1x128xi32, #tpu.memory_space<vmem>> -> memref<128xi32, #tpu.memory_space<vmem>>
    %dma_wait3A_189 = arith.constant 0 : i32
    %dma_wait3A_190 = arith.constant 0 : i32
    %dma_wait3A_191 = tpu.memref_slice %arg2[%dma_wait3A_189, %dma_wait3A_190] : memref<34816x16xf32, #tpu.memory_space<hbm>> -> memref<34816x16xf32, #tpu.memory_space<hbm>>
    tpu.wait_indirect_dma semaphore(%arg10 : memref<!tpu.dma_semaphore, #tpu.memory_space<semaphore_mem>>) src(%dma_wait3A_191 : memref<34816x16xf32, #tpu.memory_space<hbm>>) dst(%arg8 : memref<128x16xf32, #tpu.memory_space<vmem>>)
    %dma_start3A_192 = arith.constant 6 : i32
    %dma_start3A_193 = arith.constant 0 : i32
    %dma_start3A_194 = tpu.memref_slice %arg7[%dma_start3A_192, %dma_start3A_193] : memref<8x128xi32, #tpu.memory_space<vmem>> -> memref<1x128xi32, #tpu.memory_space<vmem>>
    %dma_start3A_195 = tpu.memref_squeeze %dma_start3A_194 : memref<1x128xi32, #tpu.memory_space<vmem>> -> memref<128xi32, #tpu.memory_space<vmem>>
    %dma_start3A_196 = arith.constant 0 : i32
    %dma_start3A_197 = arith.constant 0 : i32
    %dma_start3A_198 = tpu.memref_slice %arg5[%dma_start3A_196, %dma_start3A_197] : memref<32768x16xf32, #tpu.memory_space<hbm>> -> memref<32768x16xf32, #tpu.memory_space<hbm>>
    tpu.enqueue_indirect_dma source(%arg8 : memref<128x16xf32, #tpu.memory_space<vmem>>) target(%dma_start3A_198 : memref<32768x16xf32, #tpu.memory_space<hbm>>) offsets(%dma_start3A_195 : memref<128xi32, #tpu.memory_space<vmem>>) semaphore(%arg12 : memref<!tpu.dma_semaphore, #tpu.memory_space<semaphore_mem>>)
    %dma_wait3A_199 = arith.constant 7 : i32
    %dma_wait3A_200 = arith.constant 0 : i32
    %dma_wait3A_201 = tpu.memref_slice %arg6[%dma_wait3A_199, %dma_wait3A_200] : memref<8x128xi32, #tpu.memory_space<vmem>> -> memref<1x128xi32, #tpu.memory_space<vmem>>
    %dma_wait3A_202 = tpu.memref_squeeze %dma_wait3A_201 : memref<1x128xi32, #tpu.memory_space<vmem>> -> memref<128xi32, #tpu.memory_space<vmem>>
    %dma_wait3A_203 = arith.constant 0 : i32
    %dma_wait3A_204 = arith.constant 0 : i32
    %dma_wait3A_205 = tpu.memref_slice %arg2[%dma_wait3A_203, %dma_wait3A_204] : memref<34816x16xf32, #tpu.memory_space<hbm>> -> memref<34816x16xf32, #tpu.memory_space<hbm>>
    tpu.wait_indirect_dma semaphore(%arg11 : memref<!tpu.dma_semaphore, #tpu.memory_space<semaphore_mem>>) src(%dma_wait3A_205 : memref<34816x16xf32, #tpu.memory_space<hbm>>) dst(%arg9 : memref<128x16xf32, #tpu.memory_space<vmem>>)
    %dma_start3A_206 = arith.constant 7 : i32
    %dma_start3A_207 = arith.constant 0 : i32
    %dma_start3A_208 = tpu.memref_slice %arg7[%dma_start3A_206, %dma_start3A_207] : memref<8x128xi32, #tpu.memory_space<vmem>> -> memref<1x128xi32, #tpu.memory_space<vmem>>
    %dma_start3A_209 = tpu.memref_squeeze %dma_start3A_208 : memref<1x128xi32, #tpu.memory_space<vmem>> -> memref<128xi32, #tpu.memory_space<vmem>>
    %dma_start3A_210 = arith.constant 0 : i32
    %dma_start3A_211 = arith.constant 0 : i32
    %dma_start3A_212 = tpu.memref_slice %arg5[%dma_start3A_210, %dma_start3A_211] : memref<32768x16xf32, #tpu.memory_space<hbm>> -> memref<32768x16xf32, #tpu.memory_space<hbm>>
    tpu.enqueue_indirect_dma source(%arg9 : memref<128x16xf32, #tpu.memory_space<vmem>>) target(%dma_start3A_212 : memref<32768x16xf32, #tpu.memory_space<hbm>>) offsets(%dma_start3A_209 : memref<128xi32, #tpu.memory_space<vmem>>) semaphore(%arg13 : memref<!tpu.dma_semaphore, #tpu.memory_space<semaphore_mem>>)
    %dma_wait3A_213 = arith.constant 6 : i32
    %dma_wait3A_214 = arith.constant 0 : i32
    %dma_wait3A_215 = tpu.memref_slice %arg7[%dma_wait3A_213, %dma_wait3A_214] : memref<8x128xi32, #tpu.memory_space<vmem>> -> memref<1x128xi32, #tpu.memory_space<vmem>>
    %dma_wait3A_216 = tpu.memref_squeeze %dma_wait3A_215 : memref<1x128xi32, #tpu.memory_space<vmem>> -> memref<128xi32, #tpu.memory_space<vmem>>
    %dma_wait3A_217 = arith.constant 0 : i32
    %dma_wait3A_218 = arith.constant 0 : i32
    %dma_wait3A_219 = tpu.memref_slice %arg5[%dma_wait3A_217, %dma_wait3A_218] : memref<32768x16xf32, #tpu.memory_space<hbm>> -> memref<32768x16xf32, #tpu.memory_space<hbm>>
    tpu.wait_indirect_dma semaphore(%arg12 : memref<!tpu.dma_semaphore, #tpu.memory_space<semaphore_mem>>) src(%arg8 : memref<128x16xf32, #tpu.memory_space<vmem>>) dst(%dma_wait3A_219 : memref<32768x16xf32, #tpu.memory_space<hbm>>)
    %dma_wait3A_220 = arith.constant 7 : i32
    %dma_wait3A_221 = arith.constant 0 : i32
    %dma_wait3A_222 = tpu.memref_slice %arg7[%dma_wait3A_220, %dma_wait3A_221] : memref<8x128xi32, #tpu.memory_space<vmem>> -> memref<1x128xi32, #tpu.memory_space<vmem>>
    %dma_wait3A_223 = tpu.memref_squeeze %dma_wait3A_222 : memref<1x128xi32, #tpu.memory_space<vmem>> -> memref<128xi32, #tpu.memory_space<vmem>>
    %dma_wait3A_224 = arith.constant 0 : i32
    %dma_wait3A_225 = arith.constant 0 : i32
    %dma_wait3A_226 = tpu.memref_slice %arg5[%dma_wait3A_224, %dma_wait3A_225] : memref<32768x16xf32, #tpu.memory_space<hbm>> -> memref<32768x16xf32, #tpu.memory_space<hbm>>
    tpu.wait_indirect_dma semaphore(%arg13 : memref<!tpu.dma_semaphore, #tpu.memory_space<semaphore_mem>>) src(%arg9 : memref<128x16xf32, #tpu.memory_space<vmem>>) dst(%dma_wait3A_226 : memref<32768x16xf32, #tpu.memory_space<hbm>>)
    return
  }
}

module attributes {stable_mosaic.version = 14 : i64} {
  func.func @_tc_tile_kernel(%arg0: i32, %arg1: memref<136xi32, #tpu.memory_space<smem>>, %arg2: memref<256x768xf32, #tpu.memory_space<vmem>>, %arg3: memref<1x768x768xbf16, #tpu.memory_space<vmem>>, %arg4: memref<1x1x768xf32, #tpu.memory_space<vmem>>, %arg5: memref<1x768x8xbf16, #tpu.memory_space<vmem>>, %arg6: memref<1x1x8xf32, #tpu.memory_space<vmem>>, %arg7: memref<2x8x8xf32, #tpu.memory_space<vmem>>, %arg8: memref<256x16xf32, #tpu.memory_space<vmem>>) attributes {dimension_semantics = [#tpu.dimension_semantics<arbitrary>], iteration_bounds = array<i64: 136>, scalar_prefetch = 1 : i64, scratch_operands = 0 : i64, tpu.core_type = #tpu.core_type<tc>, window_params = [{transform_indices = @transform_0, window_bounds = array<i64: 256, 768>}, {transform_indices = @transform_1, window_bounds = array<i64: 1, 768, 768>}, {transform_indices = @transform_2, window_bounds = array<i64: 1, 1, 768>}, {transform_indices = @transform_3, window_bounds = array<i64: 1, 768, 8>}, {transform_indices = @transform_4, window_bounds = array<i64: 1, 1, 8>}, {pipeline_mode = #tpu.pipeline_mode<synchronous>, transform_indices = @transform_5, window_bounds = array<i64: 2, 8, 8>}, {transform_indices = @transform_6, window_bounds = array<i64: 256, 16>}]} {
    %get3A = arith.constant 0 : index
    %get3A_0 = arith.constant 0 : index
    %get3A_1 = vector.load %arg2[%get3A, %get3A_0] : memref<256x768xf32, #tpu.memory_space<vmem>>, vector<256x768xf32>
    %convert_element_type3A = arith.truncf %get3A_1 : vector<256x768xf32> to vector<256x768xbf16>
    %get3A_2 = arith.constant 0 : index
    %get3A_3 = arith.constant 0 : index
    %get3A_4 = arith.constant 0 : index
    %get3A_5 = vector.load %arg3[%get3A_2, %get3A_3, %get3A_4] : memref<1x768x768xbf16, #tpu.memory_space<vmem>>, vector<1x768x768xbf16>
    %get3A_6 = vector.shape_cast %get3A_5 : vector<1x768x768xbf16> to vector<768x768xbf16>
    %dot_general3A = arith.constant dense<0.000000e+00> : vector<256x768xf32>
    %dot_general3A_7 = tpu.matmul %convert_element_type3A, %get3A_6, %dot_general3A {dimension_numbers = #tpu.dot_dimension_numbers<[1], [0], [0], [1], [0, 0, 1, 1], [], []>, transpose_lhs_hint = false} : vector<256x768xbf16>, vector<768x768xbf16>, vector<256x768xf32> -> vector<256x768xf32>
    %get3A_8 = arith.constant 0 : index
    %get3A_9 = arith.constant 0 : index
    %get3A_10 = arith.constant 0 : index
    %get3A_11 = vector.load %arg4[%get3A_8, %get3A_9, %get3A_10] : memref<1x1x768xf32, #tpu.memory_space<vmem>>, vector<1x1x768xf32>
    %get3A_12 = vector.shape_cast %get3A_11 : vector<1x1x768xf32> to vector<1x768xf32>
    %add3A = vector.broadcast %get3A_12 : vector<1x768xf32> to vector<256x768xf32>
    %add3A_13 = arith.addf %dot_general3A_7, %add3A : vector<256x768xf32>
    %max3A = arith.constant 0.000000e+00 : f32
    %max3A_14 = vector.broadcast %max3A : f32 to vector<256x768xf32>
    %max3A_15 = arith.maximumf %add3A_13, %max3A_14 : vector<256x768xf32>
    %convert_element_type3A_16 = arith.truncf %max3A_15 : vector<256x768xf32> to vector<256x768xbf16>
    %get3A_17 = arith.constant 0 : index
    %get3A_18 = arith.constant 0 : index
    %get3A_19 = arith.constant 0 : index
    %get3A_20 = vector.load %arg5[%get3A_17, %get3A_18, %get3A_19] : memref<1x768x8xbf16, #tpu.memory_space<vmem>>, vector<1x768x8xbf16>
    %get3A_21 = vector.shape_cast %get3A_20 : vector<1x768x8xbf16> to vector<768x8xbf16>
    %dot_general3A_22 = arith.constant dense<0.000000e+00> : vector<256x8xf32>
    %dot_general3A_23 = tpu.matmul %convert_element_type3A_16, %get3A_21, %dot_general3A_22 {dimension_numbers = #tpu.dot_dimension_numbers<[1], [0], [0], [1], [0, 0, 1, 1], [], []>, transpose_lhs_hint = false} : vector<256x768xbf16>, vector<768x8xbf16>, vector<256x8xf32> -> vector<256x8xf32>
    %get3A_24 = arith.constant 0 : index
    %get3A_25 = arith.constant 0 : index
    %get3A_26 = arith.constant 0 : index
    %get3A_27 = vector.load %arg6[%get3A_24, %get3A_25, %get3A_26] : memref<1x1x8xf32, #tpu.memory_space<vmem>>, vector<1x1x8xf32>
    %get3A_28 = vector.shape_cast %get3A_27 : vector<1x1x8xf32> to vector<1x8xf32>
    %add3A_29 = vector.broadcast %get3A_28 : vector<1x8xf32> to vector<256x8xf32>
    %add3A_30 = arith.addf %dot_general3A_23, %add3A_29 : vector<256x8xf32>
    %logistic3A = arith.negf %add3A_30 : vector<256x8xf32>
    %logistic3A_31 = math.exp %logistic3A : vector<256x8xf32>
    %logistic3A_32 = arith.constant 1.000000e+00 : f32
    %logistic3A_33 = vector.broadcast %logistic3A_32 : f32 to vector<256x8xf32>
    %logistic3A_34 = arith.addf %logistic3A_33, %logistic3A_31 : vector<256x8xf32>
    %logistic3A_35 = arith.divf %logistic3A_33, %logistic3A_34 : vector<256x8xf32>
    %iota3A = tpu.iota {dimensions = array<i32: 1>} : vector<256x8xi32>
    %eq3A = arith.constant 7 : i32
    %eq3A_36 = vector.broadcast %eq3A : i32 to vector<256x8xi32>
    %eq3A_37 = arith.cmpi eq, %iota3A, %eq3A_36 : vector<256x8xi32>
    %jit3A = arith.constant 1.000000e+00 : f32
    %broadcast_in_dim3A = vector.broadcast %jit3A : f32 to vector<256x8xf32>
    %select_n3A = arith.select %eq3A_37, %broadcast_in_dim3A, %logistic3A_35 : vector<256x8xi1>, vector<256x8xf32>
    %get3A_38 = arith.constant 0 : index
    %get3A_39 = arith.constant 0 : index
    %get3A_40 = arith.constant 0 : index
    %get3A_41 = vector.load %arg7[%get3A_38, %get3A_39, %get3A_40] : memref<2x8x8xf32, #tpu.memory_space<vmem>>, vector<1x8x8xf32>
    %get3A_42 = vector.shape_cast %get3A_41 : vector<1x8x8xf32> to vector<8x8xf32>
    %dot_general3A_43 = arith.constant dense<0.000000e+00> : vector<256x8xf32>
    %dot_general3A_44 = tpu.matmul %select_n3A, %get3A_42, %dot_general3A_43 {dimension_numbers = #tpu.dot_dimension_numbers<[1], [0], [0], [1], [0, 0, 1, 1], [], []>, transpose_lhs_hint = false} : vector<256x8xf32>, vector<8x8xf32>, vector<256x8xf32> -> vector<256x8xf32>
    %max3A_45 = arith.constant 9.99999993E-9 : f32
    %max3A_46 = vector.broadcast %max3A_45 : f32 to vector<256x8xf32>
    %max3A_47 = arith.maximumf %dot_general3A_44, %max3A_46 : vector<256x8xf32>
    %get3A_48 = arith.constant 1 : index
    %get3A_49 = arith.constant 0 : index
    %get3A_50 = arith.constant 0 : index
    %get3A_51 = vector.load %arg7[%get3A_48, %get3A_49, %get3A_50] : memref<2x8x8xf32, #tpu.memory_space<vmem>>, vector<1x8x8xf32>
    %get3A_52 = vector.shape_cast %get3A_51 : vector<1x8x8xf32> to vector<8x8xf32>
    %dot_general3A_53 = arith.constant dense<0.000000e+00> : vector<256x8xf32>
    %dot_general3A_54 = tpu.matmul %max3A_47, %get3A_52, %dot_general3A_53 {dimension_numbers = #tpu.dot_dimension_numbers<[1], [0], [0], [1], [0, 0, 1, 1], [], []>, transpose_lhs_hint = false} : vector<256x8xf32>, vector<8x8xf32>, vector<256x8xf32> -> vector<256x8xf32>
    %max3A_55 = arith.constant 9.99999993E-9 : f32
    %max3A_56 = vector.broadcast %max3A_55 : f32 to vector<256x8xf32>
    %max3A_57 = arith.maximumf %dot_general3A_54, %max3A_56 : vector<256x8xf32>
    %div3A = arith.divf %max3A_47, %max3A_57 : vector<256x8xf32>
    %swap3A = arith.constant 0 : index
    %swap3A_58 = arith.constant 0 : index
    %swap3A_59 = vector.load %arg8[%swap3A, %swap3A_58] : memref<256x16xf32, #tpu.memory_space<vmem>>, vector<256x8xf32>
    tpu.vector_store %arg8[%swap3A, %swap3A_58], %add3A_30 {strides = array<i32>} : memref<256x16xf32, #tpu.memory_space<vmem>>, vector<256x8xf32>,
    %swap3A_60 = arith.constant 0 : index
    %swap3A_61 = arith.constant 8 : index
    %swap3A_62 = vector.load %arg8[%swap3A_60, %swap3A_61] : memref<256x16xf32, #tpu.memory_space<vmem>>, vector<256x8xf32>
    tpu.vector_store %arg8[%swap3A_60, %swap3A_61], %div3A {strides = array<i32>} : memref<256x16xf32, #tpu.memory_space<vmem>>, vector<256x8xf32>,
    return
  }
  func.func @transform_0(%arg0: i32, %arg1: memref<136xi32, #tpu.memory_space<smem>>) -> (i32, i32) {
    %c0_i32 = arith.constant 0 : i32
    %c0_i32_0 = arith.constant 0 : i32
    return %arg0, %c0_i32 : i32, i32
  }
  func.func @transform_1(%arg0: i32, %arg1: memref<136xi32, #tpu.memory_space<smem>>) -> (i32, i32, i32) {
    %get3A = arith.index_cast %arg0 : i32 to index
    %get3A_0 = memref.load %arg1[%get3A] : memref<136xi32, #tpu.memory_space<smem>>
    %c0_i32 = arith.constant 0 : i32
    %c0_i32_1 = arith.constant 0 : i32
    %c0_i32_2 = arith.constant 0 : i32
    return %get3A_0, %c0_i32, %c0_i32_1 : i32, i32, i32
  }
  func.func @transform_2(%arg0: i32, %arg1: memref<136xi32, #tpu.memory_space<smem>>) -> (i32, i32, i32) {
    %get3A = arith.index_cast %arg0 : i32 to index
    %get3A_0 = memref.load %arg1[%get3A] : memref<136xi32, #tpu.memory_space<smem>>
    %c0_i32 = arith.constant 0 : i32
    %c0_i32_1 = arith.constant 0 : i32
    %c0_i32_2 = arith.constant 0 : i32
    return %get3A_0, %c0_i32, %c0_i32_1 : i32, i32, i32
  }
  func.func @transform_3(%arg0: i32, %arg1: memref<136xi32, #tpu.memory_space<smem>>) -> (i32, i32, i32) {
    %get3A = arith.index_cast %arg0 : i32 to index
    %get3A_0 = memref.load %arg1[%get3A] : memref<136xi32, #tpu.memory_space<smem>>
    %c0_i32 = arith.constant 0 : i32
    %c0_i32_1 = arith.constant 0 : i32
    %c0_i32_2 = arith.constant 0 : i32
    return %get3A_0, %c0_i32, %c0_i32_1 : i32, i32, i32
  }
  func.func @transform_4(%arg0: i32, %arg1: memref<136xi32, #tpu.memory_space<smem>>) -> (i32, i32, i32) {
    %get3A = arith.index_cast %arg0 : i32 to index
    %get3A_0 = memref.load %arg1[%get3A] : memref<136xi32, #tpu.memory_space<smem>>
    %c0_i32 = arith.constant 0 : i32
    %c0_i32_1 = arith.constant 0 : i32
    %c0_i32_2 = arith.constant 0 : i32
    return %get3A_0, %c0_i32, %c0_i32_1 : i32, i32, i32
  }
  func.func @transform_5(%arg0: i32, %arg1: memref<136xi32, #tpu.memory_space<smem>>) -> (i32, i32, i32) {
    %c0_i32 = arith.constant 0 : i32
    %c0_i32_0 = arith.constant 0 : i32
    %c0_i32_1 = arith.constant 0 : i32
    %c0_i32_2 = arith.constant 0 : i32
    return %c0_i32, %c0_i32_0, %c0_i32_1 : i32, i32, i32
  }
  func.func @transform_6(%arg0: i32, %arg1: memref<136xi32, #tpu.memory_space<smem>>) -> (i32, i32) {
    %c0_i32 = arith.constant 0 : i32
    %c0_i32_0 = arith.constant 0 : i32
    return %arg0, %c0_i32 : i32, i32
  }
}

</mosaic_0001>

<sc_bundles>
// kernel: gather_offload_async_start
scs
__scs_entry_jumppad:
0x0: {  	(pc) =	sbr.rel $0x88, $3  }
0x1: {  	(tag) =	ssettag $0x0;
	lr =	simm.s32 $0x1  }
0x2: {  	[smem:$0x3F9B] =	sst lr;
	_ =	strace $0xD0000000  }
0x3: {  	_ = 	snop  }
0x4: {  	_ = 	snop  }
0x5: {  	_ = 	snop  }
0x6: {  	_ = 	snop  }
0x7: {  	_ = 	snop  }
__scs_overlays_trampoline_lowered:
0x8: {  	[smem:$0x3FAA] =	sst s0  }
0x9: {  	[smem:$0x3FAB] =	sst s1  }
0xa: {  	[smem:$0x3FAC] =	sst s2  }
0xb: {  	[smem:$0x3FAD] =	sst s3  }
0xc: {  	[smem:$0x3FAE] =	sst s4  }
0xd: {  	[smem:$0x3FAF] =	sst s5  }
0xe: {  	[smem:$0x3FB0] =	sst s6  }
0xf: {  	[smem:$0x3FB1] =	sst s7  }
0x10: {  	[smem:$0x3FB2] =	sst s8  }
0x11: {  	[smem:$0x3FB3] =	sst s9;
	s0 =	simm.s32 @!p0 $0x0  }
0x12: {  	s1 =	sld [smem:$0x3F99];
	s0 =	simm.s32 @p0 $0x1  }
0x13: {  	[smem:$0x3FB4] =	sst s0;
	s0 =	simm.s32 @!p1 $0x0  }
0x14: {  	s2 =	sld [smem:$0x3F98];
	s0 =	simm.s32 @p1 $0x1  }
0x15: {  	[smem:$0x3FB5] =	sst s0;
	s0 =	simm.s32 @!p2 $0x0  }
0x16: {  	s3 =	sld [smem:$0x3FDB];
	s0 =	simm.s32 @p2 $0x1  }
0x17: {  	s4 =	simm.s32 $0x1BF5;
	[smem:$0x3FB7] =	sst s0  }
0x18: {  	s0 =	sld [smem:$0x3F9A];
	_ =	swait.ge [sflag:s4], $0x0  }
0x19: {  	s7 =	sld [smem:$0x3F9B]  }
0x1a: {  	s8 =	sadd.s32 $0xFFFFE003, lr  }
0x1b: {  	s9 =	sadd.s32 $0xFFFFFEF7, lr;
	s5 =	simm.s32 $0xFFFFFFFF;
	p2 =	slt.u32 s8, $0xFFFFF086  }
0x1c: {  	p1 =	slt.u32 s9, $0xF7A;
	s5 =	simm.s32 @!p2 $0x0  }
0x1d: {  	s5 =	simm.s32 @p1 $0x1;
	p0 =	seq.s32 s7, s2  }
0x1e: {  	s7 =	smul.u32 @!p0 $0xF7A, s2;
	p2 =	seq.s32 @!p0 s5, $0x0  }
0x1f: {  	s9 =	smul.u32 $0xF7A, s1;
	s8 =	simm.s32 @!p0 $0x1BF5;
	p2 =	por !p2, p0  }
0x20: {  	[sflag:s8] =	ssyncset.s32 @!p0 $0xFFFFF086;
	s6 =	sadd.s32 @!p0 s3, s7;
	s7 =	simm.s32 @!p0 $0x108  }
0x21: {  	s3 =	sadd.s32 s3, s9;
	s6 =	sadd.s32 @!p0 $0x88, s6;
	s7 =	simm.s32 @p2 $0x1082  }
0x22: {  	[simem:s7], [sflag:s8] =	dma.local @!p0 [hbm:s6], $0xF7A  }
0x23: {  	s9 =	sor.u32 $0xD0000000, s2;
	s6 =	simm.s32 $0x108;
	_ =	swait.ge @!p0 [sflag:s8], $0x0  }
0x24: {  	s3 =	sadd.s32 $0x88, s3;
	s6 =	simm.s32 @!p1 $0x1082;
	[sflag:s4] =	ssyncset.s32 $0xFFFFF086  }
0x25: {  	[simem:s6], [sflag:s4] =	dma.local [hbm:s3], $0xF7A  }
0x26: {  	[smem:$0x3F9B] =	sst s1;
	(tag) =	ssettag s2;
	_ =	strace s9  }
0x27: {  	s1 =	sld [smem:$0x3FAB]  }
0x28: {  	s2 =	sld [smem:$0x3FAC]  }
0x29: {  	s4 =	sld [smem:$0x3FAE]  }
0x2a: {  	p0 =	seq.s32 s5, $0x0;
	s5 =	sld [smem:$0x3FAF]  }
0x2b: {  	s6 =	sld [smem:$0x3FB0]  }
0x2c: {  	s7 =	sld [smem:$0x3FB1]  }
0x2d: {  	s3 =	simm.s32 $0x108;
	s8 =	sld [smem:$0x3FB2]  }
0x2e: {  	s3 =	simm.s32 @!p0 $0x1082;
	s9 =	sld [smem:$0x3FB3]  }
0x2f: {  	lr =	sadd.s32 s0, s3;
	s0 =	sld [smem:$0x3FAA]  }
0x30: {  	s3 =	sld [smem:$0x3FAD]  }
0x31: {  	[smem:$0x3FB6] =	sst s10  }
0x32: {  	s10 =	sld [smem:$0x3FB4];
	_ =	sdelay $0x3  }
0x33: {  	p0 =	seq.s32 s10, $0x1;
	s10 =	sld [smem:$0x3FB6];
	_ =	sdelay $0x3  }
0x34: {  	[smem:$0x3FB6] =	sst s10  }
0x35: {  	s10 =	sld [smem:$0x3FB5];
	_ =	sdelay $0x3  }
0x36: {  	p1 =	seq.s32 s10, $0x1;
	s10 =	sld [smem:$0x3FB6];
	_ =	sdelay $0x3  }
0x37: {  	[smem:$0x3FB6] =	sst s10  }
0x38: {  	s10 =	sld [smem:$0x3FB7]  }
0x39: {  	_ = 	snop;
	(pc) =	sbr.ind lr, $3  }
0x3a: {  	_ = 	snop  }
0x3b: {  	_ = 	snop  }
0x3c: {  	p2 =	seq.s32 s10, $0x1;
	s10 =	sld [smem:$0x3FB6]  }
0x3d: {  	_ =	shalt  }
0x3e: {  	_ =	shalt  }
0x3f: {  	_ =	shalt  }
0x40: {  	_ =	shalt  }
0x41: {  	_ =	shalt  }
0x42: {  	_ =	shalt  }
0x43: {  	_ =	shalt  }
0x44: {  	_ =	shalt  }
0x45: {  	_ =	shalt  }
0x46: {  	_ =	shalt  }
0x47: {  	_ =	shalt  }
0x48: {  	_ =	shalt  }
0x49: {  	_ =	shalt  }
0x4a: {  	_ =	shalt  }
0x4b: {  	_ =	shalt  }
0x4c: {  	_ =	shalt  }
0x4d: {  	_ =	shalt  }
0x4e: {  	_ =	shalt  }
0x4f: {  	_ =	shalt  }
0x50: {  	_ =	shalt  }
0x51: {  	_ =	shalt  }
0x52: {  	_ =	shalt  }
0x53: {  	_ =	shalt  }
0x54: {  	_ =	shalt  }
0x55: {  	_ =	shalt  }
0x56: {  	_ =	shalt  }
0x57: {  	_ =	shalt  }
0x58: {  	_ =	shalt  }
0x59: {  	_ =	shalt  }
0x5a: {  	_ =	shalt  }
0x5b: {  	_ =	shalt  }
0x5c: {  	_ =	shalt  }
0x5d: {  	_ =	shalt  }
0x5e: {  	_ =	shalt  }
0x5f: {  	_ =	shalt  }
0x60: {  	_ =	shalt  }
0x61: {  	_ =	shalt  }
0x62: {  	_ =	shalt  }
0x63: {  	_ =	shalt  }
0x64: {  	_ =	shalt  }
0x65: {  	_ =	shalt  }
0x66: {  	_ =	shalt  }
0x67: {  	_ =	shalt  }
0x68: {  	_ =	shalt  }
0x69: {  	_ =	shalt  }
0x6a: {  	_ =	shalt  }
0x6b: {  	_ =	shalt  }
0x6c: {  	_ =	shalt  }
0x6d: {  	_ =	shalt  }
0x6e: {  	_ =	shalt  }
0x6f: {  	_ =	shalt  }
0x70: {  	_ =	shalt  }
0x71: {  	_ =	shalt  }
0x72: {  	_ =	shalt  }
0x73: {  	_ =	shalt  }
0x74: {  	_ =	shalt  }
0x75: {  	_ =	shalt  }
0x76: {  	_ =	shalt  }
0x77: {  	_ =	shalt  }
0x78: {  	_ =	shalt  }
0x79: {  	_ =	shalt  }
0x7a: {  	_ =	shalt  }
0x7b: {  	_ =	shalt  }
0x7c: {  	_ =	shalt  }
0x7d: {  	_ =	shalt  }
0x7e: {  	_ =	shalt  }
0x7f: {  	_ =	shalt  }
0x80: {  	_ =	shalt  }
0x81: {  	_ =	shalt  }
0x82: {  	_ =	shalt  }
0x83: {  	_ =	shalt  }
0x84: {  	_ =	shalt  }
0x85: {  	_ =	shalt  }
0x86: {  	_ =	shalt  }
0x87: {  	_ =	shalt  }
.Lfunc_end0:
.L_simem_size_0:
called_computation_lowered:
.L_overlay_start_0:
0x88: {  	s2 =	sld [smem:$0x3FD9]  }
0x89: {  	s3 =	sld [smem:$0x3FFE];
	_ =	sdelay $0x1  }
0x8a: {  	s1 =	srdreg.scid  }
0x8b: {  	s0 =	sand.u32 $0x1, s1  }
0x8c: {  	s14 =	sshll.u32 s0, $0xA;
	s2 =	sadd.s32 s3, s2  }
0x8d: {  	s2 =	sadd.s32 s2, s14  }
0x8e: {  	[smem:$0x3FC2] =	sst s2  }
0x8f: {  	_ = 	snop  }
0x90: {  	s2 =	sld [smem:$0x3FD0];
	_ =	sdelay $0x2  }
0x91: {  	s15 =	simm.s32 $0xA;
	s4 =	simm.s32 $0x10  }
0x92: {  	[smem:s4], [sflag:s15] =	dma.local [hbm:s2], $0x1  }
0x93: {  	_ =	swait.eq [sflag:s15], $0x1  }
0x94: {  	[sflag:s15] =	ssyncset.done $0x0  }
0x95: {  	s16 =	sld [smem:$0x10];
	[sflag:s15] =	ssyncadd.s32 $0xFFFFFFFF  }
0x96: {  	s17 =	sld [smem:$0x11];
	(tm) =	ssettm $0x1  }
0x97: {  	s18 =	sld [smem:$0x3FFB];
	_ =	sdelay $0x3  }
0x98: {  	_ =	strace s18  }
0x99: {  	s4 =	sld [smem:$0x3FFC];
	_ =	sdelay $0x3  }
0x9a: {  	_ =	strace s4  }
0x9b: {  	s4 =	sld [smem:$0x3FFD];
	_ =	sdelay $0x3  }
0x9c: {  	_ =	strace s4  }
0x9d: {  	_ =	strace $0x8FFFFFFF  }
0x9e: {  	s19 =	sld [smem:$0x3FDB];
	_ =	sdelay $0x1  }
0x9f: {  	s5 =	simm.s32 $_scs_section_size  }
0xa0: {  	s6 =	simm.s32 $_size__tile_overlayer_lowered;
	s7 =	simm.s32 $_tile_overlayer_lowered  }
0xa1: {  	s22 =	simm.s32 $0x1BFF;
	s21 =	sshll.u32 s7, $0x1;
	s4 =	sadd.s32 s5, s19  }
0xa2: {  	s8 =	simm.s32 $0x0;
	s20 =	sshll.u32 s6, $0x1;
	s6 =	sadd.s32 s21, s4  }
0xa3: {  	[timem:s8], [sflag:s22] =	dma.local [hbm:s6], s20  }
0xa4: {  	_ =	swait.ge [sflag:s22], s20  }
0xa5: {  	s5 =	ssub.s32 $0x0, s20;
	[sflag:s22] =	ssyncset.done $0x0  }
0xa6: {  	[sflag:s22] =	ssyncadd.s32 s5;
	_ =	sdelay $0x1  }
0xa7: {  	s23 =	simm.s32 $0x1B8B  }
0xa8: {  	_ =	swait.ge [sflag:s23], $0x1  }
0xa9: {  	[sflag:s23] =	ssyncset.done $0x0  }
0xaa: {  	s25 =	simm.s32 $0x1B8E;
	s24 =	sld [smem:$0x3FFE];
	[sflag:s23] =	ssyncadd.s32 $0xFFFFFFFF  }
0xab: {  	s26 =	simm.s32 $execute0_lowered;
	[smem:$0x3FD2] =	sst s25  }
0xac: {  	s6 =	sshll.u32 s26, $0x1;
	_ =	strace $0x80000046;
	[dreg:$0x1] =	wrdreg $0xFFFFFFFF  }
0xad: {  	s28 =	simm.s32 $_size_execute0_lowered;
	s4 =	sadd.s32 s4, s6;
	[dreg:$0x0] =	wrdreg $0x0  }
0xae: {  	s6 =	sshll.u32 s28, $0x1;
	[dreg:$0x2] =	wrdreg s4  }
0xaf: {  	[dreg:$0x3] =	wrdreg s6  }
0xb0: {  	[dreg:$0x4] =	wrdreg $0xC0  }
0xb1: {  	_ =	task [dreg:s8], $0x5FFFF  }
0xb2: {  	[dreg:$0x1] =	wrdreg $0xFFFFFFFF  }
0xb3: {  	[dreg:$0x0] =	wrdreg $0x60  }
0xb4: {  	[dreg:$0x2] =	wrdreg s24  }
0xb5: {  	[dreg:$0x3] =	wrdreg s17  }
0xb6: {  	[dreg:$0x4] =	wrdreg s16  }
0xb7: {  	[dreg:$0x5] =	wrdreg $0x9  }
0xb8: {  	_ =	task.clear_ibuf [dreg:s8], $0x6FFFF;
	_ =	strace $0x90000046  }
0xb9: {  	s29 =	simm.s32 $0x9;
	_ =	strace $0x80000048  }
0xba: {  	_ =	swait.ge [sflag:s29], $0x1  }
0xbb: {  	[sflag:s29] =	ssyncadd.s32 $0xFFFFFFFF  }
0xbc: {  	_ =	strace $0x90000048  }
0xbd: {  	_ =	sfence  }
0xbe: {  	s30 =	sld [smem:$0x0];
	_ =	sdelay $0x2  }
0xbf: {  	s31 =	sshll.u32 s1, $0xD;
	s1 =	sshrl.u32 s1, $0x2  }
0xc0: {  	s3 =	sand.u32 $0x4000, s31;
	s1 =	sadd.s32 s1, s30  }
0xc1: {  	s0 =	sor.u32 s3, s0;
	s1 =	sshll.u32 s1, $0x11  }
0xc2: {  	s0 =	sor.u32 s1, s0  }
0xc3: {  	s0 =	sadd.s32 $0x8F2B, s0  }
0xc4: {  	[sflag:s0] =	ssyncadd.remote.s32 $0x1  }
0xc5: {  	_ =	sfence.sel $0xFFFF  }
0xc6: {  	[dreg:$0x0] =	wrdreg $0xFFFFFFFF;
	(pc) =	sbr.abs _section_cstart, $3  }
0xc7: {  	[dreg:$0x1] =	wrdreg $0xFFFFFFFF  }
0xc8: {  	_ =	task.clear_ibuf [dreg:s8], $0x2FFFF;
	_ =	strace $0x9FFFFFFF  }
0xc9: {  	(tm) =	ssettm $0x7FFFFFFF  }
tec
execute0_lowered:
.L_overlay_start_1:
0x0: {  	(tag) =	ssettag $0x1  }
0x1: {  	s5 =	rddreg [dreg:$0x0]  }
0x2: {  	s1 =	srdreg.scid;
	s2 =	rddreg [dreg:$0x1]  }
0x3: {  	s0 =	stileid.u32;
	s3 =	rddreg [dreg:$0x2]  }
0x4: {  	s9 =	simm.s32 $0x1;
	s10 =	simm.s32 $0x3;
	s1 =	sshll.u32 s1, $0xA  }
0x5: {  	s13 =	simm.s32 $0x0;
	s4 =	sshll.u32 s0, $0xB;
	s6 =	sand.u32 $0x400, s1  }
0x6: {  	s12 =	simm.s32 $0x0;
	s5 =	sadd.s32 $0x4E00, s5;
	s4 =	sor.u32 s4, s6  }
0x7: {  	s1 =	rddreg [dreg:$0x3];
	_ =	strace $0x80000047;
	s8 =	ssub.s32 $0x8800, s4  }
.Ltmp0:
0x8: {  	s6 =	simm.s32 $0x1;
	s7 =	sand.u32 $0x7C00, s8;
	(pc) =	sbr.rel .LBB2_1-.Ltmp0, $4  }
0x9: {  	[sflag:s6] =	ssyncpa.u1 $0x0;
	s11 =	smov.u32 s4;
	p0 =	sne.s32 s7, $0x0  }
0xa: {  	s8 =	sshrl.u32 s8, $0xF;
	s7 =	simm.s32 $0x2;
	s9 =	simm.s32 @!p0 $0x0  }
0xb: {  	[sflag:s7] =	ssyncpa.u1 $0x0;
	p0 =	por $0x0, $0x0;
	s8 =	sadd.s32 s9, s8  }
0xc: {  	vm0 =	vmmov $0xffff;
	[sflag:s10] =	ssyncpa.u1 $0x0;
	s10 =	simm.s32 $0x0;
	s9 =	sadd.s32 $0x1, s8  }
.LBB2_4:
0xd: {  	v2 =	vnsel vm1, $0x0, v2  }
0xe: {  	vm1 =	vgt.s32 v0, $0x0;
	v2 =	vmin.u32 v2, $0x8000  }
0xf: {  	v0 =	vnsel vm1, $0x0, v0  }
0x10: {  	v0 =	vmin.u32 v0, $0x8000  }
0x11: {  	[tilespmem:s15], [sflag:$0x1] =	stream.indirect_vreg.gather [hbm4b:s5+s10], $0x1, v1, vm0, $0x4038;
	[tilespmem:$0x1000] =	vst v63  }
0x12: {  	(ifvalue) =	ssetifvalue $0x7FFFFFFF  }
0x13: {  	[tilespmem:s16], [sflag:$0x1] =	stream.indirect_vreg.gather [hbm4b:s5+s10], $0x1, v2, vm0, $0x4038;
	[tilespmem:$0x1000] =	vst v63  }
0x14: {  	s29 =	sadd.s32 $0x10, s16;
	(ifvalue) =	ssetifvalue $0x7FFFFFFF  }
0x15: {  	[tilespmem:s29], [sflag:$0x1] =	stream.indirect_vreg.gather [hbm4b:s5+s10], $0x1, v0, vm0, $0x4038;
	[tilespmem:$0x1000] =	vst v63  }
0x16: {  	_ =	swait.ge [sflag:s6], $0x400  }
0x17: {  	s30 =	sshrl.u32 s13, $0x3;
	[sflag:s6] =	ssyncset.done $0x0  }
0x18: {  	s31 =	sand.u32 $0x7, s13;
	s15 =	sadd.s32 s3, s30;
	[sflag:s6] =	ssyncadd.s32 $0xFFFFFC00  }
0x19: {  	[hbm4b:s15+s31] =	stream.linear.scatter [tilespmem:s14], [sflag:$0x3], $0x400, $0x38;
	[tilespmem:$0x1000] =	vst v63  }
.LBB2_5:
0x1a: {  	s15 =	sadd.s32 $0x8000, s11  }
0x1b: {  	p2 =	sgt.s32 s15, $0x87FF  }
0x1c: {  	s15 =	smov.u32 @p2 s4;
	p2 =	sne.s32 s12, s9  }
.Ltmp1:
0x1d: {  	p1 =	slt.u32 s12, $0x2;
	(pc) =	sbr.rel @!p2 .LBB2_6-.Ltmp1, $4  }
0x1e: {  	s14 =	simm.s32 @!p1 $0x3  }
0x1f: {  	s16 =	sadd.s32 $0x1, s12;
	_ =	swait.ge @!p1 [sflag:s14], $0x400  }
0x20: {  	s13 =	smov.u32 s11;
	p0 =	por !p0, !p0;
	[sflag:s14] =	ssyncset.done @!p1 $0x0  }
0x21: {  	s12 =	smov.u32 s16;
	s11 =	smov.u32 s15;
	[sflag:s14] =	ssyncadd.s32 @!p1 $0xFFFFFC00  }
.LBB2_1:
0x22: {  	p1 =	sge.u32 s12, s8  }
0x23: {  	s14 =	sxor.u32 @!p1 $0xFFFFFFFF, s12  }
0x24: {  	s31 =	sadd.s32 $0xFFFFFFFF, s12;
	s15 =	sshrl.u32 @!p1 s11, $0x3;
	s14 =	sshll.u32 @!p1 s14, $0xA  }
0x25: {  	s16 =	sand.u32 @!p1 $0x7, s11;
	s15 =	sadd.s32 @!p1 s2, s15;
	s14 =	sand.u32 @!p1 $0x400, s14  }
0x26: {  	[tilespmem:s14], [sflag:$0x2] =	stream.linear.gather @!p1 [hbm4b:s15+s16], $0x400, $0x38;
	[tilespmem:$0x1000] =	vst v63  }
0x27: {  	p1 =	sge.u32 s31, s8  }
.Ltmp2:
0x28: {  	_ = 	snop;
	(pc) =	sbr.rel @p1 .LBB2_5-.Ltmp2, $1  }
0x29: {  	_ =	sdelay $0x3  }
0x2a: {  	s14 =	simm.s32 $0x1  }
0x2b: {  	_ =	swait.ge [sflag:s7], $0x400;
	s14 =	simm.s32 @!p0 $0x0  }
0x2c: {  	[sflag:s7] =	ssyncset.done $0x0;
	s14 =	sshll.u32 s14, $0xA  }
0x2d: {  	[sflag:s7] =	ssyncadd.s32 $0xFFFFFC00;
	(ifvalue) =	ssetifvalue $0x7FFFFFFF;
	v0 =	vld.msk [tilespmem:s14+$0x0 ss:$0x1], $0xffff;
	_ =	sdelay $0x4  }
0x2e: {  	s15 =	sadd.s32 $0x10, s14;
	vm1 =	vgt.s32 v0, $0x0  }
0x2f: {  	v2 =	vld.msk [tilespmem:s15+$0x0 ss:$0x1], $0xffff;
	v1 =	vnsel vm1, $0x0, v0  }
0x30: {  	v1 =	vmin.u32 v1, $0x8000;
	_ =	sdelay $0x1  }
0x31: {  	s16 =	sshll.u32 s12, $0xA;
	s18 =	simm.s32 $0x20  }
0x32: {  	s16 =	sand.u32 $0x400, s16;
	s17 =	sadd.s32 $0x10, s15;
	s15 =	sor.u32 $0x800, s14  }
0x33: {  	s14 =	sor.u32 $0x800, s16;
	s16 =	sadd.s32 $0x10, s15;
	v0 =	vld.msk [tilespmem:s17+$0x0 ss:$0x1], $0xffff;
	vm1 =	vgt.s32 v2, $0x0;
	(ifvalue) =	ssetifvalue $0x7FFFFFFF  }
.LBB2_3:
0x34: {  	[tilespmem:s15], [sflag:$0x1] =	stream.indirect_vreg.gather [hbm4b:s5+s10], $0x1, v1, vm0, $0x4038;
	[tilespmem:$0x1000] =	vst v63  }
0x35: {  	s18 =	sadd.s32 $0x10, s18  }
0x36: {  	v2 =	vnsel vm1, $0x0, v2;
	p1 =	slt.u32 s18, $0x3F0  }
.Ltmp3:
0x37: {  	s15 =	smov.u32 s16;
	v1 =	vmin.u32 v2, $0x8000;
	(pc) =	sbr.rel @p1 .LBB2_3-.Ltmp3, $3  }
0x38: {  	_ =	sdelay $0x1  }
0x39: {  	s17 =	sadd.s32 $0x10, s17  }
0x3a: {  	vm1 =	vgt.s32 v0, $0x0;
	s16 =	sadd.s32 $0x10, s16;
	v2 =	vmov v0;
	(ifvalue) =	ssetifvalue $0x7FFFFFFF;
	v0 =	vld.msk [tilespmem:s17+$0x0 ss:$0x1], $0xffff  }
.Ltmp4:
0x3b: {  	_ = 	snop;
	(pc) =	sbr.rel .LBB2_4-.Ltmp4, $1  }
0x3c: {  	_ =	sdelay $0x3  }
.LBB2_6:
0x3d: {  	_ =	sfence.sel $0x180000  }
0x3e: {  	s2 =	simm.s32 $0x2;
	[bflag:$0x0] =	sbarrier.arrive $0xFFFF  }
0x3f: {  	s30 =	simm.s32 $0x3;
	[sflag:s2] =	ssyncpa.u1 $0x1  }
0x40: {  	s31 =	simm.s32 $0x1;
	[sflag:s30] =	ssyncpa.u1 $0x1  }
0x41: {  	[sflag:s31] =	ssyncpa.u1 $0x1  }
0x42: {  	p0 =	sne.s32 s0, $0x0;
	_ =	strace $0x90000047  }
0x43: {  	s0 =	sadd.s32 @!p0 $0x100000, s1;
	[bflag:$0x2] =	sbarrier.arrive $0xFFFF  }
0x44: {  	[sflag:s0] =	ssyncadd.tile.s32 @!p0 $0x1;
	_ =	shalt  }
.Lfunc_end2:
_tile_overlayer_lowered:
.L_overlay_start_2:
0x45: {  	(tag) =	ssettag $0x2  }
0x46: {  	s0 =	rddreg [dreg:$0x0];
	s2 =	stileid.u32  }
0x47: {  	s1 =	rddreg [dreg:$0x1];
	p0 =	sne.s32 s2, $0x0  }
0x48: {  	s3 =	rddreg [dreg:$0x2];
	[bflag:$0x3] =	sbarrier.arrive $0xFFFF;
	s2 =	simm.s32 @!p0 $0x1C01  }
0x49: {  	[timem:s3], [sflag:s2] =	dma.local @!p0 [hbm:s0], s1  }
0x4a: {  	s0 =	simm.s32 @!p0 $0x1  }
0x4b: {  	_ =	swait.ge @!p0 [sflag:s0], s1  }
0x4c: {  	s1 =	ssub.s32 @!p0 $0x0, s1;
	[sflag:s0] =	ssyncset.done @!p0 $0x0  }
0x4d: {  	[sflag:s0] =	ssyncadd.s32 @!p0 s1  }
0x4e: {  	[bflag:$0x3] =	sbarrier.arrive $0xFFFF  }
0x4f: {  	_ =	shalt  }

// kernel: kernel.5.cloned.1.call-start
scs
__scs_entry_jumppad:
0x0: {  	(pc) =	sbr.rel $0x88, $3  }
0x1: {  	(tag) =	ssettag $0x0;
	lr =	simm.s32 $0x1  }
0x2: {  	[smem:$0x3F9B] =	sst lr;
	_ =	strace $0xD0000000  }
0x3: {  	_ = 	snop  }
0x4: {  	_ = 	snop  }
0x5: {  	_ = 	snop  }
0x6: {  	_ = 	snop  }
0x7: {  	_ = 	snop  }
__scs_overlays_trampoline_lowered:
0x8: {  	[smem:$0x3FAA] =	sst s0  }
0x9: {  	[smem:$0x3FAB] =	sst s1  }
0xa: {  	[smem:$0x3FAC] =	sst s2  }
0xb: {  	[smem:$0x3FAD] =	sst s3  }
0xc: {  	[smem:$0x3FAE] =	sst s4  }
0xd: {  	[smem:$0x3FAF] =	sst s5  }
0xe: {  	[smem:$0x3FB0] =	sst s6  }
0xf: {  	[smem:$0x3FB1] =	sst s7  }
0x10: {  	[smem:$0x3FB2] =	sst s8  }
0x11: {  	[smem:$0x3FB3] =	sst s9;
	s0 =	simm.s32 @!p0 $0x0  }
0x12: {  	s1 =	sld [smem:$0x3F99];
	s0 =	simm.s32 @p0 $0x1  }
0x13: {  	[smem:$0x3FB4] =	sst s0;
	s0 =	simm.s32 @!p1 $0x0  }
0x14: {  	s2 =	sld [smem:$0x3F98];
	s0 =	simm.s32 @p1 $0x1  }
0x15: {  	[smem:$0x3FB5] =	sst s0;
	s0 =	simm.s32 @!p2 $0x0  }
0x16: {  	s3 =	sld [smem:$0x3FDB];
	s0 =	simm.s32 @p2 $0x1  }
0x17: {  	s4 =	simm.s32 $0x1BF5;
	[smem:$0x3FB7] =	sst s0  }
0x18: {  	s0 =	sld [smem:$0x3F9A];
	_ =	swait.ge [sflag:s4], $0x0  }
0x19: {  	s7 =	sld [smem:$0x3F9B]  }
0x1a: {  	s8 =	sadd.s32 $0xFFFFE003, lr  }
0x1b: {  	s9 =	sadd.s32 $0xFFFFFEF7, lr;
	s5 =	simm.s32 $0xFFFFFFFF;
	p2 =	slt.u32 s8, $0xFFFFF086  }
0x1c: {  	p1 =	slt.u32 s9, $0xF7A;
	s5 =	simm.s32 @!p2 $0x0  }
0x1d: {  	s5 =	simm.s32 @p1 $0x1;
	p0 =	seq.s32 s7, s2  }
0x1e: {  	s7 =	smul.u32 @!p0 $0xF7A, s2;
	p2 =	seq.s32 @!p0 s5, $0x0  }
0x1f: {  	s9 =	smul.u32 $0xF7A, s1;
	s8 =	simm.s32 @!p0 $0x1BF5;
	p2 =	por !p2, p0  }
0x20: {  	[sflag:s8] =	ssyncset.s32 @!p0 $0xFFFFF086;
	s6 =	sadd.s32 @!p0 s3, s7;
	s7 =	simm.s32 @!p0 $0x108  }
0x21: {  	s3 =	sadd.s32 s3, s9;
	s6 =	sadd.s32 @!p0 $0x88, s6;
	s7 =	simm.s32 @p2 $0x1082  }
0x22: {  	[simem:s7], [sflag:s8] =	dma.local @!p0 [hbm:s6], $0xF7A  }
0x23: {  	s9 =	sor.u32 $0xD0000000, s2;
	s6 =	simm.s32 $0x108;
	_ =	swait.ge @!p0 [sflag:s8], $0x0  }
0x24: {  	s3 =	sadd.s32 $0x88, s3;
	s6 =	simm.s32 @!p1 $0x1082;
	[sflag:s4] =	ssyncset.s32 $0xFFFFF086  }
0x25: {  	[simem:s6], [sflag:s4] =	dma.local [hbm:s3], $0xF7A  }
0x26: {  	[smem:$0x3F9B] =	sst s1;
	(tag) =	ssettag s2;
	_ =	strace s9  }
0x27: {  	s1 =	sld [smem:$0x3FAB]  }
0x28: {  	s2 =	sld [smem:$0x3FAC]  }
0x29: {  	s4 =	sld [smem:$0x3FAE]  }
0x2a: {  	p0 =	seq.s32 s5, $0x0;
	s5 =	sld [smem:$0x3FAF]  }
0x2b: {  	s6 =	sld [smem:$0x3FB0]  }
0x2c: {  	s7 =	sld [smem:$0x3FB1]  }
0x2d: {  	s3 =	simm.s32 $0x108;
	s8 =	sld [smem:$0x3FB2]  }
0x2e: {  	s3 =	simm.s32 @!p0 $0x1082;
	s9 =	sld [smem:$0x3FB3]  }
0x2f: {  	lr =	sadd.s32 s0, s3;
	s0 =	sld [smem:$0x3FAA]  }
0x30: {  	s3 =	sld [smem:$0x3FAD]  }
0x31: {  	[smem:$0x3FB6] =	sst s10  }
0x32: {  	s10 =	sld [smem:$0x3FB4];
	_ =	sdelay $0x3  }
0x33: {  	p0 =	seq.s32 s10, $0x1;
	s10 =	sld [smem:$0x3FB6];
	_ =	sdelay $0x3  }
0x34: {  	[smem:$0x3FB6] =	sst s10  }
0x35: {  	s10 =	sld [smem:$0x3FB5];
	_ =	sdelay $0x3  }
0x36: {  	p1 =	seq.s32 s10, $0x1;
	s10 =	sld [smem:$0x3FB6];
	_ =	sdelay $0x3  }
0x37: {  	[smem:$0x3FB6] =	sst s10  }
0x38: {  	s10 =	sld [smem:$0x3FB7]  }
0x39: {  	_ = 	snop;
	(pc) =	sbr.ind lr, $3  }
0x3a: {  	_ = 	snop  }
0x3b: {  	_ = 	snop  }
0x3c: {  	p2 =	seq.s32 s10, $0x1;
	s10 =	sld [smem:$0x3FB6]  }
0x3d: {  	_ =	shalt  }
0x3e: {  	_ =	shalt  }
0x3f: {  	_ =	shalt  }
0x40: {  	_ =	shalt  }
0x41: {  	_ =	shalt  }
0x42: {  	_ =	shalt  }
0x43: {  	_ =	shalt  }
0x44: {  	_ =	shalt  }
0x45: {  	_ =	shalt  }
0x46: {  	_ =	shalt  }
0x47: {  	_ =	shalt  }
0x48: {  	_ =	shalt  }
0x49: {  	_ =	shalt  }
0x4a: {  	_ =	shalt  }
0x4b: {  	_ =	shalt  }
0x4c: {  	_ =	shalt  }
0x4d: {  	_ =	shalt  }
0x4e: {  	_ =	shalt  }
0x4f: {  	_ =	shalt  }
0x50: {  	_ =	shalt  }
0x51: {  	_ =	shalt  }
0x52: {  	_ =	shalt  }
0x53: {  	_ =	shalt  }
0x54: {  	_ =	shalt  }
0x55: {  	_ =	shalt  }
0x56: {  	_ =	shalt  }
0x57: {  	_ =	shalt  }
0x58: {  	_ =	shalt  }
0x59: {  	_ =	shalt  }
0x5a: {  	_ =	shalt  }
0x5b: {  	_ =	shalt  }
0x5c: {  	_ =	shalt  }
0x5d: {  	_ =	shalt  }
0x5e: {  	_ =	shalt  }
0x5f: {  	_ =	shalt  }
0x60: {  	_ =	shalt  }
0x61: {  	_ =	shalt  }
0x62: {  	_ =	shalt  }
0x63: {  	_ =	shalt  }
0x64: {  	_ =	shalt  }
0x65: {  	_ =	shalt  }
0x66: {  	_ =	shalt  }
0x67: {  	_ =	shalt  }
0x68: {  	_ =	shalt  }
0x69: {  	_ =	shalt  }
0x6a: {  	_ =	shalt  }
0x6b: {  	_ =	shalt  }
0x6c: {  	_ =	shalt  }
0x6d: {  	_ =	shalt  }
0x6e: {  	_ =	shalt  }
0x6f: {  	_ =	shalt  }
0x70: {  	_ =	shalt  }
0x71: {  	_ =	shalt  }
0x72: {  	_ =	shalt  }
0x73: {  	_ =	shalt  }
0x74: {  	_ =	shalt  }
0x75: {  	_ =	shalt  }
0x76: {  	_ =	shalt  }
0x77: {  	_ =	shalt  }
0x78: {  	_ =	shalt  }
0x79: {  	_ =	shalt  }
0x7a: {  	_ =	shalt  }
0x7b: {  	_ =	shalt  }
0x7c: {  	_ =	shalt  }
0x7d: {  	_ =	shalt  }
0x7e: {  	_ =	shalt  }
0x7f: {  	_ =	shalt  }
0x80: {  	_ =	shalt  }
0x81: {  	_ =	shalt  }
0x82: {  	_ =	shalt  }
0x83: {  	_ =	shalt  }
0x84: {  	_ =	shalt  }
0x85: {  	_ =	shalt  }
0x86: {  	_ =	shalt  }
0x87: {  	_ =	shalt  }
.Lfunc_end0:
.L_simem_size_0:
called_computation.1_lowered:
.L_overlay_start_0:
0x88: {  	s2 =	sld [smem:$0x3FD9]  }
0x89: {  	s3 =	sld [smem:$0x3FFE];
	_ =	sdelay $0x1  }
0x8a: {  	s1 =	srdreg.scid  }
0x8b: {  	s0 =	sand.u32 $0x1, s1  }
0x8c: {  	s14 =	sshll.u32 s0, $0xA;
	s2 =	sadd.s32 s3, s2  }
0x8d: {  	s2 =	sadd.s32 s2, s14  }
0x8e: {  	[smem:$0x3FC2] =	sst s2  }
0x8f: {  	_ = 	snop  }
0x90: {  	s2 =	sld [smem:$0x3FD0];
	_ =	sdelay $0x2  }
0x91: {  	s4 =	simm.s32 $0xA;
	s5 =	simm.s32 $0x10;
	s15 =	sld [smem:$0x3FC9]  }
0x92: {  	[smem:s5], [sflag:s4] =	dma.local [hbm:s2], $0x1  }
0x93: {  	_ =	swait.eq [sflag:s4], $0x1  }
0x94: {  	[sflag:s4] =	ssyncset.done $0x0  }
0x95: {  	[sflag:s4] =	ssyncadd.s32 $0xFFFFFFFF  }
0x96: {  	s16 =	sld [smem:$0x11];
	(tm) =	ssettm $0x1  }
0x97: {  	s17 =	sld [smem:$0x3FFB];
	_ =	sdelay $0x3  }
0x98: {  	_ =	strace s17  }
0x99: {  	s4 =	sld [smem:$0x3FFC];
	_ =	sdelay $0x3  }
0x9a: {  	_ =	strace s4  }
0x9b: {  	s4 =	sld [smem:$0x3FFD];
	_ =	sdelay $0x3  }
0x9c: {  	_ =	strace s4  }
0x9d: {  	_ =	strace $0x8FFFFFFF  }
0x9e: {  	s18 =	sld [smem:$0x3FDB];
	_ =	sdelay $0x1  }
0x9f: {  	s19 =	simm.s32 $_scs_section_size  }
0xa0: {  	s6 =	simm.s32 $_size__tile_overlayer_lowered;
	s7 =	simm.s32 $_tile_overlayer_lowered  }
0xa1: {  	s22 =	simm.s32 $0x1BFF;
	s21 =	sshll.u32 s7, $0x1;
	s4 =	sadd.s32 s19, s18  }
0xa2: {  	s8 =	simm.s32 $0x0;
	s20 =	sshll.u32 s6, $0x1;
	s6 =	sadd.s32 s21, s4  }
0xa3: {  	[timem:s8], [sflag:s22] =	dma.local [hbm:s6], s20  }
0xa4: {  	_ =	swait.ge [sflag:s22], s20  }
0xa5: {  	s5 =	ssub.s32 $0x0, s20;
	[sflag:s22] =	ssyncset.done $0x0  }
0xa6: {  	[sflag:s22] =	ssyncadd.s32 s5;
	_ =	sdelay $0x1  }
0xa7: {  	s23 =	simm.s32 $0x1B8B  }
0xa8: {  	_ =	swait.ge [sflag:s23], $0x1  }
0xa9: {  	[sflag:s23] =	ssyncset.done $0x0  }
0xaa: {  	s25 =	simm.s32 $0x1B8E;
	s24 =	sld [smem:$0x3FFE];
	[sflag:s23] =	ssyncadd.s32 $0xFFFFFFFF  }
0xab: {  	s26 =	simm.s32 $execute0_lowered;
	[smem:$0x3FD2] =	sst s25  }
0xac: {  	s6 =	sshll.u32 s26, $0x1;
	_ =	strace $0x80000049;
	[dreg:$0x1] =	wrdreg $0xFFFFFFFF  }
0xad: {  	s28 =	simm.s32 $_size_execute0_lowered;
	s4 =	sadd.s32 s4, s6;
	[dreg:$0x0] =	wrdreg $0x0  }
0xae: {  	s6 =	sshll.u32 s28, $0x1;
	[dreg:$0x2] =	wrdreg s4  }
0xaf: {  	[dreg:$0x3] =	wrdreg s6  }
0xb0: {  	[dreg:$0x4] =	wrdreg $0xC0  }
0xb1: {  	_ =	task [dreg:s8], $0x5FFFF  }
0xb2: {  	[dreg:$0x1] =	wrdreg $0xFFFFFFFF  }
0xb3: {  	[dreg:$0x0] =	wrdreg $0x60  }
0xb4: {  	[dreg:$0x2] =	wrdreg s15  }
0xb5: {  	[dreg:$0x3] =	wrdreg s16  }
0xb6: {  	[dreg:$0x4] =	wrdreg s24  }
0xb7: {  	[dreg:$0x5] =	wrdreg $0x9  }
0xb8: {  	_ =	task.clear_ibuf [dreg:s8], $0x6FFFF;
	_ =	strace $0x90000049  }
0xb9: {  	s29 =	simm.s32 $0x9;
	_ =	strace $0x8000004B  }
0xba: {  	_ =	swait.ge [sflag:s29], $0x1  }
0xbb: {  	[sflag:s29] =	ssyncadd.s32 $0xFFFFFFFF  }
0xbc: {  	_ =	strace $0x9000004B  }
0xbd: {  	_ =	sfence  }
0xbe: {  	s30 =	sld [smem:$0x0];
	_ =	sdelay $0x2  }
0xbf: {  	s31 =	sshll.u32 s1, $0xD;
	s1 =	sshrl.u32 s1, $0x2  }
0xc0: {  	s3 =	sand.u32 $0x4000, s31;
	s1 =	sadd.s32 s1, s30  }
0xc1: {  	s0 =	sor.u32 s3, s0;
	s1 =	sshll.u32 s1, $0x11  }
0xc2: {  	s0 =	sor.u32 s1, s0  }
0xc3: {  	s0 =	sadd.s32 $0x8F2B, s0  }
0xc4: {  	[sflag:s0] =	ssyncadd.remote.s32 $0x1  }
0xc5: {  	_ =	sfence.sel $0xFFFF  }
0xc6: {  	[dreg:$0x0] =	wrdreg $0xFFFFFFFF;
	(pc) =	sbr.abs _section_cstart, $3  }
0xc7: {  	[dreg:$0x1] =	wrdreg $0xFFFFFFFF  }
0xc8: {  	_ =	task.clear_ibuf [dreg:s8], $0x2FFFF;
	_ =	strace $0x9FFFFFFF  }
0xc9: {  	(tm) =	ssettm $0x7FFFFFFF  }
tec
execute0_lowered:
.L_overlay_start_1:
0x0: {  	(tag) =	ssettag $0x1  }
0x1: {  	s0 =	srdreg.scid;
	s1 =	stileid.u32  }
0x2: {  	s0 =	sand.u32 $0x1, s0;
	s1 =	sshll.u32 s1, $0x1  }
0x3: {  	s1 =	sor.u32 s0, s1  }
0x4: {  	s1 =	smul.u32 $0x440, s1  }
0x5: {  	s2 =	rddreg [dreg:$0x0]  }
0x6: {  	s4 =	rddreg [dreg:$0x1];
	s1 =	sshrl.u32 s1, $0x3  }
0x7: {  	s5 =	rddreg [dreg:$0x2];
	s3 =	simm.s32 $0x0;
	s6 =	smul.u32 $0x1800, s1  }
0x8: {  	[smem:$0x7FF] =	sst s3;
	s5 =	sadd.s32 $0x4E00, s5;
	s7 =	smul.u32 $0x300, s1  }
0x9: {  	_ =	strace $0x8000004A;
	s1 =	sadd.s32 s4, s1;
	s6 =	sshrl.u32 s6, $0x3  }
0xa: {  	[dreg:$0x4] =	wrdreg s1;
	s22 =	sadd.s32 s5, s6;
	s6 =	sadd.s32 s5, s7  }
0xb: {  	s23 =	sadd.s32 $0xC00, s22;
	[smem:$0x7FC] =	sst s6  }
0xc: {  	s24 =	sadd.s32 $0x1800, s6;
	[dreg:$0x5] =	wrdreg s23  }
0xd: {  	s25 =	sadd.s32 $0x2400, s6;
	[dreg:$0x6] =	wrdreg s24  }
0xe: {  	s26 =	sadd.s32 $0x3000, s6;
	[dreg:$0x7] =	wrdreg s25  }
0xf: {  	s28 =	sadd.s32 $0x3C00, s6;
	[dreg:$0x8] =	wrdreg s26  }
0x10: {  	s29 =	sadd.s32 $0x4800, s6;
	[dreg:$0x9] =	wrdreg s28  }
0x11: {  	s30 =	sadd.s32 $0x5400, s6;
	[dreg:$0xa] =	wrdreg s29  }
0x12: {  	s31 =	sadd.s32 $0x6000, s6;
	[dreg:$0xb] =	wrdreg s30  }
0x13: {  	s4 =	sadd.s32 $0x6C00, s6;
	[dreg:$0xc] =	wrdreg s31  }
0x14: {  	s5 =	sadd.s32 $0x7800, s6;
	[dreg:$0xd] =	wrdreg s4  }
0x15: {  	s7 =	sadd.s32 $0x8400, s6;
	[dreg:$0xe] =	wrdreg s5  }
0x16: {  	s8 =	sadd.s32 $0x9000, s6;
	[dreg:$0xf] =	wrdreg s7  }
0x17: {  	s9 =	sadd.s32 $0x9C00, s6;
	[dreg:$0x10] =	wrdreg s8  }
0x18: {  	s10 =	sadd.s32 $0xA800, s6;
	[dreg:$0x11] =	wrdreg s9  }
0x19: {  	s11 =	sadd.s32 $0xB400, s6;
	[dreg:$0x12] =	wrdreg s10  }
0x1a: {  	s12 =	sadd.s32 $0xC000, s6;
	[dreg:$0x13] =	wrdreg s11  }
0x1b: {  	s13 =	sadd.s32 $0xCC00, s6;
	[dreg:$0x14] =	wrdreg s12  }
0x1c: {  	s14 =	sadd.s32 $0xD800, s6;
	[dreg:$0x15] =	wrdreg s13  }
0x1d: {  	s15 =	sadd.s32 $0xE400, s6;
	[dreg:$0x16] =	wrdreg s14  }
0x1e: {  	s16 =	sadd.s32 $0xF000, s6;
	[dreg:$0x17] =	wrdreg s15  }
0x1f: {  	s17 =	sadd.s32 $0xFC00, s6;
	[dreg:$0x18] =	wrdreg s16  }
0x20: {  	s18 =	sadd.s32 $0x10800, s6;
	[dreg:$0x19] =	wrdreg s17  }
0x21: {  	s19 =	sadd.s32 $0x11400, s6;
	[dreg:$0x1a] =	wrdreg s18  }
0x22: {  	s20 =	sadd.s32 $0x12000, s6;
	[dreg:$0x1b] =	wrdreg s19  }
0x23: {  	s21 =	sadd.s32 $0x12C00, s6;
	[dreg:$0x1c] =	wrdreg s20  }
0x24: {  	s22 =	sadd.s32 $0x13800, s6;
	[dreg:$0x1d] =	wrdreg s21  }
0x25: {  	s0 =	ssub.s32 $0x2, s0;
	[dreg:$0x1e] =	wrdreg s22  }
0x26: {  	s23 =	sadd.s32 $0x14400, s6;
	s24 =	sadd.s32 $0x15000, s6;
	s25 =	sadd.s32 $0x15C00, s6  }
0x27: {  	s26 =	sadd.s32 $0x16800, s6;
	s28 =	sshrl.u32 s0, $0x1;
	s29 =	sadd.s32 $0x17400, s6  }
0x28: {  	s30 =	sadd.s32 $0x18000, s6;
	s5 =	sadd.s32 $0x100, s2;
	[dreg:$0x1f] =	wrdreg s23  }
0x29: {  	s31 =	sadd.s32 $0x18C00, s6;
	s6 =	sadd.s32 $0x200, s2;
	[smem:$0x7F7] =	sst s24  }
0x2a: {  	s10 =	simm.s32 $0x1;
	s11 =	simm.s32 $0x5;
	[smem:$0x7F8] =	sst s25  }
0x2b: {  	s12 =	simm.s32 $0x2;
	s13 =	simm.s32 $0x6;
	[smem:$0x7F9] =	sst s26  }
0x2c: {  	v2 =	vlaneseq.u32;
	s19 =	simm.s32 $0x3;
	s15 =	simm.s32 $0x7;
	[smem:$0x7FA] =	sst s29  }
0x2d: {  	vm0 =	vmmov $0xffff;
	v1 =	vshrl.u32 v2, $0x3;
	s16 =	simm.s32 $0x4;
	s0 =	ssub.s32 s0, s28;
	[smem:$0x7FB] =	sst s30  }
0x2e: {  	v0 =	vand.u32 $0x7, v2;
	v2 =	vor.u32 $0x8, v2;
	v1 =	vmul.u32 $0x8, v1;
	s17 =	simm.s32 $0x8;
	[smem:$0x7FD] =	sst s31;
	s0 =	smax.u32 s0, $0x1  }
.LBB2_1:
0x2f: {  	[smem:$0x7F6] =	sst s0  }
0x30: {  	s18 =	rddreg [dreg:$0x4];
	s23 =	simm.s32 $0x9  }
0x31: {  	[tilespmem:s3], [sflag:$0x9] =	stream.linear.gather [hbm4b:s18+s3], $0x440, $0x38;
	[tilespmem:$0x18480] =	vst v63  }
0x32: {  	_ =	swait.ge [sflag:s23], $0x440  }
0x33: {  	[sflag:s23] =	ssyncset.done $0x0  }
0x34: {  	[sflag:s23] =	ssyncadd.s32 $0xFFFFFBC0  }
0x35: {  	v3 =	vld [tilespmem:$0x0];
	_ =	sdelay $0x4  }
0x36: {  	v4 =	vshrl.u32 v3, $0x3  }
0x37: {  	v4 =	vmul.u32 $0x30, v4  }
0x38: {  	v3 =	vand.u32 $0x7, v3  }
0x39: {  	v3 =	vor.u32 v3, v4  }
0x3a: {  	v4 =	vperm.xlane v3, v0;
	_ =	sdelay $0x1  }
0x3b: {  	v4 =	vadd.s32 v1, v4;
	_ =	sdelay $0x3  }
0x3c: {  	s24 =	simm.s32 $0x480;
	v3 =	vperm.xlane v3, v2  }
0x3d: {  	[tilespmem:s24], [sflag:$0x1] =	stream.indirect_vreg.gather [hbm4b:s2+s3], $0x80, v4, vm0, $0xb8;
	[tilespmem:$0x18480] =	vst v63  }
0x3e: {  	s25 =	simm.s32 $0xC80;
	v3 =	vadd.s32 v1, v3  }
0x3f: {  	[tilespmem:s25], [sflag:$0x1] =	stream.indirect_vreg.gather [hbm4b:s5+s3], $0x80, v4, vm0, $0xb8;
	[tilespmem:$0x18480] =	vst v63  }
0x40: {  	s26 =	simm.s32 $0x1480  }
0x41: {  	[tilespmem:s26], [sflag:$0x1] =	stream.indirect_vreg.gather [hbm4b:s6+s3], $0x80, v4, vm0, $0xb8;
	[tilespmem:$0x18480] =	vst v63  }
0x42: {  	s28 =	simm.s32 $0x1C80  }
0x43: {  	[tilespmem:s28], [sflag:$0x1] =	stream.indirect_vreg.gather [hbm4b:s2+s3], $0x80, v3, vm0, $0xb8;
	[tilespmem:$0x18480] =	vst v63  }
0x44: {  	s29 =	simm.s32 $0x2480  }
0x45: {  	[tilespmem:s29], [sflag:$0x1] =	stream.indirect_vreg.gather [hbm4b:s5+s3], $0x80, v3, vm0, $0xb8;
	[tilespmem:$0x18480] =	vst v63  }
0x46: {  	s30 =	simm.s32 $0x2C80  }
0x47: {  	[tilespmem:s30], [sflag:$0x1] =	stream.indirect_vreg.gather [hbm4b:s6+s3], $0x80, v3, vm0, $0xb8;
	[tilespmem:$0x18480] =	vst v63  }
0x48: {  	v3 =	vld [tilespmem:$0x10];
	_ =	sdelay $0x4  }
0x49: {  	v53 =	vshrl.u32 v3, $0x3  }
0x4a: {  	v4 =	vmul.u32 $0x30, v53  }
0x4b: {  	v3 =	vand.u32 $0x7, v3  }
0x4c: {  	v3 =	vor.u32 v3, v4  }
0x4d: {  	v4 =	vperm.xlane v3, v0;
	_ =	sdelay $0x1  }
0x4e: {  	v4 =	vadd.s32 v1, v4;
	_ =	sdelay $0x3  }
0x4f: {  	s31 =	simm.s32 $0x3480;
	v3 =	vperm.xlane v3, v2  }
0x50: {  	[tilespmem:s31], [sflag:$0x1] =	stream.indirect_vreg.gather [hbm4b:s2+s3], $0x80, v4, vm0, $0xb8;
	[tilespmem:$0x18480] =	vst v63  }
0x51: {  	s1 =	simm.s32 $0x3C80;
	v3 =	vadd.s32 v1, v3  }
0x52: {  	[tilespmem:s1], [sflag:$0x1] =	stream.indirect_vreg.gather [hbm4b:s5+s3], $0x80, v4, vm0, $0xb8;
	[tilespmem:$0x18480] =	vst v63  }
0x53: {  	s18 =	simm.s32 $0x4480  }
0x54: {  	[tilespmem:s18], [sflag:$0x1] =	stream.indirect_vreg.gather [hbm4b:s6+s3], $0x80, v4, vm0, $0xb8;
	[tilespmem:$0x18480] =	vst v63  }
0x55: {  	s21 =	simm.s32 $0x4C80  }
0x56: {  	[tilespmem:s21], [sflag:$0x1] =	stream.indirect_vreg.gather [hbm4b:s2+s3], $0x80, v3, vm0, $0xb8;
	[tilespmem:$0x18480] =	vst v63  }
0x57: {  	s22 =	simm.s32 $0x5480  }
0x58: {  	[tilespmem:s22], [sflag:$0x1] =	stream.indirect_vreg.gather [hbm4b:s5+s3], $0x80, v3, vm0, $0xb8;
	[tilespmem:$0x18480] =	vst v63  }
0x59: {  	s23 =	simm.s32 $0x5C80  }
0x5a: {  	[tilespmem:s23], [sflag:$0x1] =	stream.indirect_vreg.gather [hbm4b:s6+s3], $0x80, v3, vm0, $0xb8;
	[tilespmem:$0x18480] =	vst v63  }
0x5b: {  	v3 =	vld [tilespmem:$0x20];
	_ =	sdelay $0x4  }
0x5c: {  	v54 =	vshrl.u32 v3, $0x3  }
0x5d: {  	v4 =	vmul.u32 $0x30, v54  }
0x5e: {  	v3 =	vand.u32 $0x7, v3  }
0x5f: {  	v3 =	vor.u32 v3, v4  }
0x60: {  	v4 =	vperm.xlane v3, v0;
	_ =	sdelay $0x1  }
0x61: {  	v4 =	vadd.s32 v1, v4;
	_ =	sdelay $0x3  }
0x62: {  	s24 =	simm.s32 $0x6480;
	v3 =	vperm.xlane v3, v2  }
0x63: {  	[tilespmem:s24], [sflag:$0x2] =	stream.indirect_vreg.gather [hbm4b:s2+s3], $0x80, v4, vm0, $0xb8;
	[tilespmem:$0x18480] =	vst v63  }
0x64: {  	s25 =	simm.s32 $0x6C80;
	v3 =	vadd.s32 v1, v3  }
0x65: {  	[tilespmem:s25], [sflag:$0x2] =	stream.indirect_vreg.gather [hbm4b:s5+s3], $0x80, v4, vm0, $0xb8;
	[tilespmem:$0x18480] =	vst v63  }
0x66: {  	s26 =	simm.s32 $0x7480  }
0x67: {  	[tilespmem:s26], [sflag:$0x2] =	stream.indirect_vreg.gather [hbm4b:s6+s3], $0x80, v4, vm0, $0xb8;
	[tilespmem:$0x18480] =	vst v63  }
0x68: {  	s28 =	simm.s32 $0x7C80  }
0x69: {  	[tilespmem:s28], [sflag:$0x2] =	stream.indirect_vreg.gather [hbm4b:s2+s3], $0x80, v3, vm0, $0xb8;
	[tilespmem:$0x18480] =	vst v63  }
0x6a: {  	s29 =	simm.s32 $0x8480  }
0x6b: {  	[tilespmem:s29], [sflag:$0x2] =	stream.indirect_vreg.gather [hbm4b:s5+s3], $0x80, v3, vm0, $0xb8;
	[tilespmem:$0x18480] =	vst v63  }
0x6c: {  	s30 =	simm.s32 $0x8C80  }
0x6d: {  	[tilespmem:s30], [sflag:$0x2] =	stream.indirect_vreg.gather [hbm4b:s6+s3], $0x80, v3, vm0, $0xb8;
	[tilespmem:$0x18480] =	vst v63  }
0x6e: {  	v3 =	vld [tilespmem:$0x30];
	_ =	sdelay $0x4  }
0x6f: {  	v55 =	vshrl.u32 v3, $0x3  }
0x70: {  	v4 =	vmul.u32 $0x30, v55  }
0x71: {  	v3 =	vand.u32 $0x7, v3  }
0x72: {  	v3 =	vor.u32 v3, v4  }
0x73: {  	v4 =	vperm.xlane v3, v0;
	_ =	sdelay $0x1  }
0x74: {  	v4 =	vadd.s32 v1, v4;
	_ =	sdelay $0x3  }
0x75: {  	s31 =	simm.s32 $0x9480;
	v3 =	vperm.xlane v3, v2  }
0x76: {  	[tilespmem:s31], [sflag:$0x2] =	stream.indirect_vreg.gather [hbm4b:s2+s3], $0x80, v4, vm0, $0xb8;
	[tilespmem:$0x18480] =	vst v63  }
0x77: {  	s18 =	simm.s32 $0x9C80;
	v3 =	vadd.s32 v1, v3  }
0x78: {  	[tilespmem:s18], [sflag:$0x2] =	stream.indirect_vreg.gather [hbm4b:s5+s3], $0x80, v4, vm0, $0xb8;
	[tilespmem:$0x18480] =	vst v63  }
0x79: {  	s21 =	simm.s32 $0xA480  }
0x7a: {  	[tilespmem:s21], [sflag:$0x2] =	stream.indirect_vreg.gather [hbm4b:s6+s3], $0x80, v4, vm0, $0xb8;
	[tilespmem:$0x18480] =	vst v63  }
0x7b: {  	s22 =	simm.s32 $0xAC80  }
0x7c: {  	[tilespmem:s22], [sflag:$0x2] =	stream.indirect_vreg.gather [hbm4b:s2+s3], $0x80, v3, vm0, $0xb8;
	[tilespmem:$0x18480] =	vst v63  }
0x7d: {  	s23 =	simm.s32 $0xB480  }
0x7e: {  	[tilespmem:s23], [sflag:$0x2] =	stream.indirect_vreg.gather [hbm4b:s5+s3], $0x80, v3, vm0, $0xb8;
	[tilespmem:$0x18480] =	vst v63  }
0x7f: {  	s26 =	simm.s32 $0xBC80  }
0x80: {  	[tilespmem:s26], [sflag:$0x2] =	stream.indirect_vreg.gather [hbm4b:s6+s3], $0x80, v3, vm0, $0xb8;
	[tilespmem:$0x18480] =	vst v63  }
0x81: {  	v3 =	vld [tilespmem:$0x40];
	_ =	sdelay $0x4  }
0x82: {  	v56 =	vshrl.u32 v3, $0x3  }
0x83: {  	v4 =	vmul.u32 $0x30, v56  }
0x84: {  	v3 =	vand.u32 $0x7, v3  }
0x85: {  	v3 =	vor.u32 v3, v4  }
0x86: {  	v4 =	vperm.xlane v3, v0;
	_ =	sdelay $0x1  }
0x87: {  	v4 =	vadd.s32 v1, v4;
	_ =	sdelay $0x3  }
0x88: {  	s28 =	simm.s32 $0xC480;
	v3 =	vperm.xlane v3, v2  }
0x89: {  	[tilespmem:s28], [sflag:$0x3] =	stream.indirect_vreg.gather [hbm4b:s2+s3], $0x80, v4, vm0, $0xb8;
	[tilespmem:$0x18480] =	vst v63  }
0x8a: {  	s29 =	simm.s32 $0xCC80;
	v3 =	vadd.s32 v1, v3  }
0x8b: {  	[tilespmem:s29], [sflag:$0x3] =	stream.indirect_vreg.gather [hbm4b:s5+s3], $0x80, v4, vm0, $0xb8;
	[tilespmem:$0x18480] =	vst v63  }
0x8c: {  	s30 =	simm.s32 $0xD480  }
0x8d: {  	[tilespmem:s30], [sflag:$0x3] =	stream.indirect_vreg.gather [hbm4b:s6+s3], $0x80, v4, vm0, $0xb8;
	[tilespmem:$0x18480] =	vst v63  }
0x8e: {  	s31 =	simm.s32 $0xDC80  }
0x8f: {  	[tilespmem:s31], [sflag:$0x3] =	stream.indirect_vreg.gather [hbm4b:s2+s3], $0x80, v3, vm0, $0xb8;
	[tilespmem:$0x18480] =	vst v63  }
0x90: {  	s18 =	simm.s32 $0xE480  }
0x91: {  	[tilespmem:s18], [sflag:$0x3] =	stream.indirect_vreg.gather [hbm4b:s5+s3], $0x80, v3, vm0, $0xb8;
	[tilespmem:$0x18480] =	vst v63  }
0x92: {  	s21 =	simm.s32 $0xEC80  }
0x93: {  	[tilespmem:s21], [sflag:$0x3] =	stream.indirect_vreg.gather [hbm4b:s6+s3], $0x80, v3, vm0, $0xb8;
	[tilespmem:$0x18480] =	vst v63  }
0x94: {  	v3 =	vld [tilespmem:$0x50];
	_ =	sdelay $0x4  }
0x95: {  	v57 =	vshrl.u32 v3, $0x3  }
0x96: {  	v4 =	vmul.u32 $0x30, v57  }
0x97: {  	v3 =	vand.u32 $0x7, v3  }
0x98: {  	v3 =	vor.u32 v3, v4  }
0x99: {  	v4 =	vperm.xlane v3, v0;
	_ =	sdelay $0x1  }
0x9a: {  	v4 =	vadd.s32 v1, v4;
	_ =	sdelay $0x3  }
0x9b: {  	s22 =	simm.s32 $0xF480;
	v3 =	vperm.xlane v3, v2  }
0x9c: {  	[tilespmem:s22], [sflag:$0x3] =	stream.indirect_vreg.gather [hbm4b:s2+s3], $0x80, v4, vm0, $0xb8;
	[tilespmem:$0x18480] =	vst v63  }
0x9d: {  	s28 =	simm.s32 $0xFC80;
	v3 =	vadd.s32 v1, v3  }
0x9e: {  	[tilespmem:s28], [sflag:$0x3] =	stream.indirect_vreg.gather [hbm4b:s5+s3], $0x80, v4, vm0, $0xb8;
	[tilespmem:$0x18480] =	vst v63  }
0x9f: {  	s30 =	simm.s32 $0x10480  }
0xa0: {  	[tilespmem:s30], [sflag:$0x3] =	stream.indirect_vreg.gather [hbm4b:s6+s3], $0x80, v4, vm0, $0xb8;
	[tilespmem:$0x18480] =	vst v63  }
0xa1: {  	s18 =	simm.s32 $0x10C80  }
0xa2: {  	[tilespmem:s18], [sflag:$0x3] =	stream.indirect_vreg.gather [hbm4b:s2+s3], $0x80, v3, vm0, $0xb8;
	[tilespmem:$0x18480] =	vst v63  }
0xa3: {  	s22 =	simm.s32 $0x11480  }
0xa4: {  	[tilespmem:s22], [sflag:$0x3] =	stream.indirect_vreg.gather [hbm4b:s5+s3], $0x80, v3, vm0, $0xb8;
	[tilespmem:$0x18480] =	vst v63  }
0xa5: {  	s28 =	simm.s32 $0x11C80  }
0xa6: {  	[tilespmem:s28], [sflag:$0x3] =	stream.indirect_vreg.gather [hbm4b:s6+s3], $0x80, v3, vm0, $0xb8;
	[tilespmem:$0x18480] =	vst v63  }
0xa7: {  	v3 =	vld [tilespmem:$0x60];
	_ =	sdelay $0x4  }
0xa8: {  	v58 =	vshrl.u32 v3, $0x3  }
0xa9: {  	v4 =	vmul.u32 $0x30, v58  }
0xaa: {  	v3 =	vand.u32 $0x7, v3  }
0xab: {  	v3 =	vor.u32 v3, v4  }
0xac: {  	v4 =	vperm.xlane v3, v0;
	_ =	sdelay $0x1  }
0xad: {  	v4 =	vadd.s32 v1, v4;
	_ =	sdelay $0x3  }
0xae: {  	s18 =	simm.s32 $0x12480;
	v3 =	vperm.xlane v3, v2  }
0xaf: {  	[tilespmem:s18], [sflag:$0x4] =	stream.indirect_vreg.gather [hbm4b:s2+s3], $0x80, v4, vm0, $0xb8;
	[tilespmem:$0x18480] =	vst v63  }
0xb0: {  	s22 =	simm.s32 $0x12C80;
	v3 =	vadd.s32 v1, v3  }
0xb1: {  	[tilespmem:s22], [sflag:$0x4] =	stream.indirect_vreg.gather [hbm4b:s5+s3], $0x80, v4, vm0, $0xb8;
	[tilespmem:$0x18480] =	vst v63  }
0xb2: {  	s18 =	simm.s32 $0x13480  }
0xb3: {  	[tilespmem:s18], [sflag:$0x4] =	stream.indirect_vreg.gather [hbm4b:s6+s3], $0x80, v4, vm0, $0xb8;
	[tilespmem:$0x18480] =	vst v63  }
0xb4: {  	s22 =	simm.s32 $0x13C80  }
0xb5: {  	[tilespmem:s22], [sflag:$0x4] =	stream.indirect_vreg.gather [hbm4b:s2+s3], $0x80, v3, vm0, $0xb8;
	[tilespmem:$0x18480] =	vst v63  }
0xb6: {  	s18 =	simm.s32 $0x14480  }
0xb7: {  	[tilespmem:s18], [sflag:$0x4] =	stream.indirect_vreg.gather [hbm4b:s5+s3], $0x80, v3, vm0, $0xb8;
	[tilespmem:$0x18480] =	vst v63  }
0xb8: {  	s22 =	simm.s32 $0x14C80  }
0xb9: {  	[tilespmem:s22], [sflag:$0x4] =	stream.indirect_vreg.gather [hbm4b:s6+s3], $0x80, v3, vm0, $0xb8;
	[tilespmem:$0x18480] =	vst v63  }
0xba: {  	v3 =	vld [tilespmem:$0x70];
	_ =	sdelay $0x4  }
0xbb: {  	v59 =	vshrl.u32 v3, $0x3  }
0xbc: {  	v4 =	vmul.u32 $0x30, v59  }
0xbd: {  	v3 =	vand.u32 $0x7, v3  }
0xbe: {  	v3 =	vor.u32 v3, v4  }
0xbf: {  	v4 =	vperm.xlane v3, v0;
	_ =	sdelay $0x1  }
0xc0: {  	v4 =	vadd.s32 v1, v4;
	_ =	sdelay $0x3  }
0xc1: {  	s18 =	simm.s32 $0x15480;
	v3 =	vperm.xlane v3, v2  }
0xc2: {  	[tilespmem:s18], [sflag:$0x4] =	stream.indirect_vreg.gather [hbm4b:s2+s3], $0x80, v4, vm0, $0xb8;
	[tilespmem:$0x18480] =	vst v63  }
0xc3: {  	s22 =	simm.s32 $0x15C80;
	v3 =	vadd.s32 v1, v3  }
0xc4: {  	[tilespmem:s22], [sflag:$0x4] =	stream.indirect_vreg.gather [hbm4b:s5+s3], $0x80, v4, vm0, $0xb8;
	[tilespmem:$0x18480] =	vst v63  }
0xc5: {  	s18 =	simm.s32 $0x16480  }
0xc6: {  	[tilespmem:s18], [sflag:$0x4] =	stream.indirect_vreg.gather [hbm4b:s6+s3], $0x80, v4, vm0, $0xb8;
	[tilespmem:$0x18480] =	vst v63  }
0xc7: {  	s22 =	simm.s32 $0x16C80  }
0xc8: {  	[tilespmem:s22], [sflag:$0x4] =	stream.indirect_vreg.gather [hbm4b:s2+s3], $0x80, v3, vm0, $0xb8;
	[tilespmem:$0x18480] =	vst v63  }
0xc9: {  	s18 =	simm.s32 $0x17480  }
0xca: {  	[tilespmem:s18], [sflag:$0x4] =	stream.indirect_vreg.gather [hbm4b:s5+s3], $0x80, v3, vm0, $0xb8;
	[tilespmem:$0x18480] =	vst v63  }
0xcb: {  	s22 =	simm.s32 $0x17C80  }
0xcc: {  	[tilespmem:s22], [sflag:$0x4] =	stream.indirect_vreg.gather [hbm4b:s6+s3], $0x80, v3, vm0, $0xb8;
	[tilespmem:$0x18480] =	vst v63  }
0xcd: {  	_ =	swait.ge [sflag:s10], $0x6000  }
0xce: {  	s0 =	sld [smem:$0x7FC]  }
0xcf: {  	[sflag:s10] =	ssyncset.done $0x0  }
0xd0: {  	s22 =	simm.s32 $0x480;
	[sflag:s10] =	ssyncadd.s32 $0xFFFFA000  }
0xd1: {  	[hbm4b:s0+s3] =	stream.linear.scatter [tilespmem:s22], [sflag:$0x5], $0x6000, $0x38;
	[tilespmem:$0x18480] =	vst v63  }
0xd2: {  	_ =	swait.ge [sflag:s11], $0x6000  }
0xd3: {  	[sflag:s11] =	ssyncset.done $0x0  }
0xd4: {  	[sflag:s11] =	ssyncadd.s32 $0xFFFFA000  }
0xd5: {  	v3 =	vld [tilespmem:$0x80];
	_ =	sdelay $0x4  }
0xd6: {  	v60 =	vshrl.u32 v3, $0x3  }
0xd7: {  	v4 =	vmul.u32 $0x30, v60  }
0xd8: {  	v3 =	vand.u32 $0x7, v3  }
0xd9: {  	v3 =	vor.u32 v3, v4  }
0xda: {  	v4 =	vperm.xlane v3, v0;
	_ =	sdelay $0x1  }
0xdb: {  	v4 =	vadd.s32 v1, v4;
	_ =	sdelay $0x3  }
0xdc: {  	v3 =	vperm.xlane v3, v2  }
0xdd: {  	[tilespmem:s22], [sflag:$0x1] =	stream.indirect_vreg.gather [hbm4b:s2+s3], $0x80, v4, vm0, $0xb8;
	[tilespmem:$0x18480] =	vst v63  }
0xde: {  	s20 =	simm.s32 $0xC80;
	v3 =	vadd.s32 v1, v3  }
0xdf: {  	[tilespmem:s20], [sflag:$0x1] =	stream.indirect_vreg.gather [hbm4b:s5+s3], $0x80, v4, vm0, $0xb8;
	[tilespmem:$0x18480] =	vst v63  }
0xe0: {  	s14 =	simm.s32 $0x1480  }
0xe1: {  	[tilespmem:s14], [sflag:$0x1] =	stream.indirect_vreg.gather [hbm4b:s6+s3], $0x80, v4, vm0, $0xb8;
	[tilespmem:$0x18480] =	vst v63  }
0xe2: {  	s8 =	simm.s32 $0x1C80  }
0xe3: {  	[tilespmem:s8], [sflag:$0x1] =	stream.indirect_vreg.gather [hbm4b:s2+s3], $0x80, v3, vm0, $0xb8;
	[tilespmem:$0x18480] =	vst v63  }
0xe4: {  	s4 =	simm.s32 $0x2480  }
0xe5: {  	[tilespmem:s4], [sflag:$0x1] =	stream.indirect_vreg.gather [hbm4b:s5+s3], $0x80, v3, vm0, $0xb8;
	[tilespmem:$0x18480] =	vst v63  }
0xe6: {  	s7 =	simm.s32 $0x2C80  }
0xe7: {  	[tilespmem:s7], [sflag:$0x1] =	stream.indirect_vreg.gather [hbm4b:s6+s3], $0x80, v3, vm0, $0xb8;
	[tilespmem:$0x18480] =	vst v63  }
0xe8: {  	v3 =	vld [tilespmem:$0x90];
	_ =	sdelay $0x4  }
0xe9: {  	v61 =	vshrl.u32 v3, $0x3  }
0xea: {  	v4 =	vmul.u32 $0x30, v61  }
0xeb: {  	v3 =	vand.u32 $0x7, v3  }
0xec: {  	v3 =	vor.u32 v3, v4  }
0xed: {  	v4 =	vperm.xlane v3, v0;
	_ =	sdelay $0x1  }
0xee: {  	v4 =	vadd.s32 v1, v4;
	_ =	sdelay $0x3  }
0xef: {  	s9 =	simm.s32 $0x3480;
	v3 =	vperm.xlane v3, v2  }
0xf0: {  	[tilespmem:s9], [sflag:$0x1] =	stream.indirect_vreg.gather [hbm4b:s2+s3], $0x80, v4, vm0, $0xb8;
	[tilespmem:$0x18480] =	vst v63  }
0xf1: {  	v3 =	vadd.s32 v1, v3;
	s9 =	simm.s32 $0x3C80  }
0xf2: {  	[tilespmem:s9], [sflag:$0x1] =	stream.indirect_vreg.gather [hbm4b:s5+s3], $0x80, v4, vm0, $0xb8;
	[tilespmem:$0x18480] =	vst v63  }
0xf3: {  	s7 =	simm.s32 $0x4480  }
0xf4: {  	[tilespmem:s7], [sflag:$0x1] =	stream.indirect_vreg.gather [hbm4b:s6+s3], $0x80, v4, vm0, $0xb8;
	[tilespmem:$0x18480] =	vst v63  }
0xf5: {  	s4 =	simm.s32 $0x4C80  }
0xf6: {  	[tilespmem:s4], [sflag:$0x1] =	stream.indirect_vreg.gather [hbm4b:s2+s3], $0x80, v3, vm0, $0xb8;
	[tilespmem:$0x18480] =	vst v63  }
0xf7: {  	s20 =	simm.s32 $0x5480  }
0xf8: {  	[tilespmem:s20], [sflag:$0x1] =	stream.indirect_vreg.gather [hbm4b:s5+s3], $0x80, v3, vm0, $0xb8;
	[tilespmem:$0x18480] =	vst v63  }
0xf9: {  	s22 =	simm.s32 $0x5C80  }
0xfa: {  	[tilespmem:s22], [sflag:$0x1] =	stream.indirect_vreg.gather [hbm4b:s6+s3], $0x80, v3, vm0, $0xb8;
	[tilespmem:$0x18480] =	vst v63  }
0xfb: {  	_ =	swait.ge [sflag:s12], $0x6000  }
0xfc: {  	[sflag:s12] =	ssyncset.done $0x0  }
0xfd: {  	s1 =	simm.s32 $0x6480;
	s0 =	rddreg [dreg:$0x5];
	[sflag:s12] =	ssyncadd.s32 $0xFFFFA000  }
0xfe: {  	[hbm4b:s0+s3] =	stream.linear.scatter [tilespmem:s1], [sflag:$0x6], $0x6000, $0x38;
	[tilespmem:$0x18480] =	vst v63  }
0xff: {  	_ =	swait.ge [sflag:s13], $0x6000  }
0x100: {  	[sflag:s13] =	ssyncset.done $0x0  }
0x101: {  	[sflag:s13] =	ssyncadd.s32 $0xFFFFA000  }
0x102: {  	v3 =	vld [tilespmem:$0xA0];
	_ =	sdelay $0x4  }
0x103: {  	v62 =	vshrl.u32 v3, $0x3  }
0x104: {  	v4 =	vmul.u32 $0x30, v62  }
0x105: {  	v3 =	vand.u32 $0x7, v3  }
0x106: {  	v3 =	vor.u32 v3, v4  }
0x107: {  	v4 =	vperm.xlane v3, v0;
	_ =	sdelay $0x1  }
0x108: {  	v4 =	vadd.s32 v1, v4;
	_ =	sdelay $0x3  }
0x109: {  	v3 =	vperm.xlane v3, v2  }
0x10a: {  	[tilespmem:s1], [sflag:$0x2] =	stream.indirect_vreg.gather [hbm4b:s2+s3], $0x80, v4, vm0, $0xb8;
	[tilespmem:$0x18480] =	vst v63  }
0x10b: {  	s0 =	simm.s32 $0x6C80;
	v3 =	vadd.s32 v1, v3  }
0x10c: {  	[tilespmem:s0], [sflag:$0x2] =	stream.indirect_vreg.gather [hbm4b:s5+s3], $0x80, v4, vm0, $0xb8;
	[tilespmem:$0x18480] =	vst v63  }
0x10d: {  	s8 =	simm.s32 $0x7480  }
0x10e: {  	[tilespmem:s8], [sflag:$0x2] =	stream.indirect_vreg.gather [hbm4b:s6+s3], $0x80, v4, vm0, $0xb8;
	[tilespmem:$0x18480] =	vst v63  }
0x10f: {  	s14 =	simm.s32 $0x7C80  }
0x110: {  	[tilespmem:s14], [sflag:$0x2] =	stream.indirect_vreg.gather [hbm4b:s2+s3], $0x80, v3, vm0, $0xb8;
	[tilespmem:$0x18480] =	vst v63  }
0x111: {  	s18 =	simm.s32 $0x8480  }
0x112: {  	[tilespmem:s18], [sflag:$0x2] =	stream.indirect_vreg.gather [hbm4b:s5+s3], $0x80, v3, vm0, $0xb8;
	[tilespmem:$0x18480] =	vst v63  }
0x113: {  	s24 =	simm.s32 $0x8C80  }
0x114: {  	[tilespmem:s24], [sflag:$0x2] =	stream.indirect_vreg.gather [hbm4b:s6+s3], $0x80, v3, vm0, $0xb8;
	[tilespmem:$0x18480] =	vst v63  }
0x115: {  	v3 =	vld [tilespmem:$0xB0];
	_ =	sdelay $0x4  }
0x116: {  	v63 =	vshrl.u32 v3, $0x3  }
0x117: {  	v4 =	vmul.u32 $0x30, v63  }
0x118: {  	v3 =	vand.u32 $0x7, v3  }
0x119: {  	v3 =	vor.u32 v3, v4  }
0x11a: {  	v4 =	vperm.xlane v3, v0;
	_ =	sdelay $0x1  }
0x11b: {  	v4 =	vadd.s32 v1, v4;
	_ =	sdelay $0x3  }
0x11c: {  	s25 =	simm.s32 $0x9480;
	v3 =	vperm.xlane v3, v2  }
0x11d: {  	[tilespmem:s25], [sflag:$0x2] =	stream.indirect_vreg.gather [hbm4b:s2+s3], $0x80, v4, vm0, $0xb8;
	[tilespmem:$0x18480] =	vst v63  }
0x11e: {  	s8 =	simm.s32 $0x9C80;
	v3 =	vadd.s32 v1, v3  }
0x11f: {  	[tilespmem:s8], [sflag:$0x2] =	stream.indirect_vreg.gather [hbm4b:s5+s3], $0x80, v4, vm0, $0xb8;
	[tilespmem:$0x18480] =	vst v63  }
0x120: {  	s14 =	simm.s32 $0xA480  }
0x121: {  	[tilespmem:s14], [sflag:$0x2] =	stream.indirect_vreg.gather [hbm4b:s6+s3], $0x80, v4, vm0, $0xb8;
	[tilespmem:$0x18480] =	vst v63  }
0x122: {  	s18 =	simm.s32 $0xAC80  }
0x123: {  	[tilespmem:s18], [sflag:$0x2] =	stream.indirect_vreg.gather [hbm4b:s2+s3], $0x80, v3, vm0, $0xb8;
	[tilespmem:$0x18480] =	vst v63  }
0x124: {  	s23 =	simm.s32 $0xB480  }
0x125: {  	[tilespmem:s23], [sflag:$0x2] =	stream.indirect_vreg.gather [hbm4b:s5+s3], $0x80, v3, vm0, $0xb8;
	[tilespmem:$0x18480] =	vst v63  }
0x126: {  	s26 =	simm.s32 $0xBC80  }
0x127: {  	[tilespmem:s26], [sflag:$0x2] =	stream.indirect_vreg.gather [hbm4b:s6+s3], $0x80, v3, vm0, $0xb8;
	[tilespmem:$0x18480] =	vst v63  }
0x128: {  	_ =	swait.ge [sflag:s19], $0x6000  }
0x129: {  	[sflag:s19] =	ssyncset.done $0x0  }
0x12a: {  	s25 =	simm.s32 $0xC480;
	s24 =	rddreg [dreg:$0x6];
	[sflag:s19] =	ssyncadd.s32 $0xFFFFA000  }
0x12b: {  	[hbm4b:s24+s3] =	stream.linear.scatter [tilespmem:s25], [sflag:$0x7], $0x6000, $0x38;
	[tilespmem:$0x18480] =	vst v63  }
0x12c: {  	_ =	swait.ge [sflag:s15], $0x6000  }
0x12d: {  	[sflag:s15] =	ssyncset.done $0x0  }
0x12e: {  	[sflag:s15] =	ssyncadd.s32 $0xFFFFA000  }
0x12f: {  	v3 =	vld [tilespmem:$0xC0];
	_ =	sdelay $0x4  }
0x130: {  	v8 =	vshrl.u32 v3, $0x3  }
0x131: {  	v4 =	vmul.u32 $0x30, v8  }
0x132: {  	v3 =	vand.u32 $0x7, v3  }
0x133: {  	v3 =	vor.u32 v3, v4  }
0x134: {  	v4 =	vperm.xlane v3, v0;
	_ =	sdelay $0x1  }
0x135: {  	v4 =	vadd.s32 v1, v4;
	_ =	sdelay $0x3  }
0x136: {  	v3 =	vperm.xlane v3, v2  }
0x137: {  	[tilespmem:s25], [sflag:$0x3] =	stream.indirect_vreg.gather [hbm4b:s2+s3], $0x80, v4, vm0, $0xb8;
	[tilespmem:$0x18480] =	vst v63  }
0x138: {  	s26 =	simm.s32 $0xCC80;
	v3 =	vadd.s32 v1, v3  }
0x139: {  	[tilespmem:s26], [sflag:$0x3] =	stream.indirect_vreg.gather [hbm4b:s5+s3], $0x80, v4, vm0, $0xb8;
	[tilespmem:$0x18480] =	vst v63  }
0x13a: {  	s29 =	simm.s32 $0xD480  }
0x13b: {  	[tilespmem:s29], [sflag:$0x3] =	stream.indirect_vreg.gather [hbm4b:s6+s3], $0x80, v4, vm0, $0xb8;
	[tilespmem:$0x18480] =	vst v63  }
0x13c: {  	s8 =	simm.s32 $0xDC80  }
0x13d: {  	[tilespmem:s8], [sflag:$0x3] =	stream.indirect_vreg.gather [hbm4b:s2+s3], $0x80, v3, vm0, $0xb8;
	[tilespmem:$0x18480] =	vst v63  }
0x13e: {  	s18 =	simm.s32 $0xE480  }
0x13f: {  	[tilespmem:s18], [sflag:$0x3] =	stream.indirect_vreg.gather [hbm4b:s5+s3], $0x80, v3, vm0, $0xb8;
	[tilespmem:$0x18480] =	vst v63  }
0x140: {  	s31 =	simm.s32 $0xEC80  }
0x141: {  	[tilespmem:s31], [sflag:$0x3] =	stream.indirect_vreg.gather [hbm4b:s6+s3], $0x80, v3, vm0, $0xb8;
	[tilespmem:$0x18480] =	vst v63  }
0x142: {  	v3 =	vld [tilespmem:$0xD0];
	_ =	sdelay $0x4  }
0x143: {  	v9 =	vshrl.u32 v3, $0x3  }
0x144: {  	v4 =	vmul.u32 $0x30, v9  }
0x145: {  	v3 =	vand.u32 $0x7, v3  }
0x146: {  	v3 =	vor.u32 v3, v4  }
0x147: {  	v4 =	vperm.xlane v3, v0;
	_ =	sdelay $0x1  }
0x148: {  	v4 =	vadd.s32 v1, v4;
	_ =	sdelay $0x3  }
0x149: {  	s21 =	simm.s32 $0xF480;
	v3 =	vperm.xlane v3, v2  }
0x14a: {  	[tilespmem:s21], [sflag:$0x3] =	stream.indirect_vreg.gather [hbm4b:s2+s3], $0x80, v4, vm0, $0xb8;
	[tilespmem:$0x18480] =	vst v63  }
0x14b: {  	v3 =	vadd.s32 v1, v3;
	s21 =	simm.s32 $0xFC80  }
0x14c: {  	[tilespmem:s21], [sflag:$0x3] =	stream.indirect_vreg.gather [hbm4b:s5+s3], $0x80, v4, vm0, $0xb8;
	[tilespmem:$0x18480] =	vst v63  }
0x14d: {  	s23 =	simm.s32 $0x10480  }
0x14e: {  	[tilespmem:s23], [sflag:$0x3] =	stream.indirect_vreg.gather [hbm4b:s6+s3], $0x80, v4, vm0, $0xb8;
	[tilespmem:$0x18480] =	vst v63  }
0x14f: {  	s24 =	simm.s32 $0x10C80  }
0x150: {  	[tilespmem:s24], [sflag:$0x3] =	stream.indirect_vreg.gather [hbm4b:s2+s3], $0x80, v3, vm0, $0xb8;
	[tilespmem:$0x18480] =	vst v63  }
0x151: {  	s30 =	simm.s32 $0x11480  }
0x152: {  	[tilespmem:s30], [sflag:$0x3] =	stream.indirect_vreg.gather [hbm4b:s5+s3], $0x80, v3, vm0, $0xb8;
	[tilespmem:$0x18480] =	vst v63  }
0x153: {  	s28 =	simm.s32 $0x11C80  }
0x154: {  	[tilespmem:s28], [sflag:$0x3] =	stream.indirect_vreg.gather [hbm4b:s6+s3], $0x80, v3, vm0, $0xb8;
	[tilespmem:$0x18480] =	vst v63  }
0x155: {  	_ =	swait.ge [sflag:s16], $0x6000  }
0x156: {  	[sflag:s16] =	ssyncset.done $0x0  }
0x157: {  	s26 =	simm.s32 $0x12480;
	s25 =	rddreg [dreg:$0x7];
	[sflag:s16] =	ssyncadd.s32 $0xFFFFA000  }
0x158: {  	[hbm4b:s25+s3] =	stream.linear.scatter [tilespmem:s26], [sflag:$0x8], $0x6000, $0x38;
	[tilespmem:$0x18480] =	vst v63  }
0x159: {  	_ =	swait.ge [sflag:s17], $0x6000  }
0x15a: {  	[sflag:s17] =	ssyncset.done $0x0  }
0x15b: {  	[sflag:s17] =	ssyncadd.s32 $0xFFFFA000  }
0x15c: {  	v3 =	vld [tilespmem:$0xE0];
	_ =	sdelay $0x4  }
0x15d: {  	v10 =	vshrl.u32 v3, $0x3  }
0x15e: {  	v4 =	vmul.u32 $0x30, v10  }
0x15f: {  	v3 =	vand.u32 $0x7, v3  }
0x160: {  	v3 =	vor.u32 v3, v4  }
0x161: {  	v4 =	vperm.xlane v3, v0;
	_ =	sdelay $0x1  }
0x162: {  	v4 =	vadd.s32 v1, v4;
	_ =	sdelay $0x3  }
0x163: {  	v3 =	vperm.xlane v3, v2  }
0x164: {  	[tilespmem:s26], [sflag:$0x4] =	stream.indirect_vreg.gather [hbm4b:s2+s3], $0x80, v4, vm0, $0xb8;
	[tilespmem:$0x18480] =	vst v63  }
0x165: {  	s23 =	simm.s32 $0x12C80;
	v3 =	vadd.s32 v1, v3  }
0x166: {  	[tilespmem:s23], [sflag:$0x4] =	stream.indirect_vreg.gather [hbm4b:s5+s3], $0x80, v4, vm0, $0xb8;
	[tilespmem:$0x18480] =	vst v63  }
0x167: {  	s24 =	simm.s32 $0x13480  }
0x168: {  	[tilespmem:s24], [sflag:$0x4] =	stream.indirect_vreg.gather [hbm4b:s6+s3], $0x80, v4, vm0, $0xb8;
	[tilespmem:$0x18480] =	vst v63  }
0x169: {  	s25 =	simm.s32 $0x13C80  }
0x16a: {  	[tilespmem:s25], [sflag:$0x4] =	stream.indirect_vreg.gather [hbm4b:s2+s3], $0x80, v3, vm0, $0xb8;
	[tilespmem:$0x18480] =	vst v63  }
0x16b: {  	s26 =	simm.s32 $0x14480  }
0x16c: {  	[tilespmem:s26], [sflag:$0x4] =	stream.indirect_vreg.gather [hbm4b:s5+s3], $0x80, v3, vm0, $0xb8;
	[tilespmem:$0x18480] =	vst v63  }
0x16d: {  	s28 =	simm.s32 $0x14C80  }
0x16e: {  	[tilespmem:s28], [sflag:$0x4] =	stream.indirect_vreg.gather [hbm4b:s6+s3], $0x80, v3, vm0, $0xb8;
	[tilespmem:$0x18480] =	vst v63  }
0x16f: {  	v3 =	vld [tilespmem:$0xF0];
	_ =	sdelay $0x4  }
0x170: {  	v11 =	vshrl.u32 v3, $0x3  }
0x171: {  	v4 =	vmul.u32 $0x30, v11  }
0x172: {  	v3 =	vand.u32 $0x7, v3  }
0x173: {  	v3 =	vor.u32 v3, v4  }
0x174: {  	v4 =	vperm.xlane v3, v0;
	_ =	sdelay $0x1  }
0x175: {  	v4 =	vadd.s32 v1, v4;
	_ =	sdelay $0x3  }
0x176: {  	s21 =	simm.s32 $0x15480;
	v3 =	vperm.xlane v3, v2  }
0x177: {  	[tilespmem:s21], [sflag:$0x4] =	stream.indirect_vreg.gather [hbm4b:s2+s3], $0x80, v4, vm0, $0xb8;
	[tilespmem:$0x18480] =	vst v63  }
0x178: {  	s28 =	simm.s32 $0x15C80;
	v3 =	vadd.s32 v1, v3  }
0x179: {  	[tilespmem:s28], [sflag:$0x4] =	stream.indirect_vreg.gather [hbm4b:s5+s3], $0x80, v4, vm0, $0xb8;
	[tilespmem:$0x18480] =	vst v63  }
0x17a: {  	s1 =	simm.s32 $0x16480  }
0x17b: {  	[tilespmem:s1], [sflag:$0x4] =	stream.indirect_vreg.gather [hbm4b:s6+s3], $0x80, v4, vm0, $0xb8;
	[tilespmem:$0x18480] =	vst v63  }
0x17c: {  	s29 =	simm.s32 $0x16C80  }
0x17d: {  	[tilespmem:s29], [sflag:$0x4] =	stream.indirect_vreg.gather [hbm4b:s2+s3], $0x80, v3, vm0, $0xb8;
	[tilespmem:$0x18480] =	vst v63  }
0x17e: {  	s30 =	simm.s32 $0x17480  }
0x17f: {  	[tilespmem:s30], [sflag:$0x4] =	stream.indirect_vreg.gather [hbm4b:s5+s3], $0x80, v3, vm0, $0xb8;
	[tilespmem:$0x18480] =	vst v63  }
0x180: {  	s29 =	simm.s32 $0x17C80  }
0x181: {  	[tilespmem:s29], [sflag:$0x4] =	stream.indirect_vreg.gather [hbm4b:s6+s3], $0x80, v3, vm0, $0xb8;
	[tilespmem:$0x18480] =	vst v63  }
0x182: {  	_ =	swait.ge [sflag:s10], $0x6000  }
0x183: {  	[sflag:s10] =	ssyncset.done $0x0  }
0x184: {  	s8 =	simm.s32 $0x480;
	s31 =	rddreg [dreg:$0x8];
	[sflag:s10] =	ssyncadd.s32 $0xFFFFA000  }
0x185: {  	[hbm4b:s31+s3] =	stream.linear.scatter [tilespmem:s8], [sflag:$0x5], $0x6000, $0x38;
	[tilespmem:$0x18480] =	vst v63  }
0x186: {  	_ =	swait.ge [sflag:s11], $0x6000  }
0x187: {  	[sflag:s11] =	ssyncset.done $0x0  }
0x188: {  	[sflag:s11] =	ssyncadd.s32 $0xFFFFA000  }
0x189: {  	v3 =	vld [tilespmem:$0x100];
	_ =	sdelay $0x4  }
0x18a: {  	v12 =	vshrl.u32 v3, $0x3  }
0x18b: {  	v4 =	vmul.u32 $0x30, v12  }
0x18c: {  	v3 =	vand.u32 $0x7, v3  }
0x18d: {  	v3 =	vor.u32 v3, v4  }
0x18e: {  	v4 =	vperm.xlane v3, v0;
	_ =	sdelay $0x1  }
0x18f: {  	v4 =	vadd.s32 v1, v4;
	_ =	sdelay $0x3  }
0x190: {  	v3 =	vperm.xlane v3, v2  }
0x191: {  	[tilespmem:s8], [sflag:$0x1] =	stream.indirect_vreg.gather [hbm4b:s2+s3], $0x80, v4, vm0, $0xb8;
	[tilespmem:$0x18480] =	vst v63  }
0x192: {  	s30 =	simm.s32 $0xC80;
	v3 =	vadd.s32 v1, v3  }
0x193: {  	[tilespmem:s30], [sflag:$0x1] =	stream.indirect_vreg.gather [hbm4b:s5+s3], $0x80, v4, vm0, $0xb8;
	[tilespmem:$0x18480] =	vst v63  }
0x194: {  	s31 =	simm.s32 $0x1480  }
0x195: {  	[tilespmem:s31], [sflag:$0x1] =	stream.indirect_vreg.gather [hbm4b:s6+s3], $0x80, v4, vm0, $0xb8;
	[tilespmem:$0x18480] =	vst v63  }
0x196: {  	s18 =	simm.s32 $0x1C80  }
0x197: {  	[tilespmem:s18], [sflag:$0x1] =	stream.indirect_vreg.gather [hbm4b:s2+s3], $0x80, v3, vm0, $0xb8;
	[tilespmem:$0x18480] =	vst v63  }
0x198: {  	s30 =	simm.s32 $0x2480  }
0x199: {  	[tilespmem:s30], [sflag:$0x1] =	stream.indirect_vreg.gather [hbm4b:s5+s3], $0x80, v3, vm0, $0xb8;
	[tilespmem:$0x18480] =	vst v63  }
0x19a: {  	s31 =	simm.s32 $0x2C80  }
0x19b: {  	[tilespmem:s31], [sflag:$0x1] =	stream.indirect_vreg.gather [hbm4b:s6+s3], $0x80, v3, vm0, $0xb8;
	[tilespmem:$0x18480] =	vst v63  }
0x19c: {  	v3 =	vld [tilespmem:$0x110];
	_ =	sdelay $0x4  }
0x19d: {  	v13 =	vshrl.u32 v3, $0x3  }
0x19e: {  	v4 =	vmul.u32 $0x30, v13  }
0x19f: {  	v3 =	vand.u32 $0x7, v3  }
0x1a0: {  	v3 =	vor.u32 v3, v4  }
0x1a1: {  	v4 =	vperm.xlane v3, v0;
	_ =	sdelay $0x1  }
0x1a2: {  	v4 =	vadd.s32 v1, v4;
	_ =	sdelay $0x3  }
0x1a3: {  	s18 =	simm.s32 $0x3480;
	v3 =	vperm.xlane v3, v2  }
0x1a4: {  	[tilespmem:s18], [sflag:$0x1] =	stream.indirect_vreg.gather [hbm4b:s2+s3], $0x80, v4, vm0, $0xb8;
	[tilespmem:$0x18480] =	vst v63  }
0x1a5: {  	v3 =	vadd.s32 v1, v3  }
0x1a6: {  	[tilespmem:s9], [sflag:$0x1] =	stream.indirect_vreg.gather [hbm4b:s5+s3], $0x80, v4, vm0, $0xb8;
	[tilespmem:$0x18480] =	vst v63  }
0x1a7: {  	_ = 	snop  }
0x1a8: {  	[tilespmem:s7], [sflag:$0x1] =	stream.indirect_vreg.gather [hbm4b:s6+s3], $0x80, v4, vm0, $0xb8;
	[tilespmem:$0x18480] =	vst v63  }
0x1a9: {  	_ = 	snop  }
0x1aa: {  	[tilespmem:s4], [sflag:$0x1] =	stream.indirect_vreg.gather [hbm4b:s2+s3], $0x80, v3, vm0, $0xb8;
	[tilespmem:$0x18480] =	vst v63  }
0x1ab: {  	_ = 	snop  }
0x1ac: {  	[tilespmem:s20], [sflag:$0x1] =	stream.indirect_vreg.gather [hbm4b:s5+s3], $0x80, v3, vm0, $0xb8;
	[tilespmem:$0x18480] =	vst v63  }
0x1ad: {  	_ = 	snop  }
0x1ae: {  	[tilespmem:s22], [sflag:$0x1] =	stream.indirect_vreg.gather [hbm4b:s6+s3], $0x80, v3, vm0, $0xb8;
	[tilespmem:$0x18480] =	vst v63  }
0x1af: {  	_ =	swait.ge [sflag:s12], $0x6000  }
0x1b0: {  	[sflag:s12] =	ssyncset.done $0x0  }
0x1b1: {  	s22 =	simm.s32 $0x6480;
	s20 =	rddreg [dreg:$0x9];
	[sflag:s12] =	ssyncadd.s32 $0xFFFFA000  }
0x1b2: {  	[hbm4b:s20+s3] =	stream.linear.scatter [tilespmem:s22], [sflag:$0x6], $0x6000, $0x38;
	[tilespmem:$0x18480] =	vst v63  }
0x1b3: {  	_ =	swait.ge [sflag:s13], $0x6000  }
0x1b4: {  	[sflag:s13] =	ssyncset.done $0x0  }
0x1b5: {  	[sflag:s13] =	ssyncadd.s32 $0xFFFFA000  }
0x1b6: {  	v3 =	vld [tilespmem:$0x120];
	_ =	sdelay $0x4  }
0x1b7: {  	v14 =	vshrl.u32 v3, $0x3  }
0x1b8: {  	v4 =	vmul.u32 $0x30, v14  }
0x1b9: {  	v3 =	vand.u32 $0x7, v3  }
0x1ba: {  	v3 =	vor.u32 v3, v4  }
0x1bb: {  	v4 =	vperm.xlane v3, v0;
	_ =	sdelay $0x1  }
0x1bc: {  	v4 =	vadd.s32 v1, v4;
	_ =	sdelay $0x3  }
0x1bd: {  	v3 =	vperm.xlane v3, v2  }
0x1be: {  	[tilespmem:s22], [sflag:$0x2] =	stream.indirect_vreg.gather [hbm4b:s2+s3], $0x80, v4, vm0, $0xb8;
	[tilespmem:$0x18480] =	vst v63  }
0x1bf: {  	v3 =	vadd.s32 v1, v3  }
0x1c0: {  	[tilespmem:s0], [sflag:$0x2] =	stream.indirect_vreg.gather [hbm4b:s5+s3], $0x80, v4, vm0, $0xb8;
	[tilespmem:$0x18480] =	vst v63  }
0x1c1: {  	s30 =	simm.s32 $0x7480  }
0x1c2: {  	[tilespmem:s30], [sflag:$0x2] =	stream.indirect_vreg.gather [hbm4b:s6+s3], $0x80, v4, vm0, $0xb8;
	[tilespmem:$0x18480] =	vst v63  }
0x1c3: {  	s31 =	simm.s32 $0x7C80  }
0x1c4: {  	[tilespmem:s31], [sflag:$0x2] =	stream.indirect_vreg.gather [hbm4b:s2+s3], $0x80, v3, vm0, $0xb8;
	[tilespmem:$0x18480] =	vst v63  }
0x1c5: {  	s7 =	simm.s32 $0x8480  }
0x1c6: {  	[tilespmem:s7], [sflag:$0x2] =	stream.indirect_vreg.gather [hbm4b:s5+s3], $0x80, v3, vm0, $0xb8;
	[tilespmem:$0x18480] =	vst v63  }
0x1c7: {  	s8 =	simm.s32 $0x8C80  }
0x1c8: {  	[tilespmem:s8], [sflag:$0x2] =	stream.indirect_vreg.gather [hbm4b:s6+s3], $0x80, v3, vm0, $0xb8;
	[tilespmem:$0x18480] =	vst v63  }
0x1c9: {  	v3 =	vld [tilespmem:$0x130];
	_ =	sdelay $0x4  }
0x1ca: {  	v15 =	vshrl.u32 v3, $0x3  }
0x1cb: {  	v4 =	vmul.u32 $0x30, v15  }
0x1cc: {  	v3 =	vand.u32 $0x7, v3  }
0x1cd: {  	v3 =	vor.u32 v3, v4  }
0x1ce: {  	v4 =	vperm.xlane v3, v0;
	_ =	sdelay $0x1  }
0x1cf: {  	v4 =	vadd.s32 v1, v4;
	_ =	sdelay $0x3  }
0x1d0: {  	s9 =	simm.s32 $0x9480;
	v3 =	vperm.xlane v3, v2  }
0x1d1: {  	[tilespmem:s9], [sflag:$0x2] =	stream.indirect_vreg.gather [hbm4b:s2+s3], $0x80, v4, vm0, $0xb8;
	[tilespmem:$0x18480] =	vst v63  }
0x1d2: {  	s18 =	simm.s32 $0x9C80;
	v3 =	vadd.s32 v1, v3  }
0x1d3: {  	[tilespmem:s18], [sflag:$0x2] =	stream.indirect_vreg.gather [hbm4b:s5+s3], $0x80, v4, vm0, $0xb8;
	[tilespmem:$0x18480] =	vst v63  }
0x1d4: {  	s20 =	simm.s32 $0xA480  }
0x1d5: {  	[tilespmem:s20], [sflag:$0x2] =	stream.indirect_vreg.gather [hbm4b:s6+s3], $0x80, v4, vm0, $0xb8;
	[tilespmem:$0x18480] =	vst v63  }
0x1d6: {  	s22 =	simm.s32 $0xAC80  }
0x1d7: {  	[tilespmem:s22], [sflag:$0x2] =	stream.indirect_vreg.gather [hbm4b:s2+s3], $0x80, v3, vm0, $0xb8;
	[tilespmem:$0x18480] =	vst v63  }
0x1d8: {  	s30 =	simm.s32 $0xB480  }
0x1d9: {  	[tilespmem:s30], [sflag:$0x2] =	stream.indirect_vreg.gather [hbm4b:s5+s3], $0x80, v3, vm0, $0xb8;
	[tilespmem:$0x18480] =	vst v63  }
0x1da: {  	s31 =	simm.s32 $0xBC80  }
0x1db: {  	[tilespmem:s31], [sflag:$0x2] =	stream.indirect_vreg.gather [hbm4b:s6+s3], $0x80, v3, vm0, $0xb8;
	[tilespmem:$0x18480] =	vst v63  }
0x1dc: {  	s0 =	sld [smem:$0x7F6];
	_ =	swait.ge [sflag:s19], $0x6000  }
0x1dd: {  	[sflag:s19] =	ssyncset.done $0x0  }
0x1de: {  	s8 =	simm.s32 $0xC480;
	s7 =	rddreg [dreg:$0xa];
	[sflag:s19] =	ssyncadd.s32 $0xFFFFA000  }
0x1df: {  	[hbm4b:s7+s3] =	stream.linear.scatter [tilespmem:s8], [sflag:$0x7], $0x6000, $0x38;
	[tilespmem:$0x18480] =	vst v63  }
0x1e0: {  	_ =	swait.ge [sflag:s15], $0x6000  }
0x1e1: {  	[sflag:s15] =	ssyncset.done $0x0  }
0x1e2: {  	[sflag:s15] =	ssyncadd.s32 $0xFFFFA000  }
0x1e3: {  	v3 =	vld [tilespmem:$0x140];
	_ =	sdelay $0x4  }
0x1e4: {  	v16 =	vshrl.u32 v3, $0x3  }
0x1e5: {  	v4 =	vmul.u32 $0x30, v16  }
0x1e6: {  	v3 =	vand.u32 $0x7, v3  }
0x1e7: {  	v3 =	vor.u32 v3, v4  }
0x1e8: {  	v4 =	vperm.xlane v3, v0;
	_ =	sdelay $0x1  }
0x1e9: {  	v4 =	vadd.s32 v1, v4;
	_ =	sdelay $0x3  }
0x1ea: {  	v3 =	vperm.xlane v3, v2  }
0x1eb: {  	[tilespmem:s8], [sflag:$0x3] =	stream.indirect_vreg.gather [hbm4b:s2+s3], $0x80, v4, vm0, $0xb8;
	[tilespmem:$0x18480] =	vst v63  }
0x1ec: {  	s14 =	simm.s32 $0xCC80;
	v3 =	vadd.s32 v1, v3  }
0x1ed: {  	[tilespmem:s14], [sflag:$0x3] =	stream.indirect_vreg.gather [hbm4b:s5+s3], $0x80, v4, vm0, $0xb8;
	[tilespmem:$0x18480] =	vst v63  }
0x1ee: {  	s8 =	simm.s32 $0xD480  }
0x1ef: {  	[tilespmem:s8], [sflag:$0x3] =	stream.indirect_vreg.gather [hbm4b:s6+s3], $0x80, v4, vm0, $0xb8;
	[tilespmem:$0x18480] =	vst v63  }
0x1f0: {  	s9 =	simm.s32 $0xDC80  }
0x1f1: {  	[tilespmem:s9], [sflag:$0x3] =	stream.indirect_vreg.gather [hbm4b:s2+s3], $0x80, v3, vm0, $0xb8;
	[tilespmem:$0x18480] =	vst v63  }
0x1f2: {  	s9 =	simm.s32 $0xE480  }
0x1f3: {  	[tilespmem:s9], [sflag:$0x3] =	stream.indirect_vreg.gather [hbm4b:s5+s3], $0x80, v3, vm0, $0xb8;
	[tilespmem:$0x18480] =	vst v63  }
0x1f4: {  	s31 =	simm.s32 $0xEC80  }
0x1f5: {  	[tilespmem:s31], [sflag:$0x3] =	stream.indirect_vreg.gather [hbm4b:s6+s3], $0x80, v3, vm0, $0xb8;
	[tilespmem:$0x18480] =	vst v63  }
0x1f6: {  	v3 =	vld [tilespmem:$0x150];
	_ =	sdelay $0x4  }
0x1f7: {  	v17 =	vshrl.u32 v3, $0x3  }
0x1f8: {  	v4 =	vmul.u32 $0x30, v17  }
0x1f9: {  	v3 =	vand.u32 $0x7, v3  }
0x1fa: {  	v3 =	vor.u32 v3, v4  }
0x1fb: {  	v4 =	vperm.xlane v3, v0;
	_ =	sdelay $0x1  }
0x1fc: {  	v4 =	vadd.s32 v1, v4;
	_ =	sdelay $0x3  }
0x1fd: {  	s14 =	simm.s32 $0xF480;
	v3 =	vperm.xlane v3, v2  }
0x1fe: {  	[tilespmem:s14], [sflag:$0x3] =	stream.indirect_vreg.gather [hbm4b:s2+s3], $0x80, v4, vm0, $0xb8;
	[tilespmem:$0x18480] =	vst v63  }
0x1ff: {  	s4 =	simm.s32 $0xFC80;
	v3 =	vadd.s32 v1, v3  }
0x200: {  	[tilespmem:s4], [sflag:$0x3] =	stream.indirect_vreg.gather [hbm4b:s5+s3], $0x80, v4, vm0, $0xb8;
	[tilespmem:$0x18480] =	vst v63  }
0x201: {  	s20 =	simm.s32 $0x10480  }
0x202: {  	[tilespmem:s20], [sflag:$0x3] =	stream.indirect_vreg.gather [hbm4b:s6+s3], $0x80, v4, vm0, $0xb8;
	[tilespmem:$0x18480] =	vst v63  }
0x203: {  	s22 =	simm.s32 $0x10C80  }
0x204: {  	[tilespmem:s22], [sflag:$0x3] =	stream.indirect_vreg.gather [hbm4b:s2+s3], $0x80, v3, vm0, $0xb8;
	[tilespmem:$0x18480] =	vst v63  }
0x205: {  	s30 =	simm.s32 $0x11480  }
0x206: {  	[tilespmem:s30], [sflag:$0x3] =	stream.indirect_vreg.gather [hbm4b:s5+s3], $0x80, v3, vm0, $0xb8;
	[tilespmem:$0x18480] =	vst v63  }
0x207: {  	s18 =	simm.s32 $0x11C80  }
0x208: {  	[tilespmem:s18], [sflag:$0x3] =	stream.indirect_vreg.gather [hbm4b:s6+s3], $0x80, v3, vm0, $0xb8;
	[tilespmem:$0x18480] =	vst v63  }
0x209: {  	_ =	swait.ge [sflag:s16], $0x6000  }
0x20a: {  	[sflag:s16] =	ssyncset.done $0x0  }
0x20b: {  	s7 =	simm.s32 $0x12480;
	s14 =	rddreg [dreg:$0xb];
	[sflag:s16] =	ssyncadd.s32 $0xFFFFA000  }
0x20c: {  	[hbm4b:s14+s3] =	stream.linear.scatter [tilespmem:s7], [sflag:$0x8], $0x6000, $0x38;
	[tilespmem:$0x18480] =	vst v63  }
0x20d: {  	_ =	swait.ge [sflag:s17], $0x6000  }
0x20e: {  	[sflag:s17] =	ssyncset.done $0x0  }
0x20f: {  	[sflag:s17] =	ssyncadd.s32 $0xFFFFA000  }
0x210: {  	v3 =	vld [tilespmem:$0x160];
	_ =	sdelay $0x4  }
0x211: {  	v18 =	vshrl.u32 v3, $0x3  }
0x212: {  	v4 =	vmul.u32 $0x30, v18  }
0x213: {  	v3 =	vand.u32 $0x7, v3  }
0x214: {  	v3 =	vor.u32 v3, v4  }
0x215: {  	v4 =	vperm.xlane v3, v0;
	_ =	sdelay $0x1  }
0x216: {  	v4 =	vadd.s32 v1, v4;
	_ =	sdelay $0x3  }
0x217: {  	v3 =	vperm.xlane v3, v2  }
0x218: {  	[tilespmem:s7], [sflag:$0x4] =	stream.indirect_vreg.gather [hbm4b:s2+s3], $0x80, v4, vm0, $0xb8;
	[tilespmem:$0x18480] =	vst v63  }
0x219: {  	v3 =	vadd.s32 v1, v3  }
0x21a: {  	[tilespmem:s23], [sflag:$0x4] =	stream.indirect_vreg.gather [hbm4b:s5+s3], $0x80, v4, vm0, $0xb8;
	[tilespmem:$0x18480] =	vst v63  }
0x21b: {  	_ = 	snop  }
0x21c: {  	[tilespmem:s24], [sflag:$0x4] =	stream.indirect_vreg.gather [hbm4b:s6+s3], $0x80, v4, vm0, $0xb8;
	[tilespmem:$0x18480] =	vst v63  }
0x21d: {  	_ = 	snop  }
0x21e: {  	[tilespmem:s25], [sflag:$0x4] =	stream.indirect_vreg.gather [hbm4b:s2+s3], $0x80, v3, vm0, $0xb8;
	[tilespmem:$0x18480] =	vst v63  }
0x21f: {  	_ = 	snop  }
0x220: {  	[tilespmem:s26], [sflag:$0x4] =	stream.indirect_vreg.gather [hbm4b:s5+s3], $0x80, v3, vm0, $0xb8;
	[tilespmem:$0x18480] =	vst v63  }
0x221: {  	s7 =	simm.s32 $0x14C80  }
0x222: {  	[tilespmem:s7], [sflag:$0x4] =	stream.indirect_vreg.gather [hbm4b:s6+s3], $0x80, v3, vm0, $0xb8;
	[tilespmem:$0x18480] =	vst v63  }
0x223: {  	v3 =	vld [tilespmem:$0x170];
	_ =	sdelay $0x4  }
0x224: {  	v19 =	vshrl.u32 v3, $0x3  }
0x225: {  	v4 =	vmul.u32 $0x30, v19  }
0x226: {  	v3 =	vand.u32 $0x7, v3  }
0x227: {  	v3 =	vor.u32 v3, v4  }
0x228: {  	v4 =	vperm.xlane v3, v0;
	_ =	sdelay $0x1  }
0x229: {  	v4 =	vadd.s32 v1, v4;
	_ =	sdelay $0x3  }
0x22a: {  	v3 =	vperm.xlane v3, v2  }
0x22b: {  	[tilespmem:s21], [sflag:$0x4] =	stream.indirect_vreg.gather [hbm4b:s2+s3], $0x80, v4, vm0, $0xb8;
	[tilespmem:$0x18480] =	vst v63  }
0x22c: {  	v3 =	vadd.s32 v1, v3  }
0x22d: {  	[tilespmem:s28], [sflag:$0x4] =	stream.indirect_vreg.gather [hbm4b:s5+s3], $0x80, v4, vm0, $0xb8;
	[tilespmem:$0x18480] =	vst v63  }
0x22e: {  	_ = 	snop  }
0x22f: {  	[tilespmem:s1], [sflag:$0x4] =	stream.indirect_vreg.gather [hbm4b:s6+s3], $0x80, v4, vm0, $0xb8;
	[tilespmem:$0x18480] =	vst v63  }
0x230: {  	s26 =	simm.s32 $0x16C80  }
0x231: {  	[tilespmem:s26], [sflag:$0x4] =	stream.indirect_vreg.gather [hbm4b:s2+s3], $0x80, v3, vm0, $0xb8;
	[tilespmem:$0x18480] =	vst v63  }
0x232: {  	s28 =	simm.s32 $0x17480  }
0x233: {  	[tilespmem:s28], [sflag:$0x4] =	stream.indirect_vreg.gather [hbm4b:s5+s3], $0x80, v3, vm0, $0xb8;
	[tilespmem:$0x18480] =	vst v63  }
0x234: {  	_ = 	snop  }
0x235: {  	[tilespmem:s29], [sflag:$0x4] =	stream.indirect_vreg.gather [hbm4b:s6+s3], $0x80, v3, vm0, $0xb8;
	[tilespmem:$0x18480] =	vst v63  }
0x236: {  	_ =	swait.ge [sflag:s10], $0x6000  }
0x237: {  	[sflag:s10] =	ssyncset.done $0x0  }
0x238: {  	s21 =	simm.s32 $0x480;
	s14 =	rddreg [dreg:$0xc];
	[sflag:s10] =	ssyncadd.s32 $0xFFFFA000  }
0x239: {  	[hbm4b:s14+s3] =	stream.linear.scatter [tilespmem:s21], [sflag:$0x5], $0x6000, $0x38;
	[tilespmem:$0x18480] =	vst v63  }
0x23a: {  	_ =	swait.ge [sflag:s11], $0x6000  }
0x23b: {  	[sflag:s11] =	ssyncset.done $0x0  }
0x23c: {  	[sflag:s11] =	ssyncadd.s32 $0xFFFFA000  }
0x23d: {  	v3 =	vld [tilespmem:$0x180];
	_ =	sdelay $0x4  }
0x23e: {  	v20 =	vshrl.u32 v3, $0x3  }
0x23f: {  	v4 =	vmul.u32 $0x30, v20  }
0x240: {  	v3 =	vand.u32 $0x7, v3  }
0x241: {  	v3 =	vor.u32 v3, v4  }
0x242: {  	v4 =	vperm.xlane v3, v0;
	_ =	sdelay $0x1  }
0x243: {  	v4 =	vadd.s32 v1, v4;
	_ =	sdelay $0x3  }
0x244: {  	v3 =	vperm.xlane v3, v2  }
0x245: {  	[tilespmem:s21], [sflag:$0x1] =	stream.indirect_vreg.gather [hbm4b:s2+s3], $0x80, v4, vm0, $0xb8;
	[tilespmem:$0x18480] =	vst v63  }
0x246: {  	s23 =	simm.s32 $0xC80;
	v3 =	vadd.s32 v1, v3  }
0x247: {  	[tilespmem:s23], [sflag:$0x1] =	stream.indirect_vreg.gather [hbm4b:s5+s3], $0x80, v4, vm0, $0xb8;
	[tilespmem:$0x18480] =	vst v63  }
0x248: {  	s24 =	simm.s32 $0x1480  }
0x249: {  	[tilespmem:s24], [sflag:$0x1] =	stream.indirect_vreg.gather [hbm4b:s6+s3], $0x80, v4, vm0, $0xb8;
	[tilespmem:$0x18480] =	vst v63  }
0x24a: {  	s25 =	simm.s32 $0x1C80  }
0x24b: {  	[tilespmem:s25], [sflag:$0x1] =	stream.indirect_vreg.gather [hbm4b:s2+s3], $0x80, v3, vm0, $0xb8;
	[tilespmem:$0x18480] =	vst v63  }
0x24c: {  	s26 =	simm.s32 $0x2480  }
0x24d: {  	[tilespmem:s26], [sflag:$0x1] =	stream.indirect_vreg.gather [hbm4b:s5+s3], $0x80, v3, vm0, $0xb8;
	[tilespmem:$0x18480] =	vst v63  }
0x24e: {  	s28 =	simm.s32 $0x2C80  }
0x24f: {  	[tilespmem:s28], [sflag:$0x1] =	stream.indirect_vreg.gather [hbm4b:s6+s3], $0x80, v3, vm0, $0xb8;
	[tilespmem:$0x18480] =	vst v63  }
0x250: {  	v3 =	vld [tilespmem:$0x190];
	_ =	sdelay $0x4  }
0x251: {  	v21 =	vshrl.u32 v3, $0x3  }
0x252: {  	v4 =	vmul.u32 $0x30, v21  }
0x253: {  	v3 =	vand.u32 $0x7, v3  }
0x254: {  	v3 =	vor.u32 v3, v4  }
0x255: {  	v4 =	vperm.xlane v3, v0;
	_ =	sdelay $0x1  }
0x256: {  	v4 =	vadd.s32 v1, v4;
	_ =	sdelay $0x3  }
0x257: {  	s29 =	simm.s32 $0x3480;
	v3 =	vperm.xlane v3, v2  }
0x258: {  	[tilespmem:s29], [sflag:$0x1] =	stream.indirect_vreg.gather [hbm4b:s2+s3], $0x80, v4, vm0, $0xb8;
	[tilespmem:$0x18480] =	vst v63  }
0x259: {  	s14 =	simm.s32 $0x3C80;
	v3 =	vadd.s32 v1, v3  }
0x25a: {  	[tilespmem:s14], [sflag:$0x1] =	stream.indirect_vreg.gather [hbm4b:s5+s3], $0x80, v4, vm0, $0xb8;
	[tilespmem:$0x18480] =	vst v63  }
0x25b: {  	s18 =	simm.s32 $0x4480  }
0x25c: {  	[tilespmem:s18], [sflag:$0x1] =	stream.indirect_vreg.gather [hbm4b:s6+s3], $0x80, v4, vm0, $0xb8;
	[tilespmem:$0x18480] =	vst v63  }
0x25d: {  	s21 =	simm.s32 $0x4C80  }
0x25e: {  	[tilespmem:s21], [sflag:$0x1] =	stream.indirect_vreg.gather [hbm4b:s2+s3], $0x80, v3, vm0, $0xb8;
	[tilespmem:$0x18480] =	vst v63  }
0x25f: {  	s25 =	simm.s32 $0x5480  }
0x260: {  	[tilespmem:s25], [sflag:$0x1] =	stream.indirect_vreg.gather [hbm4b:s5+s3], $0x80, v3, vm0, $0xb8;
	[tilespmem:$0x18480] =	vst v63  }
0x261: {  	s23 =	simm.s32 $0x5C80  }
0x262: {  	[tilespmem:s23], [sflag:$0x1] =	stream.indirect_vreg.gather [hbm4b:s6+s3], $0x80, v3, vm0, $0xb8;
	[tilespmem:$0x18480] =	vst v63  }
0x263: {  	_ =	swait.ge [sflag:s12], $0x6000  }
0x264: {  	[sflag:s12] =	ssyncset.done $0x0  }
0x265: {  	s26 =	simm.s32 $0x6480;
	s24 =	rddreg [dreg:$0xd];
	[sflag:s12] =	ssyncadd.s32 $0xFFFFA000  }
0x266: {  	[hbm4b:s24+s3] =	stream.linear.scatter [tilespmem:s26], [sflag:$0x6], $0x6000, $0x38;
	[tilespmem:$0x18480] =	vst v63  }
0x267: {  	_ =	swait.ge [sflag:s13], $0x6000  }
0x268: {  	[sflag:s13] =	ssyncset.done $0x0  }
0x269: {  	[sflag:s13] =	ssyncadd.s32 $0xFFFFA000  }
0x26a: {  	v3 =	vld [tilespmem:$0x1A0];
	_ =	sdelay $0x4  }
0x26b: {  	v22 =	vshrl.u32 v3, $0x3  }
0x26c: {  	v4 =	vmul.u32 $0x30, v22  }
0x26d: {  	v3 =	vand.u32 $0x7, v3  }
0x26e: {  	v3 =	vor.u32 v3, v4  }
0x26f: {  	v4 =	vperm.xlane v3, v0;
	_ =	sdelay $0x1  }
0x270: {  	v4 =	vadd.s32 v1, v4;
	_ =	sdelay $0x3  }
0x271: {  	v3 =	vperm.xlane v3, v2  }
0x272: {  	[tilespmem:s26], [sflag:$0x2] =	stream.indirect_vreg.gather [hbm4b:s2+s3], $0x80, v4, vm0, $0xb8;
	[tilespmem:$0x18480] =	vst v63  }
0x273: {  	s14 =	simm.s32 $0x6C80;
	v3 =	vadd.s32 v1, v3  }
0x274: {  	[tilespmem:s14], [sflag:$0x2] =	stream.indirect_vreg.gather [hbm4b:s5+s3], $0x80, v4, vm0, $0xb8;
	[tilespmem:$0x18480] =	vst v63  }
0x275: {  	s21 =	simm.s32 $0x7480  }
0x276: {  	[tilespmem:s21], [sflag:$0x2] =	stream.indirect_vreg.gather [hbm4b:s6+s3], $0x80, v4, vm0, $0xb8;
	[tilespmem:$0x18480] =	vst v63  }
0x277: {  	s23 =	simm.s32 $0x7C80  }
0x278: {  	[tilespmem:s23], [sflag:$0x2] =	stream.indirect_vreg.gather [hbm4b:s2+s3], $0x80, v3, vm0, $0xb8;
	[tilespmem:$0x18480] =	vst v63  }
0x279: {  	s24 =	simm.s32 $0x8480  }
0x27a: {  	[tilespmem:s24], [sflag:$0x2] =	stream.indirect_vreg.gather [hbm4b:s5+s3], $0x80, v3, vm0, $0xb8;
	[tilespmem:$0x18480] =	vst v63  }
0x27b: {  	s28 =	simm.s32 $0x8C80  }
0x27c: {  	[tilespmem:s28], [sflag:$0x2] =	stream.indirect_vreg.gather [hbm4b:s6+s3], $0x80, v3, vm0, $0xb8;
	[tilespmem:$0x18480] =	vst v63  }
0x27d: {  	v3 =	vld [tilespmem:$0x1B0];
	_ =	sdelay $0x4  }
0x27e: {  	v23 =	vshrl.u32 v3, $0x3  }
0x27f: {  	v4 =	vmul.u32 $0x30, v23  }
0x280: {  	v3 =	vand.u32 $0x7, v3  }
0x281: {  	v3 =	vor.u32 v3, v4  }
0x282: {  	v4 =	vperm.xlane v3, v0;
	_ =	sdelay $0x1  }
0x283: {  	v4 =	vadd.s32 v1, v4;
	_ =	sdelay $0x3  }
0x284: {  	s29 =	simm.s32 $0x9480;
	v3 =	vperm.xlane v3, v2  }
0x285: {  	[tilespmem:s29], [sflag:$0x2] =	stream.indirect_vreg.gather [hbm4b:s2+s3], $0x80, v4, vm0, $0xb8;
	[tilespmem:$0x18480] =	vst v63  }
0x286: {  	s26 =	simm.s32 $0x9C80;
	v3 =	vadd.s32 v1, v3  }
0x287: {  	[tilespmem:s26], [sflag:$0x2] =	stream.indirect_vreg.gather [hbm4b:s5+s3], $0x80, v4, vm0, $0xb8;
	[tilespmem:$0x18480] =	vst v63  }
0x288: {  	s28 =	simm.s32 $0xA480  }
0x289: {  	[tilespmem:s28], [sflag:$0x2] =	stream.indirect_vreg.gather [hbm4b:s6+s3], $0x80, v4, vm0, $0xb8;
	[tilespmem:$0x18480] =	vst v63  }
0x28a: {  	s29 =	simm.s32 $0xAC80  }
0x28b: {  	[tilespmem:s29], [sflag:$0x2] =	stream.indirect_vreg.gather [hbm4b:s2+s3], $0x80, v3, vm0, $0xb8;
	[tilespmem:$0x18480] =	vst v63  }
0x28c: {  	s18 =	simm.s32 $0xB480  }
0x28d: {  	[tilespmem:s18], [sflag:$0x2] =	stream.indirect_vreg.gather [hbm4b:s5+s3], $0x80, v3, vm0, $0xb8;
	[tilespmem:$0x18480] =	vst v63  }
0x28e: {  	s18 =	simm.s32 $0xBC80  }
0x28f: {  	[tilespmem:s18], [sflag:$0x2] =	stream.indirect_vreg.gather [hbm4b:s6+s3], $0x80, v3, vm0, $0xb8;
	[tilespmem:$0x18480] =	vst v63  }
0x290: {  	_ =	swait.ge [sflag:s19], $0x6000  }
0x291: {  	[sflag:s19] =	ssyncset.done $0x0  }
0x292: {  	s1 =	simm.s32 $0xC480;
	s18 =	rddreg [dreg:$0xe];
	[sflag:s19] =	ssyncadd.s32 $0xFFFFA000  }
0x293: {  	[hbm4b:s18+s3] =	stream.linear.scatter [tilespmem:s1], [sflag:$0x7], $0x6000, $0x38;
	[tilespmem:$0x18480] =	vst v63  }
0x294: {  	_ =	swait.ge [sflag:s15], $0x6000  }
0x295: {  	[sflag:s15] =	ssyncset.done $0x0  }
0x296: {  	[sflag:s15] =	ssyncadd.s32 $0xFFFFA000  }
0x297: {  	v3 =	vld [tilespmem:$0x1C0];
	_ =	sdelay $0x4  }
0x298: {  	v24 =	vshrl.u32 v3, $0x3  }
0x299: {  	v4 =	vmul.u32 $0x30, v24  }
0x29a: {  	v3 =	vand.u32 $0x7, v3  }
0x29b: {  	v3 =	vor.u32 v3, v4  }
0x29c: {  	v4 =	vperm.xlane v3, v0;
	_ =	sdelay $0x1  }
0x29d: {  	v4 =	vadd.s32 v1, v4;
	_ =	sdelay $0x3  }
0x29e: {  	v3 =	vperm.xlane v3, v2  }
0x29f: {  	[tilespmem:s1], [sflag:$0x3] =	stream.indirect_vreg.gather [hbm4b:s2+s3], $0x80, v4, vm0, $0xb8;
	[tilespmem:$0x18480] =	vst v63  }
0x2a0: {  	s18 =	simm.s32 $0xCC80;
	v3 =	vadd.s32 v1, v3  }
0x2a1: {  	[tilespmem:s18], [sflag:$0x3] =	stream.indirect_vreg.gather [hbm4b:s5+s3], $0x80, v4, vm0, $0xb8;
	[tilespmem:$0x18480] =	vst v63  }
0x2a2: {  	_ = 	snop  }
0x2a3: {  	[tilespmem:s8], [sflag:$0x3] =	stream.indirect_vreg.gather [hbm4b:s6+s3], $0x80, v4, vm0, $0xb8;
	[tilespmem:$0x18480] =	vst v63  }
0x2a4: {  	s18 =	simm.s32 $0xDC80  }
0x2a5: {  	[tilespmem:s18], [sflag:$0x3] =	stream.indirect_vreg.gather [hbm4b:s2+s3], $0x80, v3, vm0, $0xb8;
	[tilespmem:$0x18480] =	vst v63  }
0x2a6: {  	_ = 	snop  }
0x2a7: {  	[tilespmem:s9], [sflag:$0x3] =	stream.indirect_vreg.gather [hbm4b:s5+s3], $0x80, v3, vm0, $0xb8;
	[tilespmem:$0x18480] =	vst v63  }
0x2a8: {  	_ = 	snop  }
0x2a9: {  	[tilespmem:s31], [sflag:$0x3] =	stream.indirect_vreg.gather [hbm4b:s6+s3], $0x80, v3, vm0, $0xb8;
	[tilespmem:$0x18480] =	vst v63  }
0x2aa: {  	v3 =	vld [tilespmem:$0x1D0];
	_ =	sdelay $0x4  }
0x2ab: {  	v25 =	vshrl.u32 v3, $0x3  }
0x2ac: {  	v4 =	vmul.u32 $0x30, v25  }
0x2ad: {  	v3 =	vand.u32 $0x7, v3  }
0x2ae: {  	v3 =	vor.u32 v3, v4  }
0x2af: {  	v4 =	vperm.xlane v3, v0;
	_ =	sdelay $0x1  }
0x2b0: {  	v4 =	vadd.s32 v1, v4;
	_ =	sdelay $0x3  }
0x2b1: {  	s31 =	simm.s32 $0xF480;
	v3 =	vperm.xlane v3, v2  }
0x2b2: {  	[tilespmem:s31], [sflag:$0x3] =	stream.indirect_vreg.gather [hbm4b:s2+s3], $0x80, v4, vm0, $0xb8;
	[tilespmem:$0x18480] =	vst v63  }
0x2b3: {  	v3 =	vadd.s32 v1, v3  }
0x2b4: {  	[tilespmem:s4], [sflag:$0x3] =	stream.indirect_vreg.gather [hbm4b:s5+s3], $0x80, v4, vm0, $0xb8;
	[tilespmem:$0x18480] =	vst v63  }
0x2b5: {  	_ = 	snop  }
0x2b6: {  	[tilespmem:s20], [sflag:$0x3] =	stream.indirect_vreg.gather [hbm4b:s6+s3], $0x80, v4, vm0, $0xb8;
	[tilespmem:$0x18480] =	vst v63  }
0x2b7: {  	_ = 	snop  }
0x2b8: {  	[tilespmem:s22], [sflag:$0x3] =	stream.indirect_vreg.gather [hbm4b:s2+s3], $0x80, v3, vm0, $0xb8;
	[tilespmem:$0x18480] =	vst v63  }
0x2b9: {  	_ = 	snop  }
0x2ba: {  	[tilespmem:s30], [sflag:$0x3] =	stream.indirect_vreg.gather [hbm4b:s5+s3], $0x80, v3, vm0, $0xb8;
	[tilespmem:$0x18480] =	vst v63  }
0x2bb: {  	s8 =	simm.s32 $0x11C80  }
0x2bc: {  	[tilespmem:s8], [sflag:$0x3] =	stream.indirect_vreg.gather [hbm4b:s6+s3], $0x80, v3, vm0, $0xb8;
	[tilespmem:$0x18480] =	vst v63  }
0x2bd: {  	_ =	swait.ge [sflag:s16], $0x6000  }
0x2be: {  	[sflag:s16] =	ssyncset.done $0x0  }
0x2bf: {  	s31 =	simm.s32 $0x12480;
	s9 =	rddreg [dreg:$0xf];
	[sflag:s16] =	ssyncadd.s32 $0xFFFFA000  }
0x2c0: {  	[hbm4b:s9+s3] =	stream.linear.scatter [tilespmem:s31], [sflag:$0x8], $0x6000, $0x38;
	[tilespmem:$0x18480] =	vst v63  }
0x2c1: {  	_ =	swait.ge [sflag:s17], $0x6000  }
0x2c2: {  	[sflag:s17] =	ssyncset.done $0x0  }
0x2c3: {  	[sflag:s17] =	ssyncadd.s32 $0xFFFFA000  }
0x2c4: {  	v3 =	vld [tilespmem:$0x1E0];
	_ =	sdelay $0x4  }
0x2c5: {  	v26 =	vshrl.u32 v3, $0x3  }
0x2c6: {  	v4 =	vmul.u32 $0x30, v26  }
0x2c7: {  	v3 =	vand.u32 $0x7, v3  }
0x2c8: {  	v3 =	vor.u32 v3, v4  }
0x2c9: {  	v4 =	vperm.xlane v3, v0;
	_ =	sdelay $0x1  }
0x2ca: {  	v4 =	vadd.s32 v1, v4;
	_ =	sdelay $0x3  }
0x2cb: {  	v3 =	vperm.xlane v3, v2  }
0x2cc: {  	[tilespmem:s31], [sflag:$0x4] =	stream.indirect_vreg.gather [hbm4b:s2+s3], $0x80, v4, vm0, $0xb8;
	[tilespmem:$0x18480] =	vst v63  }
0x2cd: {  	s8 =	simm.s32 $0x12C80;
	v3 =	vadd.s32 v1, v3  }
0x2ce: {  	[tilespmem:s8], [sflag:$0x4] =	stream.indirect_vreg.gather [hbm4b:s5+s3], $0x80, v4, vm0, $0xb8;
	[tilespmem:$0x18480] =	vst v63  }
0x2cf: {  	s9 =	simm.s32 $0x13480  }
0x2d0: {  	[tilespmem:s9], [sflag:$0x4] =	stream.indirect_vreg.gather [hbm4b:s6+s3], $0x80, v4, vm0, $0xb8;
	[tilespmem:$0x18480] =	vst v63  }
0x2d1: {  	s18 =	simm.s32 $0x13C80  }
0x2d2: {  	[tilespmem:s18], [sflag:$0x4] =	stream.indirect_vreg.gather [hbm4b:s2+s3], $0x80, v3, vm0, $0xb8;
	[tilespmem:$0x18480] =	vst v63  }
0x2d3: {  	s31 =	simm.s32 $0x14480  }
0x2d4: {  	[tilespmem:s31], [sflag:$0x4] =	stream.indirect_vreg.gather [hbm4b:s5+s3], $0x80, v3, vm0, $0xb8;
	[tilespmem:$0x18480] =	vst v63  }
0x2d5: {  	_ = 	snop  }
0x2d6: {  	[tilespmem:s7], [sflag:$0x4] =	stream.indirect_vreg.gather [hbm4b:s6+s3], $0x80, v3, vm0, $0xb8;
	[tilespmem:$0x18480] =	vst v63  }
0x2d7: {  	v3 =	vld [tilespmem:$0x1F0];
	_ =	sdelay $0x4  }
0x2d8: {  	v27 =	vshrl.u32 v3, $0x3  }
0x2d9: {  	v4 =	vmul.u32 $0x30, v27  }
0x2da: {  	v3 =	vand.u32 $0x7, v3  }
0x2db: {  	v3 =	vor.u32 v3, v4  }
0x2dc: {  	v4 =	vperm.xlane v3, v0;
	_ =	sdelay $0x1  }
0x2dd: {  	v4 =	vadd.s32 v1, v4;
	_ =	sdelay $0x3  }
0x2de: {  	s7 =	simm.s32 $0x15480;
	v3 =	vperm.xlane v3, v2  }
0x2df: {  	[tilespmem:s7], [sflag:$0x4] =	stream.indirect_vreg.gather [hbm4b:s2+s3], $0x80, v4, vm0, $0xb8;
	[tilespmem:$0x18480] =	vst v63  }
0x2e0: {  	s8 =	simm.s32 $0x15C80;
	v3 =	vadd.s32 v1, v3  }
0x2e1: {  	[tilespmem:s8], [sflag:$0x4] =	stream.indirect_vreg.gather [hbm4b:s5+s3], $0x80, v4, vm0, $0xb8;
	[tilespmem:$0x18480] =	vst v63  }
0x2e2: {  	s9 =	simm.s32 $0x16480  }
0x2e3: {  	[tilespmem:s9], [sflag:$0x4] =	stream.indirect_vreg.gather [hbm4b:s6+s3], $0x80, v4, vm0, $0xb8;
	[tilespmem:$0x18480] =	vst v63  }
0x2e4: {  	s18 =	simm.s32 $0x16C80  }
0x2e5: {  	[tilespmem:s18], [sflag:$0x4] =	stream.indirect_vreg.gather [hbm4b:s2+s3], $0x80, v3, vm0, $0xb8;
	[tilespmem:$0x18480] =	vst v63  }
0x2e6: {  	s31 =	simm.s32 $0x17480  }
0x2e7: {  	[tilespmem:s31], [sflag:$0x4] =	stream.indirect_vreg.gather [hbm4b:s5+s3], $0x80, v3, vm0, $0xb8;
	[tilespmem:$0x18480] =	vst v63  }
0x2e8: {  	s7 =	simm.s32 $0x17C80  }
0x2e9: {  	[tilespmem:s7], [sflag:$0x4] =	stream.indirect_vreg.gather [hbm4b:s6+s3], $0x80, v3, vm0, $0xb8;
	[tilespmem:$0x18480] =	vst v63  }
0x2ea: {  	_ =	swait.ge [sflag:s10], $0x6000  }
0x2eb: {  	[sflag:s10] =	ssyncset.done $0x0  }
0x2ec: {  	s9 =	simm.s32 $0x480;
	s8 =	rddreg [dreg:$0x10];
	[sflag:s10] =	ssyncadd.s32 $0xFFFFA000  }
0x2ed: {  	[hbm4b:s8+s3] =	stream.linear.scatter [tilespmem:s9], [sflag:$0x5], $0x6000, $0x38;
	[tilespmem:$0x18480] =	vst v63  }
0x2ee: {  	_ =	swait.ge [sflag:s11], $0x6000  }
0x2ef: {  	[sflag:s11] =	ssyncset.done $0x0  }
0x2f0: {  	[sflag:s11] =	ssyncadd.s32 $0xFFFFA000  }
0x2f1: {  	v3 =	vld [tilespmem:$0x200];
	_ =	sdelay $0x4  }
0x2f2: {  	v28 =	vshrl.u32 v3, $0x3  }
0x2f3: {  	v4 =	vmul.u32 $0x30, v28  }
0x2f4: {  	v3 =	vand.u32 $0x7, v3  }
0x2f5: {  	v3 =	vor.u32 v3, v4  }
0x2f6: {  	v4 =	vperm.xlane v3, v0;
	_ =	sdelay $0x1  }
0x2f7: {  	v4 =	vadd.s32 v1, v4;
	_ =	sdelay $0x3  }
0x2f8: {  	v3 =	vperm.xlane v3, v2  }
0x2f9: {  	[tilespmem:s9], [sflag:$0x1] =	stream.indirect_vreg.gather [hbm4b:s2+s3], $0x80, v4, vm0, $0xb8;
	[tilespmem:$0x18480] =	vst v63  }
0x2fa: {  	s18 =	simm.s32 $0xC80;
	v3 =	vadd.s32 v1, v3  }
0x2fb: {  	[tilespmem:s18], [sflag:$0x1] =	stream.indirect_vreg.gather [hbm4b:s5+s3], $0x80, v4, vm0, $0xb8;
	[tilespmem:$0x18480] =	vst v63  }
0x2fc: {  	s31 =	simm.s32 $0x1480  }
0x2fd: {  	[tilespmem:s31], [sflag:$0x1] =	stream.indirect_vreg.gather [hbm4b:s6+s3], $0x80, v4, vm0, $0xb8;
	[tilespmem:$0x18480] =	vst v63  }
0x2fe: {  	s7 =	simm.s32 $0x1C80  }
0x2ff: {  	[tilespmem:s7], [sflag:$0x1] =	stream.indirect_vreg.gather [hbm4b:s2+s3], $0x80, v3, vm0, $0xb8;
	[tilespmem:$0x18480] =	vst v63  }
0x300: {  	s8 =	simm.s32 $0x2480  }
0x301: {  	[tilespmem:s8], [sflag:$0x1] =	stream.indirect_vreg.gather [hbm4b:s5+s3], $0x80, v3, vm0, $0xb8;
	[tilespmem:$0x18480] =	vst v63  }
0x302: {  	s9 =	simm.s32 $0x2C80  }
0x303: {  	[tilespmem:s9], [sflag:$0x1] =	stream.indirect_vreg.gather [hbm4b:s6+s3], $0x80, v3, vm0, $0xb8;
	[tilespmem:$0x18480] =	vst v63  }
0x304: {  	v3 =	vld [tilespmem:$0x210];
	_ =	sdelay $0x4  }
0x305: {  	v29 =	vshrl.u32 v3, $0x3  }
0x306: {  	v4 =	vmul.u32 $0x30, v29  }
0x307: {  	v3 =	vand.u32 $0x7, v3  }
0x308: {  	v3 =	vor.u32 v3, v4  }
0x309: {  	v4 =	vperm.xlane v3, v0;
	_ =	sdelay $0x1  }
0x30a: {  	v4 =	vadd.s32 v1, v4;
	_ =	sdelay $0x3  }
0x30b: {  	s18 =	simm.s32 $0x3480;
	v3 =	vperm.xlane v3, v2  }
0x30c: {  	[tilespmem:s18], [sflag:$0x1] =	stream.indirect_vreg.gather [hbm4b:s2+s3], $0x80, v4, vm0, $0xb8;
	[tilespmem:$0x18480] =	vst v63  }
0x30d: {  	s7 =	simm.s32 $0x3C80;
	v3 =	vadd.s32 v1, v3  }
0x30e: {  	[tilespmem:s7], [sflag:$0x1] =	stream.indirect_vreg.gather [hbm4b:s5+s3], $0x80, v4, vm0, $0xb8;
	[tilespmem:$0x18480] =	vst v63  }
0x30f: {  	s9 =	simm.s32 $0x4480  }
0x310: {  	[tilespmem:s9], [sflag:$0x1] =	stream.indirect_vreg.gather [hbm4b:s6+s3], $0x80, v4, vm0, $0xb8;
	[tilespmem:$0x18480] =	vst v63  }
0x311: {  	s1 =	simm.s32 $0x4C80  }
0x312: {  	[tilespmem:s1], [sflag:$0x1] =	stream.indirect_vreg.gather [hbm4b:s2+s3], $0x80, v3, vm0, $0xb8;
	[tilespmem:$0x18480] =	vst v63  }
0x313: {  	_ = 	snop  }
0x314: {  	[tilespmem:s25], [sflag:$0x1] =	stream.indirect_vreg.gather [hbm4b:s5+s3], $0x80, v3, vm0, $0xb8;
	[tilespmem:$0x18480] =	vst v63  }
0x315: {  	s25 =	simm.s32 $0x5C80  }
0x316: {  	[tilespmem:s25], [sflag:$0x1] =	stream.indirect_vreg.gather [hbm4b:s6+s3], $0x80, v3, vm0, $0xb8;
	[tilespmem:$0x18480] =	vst v63  }
0x317: {  	_ =	swait.ge [sflag:s12], $0x6000  }
0x318: {  	[sflag:s12] =	ssyncset.done $0x0  }
0x319: {  	s25 =	simm.s32 $0x6480;
	s8 =	rddreg [dreg:$0x11];
	[sflag:s12] =	ssyncadd.s32 $0xFFFFA000  }
0x31a: {  	[hbm4b:s8+s3] =	stream.linear.scatter [tilespmem:s25], [sflag:$0x6], $0x6000, $0x38;
	[tilespmem:$0x18480] =	vst v63  }
0x31b: {  	_ =	swait.ge [sflag:s13], $0x6000  }
0x31c: {  	[sflag:s13] =	ssyncset.done $0x0  }
0x31d: {  	[sflag:s13] =	ssyncadd.s32 $0xFFFFA000  }
0x31e: {  	v3 =	vld [tilespmem:$0x220];
	_ =	sdelay $0x4  }
0x31f: {  	v30 =	vshrl.u32 v3, $0x3  }
0x320: {  	v4 =	vmul.u32 $0x30, v30  }
0x321: {  	v3 =	vand.u32 $0x7, v3  }
0x322: {  	v3 =	vor.u32 v3, v4  }
0x323: {  	v4 =	vperm.xlane v3, v0;
	_ =	sdelay $0x1  }
0x324: {  	v4 =	vadd.s32 v1, v4;
	_ =	sdelay $0x3  }
0x325: {  	v3 =	vperm.xlane v3, v2  }
0x326: {  	[tilespmem:s25], [sflag:$0x2] =	stream.indirect_vreg.gather [hbm4b:s2+s3], $0x80, v4, vm0, $0xb8;
	[tilespmem:$0x18480] =	vst v63  }
0x327: {  	v3 =	vadd.s32 v1, v3  }
0x328: {  	[tilespmem:s14], [sflag:$0x2] =	stream.indirect_vreg.gather [hbm4b:s5+s3], $0x80, v4, vm0, $0xb8;
	[tilespmem:$0x18480] =	vst v63  }
0x329: {  	_ = 	snop  }
0x32a: {  	[tilespmem:s21], [sflag:$0x2] =	stream.indirect_vreg.gather [hbm4b:s6+s3], $0x80, v4, vm0, $0xb8;
	[tilespmem:$0x18480] =	vst v63  }
0x32b: {  	_ = 	snop  }
0x32c: {  	[tilespmem:s23], [sflag:$0x2] =	stream.indirect_vreg.gather [hbm4b:s2+s3], $0x80, v3, vm0, $0xb8;
	[tilespmem:$0x18480] =	vst v63  }
0x32d: {  	_ = 	snop  }
0x32e: {  	[tilespmem:s24], [sflag:$0x2] =	stream.indirect_vreg.gather [hbm4b:s5+s3], $0x80, v3, vm0, $0xb8;
	[tilespmem:$0x18480] =	vst v63  }
0x32f: {  	s25 =	simm.s32 $0x8C80  }
0x330: {  	[tilespmem:s25], [sflag:$0x2] =	stream.indirect_vreg.gather [hbm4b:s6+s3], $0x80, v3, vm0, $0xb8;
	[tilespmem:$0x18480] =	vst v63  }
0x331: {  	v3 =	vld [tilespmem:$0x230];
	_ =	sdelay $0x4  }
0x332: {  	v31 =	vshrl.u32 v3, $0x3  }
0x333: {  	v4 =	vmul.u32 $0x30, v31  }
0x334: {  	v3 =	vand.u32 $0x7, v3  }
0x335: {  	v3 =	vor.u32 v3, v4  }
0x336: {  	v4 =	vperm.xlane v3, v0;
	_ =	sdelay $0x1  }
0x337: {  	v4 =	vadd.s32 v1, v4;
	_ =	sdelay $0x3  }
0x338: {  	s14 =	simm.s32 $0x9480;
	v3 =	vperm.xlane v3, v2  }
0x339: {  	[tilespmem:s14], [sflag:$0x2] =	stream.indirect_vreg.gather [hbm4b:s2+s3], $0x80, v4, vm0, $0xb8;
	[tilespmem:$0x18480] =	vst v63  }
0x33a: {  	v3 =	vadd.s32 v1, v3  }
0x33b: {  	[tilespmem:s26], [sflag:$0x2] =	stream.indirect_vreg.gather [hbm4b:s5+s3], $0x80, v4, vm0, $0xb8;
	[tilespmem:$0x18480] =	vst v63  }
0x33c: {  	_ = 	snop  }
0x33d: {  	[tilespmem:s28], [sflag:$0x2] =	stream.indirect_vreg.gather [hbm4b:s6+s3], $0x80, v4, vm0, $0xb8;
	[tilespmem:$0x18480] =	vst v63  }
0x33e: {  	_ = 	snop  }
0x33f: {  	[tilespmem:s29], [sflag:$0x2] =	stream.indirect_vreg.gather [hbm4b:s2+s3], $0x80, v3, vm0, $0xb8;
	[tilespmem:$0x18480] =	vst v63  }
0x340: {  	s18 =	simm.s32 $0xB480  }
0x341: {  	[tilespmem:s18], [sflag:$0x2] =	stream.indirect_vreg.gather [hbm4b:s5+s3], $0x80, v3, vm0, $0xb8;
	[tilespmem:$0x18480] =	vst v63  }
0x342: {  	s21 =	simm.s32 $0xBC80  }
0x343: {  	[tilespmem:s21], [sflag:$0x2] =	stream.indirect_vreg.gather [hbm4b:s6+s3], $0x80, v3, vm0, $0xb8;
	[tilespmem:$0x18480] =	vst v63  }
0x344: {  	_ =	swait.ge [sflag:s19], $0x6000  }
0x345: {  	[sflag:s19] =	ssyncset.done $0x0  }
0x346: {  	s24 =	simm.s32 $0xC480;
	s23 =	rddreg [dreg:$0x12];
	[sflag:s19] =	ssyncadd.s32 $0xFFFFA000  }
0x347: {  	[hbm4b:s23+s3] =	stream.linear.scatter [tilespmem:s24], [sflag:$0x7], $0x6000, $0x38;
	[tilespmem:$0x18480] =	vst v63  }
0x348: {  	_ =	swait.ge [sflag:s15], $0x6000  }
0x349: {  	[sflag:s15] =	ssyncset.done $0x0  }
0x34a: {  	[sflag:s15] =	ssyncadd.s32 $0xFFFFA000  }
0x34b: {  	v3 =	vld [tilespmem:$0x240];
	_ =	sdelay $0x4  }
0x34c: {  	v32 =	vshrl.u32 v3, $0x3  }
0x34d: {  	v4 =	vmul.u32 $0x30, v32  }
0x34e: {  	v3 =	vand.u32 $0x7, v3  }
0x34f: {  	v3 =	vor.u32 v3, v4  }
0x350: {  	v4 =	vperm.xlane v3, v0;
	_ =	sdelay $0x1  }
0x351: {  	v4 =	vadd.s32 v1, v4;
	_ =	sdelay $0x3  }
0x352: {  	v3 =	vperm.xlane v3, v2  }
0x353: {  	[tilespmem:s24], [sflag:$0x3] =	stream.indirect_vreg.gather [hbm4b:s2+s3], $0x80, v4, vm0, $0xb8;
	[tilespmem:$0x18480] =	vst v63  }
0x354: {  	s25 =	simm.s32 $0xCC80;
	v3 =	vadd.s32 v1, v3  }
0x355: {  	[tilespmem:s25], [sflag:$0x3] =	stream.indirect_vreg.gather [hbm4b:s5+s3], $0x80, v4, vm0, $0xb8;
	[tilespmem:$0x18480] =	vst v63  }
0x356: {  	s26 =	simm.s32 $0xD480  }
0x357: {  	[tilespmem:s26], [sflag:$0x3] =	stream.indirect_vreg.gather [hbm4b:s6+s3], $0x80, v4, vm0, $0xb8;
	[tilespmem:$0x18480] =	vst v63  }
0x358: {  	s28 =	simm.s32 $0xDC80  }
0x359: {  	[tilespmem:s28], [sflag:$0x3] =	stream.indirect_vreg.gather [hbm4b:s2+s3], $0x80, v3, vm0, $0xb8;
	[tilespmem:$0x18480] =	vst v63  }
0x35a: {  	s14 =	simm.s32 $0xE480  }
0x35b: {  	[tilespmem:s14], [sflag:$0x3] =	stream.indirect_vreg.gather [hbm4b:s5+s3], $0x80, v3, vm0, $0xb8;
	[tilespmem:$0x18480] =	vst v63  }
0x35c: {  	s18 =	simm.s32 $0xEC80  }
0x35d: {  	[tilespmem:s18], [sflag:$0x3] =	stream.indirect_vreg.gather [hbm4b:s6+s3], $0x80, v3, vm0, $0xb8;
	[tilespmem:$0x18480] =	vst v63  }
0x35e: {  	v3 =	vld [tilespmem:$0x250];
	_ =	sdelay $0x4  }
0x35f: {  	v33 =	vshrl.u32 v3, $0x3  }
0x360: {  	v4 =	vmul.u32 $0x30, v33  }
0x361: {  	v3 =	vand.u32 $0x7, v3  }
0x362: {  	v3 =	vor.u32 v3, v4  }
0x363: {  	v4 =	vperm.xlane v3, v0;
	_ =	sdelay $0x1  }
0x364: {  	v4 =	vadd.s32 v1, v4;
	_ =	sdelay $0x3  }
0x365: {  	s21 =	simm.s32 $0xF480;
	v3 =	vperm.xlane v3, v2  }
0x366: {  	[tilespmem:s21], [sflag:$0x3] =	stream.indirect_vreg.gather [hbm4b:s2+s3], $0x80, v4, vm0, $0xb8;
	[tilespmem:$0x18480] =	vst v63  }
0x367: {  	s4 =	simm.s32 $0xFC80;
	v3 =	vadd.s32 v1, v3  }
0x368: {  	[tilespmem:s4], [sflag:$0x3] =	stream.indirect_vreg.gather [hbm4b:s5+s3], $0x80, v4, vm0, $0xb8;
	[tilespmem:$0x18480] =	vst v63  }
0x369: {  	s20 =	simm.s32 $0x10480  }
0x36a: {  	[tilespmem:s20], [sflag:$0x3] =	stream.indirect_vreg.gather [hbm4b:s6+s3], $0x80, v4, vm0, $0xb8;
	[tilespmem:$0x18480] =	vst v63  }
0x36b: {  	s22 =	simm.s32 $0x10C80  }
0x36c: {  	[tilespmem:s22], [sflag:$0x3] =	stream.indirect_vreg.gather [hbm4b:s2+s3], $0x80, v3, vm0, $0xb8;
	[tilespmem:$0x18480] =	vst v63  }
0x36d: {  	s22 =	simm.s32 $0x11480  }
0x36e: {  	[tilespmem:s22], [sflag:$0x3] =	stream.indirect_vreg.gather [hbm4b:s5+s3], $0x80, v3, vm0, $0xb8;
	[tilespmem:$0x18480] =	vst v63  }
0x36f: {  	s30 =	simm.s32 $0x11C80  }
0x370: {  	[tilespmem:s30], [sflag:$0x3] =	stream.indirect_vreg.gather [hbm4b:s6+s3], $0x80, v3, vm0, $0xb8;
	[tilespmem:$0x18480] =	vst v63  }
0x371: {  	_ =	swait.ge [sflag:s16], $0x6000  }
0x372: {  	[sflag:s16] =	ssyncset.done $0x0  }
0x373: {  	s24 =	simm.s32 $0x12480;
	s23 =	rddreg [dreg:$0x13];
	[sflag:s16] =	ssyncadd.s32 $0xFFFFA000  }
0x374: {  	[hbm4b:s23+s3] =	stream.linear.scatter [tilespmem:s24], [sflag:$0x8], $0x6000, $0x38;
	[tilespmem:$0x18480] =	vst v63  }
0x375: {  	_ =	swait.ge [sflag:s17], $0x6000  }
0x376: {  	[sflag:s17] =	ssyncset.done $0x0  }
0x377: {  	[sflag:s17] =	ssyncadd.s32 $0xFFFFA000  }
0x378: {  	v3 =	vld [tilespmem:$0x260];
	_ =	sdelay $0x4  }
0x379: {  	v34 =	vshrl.u32 v3, $0x3  }
0x37a: {  	v4 =	vmul.u32 $0x30, v34  }
0x37b: {  	v3 =	vand.u32 $0x7, v3  }
0x37c: {  	v3 =	vor.u32 v3, v4  }
0x37d: {  	v4 =	vperm.xlane v3, v0;
	_ =	sdelay $0x1  }
0x37e: {  	v4 =	vadd.s32 v1, v4;
	_ =	sdelay $0x3  }
0x37f: {  	v3 =	vperm.xlane v3, v2  }
0x380: {  	[tilespmem:s24], [sflag:$0x4] =	stream.indirect_vreg.gather [hbm4b:s2+s3], $0x80, v4, vm0, $0xb8;
	[tilespmem:$0x18480] =	vst v63  }
0x381: {  	s8 =	simm.s32 $0x12C80;
	v3 =	vadd.s32 v1, v3  }
0x382: {  	[tilespmem:s8], [sflag:$0x4] =	stream.indirect_vreg.gather [hbm4b:s5+s3], $0x80, v4, vm0, $0xb8;
	[tilespmem:$0x18480] =	vst v63  }
0x383: {  	s25 =	simm.s32 $0x13480  }
0x384: {  	[tilespmem:s25], [sflag:$0x4] =	stream.indirect_vreg.gather [hbm4b:s6+s3], $0x80, v4, vm0, $0xb8;
	[tilespmem:$0x18480] =	vst v63  }
0x385: {  	s26 =	simm.s32 $0x13C80  }
0x386: {  	[tilespmem:s26], [sflag:$0x4] =	stream.indirect_vreg.gather [hbm4b:s2+s3], $0x80, v3, vm0, $0xb8;
	[tilespmem:$0x18480] =	vst v63  }
0x387: {  	s28 =	simm.s32 $0x14480  }
0x388: {  	[tilespmem:s28], [sflag:$0x4] =	stream.indirect_vreg.gather [hbm4b:s5+s3], $0x80, v3, vm0, $0xb8;
	[tilespmem:$0x18480] =	vst v63  }
0x389: {  	s30 =	simm.s32 $0x14C80  }
0x38a: {  	[tilespmem:s30], [sflag:$0x4] =	stream.indirect_vreg.gather [hbm4b:s6+s3], $0x80, v3, vm0, $0xb8;
	[tilespmem:$0x18480] =	vst v63  }
0x38b: {  	v3 =	vld [tilespmem:$0x270];
	_ =	sdelay $0x4  }
0x38c: {  	v35 =	vshrl.u32 v3, $0x3  }
0x38d: {  	v4 =	vmul.u32 $0x30, v35  }
0x38e: {  	v3 =	vand.u32 $0x7, v3  }
0x38f: {  	v3 =	vor.u32 v3, v4  }
0x390: {  	v4 =	vperm.xlane v3, v0;
	_ =	sdelay $0x1  }
0x391: {  	v4 =	vadd.s32 v1, v4;
	_ =	sdelay $0x3  }
0x392: {  	s25 =	simm.s32 $0x15480;
	v3 =	vperm.xlane v3, v2  }
0x393: {  	[tilespmem:s25], [sflag:$0x4] =	stream.indirect_vreg.gather [hbm4b:s2+s3], $0x80, v4, vm0, $0xb8;
	[tilespmem:$0x18480] =	vst v63  }
0x394: {  	s21 =	simm.s32 $0x15C80;
	v3 =	vadd.s32 v1, v3  }
0x395: {  	[tilespmem:s21], [sflag:$0x4] =	stream.indirect_vreg.gather [hbm4b:s5+s3], $0x80, v4, vm0, $0xb8;
	[tilespmem:$0x18480] =	vst v63  }
0x396: {  	s22 =	simm.s32 $0x16480  }
0x397: {  	[tilespmem:s22], [sflag:$0x4] =	stream.indirect_vreg.gather [hbm4b:s6+s3], $0x80, v4, vm0, $0xb8;
	[tilespmem:$0x18480] =	vst v63  }
0x398: {  	s23 =	simm.s32 $0x16C80  }
0x399: {  	[tilespmem:s23], [sflag:$0x4] =	stream.indirect_vreg.gather [hbm4b:s2+s3], $0x80, v3, vm0, $0xb8;
	[tilespmem:$0x18480] =	vst v63  }
0x39a: {  	s24 =	simm.s32 $0x17480  }
0x39b: {  	[tilespmem:s24], [sflag:$0x4] =	stream.indirect_vreg.gather [hbm4b:s5+s3], $0x80, v3, vm0, $0xb8;
	[tilespmem:$0x18480] =	vst v63  }
0x39c: {  	s26 =	simm.s32 $0x17C80  }
0x39d: {  	[tilespmem:s26], [sflag:$0x4] =	stream.indirect_vreg.gather [hbm4b:s6+s3], $0x80, v3, vm0, $0xb8;
	[tilespmem:$0x18480] =	vst v63  }
0x39e: {  	_ =	swait.ge [sflag:s10], $0x6000  }
0x39f: {  	[sflag:s10] =	ssyncset.done $0x0  }
0x3a0: {  	s20 =	simm.s32 $0x480;
	s14 =	rddreg [dreg:$0x14];
	[sflag:s10] =	ssyncadd.s32 $0xFFFFA000  }
0x3a1: {  	[hbm4b:s14+s3] =	stream.linear.scatter [tilespmem:s20], [sflag:$0x5], $0x6000, $0x38;
	[tilespmem:$0x18480] =	vst v63  }
0x3a2: {  	_ =	swait.ge [sflag:s11], $0x6000  }
0x3a3: {  	[sflag:s11] =	ssyncset.done $0x0  }
0x3a4: {  	[sflag:s11] =	ssyncadd.s32 $0xFFFFA000  }
0x3a5: {  	v3 =	vld [tilespmem:$0x280];
	_ =	sdelay $0x4  }
0x3a6: {  	v36 =	vshrl.u32 v3, $0x3  }
0x3a7: {  	v4 =	vmul.u32 $0x30, v36  }
0x3a8: {  	v3 =	vand.u32 $0x7, v3  }
0x3a9: {  	v3 =	vor.u32 v3, v4  }
0x3aa: {  	v4 =	vperm.xlane v3, v0;
	_ =	sdelay $0x1  }
0x3ab: {  	v4 =	vadd.s32 v1, v4;
	_ =	sdelay $0x3  }
0x3ac: {  	v3 =	vperm.xlane v3, v2  }
0x3ad: {  	[tilespmem:s20], [sflag:$0x1] =	stream.indirect_vreg.gather [hbm4b:s2+s3], $0x80, v4, vm0, $0xb8;
	[tilespmem:$0x18480] =	vst v63  }
0x3ae: {  	s30 =	simm.s32 $0xC80;
	v3 =	vadd.s32 v1, v3  }
0x3af: {  	[tilespmem:s30], [sflag:$0x1] =	stream.indirect_vreg.gather [hbm4b:s5+s3], $0x80, v4, vm0, $0xb8;
	[tilespmem:$0x18480] =	vst v63  }
0x3b0: {  	s14 =	simm.s32 $0x1480  }
0x3b1: {  	[tilespmem:s14], [sflag:$0x1] =	stream.indirect_vreg.gather [hbm4b:s6+s3], $0x80, v4, vm0, $0xb8;
	[tilespmem:$0x18480] =	vst v63  }
0x3b2: {  	s18 =	simm.s32 $0x1C80  }
0x3b3: {  	[tilespmem:s18], [sflag:$0x1] =	stream.indirect_vreg.gather [hbm4b:s2+s3], $0x80, v3, vm0, $0xb8;
	[tilespmem:$0x18480] =	vst v63  }
0x3b4: {  	s20 =	simm.s32 $0x2480  }
0x3b5: {  	[tilespmem:s20], [sflag:$0x1] =	stream.indirect_vreg.gather [hbm4b:s5+s3], $0x80, v3, vm0, $0xb8;
	[tilespmem:$0x18480] =	vst v63  }
0x3b6: {  	s28 =	simm.s32 $0x2C80  }
0x3b7: {  	[tilespmem:s28], [sflag:$0x1] =	stream.indirect_vreg.gather [hbm4b:s6+s3], $0x80, v3, vm0, $0xb8;
	[tilespmem:$0x18480] =	vst v63  }
0x3b8: {  	v3 =	vld [tilespmem:$0x290];
	_ =	sdelay $0x4  }
0x3b9: {  	v37 =	vshrl.u32 v3, $0x3  }
0x3ba: {  	v4 =	vmul.u32 $0x30, v37  }
0x3bb: {  	v3 =	vand.u32 $0x7, v3  }
0x3bc: {  	v3 =	vor.u32 v3, v4  }
0x3bd: {  	v4 =	vperm.xlane v3, v0;
	_ =	sdelay $0x1  }
0x3be: {  	v4 =	vadd.s32 v1, v4;
	_ =	sdelay $0x3  }
0x3bf: {  	s30 =	simm.s32 $0x3480;
	v3 =	vperm.xlane v3, v2  }
0x3c0: {  	[tilespmem:s30], [sflag:$0x1] =	stream.indirect_vreg.gather [hbm4b:s2+s3], $0x80, v4, vm0, $0xb8;
	[tilespmem:$0x18480] =	vst v63  }
0x3c1: {  	v3 =	vadd.s32 v1, v3  }
0x3c2: {  	[tilespmem:s7], [sflag:$0x1] =	stream.indirect_vreg.gather [hbm4b:s5+s3], $0x80, v4, vm0, $0xb8;
	[tilespmem:$0x18480] =	vst v63  }
0x3c3: {  	_ = 	snop  }
0x3c4: {  	[tilespmem:s9], [sflag:$0x1] =	stream.indirect_vreg.gather [hbm4b:s6+s3], $0x80, v4, vm0, $0xb8;
	[tilespmem:$0x18480] =	vst v63  }
0x3c5: {  	_ = 	snop  }
0x3c6: {  	[tilespmem:s1], [sflag:$0x1] =	stream.indirect_vreg.gather [hbm4b:s2+s3], $0x80, v3, vm0, $0xb8;
	[tilespmem:$0x18480] =	vst v63  }
0x3c7: {  	s31 =	simm.s32 $0x5480  }
0x3c8: {  	[tilespmem:s31], [sflag:$0x1] =	stream.indirect_vreg.gather [hbm4b:s5+s3], $0x80, v3, vm0, $0xb8;
	[tilespmem:$0x18480] =	vst v63  }
0x3c9: {  	s20 =	simm.s32 $0x5C80  }
0x3ca: {  	[tilespmem:s20], [sflag:$0x1] =	stream.indirect_vreg.gather [hbm4b:s6+s3], $0x80, v3, vm0, $0xb8;
	[tilespmem:$0x18480] =	vst v63  }
0x3cb: {  	_ =	swait.ge [sflag:s12], $0x6000  }
0x3cc: {  	[sflag:s12] =	ssyncset.done $0x0  }
0x3cd: {  	s28 =	simm.s32 $0x6480;
	s14 =	rddreg [dreg:$0x15];
	[sflag:s12] =	ssyncadd.s32 $0xFFFFA000  }
0x3ce: {  	[hbm4b:s14+s3] =	stream.linear.scatter [tilespmem:s28], [sflag:$0x6], $0x6000, $0x38;
	[tilespmem:$0x18480] =	vst v63  }
0x3cf: {  	_ =	swait.ge [sflag:s13], $0x6000  }
0x3d0: {  	[sflag:s13] =	ssyncset.done $0x0  }
0x3d1: {  	[sflag:s13] =	ssyncadd.s32 $0xFFFFA000  }
0x3d2: {  	v3 =	vld [tilespmem:$0x2A0];
	_ =	sdelay $0x4  }
0x3d3: {  	v38 =	vshrl.u32 v3, $0x3  }
0x3d4: {  	v4 =	vmul.u32 $0x30, v38  }
0x3d5: {  	v3 =	vand.u32 $0x7, v3  }
0x3d6: {  	v3 =	vor.u32 v3, v4  }
0x3d7: {  	v4 =	vperm.xlane v3, v0;
	_ =	sdelay $0x1  }
0x3d8: {  	v4 =	vadd.s32 v1, v4;
	_ =	sdelay $0x3  }
0x3d9: {  	v3 =	vperm.xlane v3, v2  }
0x3da: {  	[tilespmem:s28], [sflag:$0x2] =	stream.indirect_vreg.gather [hbm4b:s2+s3], $0x80, v4, vm0, $0xb8;
	[tilespmem:$0x18480] =	vst v63  }
0x3db: {  	s31 =	simm.s32 $0x6C80;
	v3 =	vadd.s32 v1, v3  }
0x3dc: {  	[tilespmem:s31], [sflag:$0x2] =	stream.indirect_vreg.gather [hbm4b:s5+s3], $0x80, v4, vm0, $0xb8;
	[tilespmem:$0x18480] =	vst v63  }
0x3dd: {  	s30 =	simm.s32 $0x7480  }
0x3de: {  	[tilespmem:s30], [sflag:$0x2] =	stream.indirect_vreg.gather [hbm4b:s6+s3], $0x80, v4, vm0, $0xb8;
	[tilespmem:$0x18480] =	vst v63  }
0x3df: {  	s4 =	simm.s32 $0x7C80  }
0x3e0: {  	[tilespmem:s4], [sflag:$0x2] =	stream.indirect_vreg.gather [hbm4b:s2+s3], $0x80, v3, vm0, $0xb8;
	[tilespmem:$0x18480] =	vst v63  }
0x3e1: {  	s7 =	simm.s32 $0x8480  }
0x3e2: {  	[tilespmem:s7], [sflag:$0x2] =	stream.indirect_vreg.gather [hbm4b:s5+s3], $0x80, v3, vm0, $0xb8;
	[tilespmem:$0x18480] =	vst v63  }
0x3e3: {  	s9 =	simm.s32 $0x8C80  }
0x3e4: {  	[tilespmem:s9], [sflag:$0x2] =	stream.indirect_vreg.gather [hbm4b:s6+s3], $0x80, v3, vm0, $0xb8;
	[tilespmem:$0x18480] =	vst v63  }
0x3e5: {  	v3 =	vld [tilespmem:$0x2B0];
	_ =	sdelay $0x4  }
0x3e6: {  	v39 =	vshrl.u32 v3, $0x3  }
0x3e7: {  	v4 =	vmul.u32 $0x30, v39  }
0x3e8: {  	v3 =	vand.u32 $0x7, v3  }
0x3e9: {  	v3 =	vor.u32 v3, v4  }
0x3ea: {  	v4 =	vperm.xlane v3, v0;
	_ =	sdelay $0x1  }
0x3eb: {  	v4 =	vadd.s32 v1, v4;
	_ =	sdelay $0x3  }
0x3ec: {  	s14 =	simm.s32 $0x9480;
	v3 =	vperm.xlane v3, v2  }
0x3ed: {  	[tilespmem:s14], [sflag:$0x2] =	stream.indirect_vreg.gather [hbm4b:s2+s3], $0x80, v4, vm0, $0xb8;
	[tilespmem:$0x18480] =	vst v63  }
0x3ee: {  	s18 =	simm.s32 $0x9C80;
	v3 =	vadd.s32 v1, v3  }
0x3ef: {  	[tilespmem:s18], [sflag:$0x2] =	stream.indirect_vreg.gather [hbm4b:s5+s3], $0x80, v4, vm0, $0xb8;
	[tilespmem:$0x18480] =	vst v63  }
0x3f0: {  	s28 =	simm.s32 $0xA480  }
0x3f1: {  	[tilespmem:s28], [sflag:$0x2] =	stream.indirect_vreg.gather [hbm4b:s6+s3], $0x80, v4, vm0, $0xb8;
	[tilespmem:$0x18480] =	vst v63  }
0x3f2: {  	s29 =	simm.s32 $0xAC80  }
0x3f3: {  	[tilespmem:s29], [sflag:$0x2] =	stream.indirect_vreg.gather [hbm4b:s2+s3], $0x80, v3, vm0, $0xb8;
	[tilespmem:$0x18480] =	vst v63  }
0x3f4: {  	s14 =	simm.s32 $0xB480  }
0x3f5: {  	[tilespmem:s14], [sflag:$0x2] =	stream.indirect_vreg.gather [hbm4b:s5+s3], $0x80, v3, vm0, $0xb8;
	[tilespmem:$0x18480] =	vst v63  }
0x3f6: {  	s30 =	simm.s32 $0xBC80  }
0x3f7: {  	[tilespmem:s30], [sflag:$0x2] =	stream.indirect_vreg.gather [hbm4b:s6+s3], $0x80, v3, vm0, $0xb8;
	[tilespmem:$0x18480] =	vst v63  }
0x3f8: {  	_ =	swait.ge [sflag:s19], $0x6000  }
0x3f9: {  	[sflag:s19] =	ssyncset.done $0x0  }
0x3fa: {  	s7 =	simm.s32 $0xC480;
	s4 =	rddreg [dreg:$0x16];
	[sflag:s19] =	ssyncadd.s32 $0xFFFFA000  }
0x3fb: {  	[hbm4b:s4+s3] =	stream.linear.scatter [tilespmem:s7], [sflag:$0x7], $0x6000, $0x38;
	[tilespmem:$0x18480] =	vst v63  }
0x3fc: {  	_ =	swait.ge [sflag:s15], $0x6000  }
0x3fd: {  	[sflag:s15] =	ssyncset.done $0x0  }
0x3fe: {  	[sflag:s15] =	ssyncadd.s32 $0xFFFFA000  }
0x3ff: {  	v3 =	vld [tilespmem:$0x2C0];
	_ =	sdelay $0x4  }
0x400: {  	v40 =	vshrl.u32 v3, $0x3  }
0x401: {  	v4 =	vmul.u32 $0x30, v40  }
0x402: {  	v3 =	vand.u32 $0x7, v3  }
0x403: {  	v3 =	vor.u32 v3, v4  }
0x404: {  	v4 =	vperm.xlane v3, v0;
	_ =	sdelay $0x1  }
0x405: {  	v4 =	vadd.s32 v1, v4;
	_ =	sdelay $0x3  }
0x406: {  	v3 =	vperm.xlane v3, v2  }
0x407: {  	[tilespmem:s7], [sflag:$0x3] =	stream.indirect_vreg.gather [hbm4b:s2+s3], $0x80, v4, vm0, $0xb8;
	[tilespmem:$0x18480] =	vst v63  }
0x408: {  	s28 =	simm.s32 $0xCC80;
	v3 =	vadd.s32 v1, v3  }
0x409: {  	[tilespmem:s28], [sflag:$0x3] =	stream.indirect_vreg.gather [hbm4b:s5+s3], $0x80, v4, vm0, $0xb8;
	[tilespmem:$0x18480] =	vst v63  }
0x40a: {  	s29 =	simm.s32 $0xD480  }
0x40b: {  	[tilespmem:s29], [sflag:$0x3] =	stream.indirect_vreg.gather [hbm4b:s6+s3], $0x80, v4, vm0, $0xb8;
	[tilespmem:$0x18480] =	vst v63  }
0x40c: {  	s30 =	simm.s32 $0xDC80  }
0x40d: {  	[tilespmem:s30], [sflag:$0x3] =	stream.indirect_vreg.gather [hbm4b:s2+s3], $0x80, v3, vm0, $0xb8;
	[tilespmem:$0x18480] =	vst v63  }
0x40e: {  	s7 =	simm.s32 $0xE480  }
0x40f: {  	[tilespmem:s7], [sflag:$0x3] =	stream.indirect_vreg.gather [hbm4b:s5+s3], $0x80, v3, vm0, $0xb8;
	[tilespmem:$0x18480] =	vst v63  }
0x410: {  	s28 =	simm.s32 $0xEC80  }
0x411: {  	[tilespmem:s28], [sflag:$0x3] =	stream.indirect_vreg.gather [hbm4b:s6+s3], $0x80, v3, vm0, $0xb8;
	[tilespmem:$0x18480] =	vst v63  }
0x412: {  	v3 =	vld [tilespmem:$0x2D0];
	_ =	sdelay $0x4  }
0x413: {  	v41 =	vshrl.u32 v3, $0x3  }
0x414: {  	v4 =	vmul.u32 $0x30, v41  }
0x415: {  	v3 =	vand.u32 $0x7, v3  }
0x416: {  	v3 =	vor.u32 v3, v4  }
0x417: {  	v4 =	vperm.xlane v3, v0;
	_ =	sdelay $0x1  }
0x418: {  	v4 =	vadd.s32 v1, v4;
	_ =	sdelay $0x3  }
0x419: {  	s29 =	simm.s32 $0xF480;
	v3 =	vperm.xlane v3, v2  }
0x41a: {  	[tilespmem:s29], [sflag:$0x3] =	stream.indirect_vreg.gather [hbm4b:s2+s3], $0x80, v4, vm0, $0xb8;
	[tilespmem:$0x18480] =	vst v63  }
0x41b: {  	s9 =	simm.s32 $0xFC80;
	v3 =	vadd.s32 v1, v3  }
0x41c: {  	[tilespmem:s9], [sflag:$0x3] =	stream.indirect_vreg.gather [hbm4b:s5+s3], $0x80, v4, vm0, $0xb8;
	[tilespmem:$0x18480] =	vst v63  }
0x41d: {  	s18 =	simm.s32 $0x10480  }
0x41e: {  	[tilespmem:s18], [sflag:$0x3] =	stream.indirect_vreg.gather [hbm4b:s6+s3], $0x80, v4, vm0, $0xb8;
	[tilespmem:$0x18480] =	vst v63  }
0x41f: {  	s30 =	simm.s32 $0x10C80  }
0x420: {  	[tilespmem:s30], [sflag:$0x3] =	stream.indirect_vreg.gather [hbm4b:s2+s3], $0x80, v3, vm0, $0xb8;
	[tilespmem:$0x18480] =	vst v63  }
0x421: {  	s9 =	simm.s32 $0x11480  }
0x422: {  	[tilespmem:s9], [sflag:$0x3] =	stream.indirect_vreg.gather [hbm4b:s5+s3], $0x80, v3, vm0, $0xb8;
	[tilespmem:$0x18480] =	vst v63  }
0x423: {  	s30 =	simm.s32 $0x11C80  }
0x424: {  	[tilespmem:s30], [sflag:$0x3] =	stream.indirect_vreg.gather [hbm4b:s6+s3], $0x80, v3, vm0, $0xb8;
	[tilespmem:$0x18480] =	vst v63  }
0x425: {  	_ =	swait.ge [sflag:s16], $0x6000  }
0x426: {  	[sflag:s16] =	ssyncset.done $0x0  }
0x427: {  	s7 =	simm.s32 $0x12480;
	s4 =	rddreg [dreg:$0x17];
	[sflag:s16] =	ssyncadd.s32 $0xFFFFA000  }
0x428: {  	[hbm4b:s4+s3] =	stream.linear.scatter [tilespmem:s7], [sflag:$0x8], $0x6000, $0x38;
	[tilespmem:$0x18480] =	vst v63  }
0x429: {  	_ =	swait.ge [sflag:s17], $0x6000  }
0x42a: {  	[sflag:s17] =	ssyncset.done $0x0  }
0x42b: {  	[sflag:s17] =	ssyncadd.s32 $0xFFFFA000  }
0x42c: {  	v3 =	vld [tilespmem:$0x2E0];
	_ =	sdelay $0x4  }
0x42d: {  	v42 =	vshrl.u32 v3, $0x3  }
0x42e: {  	v4 =	vmul.u32 $0x30, v42  }
0x42f: {  	v3 =	vand.u32 $0x7, v3  }
0x430: {  	v3 =	vor.u32 v3, v4  }
0x431: {  	v4 =	vperm.xlane v3, v0;
	_ =	sdelay $0x1  }
0x432: {  	v4 =	vadd.s32 v1, v4;
	_ =	sdelay $0x3  }
0x433: {  	v3 =	vperm.xlane v3, v2  }
0x434: {  	[tilespmem:s7], [sflag:$0x4] =	stream.indirect_vreg.gather [hbm4b:s2+s3], $0x80, v4, vm0, $0xb8;
	[tilespmem:$0x18480] =	vst v63  }
0x435: {  	v3 =	vadd.s32 v1, v3  }
0x436: {  	[tilespmem:s8], [sflag:$0x4] =	stream.indirect_vreg.gather [hbm4b:s5+s3], $0x80, v4, vm0, $0xb8;
	[tilespmem:$0x18480] =	vst v63  }
0x437: {  	s18 =	simm.s32 $0x13480  }
0x438: {  	[tilespmem:s18], [sflag:$0x4] =	stream.indirect_vreg.gather [hbm4b:s6+s3], $0x80, v4, vm0, $0xb8;
	[tilespmem:$0x18480] =	vst v63  }
0x439: {  	s8 =	simm.s32 $0x13C80  }
0x43a: {  	[tilespmem:s8], [sflag:$0x4] =	stream.indirect_vreg.gather [hbm4b:s2+s3], $0x80, v3, vm0, $0xb8;
	[tilespmem:$0x18480] =	vst v63  }
0x43b: {  	s18 =	simm.s32 $0x14480  }
0x43c: {  	[tilespmem:s18], [sflag:$0x4] =	stream.indirect_vreg.gather [hbm4b:s5+s3], $0x80, v3, vm0, $0xb8;
	[tilespmem:$0x18480] =	vst v63  }
0x43d: {  	s8 =	simm.s32 $0x14C80  }
0x43e: {  	[tilespmem:s8], [sflag:$0x4] =	stream.indirect_vreg.gather [hbm4b:s6+s3], $0x80, v3, vm0, $0xb8;
	[tilespmem:$0x18480] =	vst v63  }
0x43f: {  	v3 =	vld [tilespmem:$0x2F0];
	_ =	sdelay $0x4  }
0x440: {  	v43 =	vshrl.u32 v3, $0x3  }
0x441: {  	v4 =	vmul.u32 $0x30, v43  }
0x442: {  	v3 =	vand.u32 $0x7, v3  }
0x443: {  	v3 =	vor.u32 v3, v4  }
0x444: {  	v4 =	vperm.xlane v3, v0;
	_ =	sdelay $0x1  }
0x445: {  	v4 =	vadd.s32 v1, v4;
	_ =	sdelay $0x3  }
0x446: {  	v3 =	vperm.xlane v3, v2  }
0x447: {  	[tilespmem:s25], [sflag:$0x4] =	stream.indirect_vreg.gather [hbm4b:s2+s3], $0x80, v4, vm0, $0xb8;
	[tilespmem:$0x18480] =	vst v63  }
0x448: {  	v3 =	vadd.s32 v1, v3  }
0x449: {  	[tilespmem:s21], [sflag:$0x4] =	stream.indirect_vreg.gather [hbm4b:s5+s3], $0x80, v4, vm0, $0xb8;
	[tilespmem:$0x18480] =	vst v63  }
0x44a: {  	_ = 	snop  }
0x44b: {  	[tilespmem:s22], [sflag:$0x4] =	stream.indirect_vreg.gather [hbm4b:s6+s3], $0x80, v4, vm0, $0xb8;
	[tilespmem:$0x18480] =	vst v63  }
0x44c: {  	_ = 	snop  }
0x44d: {  	[tilespmem:s23], [sflag:$0x4] =	stream.indirect_vreg.gather [hbm4b:s2+s3], $0x80, v3, vm0, $0xb8;
	[tilespmem:$0x18480] =	vst v63  }
0x44e: {  	_ = 	snop  }
0x44f: {  	[tilespmem:s24], [sflag:$0x4] =	stream.indirect_vreg.gather [hbm4b:s5+s3], $0x80, v3, vm0, $0xb8;
	[tilespmem:$0x18480] =	vst v63  }
0x450: {  	_ = 	snop  }
0x451: {  	[tilespmem:s26], [sflag:$0x4] =	stream.indirect_vreg.gather [hbm4b:s6+s3], $0x80, v3, vm0, $0xb8;
	[tilespmem:$0x18480] =	vst v63  }
0x452: {  	_ =	swait.ge [sflag:s10], $0x6000  }
0x453: {  	[sflag:s10] =	ssyncset.done $0x0  }
0x454: {  	s26 =	simm.s32 $0x480;
	s25 =	rddreg [dreg:$0x18];
	[sflag:s10] =	ssyncadd.s32 $0xFFFFA000  }
0x455: {  	[hbm4b:s25+s3] =	stream.linear.scatter [tilespmem:s26], [sflag:$0x5], $0x6000, $0x38;
	[tilespmem:$0x18480] =	vst v63  }
0x456: {  	_ =	swait.ge [sflag:s11], $0x6000  }
0x457: {  	[sflag:s11] =	ssyncset.done $0x0  }
0x458: {  	[sflag:s11] =	ssyncadd.s32 $0xFFFFA000  }
0x459: {  	v3 =	vld [tilespmem:$0x300];
	_ =	sdelay $0x4  }
0x45a: {  	v44 =	vshrl.u32 v3, $0x3  }
0x45b: {  	v4 =	vmul.u32 $0x30, v44  }
0x45c: {  	v3 =	vand.u32 $0x7, v3  }
0x45d: {  	v3 =	vor.u32 v3, v4  }
0x45e: {  	v4 =	vperm.xlane v3, v0;
	_ =	sdelay $0x1  }
0x45f: {  	v4 =	vadd.s32 v1, v4;
	_ =	sdelay $0x3  }
0x460: {  	v3 =	vperm.xlane v3, v2  }
0x461: {  	[tilespmem:s26], [sflag:$0x1] =	stream.indirect_vreg.gather [hbm4b:s2+s3], $0x80, v4, vm0, $0xb8;
	[tilespmem:$0x18480] =	vst v63  }
0x462: {  	s21 =	simm.s32 $0xC80;
	v3 =	vadd.s32 v1, v3  }
0x463: {  	[tilespmem:s21], [sflag:$0x1] =	stream.indirect_vreg.gather [hbm4b:s5+s3], $0x80, v4, vm0, $0xb8;
	[tilespmem:$0x18480] =	vst v63  }
0x464: {  	s22 =	simm.s32 $0x1480  }
0x465: {  	[tilespmem:s22], [sflag:$0x1] =	stream.indirect_vreg.gather [hbm4b:s6+s3], $0x80, v4, vm0, $0xb8;
	[tilespmem:$0x18480] =	vst v63  }
0x466: {  	s23 =	simm.s32 $0x1C80  }
0x467: {  	[tilespmem:s23], [sflag:$0x1] =	stream.indirect_vreg.gather [hbm4b:s2+s3], $0x80, v3, vm0, $0xb8;
	[tilespmem:$0x18480] =	vst v63  }
0x468: {  	s24 =	simm.s32 $0x2480  }
0x469: {  	[tilespmem:s24], [sflag:$0x1] =	stream.indirect_vreg.gather [hbm4b:s5+s3], $0x80, v3, vm0, $0xb8;
	[tilespmem:$0x18480] =	vst v63  }
0x46a: {  	s26 =	simm.s32 $0x2C80  }
0x46b: {  	[tilespmem:s26], [sflag:$0x1] =	stream.indirect_vreg.gather [hbm4b:s6+s3], $0x80, v3, vm0, $0xb8;
	[tilespmem:$0x18480] =	vst v63  }
0x46c: {  	v3 =	vld [tilespmem:$0x310];
	_ =	sdelay $0x4  }
0x46d: {  	v45 =	vshrl.u32 v3, $0x3  }
0x46e: {  	v4 =	vmul.u32 $0x30, v45  }
0x46f: {  	v3 =	vand.u32 $0x7, v3  }
0x470: {  	v3 =	vor.u32 v3, v4  }
0x471: {  	v4 =	vperm.xlane v3, v0;
	_ =	sdelay $0x1  }
0x472: {  	v4 =	vadd.s32 v1, v4;
	_ =	sdelay $0x3  }
0x473: {  	s18 =	simm.s32 $0x3480;
	v3 =	vperm.xlane v3, v2  }
0x474: {  	[tilespmem:s18], [sflag:$0x1] =	stream.indirect_vreg.gather [hbm4b:s2+s3], $0x80, v4, vm0, $0xb8;
	[tilespmem:$0x18480] =	vst v63  }
0x475: {  	s23 =	simm.s32 $0x3C80;
	v3 =	vadd.s32 v1, v3  }
0x476: {  	[tilespmem:s23], [sflag:$0x1] =	stream.indirect_vreg.gather [hbm4b:s5+s3], $0x80, v4, vm0, $0xb8;
	[tilespmem:$0x18480] =	vst v63  }
0x477: {  	s26 =	simm.s32 $0x4480  }
0x478: {  	[tilespmem:s26], [sflag:$0x1] =	stream.indirect_vreg.gather [hbm4b:s6+s3], $0x80, v4, vm0, $0xb8;
	[tilespmem:$0x18480] =	vst v63  }
0x479: {  	s21 =	simm.s32 $0x4C80  }
0x47a: {  	[tilespmem:s21], [sflag:$0x1] =	stream.indirect_vreg.gather [hbm4b:s2+s3], $0x80, v3, vm0, $0xb8;
	[tilespmem:$0x18480] =	vst v63  }
0x47b: {  	s22 =	simm.s32 $0x5480  }
0x47c: {  	[tilespmem:s22], [sflag:$0x1] =	stream.indirect_vreg.gather [hbm4b:s5+s3], $0x80, v3, vm0, $0xb8;
	[tilespmem:$0x18480] =	vst v63  }
0x47d: {  	_ = 	snop  }
0x47e: {  	[tilespmem:s20], [sflag:$0x1] =	stream.indirect_vreg.gather [hbm4b:s6+s3], $0x80, v3, vm0, $0xb8;
	[tilespmem:$0x18480] =	vst v63  }
0x47f: {  	_ =	swait.ge [sflag:s12], $0x6000  }
0x480: {  	[sflag:s12] =	ssyncset.done $0x0  }
0x481: {  	s24 =	simm.s32 $0x6480;
	s20 =	rddreg [dreg:$0x19];
	[sflag:s12] =	ssyncadd.s32 $0xFFFFA000  }
0x482: {  	[hbm4b:s20+s3] =	stream.linear.scatter [tilespmem:s24], [sflag:$0x6], $0x6000, $0x38;
	[tilespmem:$0x18480] =	vst v63  }
0x483: {  	_ =	swait.ge [sflag:s13], $0x6000  }
0x484: {  	[sflag:s13] =	ssyncset.done $0x0  }
0x485: {  	[sflag:s13] =	ssyncadd.s32 $0xFFFFA000  }
0x486: {  	v3 =	vld [tilespmem:$0x320];
	_ =	sdelay $0x4  }
0x487: {  	v46 =	vshrl.u32 v3, $0x3  }
0x488: {  	v4 =	vmul.u32 $0x30, v46  }
0x489: {  	v3 =	vand.u32 $0x7, v3  }
0x48a: {  	v3 =	vor.u32 v3, v4  }
0x48b: {  	v4 =	vperm.xlane v3, v0;
	_ =	sdelay $0x1  }
0x48c: {  	v4 =	vadd.s32 v1, v4;
	_ =	sdelay $0x3  }
0x48d: {  	v3 =	vperm.xlane v3, v2  }
0x48e: {  	[tilespmem:s24], [sflag:$0x2] =	stream.indirect_vreg.gather [hbm4b:s2+s3], $0x80, v4, vm0, $0xb8;
	[tilespmem:$0x18480] =	vst v63  }
0x48f: {  	v3 =	vadd.s32 v1, v3  }
0x490: {  	[tilespmem:s31], [sflag:$0x2] =	stream.indirect_vreg.gather [hbm4b:s5+s3], $0x80, v4, vm0, $0xb8;
	[tilespmem:$0x18480] =	vst v63  }
0x491: {  	s31 =	simm.s32 $0x7480  }
0x492: {  	[tilespmem:s31], [sflag:$0x2] =	stream.indirect_vreg.gather [hbm4b:s6+s3], $0x80, v4, vm0, $0xb8;
	[tilespmem:$0x18480] =	vst v63  }
0x493: {  	s18 =	simm.s32 $0x7C80  }
0x494: {  	[tilespmem:s18], [sflag:$0x2] =	stream.indirect_vreg.gather [hbm4b:s2+s3], $0x80, v3, vm0, $0xb8;
	[tilespmem:$0x18480] =	vst v63  }
0x495: {  	s20 =	simm.s32 $0x8480  }
0x496: {  	[tilespmem:s20], [sflag:$0x2] =	stream.indirect_vreg.gather [hbm4b:s5+s3], $0x80, v3, vm0, $0xb8;
	[tilespmem:$0x18480] =	vst v63  }
0x497: {  	s31 =	simm.s32 $0x8C80  }
0x498: {  	[tilespmem:s31], [sflag:$0x2] =	stream.indirect_vreg.gather [hbm4b:s6+s3], $0x80, v3, vm0, $0xb8;
	[tilespmem:$0x18480] =	vst v63  }
0x499: {  	v3 =	vld [tilespmem:$0x330];
	_ =	sdelay $0x4  }
0x49a: {  	v47 =	vshrl.u32 v3, $0x3  }
0x49b: {  	v4 =	vmul.u32 $0x30, v47  }
0x49c: {  	v3 =	vand.u32 $0x7, v3  }
0x49d: {  	v3 =	vor.u32 v3, v4  }
0x49e: {  	v4 =	vperm.xlane v3, v0;
	_ =	sdelay $0x1  }
0x49f: {  	v4 =	vadd.s32 v1, v4;
	_ =	sdelay $0x3  }
0x4a0: {  	s18 =	simm.s32 $0x9480;
	v3 =	vperm.xlane v3, v2  }
0x4a1: {  	[tilespmem:s18], [sflag:$0x2] =	stream.indirect_vreg.gather [hbm4b:s2+s3], $0x80, v4, vm0, $0xb8;
	[tilespmem:$0x18480] =	vst v63  }
0x4a2: {  	s20 =	simm.s32 $0x9C80;
	v3 =	vadd.s32 v1, v3  }
0x4a3: {  	[tilespmem:s20], [sflag:$0x2] =	stream.indirect_vreg.gather [hbm4b:s5+s3], $0x80, v4, vm0, $0xb8;
	[tilespmem:$0x18480] =	vst v63  }
0x4a4: {  	s31 =	simm.s32 $0xA480  }
0x4a5: {  	[tilespmem:s31], [sflag:$0x2] =	stream.indirect_vreg.gather [hbm4b:s6+s3], $0x80, v4, vm0, $0xb8;
	[tilespmem:$0x18480] =	vst v63  }
0x4a6: {  	s4 =	simm.s32 $0xAC80  }
0x4a7: {  	[tilespmem:s4], [sflag:$0x2] =	stream.indirect_vreg.gather [hbm4b:s2+s3], $0x80, v3, vm0, $0xb8;
	[tilespmem:$0x18480] =	vst v63  }
0x4a8: {  	_ = 	snop  }
0x4a9: {  	[tilespmem:s14], [sflag:$0x2] =	stream.indirect_vreg.gather [hbm4b:s5+s3], $0x80, v3, vm0, $0xb8;
	[tilespmem:$0x18480] =	vst v63  }
0x4aa: {  	s18 =	simm.s32 $0xBC80  }
0x4ab: {  	[tilespmem:s18], [sflag:$0x2] =	stream.indirect_vreg.gather [hbm4b:s6+s3], $0x80, v3, vm0, $0xb8;
	[tilespmem:$0x18480] =	vst v63  }
0x4ac: {  	_ =	swait.ge [sflag:s19], $0x6000  }
0x4ad: {  	[sflag:s19] =	ssyncset.done $0x0  }
0x4ae: {  	s1 =	simm.s32 $0xC480;
	s20 =	rddreg [dreg:$0x1a];
	[sflag:s19] =	ssyncadd.s32 $0xFFFFA000  }
0x4af: {  	[hbm4b:s20+s3] =	stream.linear.scatter [tilespmem:s1], [sflag:$0x7], $0x6000, $0x38;
	[tilespmem:$0x18480] =	vst v63  }
0x4b0: {  	_ =	swait.ge [sflag:s15], $0x6000  }
0x4b1: {  	[sflag:s15] =	ssyncset.done $0x0  }
0x4b2: {  	[sflag:s15] =	ssyncadd.s32 $0xFFFFA000  }
0x4b3: {  	v3 =	vld [tilespmem:$0x340];
	_ =	sdelay $0x4  }
0x4b4: {  	v48 =	vshrl.u32 v3, $0x3  }
0x4b5: {  	v4 =	vmul.u32 $0x30, v48  }
0x4b6: {  	v3 =	vand.u32 $0x7, v3  }
0x4b7: {  	v3 =	vor.u32 v3, v4  }
0x4b8: {  	v4 =	vperm.xlane v3, v0;
	_ =	sdelay $0x1  }
0x4b9: {  	v4 =	vadd.s32 v1, v4;
	_ =	sdelay $0x3  }
0x4ba: {  	v3 =	vperm.xlane v3, v2  }
0x4bb: {  	[tilespmem:s1], [sflag:$0x3] =	stream.indirect_vreg.gather [hbm4b:s2+s3], $0x80, v4, vm0, $0xb8;
	[tilespmem:$0x18480] =	vst v63  }
0x4bc: {  	s31 =	simm.s32 $0xCC80;
	v3 =	vadd.s32 v1, v3  }
0x4bd: {  	[tilespmem:s31], [sflag:$0x3] =	stream.indirect_vreg.gather [hbm4b:s5+s3], $0x80, v4, vm0, $0xb8;
	[tilespmem:$0x18480] =	vst v63  }
0x4be: {  	s14 =	simm.s32 $0xD480  }
0x4bf: {  	[tilespmem:s14], [sflag:$0x3] =	stream.indirect_vreg.gather [hbm4b:s6+s3], $0x80, v4, vm0, $0xb8;
	[tilespmem:$0x18480] =	vst v63  }
0x4c0: {  	s18 =	simm.s32 $0xDC80  }
0x4c1: {  	[tilespmem:s18], [sflag:$0x3] =	stream.indirect_vreg.gather [hbm4b:s2+s3], $0x80, v3, vm0, $0xb8;
	[tilespmem:$0x18480] =	vst v63  }
0x4c2: {  	s20 =	simm.s32 $0xE480  }
0x4c3: {  	[tilespmem:s20], [sflag:$0x3] =	stream.indirect_vreg.gather [hbm4b:s5+s3], $0x80, v3, vm0, $0xb8;
	[tilespmem:$0x18480] =	vst v63  }
0x4c4: {  	_ = 	snop  }
0x4c5: {  	[tilespmem:s28], [sflag:$0x3] =	stream.indirect_vreg.gather [hbm4b:s6+s3], $0x80, v3, vm0, $0xb8;
	[tilespmem:$0x18480] =	vst v63  }
0x4c6: {  	v3 =	vld [tilespmem:$0x350];
	_ =	sdelay $0x4  }
0x4c7: {  	v49 =	vshrl.u32 v3, $0x3  }
0x4c8: {  	v4 =	vmul.u32 $0x30, v49  }
0x4c9: {  	v3 =	vand.u32 $0x7, v3  }
0x4ca: {  	v3 =	vor.u32 v3, v4  }
0x4cb: {  	v4 =	vperm.xlane v3, v0;
	_ =	sdelay $0x1  }
0x4cc: {  	v4 =	vadd.s32 v1, v4;
	_ =	sdelay $0x3  }
0x4cd: {  	v3 =	vperm.xlane v3, v2  }
0x4ce: {  	[tilespmem:s29], [sflag:$0x3] =	stream.indirect_vreg.gather [hbm4b:s2+s3], $0x80, v4, vm0, $0xb8;
	[tilespmem:$0x18480] =	vst v63  }
0x4cf: {  	v3 =	vadd.s32 v1, v3;
	s29 =	simm.s32 $0xFC80  }
0x4d0: {  	[tilespmem:s29], [sflag:$0x3] =	stream.indirect_vreg.gather [hbm4b:s5+s3], $0x80, v4, vm0, $0xb8;
	[tilespmem:$0x18480] =	vst v63  }
0x4d1: {  	s31 =	simm.s32 $0x10480  }
0x4d2: {  	[tilespmem:s31], [sflag:$0x3] =	stream.indirect_vreg.gather [hbm4b:s6+s3], $0x80, v4, vm0, $0xb8;
	[tilespmem:$0x18480] =	vst v63  }
0x4d3: {  	s14 =	simm.s32 $0x10C80  }
0x4d4: {  	[tilespmem:s14], [sflag:$0x3] =	stream.indirect_vreg.gather [hbm4b:s2+s3], $0x80, v3, vm0, $0xb8;
	[tilespmem:$0x18480] =	vst v63  }
0x4d5: {  	_ = 	snop  }
0x4d6: {  	[tilespmem:s9], [sflag:$0x3] =	stream.indirect_vreg.gather [hbm4b:s5+s3], $0x80, v3, vm0, $0xb8;
	[tilespmem:$0x18480] =	vst v63  }
0x4d7: {  	_ = 	snop  }
0x4d8: {  	[tilespmem:s30], [sflag:$0x3] =	stream.indirect_vreg.gather [hbm4b:s6+s3], $0x80, v3, vm0, $0xb8;
	[tilespmem:$0x18480] =	vst v63  }
0x4d9: {  	_ =	swait.ge [sflag:s16], $0x6000  }
0x4da: {  	[sflag:s16] =	ssyncset.done $0x0  }
0x4db: {  	s7 =	simm.s32 $0x12480;
	s20 =	rddreg [dreg:$0x1b];
	[sflag:s16] =	ssyncadd.s32 $0xFFFFA000  }
0x4dc: {  	[hbm4b:s20+s3] =	stream.linear.scatter [tilespmem:s7], [sflag:$0x8], $0x6000, $0x38;
	[tilespmem:$0x18480] =	vst v63  }
0x4dd: {  	_ =	swait.ge [sflag:s17], $0x6000  }
0x4de: {  	[sflag:s17] =	ssyncset.done $0x0  }
0x4df: {  	[sflag:s17] =	ssyncadd.s32 $0xFFFFA000  }
0x4e0: {  	v3 =	vld [tilespmem:$0x360];
	_ =	sdelay $0x4  }
0x4e1: {  	v50 =	vshrl.u32 v3, $0x3  }
0x4e2: {  	v4 =	vmul.u32 $0x30, v50  }
0x4e3: {  	v3 =	vand.u32 $0x7, v3  }
0x4e4: {  	v3 =	vor.u32 v3, v4  }
0x4e5: {  	v4 =	vperm.xlane v3, v0;
	_ =	sdelay $0x1  }
0x4e6: {  	v4 =	vadd.s32 v1, v4;
	_ =	sdelay $0x3  }
0x4e7: {  	v3 =	vperm.xlane v3, v2  }
0x4e8: {  	[tilespmem:s7], [sflag:$0x4] =	stream.indirect_vreg.gather [hbm4b:s2+s3], $0x80, v4, vm0, $0xb8;
	[tilespmem:$0x18480] =	vst v63  }
0x4e9: {  	s30 =	simm.s32 $0x12C80;
	v3 =	vadd.s32 v1, v3  }
0x4ea: {  	[tilespmem:s30], [sflag:$0x4] =	stream.indirect_vreg.gather [hbm4b:s5+s3], $0x80, v4, vm0, $0xb8;
	[tilespmem:$0x18480] =	vst v63  }
0x4eb: {  	s30 =	simm.s32 $0x13480  }
0x4ec: {  	[tilespmem:s30], [sflag:$0x4] =	stream.indirect_vreg.gather [hbm4b:s6+s3], $0x80, v4, vm0, $0xb8;
	[tilespmem:$0x18480] =	vst v63  }
0x4ed: {  	s7 =	simm.s32 $0x13C80  }
0x4ee: {  	[tilespmem:s7], [sflag:$0x4] =	stream.indirect_vreg.gather [hbm4b:s2+s3], $0x80, v3, vm0, $0xb8;
	[tilespmem:$0x18480] =	vst v63  }
0x4ef: {  	s9 =	simm.s32 $0x14480  }
0x4f0: {  	[tilespmem:s9], [sflag:$0x4] =	stream.indirect_vreg.gather [hbm4b:s5+s3], $0x80, v3, vm0, $0xb8;
	[tilespmem:$0x18480] =	vst v63  }
0x4f1: {  	_ = 	snop  }
0x4f2: {  	[tilespmem:s8], [sflag:$0x4] =	stream.indirect_vreg.gather [hbm4b:s6+s3], $0x80, v3, vm0, $0xb8;
	[tilespmem:$0x18480] =	vst v63  }
0x4f3: {  	v3 =	vld [tilespmem:$0x370];
	_ =	sdelay $0x4  }
0x4f4: {  	v51 =	vshrl.u32 v3, $0x3  }
0x4f5: {  	v4 =	vmul.u32 $0x30, v51  }
0x4f6: {  	v3 =	vand.u32 $0x7, v3  }
0x4f7: {  	v3 =	vor.u32 v3, v4  }
0x4f8: {  	v4 =	vperm.xlane v3, v0;
	_ =	sdelay $0x1  }
0x4f9: {  	v4 =	vadd.s32 v1, v4;
	_ =	sdelay $0x3  }
0x4fa: {  	s18 =	simm.s32 $0x15480;
	v3 =	vperm.xlane v3, v2  }
0x4fb: {  	[tilespmem:s18], [sflag:$0x4] =	stream.indirect_vreg.gather [hbm4b:s2+s3], $0x80, v4, vm0, $0xb8;
	[tilespmem:$0x18480] =	vst v63  }
0x4fc: {  	s8 =	simm.s32 $0x15C80;
	v3 =	vadd.s32 v1, v3  }
0x4fd: {  	[tilespmem:s8], [sflag:$0x4] =	stream.indirect_vreg.gather [hbm4b:s5+s3], $0x80, v4, vm0, $0xb8;
	[tilespmem:$0x18480] =	vst v63  }
0x4fe: {  	s9 =	simm.s32 $0x16480  }
0x4ff: {  	[tilespmem:s9], [sflag:$0x4] =	stream.indirect_vreg.gather [hbm4b:s6+s3], $0x80, v4, vm0, $0xb8;
	[tilespmem:$0x18480] =	vst v63  }
0x500: {  	s14 =	simm.s32 $0x16C80  }
0x501: {  	[tilespmem:s14], [sflag:$0x4] =	stream.indirect_vreg.gather [hbm4b:s2+s3], $0x80, v3, vm0, $0xb8;
	[tilespmem:$0x18480] =	vst v63  }
0x502: {  	s20 =	simm.s32 $0x17480  }
0x503: {  	[tilespmem:s20], [sflag:$0x4] =	stream.indirect_vreg.gather [hbm4b:s5+s3], $0x80, v3, vm0, $0xb8;
	[tilespmem:$0x18480] =	vst v63  }
0x504: {  	s20 =	simm.s32 $0x17C80  }
0x505: {  	[tilespmem:s20], [sflag:$0x4] =	stream.indirect_vreg.gather [hbm4b:s6+s3], $0x80, v3, vm0, $0xb8;
	[tilespmem:$0x18480] =	vst v63  }
0x506: {  	_ =	swait.ge [sflag:s10], $0x6000  }
0x507: {  	[sflag:s10] =	ssyncset.done $0x0  }
0x508: {  	s25 =	simm.s32 $0x480;
	s20 =	rddreg [dreg:$0x1c];
	[sflag:s10] =	ssyncadd.s32 $0xFFFFA000  }
0x509: {  	[hbm4b:s20+s3] =	stream.linear.scatter [tilespmem:s25], [sflag:$0x5], $0x6000, $0x38;
	[tilespmem:$0x18480] =	vst v63  }
0x50a: {  	_ =	swait.ge [sflag:s11], $0x6000  }
0x50b: {  	[sflag:s11] =	ssyncset.done $0x0  }
0x50c: {  	[sflag:s11] =	ssyncadd.s32 $0xFFFFA000  }
0x50d: {  	v3 =	vld [tilespmem:$0x380];
	_ =	sdelay $0x4  }
0x50e: {  	v52 =	vshrl.u32 v3, $0x3  }
0x50f: {  	v4 =	vmul.u32 $0x30, v52  }
0x510: {  	v3 =	vand.u32 $0x7, v3  }
0x511: {  	v3 =	vor.u32 v3, v4  }
0x512: {  	v4 =	vperm.xlane v3, v0;
	_ =	sdelay $0x1  }
0x513: {  	v4 =	vadd.s32 v1, v4;
	_ =	sdelay $0x3  }
0x514: {  	v3 =	vperm.xlane v3, v2  }
0x515: {  	[tilespmem:s25], [sflag:$0x1] =	stream.indirect_vreg.gather [hbm4b:s2+s3], $0x80, v4, vm0, $0xb8;
	[tilespmem:$0x18480] =	vst v63  }
0x516: {  	s20 =	simm.s32 $0xC80;
	v3 =	vadd.s32 v1, v3  }
0x517: {  	[tilespmem:s20], [sflag:$0x1] =	stream.indirect_vreg.gather [hbm4b:s5+s3], $0x80, v4, vm0, $0xb8;
	[tilespmem:$0x18480] =	vst v63  }
0x518: {  	s20 =	simm.s32 $0x1480  }
0x519: {  	[tilespmem:s20], [sflag:$0x1] =	stream.indirect_vreg.gather [hbm4b:s6+s3], $0x80, v4, vm0, $0xb8;
	[tilespmem:$0x18480] =	vst v63  }
0x51a: {  	s20 =	simm.s32 $0x1C80  }
0x51b: {  	[tilespmem:s20], [sflag:$0x1] =	stream.indirect_vreg.gather [hbm4b:s2+s3], $0x80, v3, vm0, $0xb8;
	[tilespmem:$0x18480] =	vst v63  }
0x51c: {  	s20 =	simm.s32 $0x2480  }
0x51d: {  	[tilespmem:s20], [sflag:$0x1] =	stream.indirect_vreg.gather [hbm4b:s5+s3], $0x80, v3, vm0, $0xb8;
	[tilespmem:$0x18480] =	vst v63  }
0x51e: {  	s20 =	simm.s32 $0x2C80  }
0x51f: {  	[tilespmem:s20], [sflag:$0x1] =	stream.indirect_vreg.gather [hbm4b:s6+s3], $0x80, v3, vm0, $0xb8;
	[tilespmem:$0x18480] =	vst v63  }
0x520: {  	v3 =	vld [tilespmem:$0x390];
	_ =	sdelay $0x4  }
0x521: {  	v53 =	vshrl.u32 v3, $0x3  }
0x522: {  	v4 =	vmul.u32 $0x30, v53  }
0x523: {  	v3 =	vand.u32 $0x7, v3  }
0x524: {  	v3 =	vor.u32 v3, v4  }
0x525: {  	v4 =	vperm.xlane v3, v0;
	_ =	sdelay $0x1  }
0x526: {  	v4 =	vadd.s32 v1, v4;
	_ =	sdelay $0x3  }
0x527: {  	s20 =	simm.s32 $0x3480;
	v3 =	vperm.xlane v3, v2  }
0x528: {  	[tilespmem:s20], [sflag:$0x1] =	stream.indirect_vreg.gather [hbm4b:s2+s3], $0x80, v4, vm0, $0xb8;
	[tilespmem:$0x18480] =	vst v63  }
0x529: {  	v3 =	vadd.s32 v1, v3  }
0x52a: {  	[tilespmem:s23], [sflag:$0x1] =	stream.indirect_vreg.gather [hbm4b:s5+s3], $0x80, v4, vm0, $0xb8;
	[tilespmem:$0x18480] =	vst v63  }
0x52b: {  	_ = 	snop  }
0x52c: {  	[tilespmem:s26], [sflag:$0x1] =	stream.indirect_vreg.gather [hbm4b:s6+s3], $0x80, v4, vm0, $0xb8;
	[tilespmem:$0x18480] =	vst v63  }
0x52d: {  	_ = 	snop  }
0x52e: {  	[tilespmem:s21], [sflag:$0x1] =	stream.indirect_vreg.gather [hbm4b:s2+s3], $0x80, v3, vm0, $0xb8;
	[tilespmem:$0x18480] =	vst v63  }
0x52f: {  	_ = 	snop  }
0x530: {  	[tilespmem:s22], [sflag:$0x1] =	stream.indirect_vreg.gather [hbm4b:s5+s3], $0x80, v3, vm0, $0xb8;
	[tilespmem:$0x18480] =	vst v63  }
0x531: {  	s26 =	simm.s32 $0x5C80  }
0x532: {  	[tilespmem:s26], [sflag:$0x1] =	stream.indirect_vreg.gather [hbm4b:s6+s3], $0x80, v3, vm0, $0xb8;
	[tilespmem:$0x18480] =	vst v63  }
0x533: {  	_ =	swait.ge [sflag:s12], $0x6000  }
0x534: {  	[sflag:s12] =	ssyncset.done $0x0  }
0x535: {  	s24 =	simm.s32 $0x6480;
	s23 =	rddreg [dreg:$0x1d];
	[sflag:s12] =	ssyncadd.s32 $0xFFFFA000  }
0x536: {  	[hbm4b:s23+s3] =	stream.linear.scatter [tilespmem:s24], [sflag:$0x6], $0x6000, $0x38;
	[tilespmem:$0x18480] =	vst v63  }
0x537: {  	_ =	swait.ge [sflag:s13], $0x6000  }
0x538: {  	[sflag:s13] =	ssyncset.done $0x0  }
0x539: {  	[sflag:s13] =	ssyncadd.s32 $0xFFFFA000  }
0x53a: {  	v3 =	vld [tilespmem:$0x3A0];
	_ =	sdelay $0x4  }
0x53b: {  	v54 =	vshrl.u32 v3, $0x3  }
0x53c: {  	v4 =	vmul.u32 $0x30, v54  }
0x53d: {  	v3 =	vand.u32 $0x7, v3  }
0x53e: {  	v3 =	vor.u32 v3, v4  }
0x53f: {  	v4 =	vperm.xlane v3, v0;
	_ =	sdelay $0x1  }
0x540: {  	v4 =	vadd.s32 v1, v4;
	_ =	sdelay $0x3  }
0x541: {  	v3 =	vperm.xlane v3, v2  }
0x542: {  	[tilespmem:s24], [sflag:$0x2] =	stream.indirect_vreg.gather [hbm4b:s2+s3], $0x80, v4, vm0, $0xb8;
	[tilespmem:$0x18480] =	vst v63  }
0x543: {  	s26 =	simm.s32 $0x6C80;
	v3 =	vadd.s32 v1, v3  }
0x544: {  	[tilespmem:s26], [sflag:$0x2] =	stream.indirect_vreg.gather [hbm4b:s5+s3], $0x80, v4, vm0, $0xb8;
	[tilespmem:$0x18480] =	vst v63  }
0x545: {  	s23 =	simm.s32 $0x7480  }
0x546: {  	[tilespmem:s23], [sflag:$0x2] =	stream.indirect_vreg.gather [hbm4b:s6+s3], $0x80, v4, vm0, $0xb8;
	[tilespmem:$0x18480] =	vst v63  }
0x547: {  	s23 =	simm.s32 $0x7C80  }
0x548: {  	[tilespmem:s23], [sflag:$0x2] =	stream.indirect_vreg.gather [hbm4b:s2+s3], $0x80, v3, vm0, $0xb8;
	[tilespmem:$0x18480] =	vst v63  }
0x549: {  	s23 =	simm.s32 $0x8480  }
0x54a: {  	[tilespmem:s23], [sflag:$0x2] =	stream.indirect_vreg.gather [hbm4b:s5+s3], $0x80, v3, vm0, $0xb8;
	[tilespmem:$0x18480] =	vst v63  }
0x54b: {  	s23 =	simm.s32 $0x8C80  }
0x54c: {  	[tilespmem:s23], [sflag:$0x2] =	stream.indirect_vreg.gather [hbm4b:s6+s3], $0x80, v3, vm0, $0xb8;
	[tilespmem:$0x18480] =	vst v63  }
0x54d: {  	v3 =	vld [tilespmem:$0x3B0];
	_ =	sdelay $0x4  }
0x54e: {  	v55 =	vshrl.u32 v3, $0x3  }
0x54f: {  	v4 =	vmul.u32 $0x30, v55  }
0x550: {  	v3 =	vand.u32 $0x7, v3  }
0x551: {  	v3 =	vor.u32 v3, v4  }
0x552: {  	v4 =	vperm.xlane v3, v0;
	_ =	sdelay $0x1  }
0x553: {  	v4 =	vadd.s32 v1, v4;
	_ =	sdelay $0x3  }
0x554: {  	s23 =	simm.s32 $0x9480;
	v3 =	vperm.xlane v3, v2  }
0x555: {  	[tilespmem:s23], [sflag:$0x2] =	stream.indirect_vreg.gather [hbm4b:s2+s3], $0x80, v4, vm0, $0xb8;
	[tilespmem:$0x18480] =	vst v63  }
0x556: {  	v3 =	vadd.s32 v1, v3;
	s23 =	simm.s32 $0x9C80  }
0x557: {  	[tilespmem:s23], [sflag:$0x2] =	stream.indirect_vreg.gather [hbm4b:s5+s3], $0x80, v4, vm0, $0xb8;
	[tilespmem:$0x18480] =	vst v63  }
0x558: {  	s23 =	simm.s32 $0xA480  }
0x559: {  	[tilespmem:s23], [sflag:$0x2] =	stream.indirect_vreg.gather [hbm4b:s6+s3], $0x80, v4, vm0, $0xb8;
	[tilespmem:$0x18480] =	vst v63  }
0x55a: {  	_ = 	snop  }
0x55b: {  	[tilespmem:s4], [sflag:$0x2] =	stream.indirect_vreg.gather [hbm4b:s2+s3], $0x80, v3, vm0, $0xb8;
	[tilespmem:$0x18480] =	vst v63  }
0x55c: {  	s23 =	simm.s32 $0xB480  }
0x55d: {  	[tilespmem:s23], [sflag:$0x2] =	stream.indirect_vreg.gather [hbm4b:s5+s3], $0x80, v3, vm0, $0xb8;
	[tilespmem:$0x18480] =	vst v63  }
0x55e: {  	s23 =	simm.s32 $0xBC80  }
0x55f: {  	[tilespmem:s23], [sflag:$0x2] =	stream.indirect_vreg.gather [hbm4b:s6+s3], $0x80, v3, vm0, $0xb8;
	[tilespmem:$0x18480] =	vst v63  }
0x560: {  	_ =	swait.ge [sflag:s19], $0x6000  }
0x561: {  	[sflag:s19] =	ssyncset.done $0x0  }
0x562: {  	s23 =	simm.s32 $0xC480;
	s18 =	rddreg [dreg:$0x1e];
	[sflag:s19] =	ssyncadd.s32 $0xFFFFA000  }
0x563: {  	[hbm4b:s18+s3] =	stream.linear.scatter [tilespmem:s23], [sflag:$0x7], $0x6000, $0x38;
	[tilespmem:$0x18480] =	vst v63  }
0x564: {  	_ =	swait.ge [sflag:s15], $0x6000  }
0x565: {  	[sflag:s15] =	ssyncset.done $0x0  }
0x566: {  	[sflag:s15] =	ssyncadd.s32 $0xFFFFA000  }
0x567: {  	v3 =	vld [tilespmem:$0x3C0];
	_ =	sdelay $0x4  }
0x568: {  	v56 =	vshrl.u32 v3, $0x3  }
0x569: {  	v4 =	vmul.u32 $0x30, v56  }
0x56a: {  	v3 =	vand.u32 $0x7, v3  }
0x56b: {  	v3 =	vor.u32 v3, v4  }
0x56c: {  	v4 =	vperm.xlane v3, v0;
	_ =	sdelay $0x1  }
0x56d: {  	v4 =	vadd.s32 v1, v4;
	_ =	sdelay $0x3  }
0x56e: {  	v3 =	vperm.xlane v3, v2  }
0x56f: {  	[tilespmem:s23], [sflag:$0x3] =	stream.indirect_vreg.gather [hbm4b:s2+s3], $0x80, v4, vm0, $0xb8;
	[tilespmem:$0x18480] =	vst v63  }
0x570: {  	s18 =	simm.s32 $0xCC80;
	v3 =	vadd.s32 v1, v3  }
0x571: {  	[tilespmem:s18], [sflag:$0x3] =	stream.indirect_vreg.gather [hbm4b:s5+s3], $0x80, v4, vm0, $0xb8;
	[tilespmem:$0x18480] =	vst v63  }
0x572: {  	s18 =	simm.s32 $0xD480  }
0x573: {  	[tilespmem:s18], [sflag:$0x3] =	stream.indirect_vreg.gather [hbm4b:s6+s3], $0x80, v4, vm0, $0xb8;
	[tilespmem:$0x18480] =	vst v63  }
0x574: {  	s1 =	simm.s32 $0xDC80  }
0x575: {  	[tilespmem:s1], [sflag:$0x3] =	stream.indirect_vreg.gather [hbm4b:s2+s3], $0x80, v3, vm0, $0xb8;
	[tilespmem:$0x18480] =	vst v63  }
0x576: {  	s18 =	simm.s32 $0xE480  }
0x577: {  	[tilespmem:s18], [sflag:$0x3] =	stream.indirect_vreg.gather [hbm4b:s5+s3], $0x80, v3, vm0, $0xb8;
	[tilespmem:$0x18480] =	vst v63  }
0x578: {  	s18 =	simm.s32 $0xEC80  }
0x579: {  	[tilespmem:s18], [sflag:$0x3] =	stream.indirect_vreg.gather [hbm4b:s6+s3], $0x80, v3, vm0, $0xb8;
	[tilespmem:$0x18480] =	vst v63  }
0x57a: {  	v3 =	vld [tilespmem:$0x3D0];
	_ =	sdelay $0x4  }
0x57b: {  	v57 =	vshrl.u32 v3, $0x3  }
0x57c: {  	v4 =	vmul.u32 $0x30, v57  }
0x57d: {  	v3 =	vand.u32 $0x7, v3  }
0x57e: {  	v3 =	vor.u32 v3, v4  }
0x57f: {  	v4 =	vperm.xlane v3, v0;
	_ =	sdelay $0x1  }
0x580: {  	v4 =	vadd.s32 v1, v4;
	_ =	sdelay $0x3  }
0x581: {  	s28 =	simm.s32 $0xF480;
	v3 =	vperm.xlane v3, v2  }
0x582: {  	[tilespmem:s28], [sflag:$0x3] =	stream.indirect_vreg.gather [hbm4b:s2+s3], $0x80, v4, vm0, $0xb8;
	[tilespmem:$0x18480] =	vst v63  }
0x583: {  	v3 =	vadd.s32 v1, v3;
	s28 =	simm.s32 $0xFC80  }
0x584: {  	[tilespmem:s28], [sflag:$0x3] =	stream.indirect_vreg.gather [hbm4b:s5+s3], $0x80, v4, vm0, $0xb8;
	[tilespmem:$0x18480] =	vst v63  }
0x585: {  	s31 =	simm.s32 $0x10480  }
0x586: {  	[tilespmem:s31], [sflag:$0x3] =	stream.indirect_vreg.gather [hbm4b:s6+s3], $0x80, v4, vm0, $0xb8;
	[tilespmem:$0x18480] =	vst v63  }
0x587: {  	s18 =	simm.s32 $0x10C80  }
0x588: {  	[tilespmem:s18], [sflag:$0x3] =	stream.indirect_vreg.gather [hbm4b:s2+s3], $0x80, v3, vm0, $0xb8;
	[tilespmem:$0x18480] =	vst v63  }
0x589: {  	s28 =	simm.s32 $0x11480  }
0x58a: {  	[tilespmem:s28], [sflag:$0x3] =	stream.indirect_vreg.gather [hbm4b:s5+s3], $0x80, v3, vm0, $0xb8;
	[tilespmem:$0x18480] =	vst v63  }
0x58b: {  	s29 =	simm.s32 $0x11C80  }
0x58c: {  	[tilespmem:s29], [sflag:$0x3] =	stream.indirect_vreg.gather [hbm4b:s6+s3], $0x80, v3, vm0, $0xb8;
	[tilespmem:$0x18480] =	vst v63  }
0x58d: {  	_ =	swait.ge [sflag:s16], $0x6000  }
0x58e: {  	[sflag:s16] =	ssyncset.done $0x0  }
0x58f: {  	s31 =	simm.s32 $0x12480;
	s29 =	rddreg [dreg:$0x1f];
	[sflag:s16] =	ssyncadd.s32 $0xFFFFA000  }
0x590: {  	[hbm4b:s29+s3] =	stream.linear.scatter [tilespmem:s31], [sflag:$0x8], $0x6000, $0x38;
	[tilespmem:$0x18480] =	vst v63  }
0x591: {  	_ =	swait.ge [sflag:s17], $0x6000  }
0x592: {  	[sflag:s17] =	ssyncset.done $0x0  }
0x593: {  	[sflag:s17] =	ssyncadd.s32 $0xFFFFA000  }
0x594: {  	v3 =	vld [tilespmem:$0x3E0];
	_ =	sdelay $0x4  }
0x595: {  	v58 =	vshrl.u32 v3, $0x3  }
0x596: {  	v4 =	vmul.u32 $0x30, v58  }
0x597: {  	v3 =	vand.u32 $0x7, v3  }
0x598: {  	v3 =	vor.u32 v3, v4  }
0x599: {  	v4 =	vperm.xlane v3, v0;
	_ =	sdelay $0x1  }
0x59a: {  	v4 =	vadd.s32 v1, v4;
	_ =	sdelay $0x3  }
0x59b: {  	v3 =	vperm.xlane v3, v2  }
0x59c: {  	[tilespmem:s31], [sflag:$0x4] =	stream.indirect_vreg.gather [hbm4b:s2+s3], $0x80, v4, vm0, $0xb8;
	[tilespmem:$0x18480] =	vst v63  }
0x59d: {  	s28 =	simm.s32 $0x12C80;
	v3 =	vadd.s32 v1, v3  }
0x59e: {  	[tilespmem:s28], [sflag:$0x4] =	stream.indirect_vreg.gather [hbm4b:s5+s3], $0x80, v4, vm0, $0xb8;
	[tilespmem:$0x18480] =	vst v63  }
0x59f: {  	_ = 	snop  }
0x5a0: {  	[tilespmem:s30], [sflag:$0x4] =	stream.indirect_vreg.gather [hbm4b:s6+s3], $0x80, v4, vm0, $0xb8;
	[tilespmem:$0x18480] =	vst v63  }
0x5a1: {  	_ = 	snop  }
0x5a2: {  	[tilespmem:s7], [sflag:$0x4] =	stream.indirect_vreg.gather [hbm4b:s2+s3], $0x80, v3, vm0, $0xb8;
	[tilespmem:$0x18480] =	vst v63  }
0x5a3: {  	s29 =	simm.s32 $0x14480  }
0x5a4: {  	[tilespmem:s29], [sflag:$0x4] =	stream.indirect_vreg.gather [hbm4b:s5+s3], $0x80, v3, vm0, $0xb8;
	[tilespmem:$0x18480] =	vst v63  }
0x5a5: {  	s30 =	simm.s32 $0x14C80  }
0x5a6: {  	[tilespmem:s30], [sflag:$0x4] =	stream.indirect_vreg.gather [hbm4b:s6+s3], $0x80, v3, vm0, $0xb8;
	[tilespmem:$0x18480] =	vst v63  }
0x5a7: {  	v3 =	vld [tilespmem:$0x3F0];
	_ =	sdelay $0x4  }
0x5a8: {  	v59 =	vshrl.u32 v3, $0x3  }
0x5a9: {  	v4 =	vmul.u32 $0x30, v59  }
0x5aa: {  	v3 =	vand.u32 $0x7, v3  }
0x5ab: {  	v3 =	vor.u32 v3, v4  }
0x5ac: {  	v4 =	vperm.xlane v3, v0;
	_ =	sdelay $0x1  }
0x5ad: {  	v4 =	vadd.s32 v1, v4;
	_ =	sdelay $0x3  }
0x5ae: {  	s31 =	simm.s32 $0x15480;
	v3 =	vperm.xlane v3, v2  }
0x5af: {  	[tilespmem:s31], [sflag:$0x4] =	stream.indirect_vreg.gather [hbm4b:s2+s3], $0x80, v4, vm0, $0xb8;
	[tilespmem:$0x18480] =	vst v63  }
0x5b0: {  	v3 =	vadd.s32 v1, v3  }
0x5b1: {  	[tilespmem:s8], [sflag:$0x4] =	stream.indirect_vreg.gather [hbm4b:s5+s3], $0x80, v4, vm0, $0xb8;
	[tilespmem:$0x18480] =	vst v63  }
0x5b2: {  	_ = 	snop  }
0x5b3: {  	[tilespmem:s9], [sflag:$0x4] =	stream.indirect_vreg.gather [hbm4b:s6+s3], $0x80, v4, vm0, $0xb8;
	[tilespmem:$0x18480] =	vst v63  }
0x5b4: {  	_ = 	snop  }
0x5b5: {  	[tilespmem:s14], [sflag:$0x4] =	stream.indirect_vreg.gather [hbm4b:s2+s3], $0x80, v3, vm0, $0xb8;
	[tilespmem:$0x18480] =	vst v63  }
0x5b6: {  	s18 =	simm.s32 $0x17480  }
0x5b7: {  	[tilespmem:s18], [sflag:$0x4] =	stream.indirect_vreg.gather [hbm4b:s5+s3], $0x80, v3, vm0, $0xb8;
	[tilespmem:$0x18480] =	vst v63  }
0x5b8: {  	s28 =	simm.s32 $0x17C80  }
0x5b9: {  	[tilespmem:s28], [sflag:$0x4] =	stream.indirect_vreg.gather [hbm4b:s6+s3], $0x80, v3, vm0, $0xb8;
	[tilespmem:$0x18480] =	vst v63  }
0x5ba: {  	_ =	swait.ge [sflag:s10], $0x6000  }
0x5bb: {  	s29 =	sld [smem:$0x7F7]  }
0x5bc: {  	[sflag:s10] =	ssyncset.done $0x0  }
0x5bd: {  	[sflag:s10] =	ssyncadd.s32 $0xFFFFA000  }
0x5be: {  	[hbm4b:s29+s3] =	stream.linear.scatter [tilespmem:s25], [sflag:$0x5], $0x6000, $0x38;
	[tilespmem:$0x18480] =	vst v63  }
0x5bf: {  	_ =	swait.ge [sflag:s11], $0x6000  }
0x5c0: {  	[sflag:s11] =	ssyncset.done $0x0  }
0x5c1: {  	[sflag:s11] =	ssyncadd.s32 $0xFFFFA000  }
0x5c2: {  	v3 =	vld [tilespmem:$0x400];
	_ =	sdelay $0x4  }
0x5c3: {  	v60 =	vshrl.u32 v3, $0x3  }
0x5c4: {  	v4 =	vmul.u32 $0x30, v60  }
0x5c5: {  	v3 =	vand.u32 $0x7, v3  }
0x5c6: {  	v3 =	vor.u32 v3, v4  }
0x5c7: {  	v4 =	vperm.xlane v3, v0;
	_ =	sdelay $0x1  }
0x5c8: {  	v4 =	vadd.s32 v1, v4;
	_ =	sdelay $0x3  }
0x5c9: {  	v3 =	vperm.xlane v3, v2  }
0x5ca: {  	[tilespmem:s25], [sflag:$0x1] =	stream.indirect_vreg.gather [hbm4b:s2+s3], $0x80, v4, vm0, $0xb8;
	[tilespmem:$0x18480] =	vst v63  }
0x5cb: {  	s30 =	simm.s32 $0xC80;
	v3 =	vadd.s32 v1, v3  }
0x5cc: {  	[tilespmem:s30], [sflag:$0x1] =	stream.indirect_vreg.gather [hbm4b:s5+s3], $0x80, v4, vm0, $0xb8;
	[tilespmem:$0x18480] =	vst v63  }
0x5cd: {  	s31 =	simm.s32 $0x1480  }
0x5ce: {  	[tilespmem:s31], [sflag:$0x1] =	stream.indirect_vreg.gather [hbm4b:s6+s3], $0x80, v4, vm0, $0xb8;
	[tilespmem:$0x18480] =	vst v63  }
0x5cf: {  	s8 =	simm.s32 $0x1C80  }
0x5d0: {  	[tilespmem:s8], [sflag:$0x1] =	stream.indirect_vreg.gather [hbm4b:s2+s3], $0x80, v3, vm0, $0xb8;
	[tilespmem:$0x18480] =	vst v63  }
0x5d1: {  	s9 =	simm.s32 $0x2480  }
0x5d2: {  	[tilespmem:s9], [sflag:$0x1] =	stream.indirect_vreg.gather [hbm4b:s5+s3], $0x80, v3, vm0, $0xb8;
	[tilespmem:$0x18480] =	vst v63  }
0x5d3: {  	s14 =	simm.s32 $0x2C80  }
0x5d4: {  	[tilespmem:s14], [sflag:$0x1] =	stream.indirect_vreg.gather [hbm4b:s6+s3], $0x80, v3, vm0, $0xb8;
	[tilespmem:$0x18480] =	vst v63  }
0x5d5: {  	v3 =	vld [tilespmem:$0x410];
	_ =	sdelay $0x4  }
0x5d6: {  	v61 =	vshrl.u32 v3, $0x3  }
0x5d7: {  	v4 =	vmul.u32 $0x30, v61  }
0x5d8: {  	v3 =	vand.u32 $0x7, v3  }
0x5d9: {  	v3 =	vor.u32 v3, v4  }
0x5da: {  	v4 =	vperm.xlane v3, v0;
	_ =	sdelay $0x1  }
0x5db: {  	v4 =	vadd.s32 v1, v4;
	_ =	sdelay $0x3  }
0x5dc: {  	s18 =	simm.s32 $0x3480;
	v3 =	vperm.xlane v3, v2  }
0x5dd: {  	[tilespmem:s18], [sflag:$0x1] =	stream.indirect_vreg.gather [hbm4b:s2+s3], $0x80, v4, vm0, $0xb8;
	[tilespmem:$0x18480] =	vst v63  }
0x5de: {  	s28 =	simm.s32 $0x3C80;
	v3 =	vadd.s32 v1, v3  }
0x5df: {  	[tilespmem:s28], [sflag:$0x1] =	stream.indirect_vreg.gather [hbm4b:s5+s3], $0x80, v4, vm0, $0xb8;
	[tilespmem:$0x18480] =	vst v63  }
0x5e0: {  	s20 =	simm.s32 $0x4480  }
0x5e1: {  	[tilespmem:s20], [sflag:$0x1] =	stream.indirect_vreg.gather [hbm4b:s6+s3], $0x80, v4, vm0, $0xb8;
	[tilespmem:$0x18480] =	vst v63  }
0x5e2: {  	s21 =	simm.s32 $0x4C80  }
0x5e3: {  	[tilespmem:s21], [sflag:$0x1] =	stream.indirect_vreg.gather [hbm4b:s2+s3], $0x80, v3, vm0, $0xb8;
	[tilespmem:$0x18480] =	vst v63  }
0x5e4: {  	s22 =	simm.s32 $0x5480  }
0x5e5: {  	[tilespmem:s22], [sflag:$0x1] =	stream.indirect_vreg.gather [hbm4b:s5+s3], $0x80, v3, vm0, $0xb8;
	[tilespmem:$0x18480] =	vst v63  }
0x5e6: {  	s29 =	simm.s32 $0x5C80  }
0x5e7: {  	[tilespmem:s29], [sflag:$0x1] =	stream.indirect_vreg.gather [hbm4b:s6+s3], $0x80, v3, vm0, $0xb8;
	[tilespmem:$0x18480] =	vst v63  }
0x5e8: {  	_ =	swait.ge [sflag:s12], $0x6000  }
0x5e9: {  	s30 =	sld [smem:$0x7F8]  }
0x5ea: {  	[sflag:s12] =	ssyncset.done $0x0  }
0x5eb: {  	[sflag:s12] =	ssyncadd.s32 $0xFFFFA000  }
0x5ec: {  	[hbm4b:s30+s3] =	stream.linear.scatter [tilespmem:s24], [sflag:$0x6], $0x6000, $0x38;
	[tilespmem:$0x18480] =	vst v63  }
0x5ed: {  	_ =	swait.ge [sflag:s13], $0x6000  }
0x5ee: {  	[sflag:s13] =	ssyncset.done $0x0  }
0x5ef: {  	[sflag:s13] =	ssyncadd.s32 $0xFFFFA000  }
0x5f0: {  	v3 =	vld [tilespmem:$0x420];
	_ =	sdelay $0x4  }
0x5f1: {  	v62 =	vshrl.u32 v3, $0x3  }
0x5f2: {  	v4 =	vmul.u32 $0x30, v62  }
0x5f3: {  	v3 =	vand.u32 $0x7, v3  }
0x5f4: {  	v3 =	vor.u32 v3, v4  }
0x5f5: {  	v4 =	vperm.xlane v3, v0;
	_ =	sdelay $0x1  }
0x5f6: {  	v4 =	vadd.s32 v1, v4;
	_ =	sdelay $0x3  }
0x5f7: {  	v3 =	vperm.xlane v3, v2  }
0x5f8: {  	[tilespmem:s24], [sflag:$0x2] =	stream.indirect_vreg.gather [hbm4b:s2+s3], $0x80, v4, vm0, $0xb8;
	[tilespmem:$0x18480] =	vst v63  }
0x5f9: {  	s26 =	simm.s32 $0x6C80;
	v3 =	vadd.s32 v1, v3  }
0x5fa: {  	[tilespmem:s26], [sflag:$0x2] =	stream.indirect_vreg.gather [hbm4b:s5+s3], $0x80, v4, vm0, $0xb8;
	[tilespmem:$0x18480] =	vst v63  }
0x5fb: {  	s31 =	simm.s32 $0x7480  }
0x5fc: {  	[tilespmem:s31], [sflag:$0x2] =	stream.indirect_vreg.gather [hbm4b:s6+s3], $0x80, v4, vm0, $0xb8;
	[tilespmem:$0x18480] =	vst v63  }
0x5fd: {  	s8 =	simm.s32 $0x7C80  }
0x5fe: {  	[tilespmem:s8], [sflag:$0x2] =	stream.indirect_vreg.gather [hbm4b:s2+s3], $0x80, v3, vm0, $0xb8;
	[tilespmem:$0x18480] =	vst v63  }
0x5ff: {  	s9 =	simm.s32 $0x8480  }
0x600: {  	[tilespmem:s9], [sflag:$0x2] =	stream.indirect_vreg.gather [hbm4b:s5+s3], $0x80, v3, vm0, $0xb8;
	[tilespmem:$0x18480] =	vst v63  }
0x601: {  	s14 =	simm.s32 $0x8C80  }
0x602: {  	[tilespmem:s14], [sflag:$0x2] =	stream.indirect_vreg.gather [hbm4b:s6+s3], $0x80, v3, vm0, $0xb8;
	[tilespmem:$0x18480] =	vst v63  }
0x603: {  	v3 =	vld [tilespmem:$0x430];
	_ =	sdelay $0x4  }
0x604: {  	v63 =	vshrl.u32 v3, $0x3  }
0x605: {  	v4 =	vmul.u32 $0x30, v63  }
0x606: {  	v3 =	vand.u32 $0x7, v3  }
0x607: {  	v3 =	vor.u32 v3, v4  }
0x608: {  	v4 =	vperm.xlane v3, v0;
	_ =	sdelay $0x1  }
0x609: {  	v4 =	vadd.s32 v1, v4;
	_ =	sdelay $0x3  }
0x60a: {  	s18 =	simm.s32 $0x9480;
	v3 =	vperm.xlane v3, v2  }
0x60b: {  	[tilespmem:s18], [sflag:$0x2] =	stream.indirect_vreg.gather [hbm4b:s2+s3], $0x80, v4, vm0, $0xb8;
	[tilespmem:$0x18480] =	vst v63  }
0x60c: {  	s20 =	simm.s32 $0x9C80;
	v3 =	vadd.s32 v1, v3  }
0x60d: {  	[tilespmem:s20], [sflag:$0x2] =	stream.indirect_vreg.gather [hbm4b:s5+s3], $0x80, v4, vm0, $0xb8;
	[tilespmem:$0x18480] =	vst v63  }
0x60e: {  	s21 =	simm.s32 $0xA480  }
0x60f: {  	[tilespmem:s21], [sflag:$0x2] =	stream.indirect_vreg.gather [hbm4b:s6+s3], $0x80, v4, vm0, $0xb8;
	[tilespmem:$0x18480] =	vst v63  }
0x610: {  	s4 =	simm.s32 $0xAC80  }
0x611: {  	[tilespmem:s4], [sflag:$0x2] =	stream.indirect_vreg.gather [hbm4b:s2+s3], $0x80, v3, vm0, $0xb8;
	[tilespmem:$0x18480] =	vst v63  }
0x612: {  	s22 =	simm.s32 $0xB480  }
0x613: {  	[tilespmem:s22], [sflag:$0x2] =	stream.indirect_vreg.gather [hbm4b:s5+s3], $0x80, v3, vm0, $0xb8;
	[tilespmem:$0x18480] =	vst v63  }
0x614: {  	s26 =	simm.s32 $0xBC80  }
0x615: {  	[tilespmem:s26], [sflag:$0x2] =	stream.indirect_vreg.gather [hbm4b:s6+s3], $0x80, v3, vm0, $0xb8;
	[tilespmem:$0x18480] =	vst v63  }
0x616: {  	_ =	swait.ge [sflag:s19], $0x6000  }
0x617: {  	s28 =	sld [smem:$0x7F9]  }
0x618: {  	[sflag:s19] =	ssyncset.done $0x0  }
0x619: {  	s23 =	simm.s32 $0xC480;
	[sflag:s19] =	ssyncadd.s32 $0xFFFFA000  }
0x61a: {  	[hbm4b:s28+s3] =	stream.linear.scatter [tilespmem:s23], [sflag:$0x7], $0x6000, $0x38;
	[tilespmem:$0x18480] =	vst v63  }
0x61b: {  	_ =	swait.ge [sflag:s16], $0x6000  }
0x61c: {  	s29 =	sld [smem:$0x7FA]  }
0x61d: {  	[sflag:s16] =	ssyncset.done $0x0  }
0x61e: {  	s1 =	simm.s32 $0x12480;
	[sflag:s16] =	ssyncadd.s32 $0xFFFFA000  }
0x61f: {  	[hbm4b:s29+s3] =	stream.linear.scatter [tilespmem:s1], [sflag:$0x8], $0x6000, $0x38;
	[tilespmem:$0x18480] =	vst v63  }
0x620: {  	_ =	swait.ge [sflag:s10], $0x6000  }
0x621: {  	s30 =	sld [smem:$0x7FB]  }
0x622: {  	[sflag:s10] =	ssyncset.done $0x0  }
0x623: {  	[sflag:s10] =	ssyncadd.s32 $0xFFFFA000  }
0x624: {  	[hbm4b:s30+s3] =	stream.linear.scatter [tilespmem:s25], [sflag:$0x5], $0x6000, $0x38;
	[tilespmem:$0x18480] =	vst v63  }
0x625: {  	_ =	swait.ge [sflag:s12], $0x6000  }
0x626: {  	s31 =	sld [smem:$0x7FD]  }
0x627: {  	[sflag:s12] =	ssyncset.done $0x0  }
0x628: {  	[sflag:s12] =	ssyncadd.s32 $0xFFFFA000  }
0x629: {  	[hbm4b:s31+s3] =	stream.linear.scatter [tilespmem:s24], [sflag:$0x6], $0x6000, $0x38;
	[tilespmem:$0x18480] =	vst v63  }
0x62a: {  	_ =	swait.ge [sflag:s15], $0x6000  }
0x62b: {  	[sflag:s15] =	ssyncset.done $0x0  }
0x62c: {  	[sflag:s15] =	ssyncadd.s32 $0xFFFFA000  }
0x62d: {  	_ =	swait.ge [sflag:s17], $0x6000  }
0x62e: {  	[sflag:s17] =	ssyncset.done $0x0  }
0x62f: {  	[sflag:s17] =	ssyncadd.s32 $0xFFFFA000  }
0x630: {  	p0 =	sne.s32 s0, $0x1;
	_ =	swait.ge [sflag:s11], $0x6000  }
.Ltmp0:
0x631: {  	[sflag:s11] =	ssyncset.done $0x0;
	(pc) =	sbr.rel @p0 .LBB2_1-.Ltmp0, $4  }
0x632: {  	[sflag:s11] =	ssyncadd.s32 $0xFFFFA000  }
0x633: {  	_ =	swait.ge [sflag:s13], $0x6000  }
0x634: {  	[sflag:s13] =	ssyncset.done $0x0  }
0x635: {  	s0 =	sadd.s32 $0xFFFFFFFF, s0;
	[sflag:s13] =	ssyncadd.s32 $0xFFFFA000  }
0x636: {  	_ =	sfence.sel $0x180000  }
0x637: {  	[bflag:$0x0] =	sbarrier.arrive $0xFFFF  }
0x638: {  	_ =	strace $0x9000004A  }
0x639: {  	s0 =	stileid.u32;
	[bflag:$0x2] =	sbarrier.arrive $0xFFFF  }
0x63a: {  	p0 =	sne.s32 s0, $0x0;
	s0 =	rddreg [dreg:$0x3]  }
0x63b: {  	s0 =	sadd.s32 @!p0 $0x100000, s0  }
0x63c: {  	[sflag:s0] =	ssyncadd.tile.s32 @!p0 $0x1;
	_ =	shalt  }
.Lfunc_end2:
_tile_overlayer_lowered:
.L_overlay_start_2:
0x63d: {  	(tag) =	ssettag $0x2  }
0x63e: {  	s0 =	rddreg [dreg:$0x0];
	s2 =	stileid.u32  }
0x63f: {  	s1 =	rddreg [dreg:$0x1];
	p0 =	sne.s32 s2, $0x0  }
0x640: {  	s3 =	rddreg [dreg:$0x2];
	[bflag:$0x3] =	sbarrier.arrive $0xFFFF;
	s2 =	simm.s32 @!p0 $0x1C09  }
0x641: {  	[timem:s3], [sflag:s2] =	dma.local @!p0 [hbm:s0], s1  }
0x642: {  	s0 =	simm.s32 @!p0 $0x9  }
0x643: {  	_ =	swait.ge @!p0 [sflag:s0], s1  }
0x644: {  	s1 =	ssub.s32 @!p0 $0x0, s1;
	[sflag:s0] =	ssyncset.done @!p0 $0x0  }
0x645: {  	[sflag:s0] =	ssyncadd.s32 @!p0 s1  }
0x646: {  	[bflag:$0x3] =	sbarrier.arrive $0xFFFF  }
0x647: {  	_ =	shalt  }

// kernel: kernel.8.cloned.1.call-start
scs
__scs_entry_jumppad:
0x0: {  	(pc) =	sbr.rel $0x88, $3  }
0x1: {  	(tag) =	ssettag $0x0;
	lr =	simm.s32 $0x1  }
0x2: {  	[smem:$0x3F9B] =	sst lr;
	_ =	strace $0xD0000000  }
0x3: {  	_ = 	snop  }
0x4: {  	_ = 	snop  }
0x5: {  	_ = 	snop  }
0x6: {  	_ = 	snop  }
0x7: {  	_ = 	snop  }
__scs_overlays_trampoline_lowered:
0x8: {  	[smem:$0x3FAA] =	sst s0  }
0x9: {  	[smem:$0x3FAB] =	sst s1  }
0xa: {  	[smem:$0x3FAC] =	sst s2  }
0xb: {  	[smem:$0x3FAD] =	sst s3  }
0xc: {  	[smem:$0x3FAE] =	sst s4  }
0xd: {  	[smem:$0x3FAF] =	sst s5  }
0xe: {  	[smem:$0x3FB0] =	sst s6  }
0xf: {  	[smem:$0x3FB1] =	sst s7  }
0x10: {  	[smem:$0x3FB2] =	sst s8  }
0x11: {  	[smem:$0x3FB3] =	sst s9;
	s0 =	simm.s32 @!p0 $0x0  }
0x12: {  	s1 =	sld [smem:$0x3F99];
	s0 =	simm.s32 @p0 $0x1  }
0x13: {  	[smem:$0x3FB4] =	sst s0;
	s0 =	simm.s32 @!p1 $0x0  }
0x14: {  	s2 =	sld [smem:$0x3F98];
	s0 =	simm.s32 @p1 $0x1  }
0x15: {  	[smem:$0x3FB5] =	sst s0;
	s0 =	simm.s32 @!p2 $0x0  }
0x16: {  	s3 =	sld [smem:$0x3FDB];
	s0 =	simm.s32 @p2 $0x1  }
0x17: {  	s4 =	simm.s32 $0x1BF5;
	[smem:$0x3FB7] =	sst s0  }
0x18: {  	s0 =	sld [smem:$0x3F9A];
	_ =	swait.ge [sflag:s4], $0x0  }
0x19: {  	s7 =	sld [smem:$0x3F9B]  }
0x1a: {  	s8 =	sadd.s32 $0xFFFFE003, lr  }
0x1b: {  	s9 =	sadd.s32 $0xFFFFFEF7, lr;
	s5 =	simm.s32 $0xFFFFFFFF;
	p2 =	slt.u32 s8, $0xFFFFF086  }
0x1c: {  	p1 =	slt.u32 s9, $0xF7A;
	s5 =	simm.s32 @!p2 $0x0  }
0x1d: {  	s5 =	simm.s32 @p1 $0x1;
	p0 =	seq.s32 s7, s2  }
0x1e: {  	s7 =	smul.u32 @!p0 $0xF7A, s2;
	p2 =	seq.s32 @!p0 s5, $0x0  }
0x1f: {  	s9 =	smul.u32 $0xF7A, s1;
	s8 =	simm.s32 @!p0 $0x1BF5;
	p2 =	por !p2, p0  }
0x20: {  	[sflag:s8] =	ssyncset.s32 @!p0 $0xFFFFF086;
	s6 =	sadd.s32 @!p0 s3, s7;
	s7 =	simm.s32 @!p0 $0x108  }
0x21: {  	s3 =	sadd.s32 s3, s9;
	s6 =	sadd.s32 @!p0 $0x88, s6;
	s7 =	simm.s32 @p2 $0x1082  }
0x22: {  	[simem:s7], [sflag:s8] =	dma.local @!p0 [hbm:s6], $0xF7A  }
0x23: {  	s9 =	sor.u32 $0xD0000000, s2;
	s6 =	simm.s32 $0x108;
	_ =	swait.ge @!p0 [sflag:s8], $0x0  }
0x24: {  	s3 =	sadd.s32 $0x88, s3;
	s6 =	simm.s32 @!p1 $0x1082;
	[sflag:s4] =	ssyncset.s32 $0xFFFFF086  }
0x25: {  	[simem:s6], [sflag:s4] =	dma.local [hbm:s3], $0xF7A  }
0x26: {  	[smem:$0x3F9B] =	sst s1;
	(tag) =	ssettag s2;
	_ =	strace s9  }
0x27: {  	s1 =	sld [smem:$0x3FAB]  }
0x28: {  	s2 =	sld [smem:$0x3FAC]  }
0x29: {  	s4 =	sld [smem:$0x3FAE]  }
0x2a: {  	p0 =	seq.s32 s5, $0x0;
	s5 =	sld [smem:$0x3FAF]  }
0x2b: {  	s6 =	sld [smem:$0x3FB0]  }
0x2c: {  	s7 =	sld [smem:$0x3FB1]  }
0x2d: {  	s3 =	simm.s32 $0x108;
	s8 =	sld [smem:$0x3FB2]  }
0x2e: {  	s3 =	simm.s32 @!p0 $0x1082;
	s9 =	sld [smem:$0x3FB3]  }
0x2f: {  	lr =	sadd.s32 s0, s3;
	s0 =	sld [smem:$0x3FAA]  }
0x30: {  	s3 =	sld [smem:$0x3FAD]  }
0x31: {  	[smem:$0x3FB6] =	sst s10  }
0x32: {  	s10 =	sld [smem:$0x3FB4];
	_ =	sdelay $0x3  }
0x33: {  	p0 =	seq.s32 s10, $0x1;
	s10 =	sld [smem:$0x3FB6];
	_ =	sdelay $0x3  }
0x34: {  	[smem:$0x3FB6] =	sst s10  }
0x35: {  	s10 =	sld [smem:$0x3FB5];
	_ =	sdelay $0x3  }
0x36: {  	p1 =	seq.s32 s10, $0x1;
	s10 =	sld [smem:$0x3FB6];
	_ =	sdelay $0x3  }
0x37: {  	[smem:$0x3FB6] =	sst s10  }
0x38: {  	s10 =	sld [smem:$0x3FB7]  }
0x39: {  	_ = 	snop;
	(pc) =	sbr.ind lr, $3  }
0x3a: {  	_ = 	snop  }
0x3b: {  	_ = 	snop  }
0x3c: {  	p2 =	seq.s32 s10, $0x1;
	s10 =	sld [smem:$0x3FB6]  }
0x3d: {  	_ =	shalt  }
0x3e: {  	_ =	shalt  }
0x3f: {  	_ =	shalt  }
0x40: {  	_ =	shalt  }
0x41: {  	_ =	shalt  }
0x42: {  	_ =	shalt  }
0x43: {  	_ =	shalt  }
0x44: {  	_ =	shalt  }
0x45: {  	_ =	shalt  }
0x46: {  	_ =	shalt  }
0x47: {  	_ =	shalt  }
0x48: {  	_ =	shalt  }
0x49: {  	_ =	shalt  }
0x4a: {  	_ =	shalt  }
0x4b: {  	_ =	shalt  }
0x4c: {  	_ =	shalt  }
0x4d: {  	_ =	shalt  }
0x4e: {  	_ =	shalt  }
0x4f: {  	_ =	shalt  }
0x50: {  	_ =	shalt  }
0x51: {  	_ =	shalt  }
0x52: {  	_ =	shalt  }
0x53: {  	_ =	shalt  }
0x54: {  	_ =	shalt  }
0x55: {  	_ =	shalt  }
0x56: {  	_ =	shalt  }
0x57: {  	_ =	shalt  }
0x58: {  	_ =	shalt  }
0x59: {  	_ =	shalt  }
0x5a: {  	_ =	shalt  }
0x5b: {  	_ =	shalt  }
0x5c: {  	_ =	shalt  }
0x5d: {  	_ =	shalt  }
0x5e: {  	_ =	shalt  }
0x5f: {  	_ =	shalt  }
0x60: {  	_ =	shalt  }
0x61: {  	_ =	shalt  }
0x62: {  	_ =	shalt  }
0x63: {  	_ =	shalt  }
0x64: {  	_ =	shalt  }
0x65: {  	_ =	shalt  }
0x66: {  	_ =	shalt  }
0x67: {  	_ =	shalt  }
0x68: {  	_ =	shalt  }
0x69: {  	_ =	shalt  }
0x6a: {  	_ =	shalt  }
0x6b: {  	_ =	shalt  }
0x6c: {  	_ =	shalt  }
0x6d: {  	_ =	shalt  }
0x6e: {  	_ =	shalt  }
0x6f: {  	_ =	shalt  }
0x70: {  	_ =	shalt  }
0x71: {  	_ =	shalt  }
0x72: {  	_ =	shalt  }
0x73: {  	_ =	shalt  }
0x74: {  	_ =	shalt  }
0x75: {  	_ =	shalt  }
0x76: {  	_ =	shalt  }
0x77: {  	_ =	shalt  }
0x78: {  	_ =	shalt  }
0x79: {  	_ =	shalt  }
0x7a: {  	_ =	shalt  }
0x7b: {  	_ =	shalt  }
0x7c: {  	_ =	shalt  }
0x7d: {  	_ =	shalt  }
0x7e: {  	_ =	shalt  }
0x7f: {  	_ =	shalt  }
0x80: {  	_ =	shalt  }
0x81: {  	_ =	shalt  }
0x82: {  	_ =	shalt  }
0x83: {  	_ =	shalt  }
0x84: {  	_ =	shalt  }
0x85: {  	_ =	shalt  }
0x86: {  	_ =	shalt  }
0x87: {  	_ =	shalt  }
.Lfunc_end0:
.L_simem_size_0:
called_computation.2_lowered:
.L_overlay_start_0:
0x88: {  	s2 =	sld [smem:$0x3FD9]  }
0x89: {  	s3 =	sld [smem:$0x3FFE];
	_ =	sdelay $0x1  }
0x8a: {  	s1 =	srdreg.scid  }
0x8b: {  	s0 =	sand.u32 $0x1, s1  }
0x8c: {  	s14 =	sshll.u32 s0, $0xA;
	s2 =	sadd.s32 s3, s2  }
0x8d: {  	s2 =	sadd.s32 s2, s14  }
0x8e: {  	[smem:$0x3FC2] =	sst s2  }
0x8f: {  	_ = 	snop  }
0x90: {  	s2 =	sld [smem:$0x3FD0];
	_ =	sdelay $0x2  }
0x91: {  	s15 =	simm.s32 $0xA;
	s4 =	simm.s32 $0x10  }
0x92: {  	[smem:s4], [sflag:s15] =	dma.local [hbm:s2], $0x1  }
0x93: {  	_ =	swait.eq [sflag:s15], $0x1  }
0x94: {  	[sflag:s15] =	ssyncset.done $0x0  }
0x95: {  	[sflag:s15] =	ssyncadd.s32 $0xFFFFFFFF  }
0x96: {  	s16 =	sld [smem:$0x10];
	(tm) =	ssettm $0x1  }
0x97: {  	s17 =	sld [smem:$0x3FFB];
	_ =	sdelay $0x3  }
0x98: {  	_ =	strace s17  }
0x99: {  	s3 =	sld [smem:$0x3FFC];
	_ =	sdelay $0x3  }
0x9a: {  	_ =	strace s3  }
0x9b: {  	s3 =	sld [smem:$0x3FFD];
	_ =	sdelay $0x3  }
0x9c: {  	_ =	strace s3  }
0x9d: {  	_ =	strace $0x8FFFFFFF  }
0x9e: {  	s18 =	sld [smem:$0x3FDB];
	_ =	sdelay $0x1  }
0x9f: {  	s19 =	simm.s32 $_scs_section_size  }
0xa0: {  	s5 =	simm.s32 $_size__tile_overlayer_lowered;
	s6 =	simm.s32 $_tile_overlayer_lowered  }
0xa1: {  	s22 =	simm.s32 $0x1BFF;
	s21 =	sshll.u32 s6, $0x1;
	s3 =	sadd.s32 s19, s18  }
0xa2: {  	s7 =	simm.s32 $0x0;
	s20 =	sshll.u32 s5, $0x1;
	s5 =	sadd.s32 s21, s3  }
0xa3: {  	[timem:s7], [sflag:s22] =	dma.local [hbm:s5], s20  }
0xa4: {  	_ =	swait.ge [sflag:s22], s20  }
0xa5: {  	s4 =	ssub.s32 $0x0, s20;
	[sflag:s22] =	ssyncset.done $0x0  }
0xa6: {  	[sflag:s22] =	ssyncadd.s32 s4;
	_ =	sdelay $0x1  }
0xa7: {  	s23 =	simm.s32 $0x1B8B  }
0xa8: {  	_ =	swait.ge [sflag:s23], $0x1  }
0xa9: {  	[sflag:s23] =	ssyncset.done $0x0  }
0xaa: {  	s25 =	simm.s32 $0x1B8E;
	s24 =	sld [smem:$0x3FFE];
	[sflag:s23] =	ssyncadd.s32 $0xFFFFFFFF  }
0xab: {  	s26 =	simm.s32 $execute0_lowered;
	[smem:$0x3FD2] =	sst s25  }
0xac: {  	s5 =	sshll.u32 s26, $0x1;
	_ =	strace $0x8000004C;
	[dreg:$0x1] =	wrdreg $0xFFFFFFFF  }
0xad: {  	s28 =	simm.s32 $_size_execute0_lowered;
	s3 =	sadd.s32 s3, s5;
	[dreg:$0x0] =	wrdreg $0x0  }
0xae: {  	s5 =	sshll.u32 s28, $0x1;
	[dreg:$0x2] =	wrdreg s3  }
0xaf: {  	[dreg:$0x3] =	wrdreg s5  }
0xb0: {  	[dreg:$0x4] =	wrdreg $0xC0  }
0xb1: {  	_ =	task [dreg:s7], $0x5FFFF  }
0xb2: {  	[dreg:$0x1] =	wrdreg $0xFFFFFFFF  }
0xb3: {  	[dreg:$0x0] =	wrdreg $0x60  }
0xb4: {  	[dreg:$0x2] =	wrdreg s24  }
0xb5: {  	[dreg:$0x3] =	wrdreg s16  }
0xb6: {  	[dreg:$0x4] =	wrdreg $0x9  }
0xb7: {  	_ =	task.clear_ibuf [dreg:s7], $0x5FFFF;
	_ =	strace $0x9000004C  }
0xb8: {  	s29 =	simm.s32 $0x9;
	_ =	strace $0x8000004E  }
0xb9: {  	_ =	swait.ge [sflag:s29], $0x1  }
0xba: {  	[sflag:s29] =	ssyncadd.s32 $0xFFFFFFFF  }
0xbb: {  	_ =	strace $0x9000004E  }
0xbc: {  	_ =	sfence  }
0xbd: {  	s30 =	sld [smem:$0x0];
	_ =	sdelay $0x2  }
0xbe: {  	s31 =	sshll.u32 s1, $0xD;
	s1 =	sshrl.u32 s1, $0x2  }
0xbf: {  	s3 =	sand.u32 $0x4000, s31;
	s1 =	sadd.s32 s1, s30  }
0xc0: {  	s0 =	sor.u32 s3, s0;
	s1 =	sshll.u32 s1, $0x11  }
0xc1: {  	s0 =	sor.u32 s1, s0  }
0xc2: {  	s0 =	sadd.s32 $0x8F2B, s0  }
0xc3: {  	[sflag:s0] =	ssyncadd.remote.s32 $0x1  }
0xc4: {  	_ =	sfence.sel $0xFFFF  }
0xc5: {  	[dreg:$0x0] =	wrdreg $0xFFFFFFFF;
	(pc) =	sbr.abs _section_cstart, $3  }
0xc6: {  	[dreg:$0x1] =	wrdreg $0xFFFFFFFF  }
0xc7: {  	_ =	task.clear_ibuf [dreg:s7], $0x2FFFF;
	_ =	strace $0x9FFFFFFF  }
0xc8: {  	(tm) =	ssettm $0x7FFFFFFF  }
0xc9: {  	_ =	shalt  }
tec
execute0_lowered:
.L_overlay_start_1:
0x0: {  	(tag) =	ssettag $0x1  }
0x1: {  	s12 =	rddreg [dreg:$0x0]  }
0x2: {  	s3 =	rddreg [dreg:$0x1];
	s2 =	srdreg.scid  }
0x3: {  	s0 =	rddreg [dreg:$0x2];
	s1 =	stileid.u32;
	s29 =	sand.u32 $0x1, s2  }
0x4: {  	s2 =	simm.s32 $0x0;
	s4 =	sshll.u32 s1, $0x8;
	s5 =	sshll.u32 s29, $0x7  }
0x5: {  	[smem:$0x7FF] =	sst s2;
	s5 =	sor.u32 s5, s4  }
0x6: {  	_ =	strace $0x8000004D;
	s4 =	simm.s32 $0x5;
	s3 =	sadd.s32 s3, s5  }
0x7: {  	[tilespmem:s2], [sflag:$0x5] =	stream.linear.gather [hbm4b:s3+s2], $0x400, $0x38;
	[tilespmem:$0x1800] =	vst v63  }
0x8: {  	_ =	swait.ge [sflag:s4], $0x400  }
0x9: {  	s5 =	sadd.s32 s5, s12;
	[sflag:s4] =	ssyncset.done $0x0  }
0xa: {  	s6 =	simm.s32 $0x400;
	s5 =	sadd.s32 $0x1000, s5;
	[sflag:s4] =	ssyncadd.s32 $0xFFFFFC00  }
0xb: {  	[tilespmem:s6], [sflag:$0x5] =	stream.linear.gather [hbm4b:s5+s2], $0x400, $0x38;
	[tilespmem:$0x1800] =	vst v63  }
0xc: {  	_ =	swait.ge [sflag:s4], $0x400  }
0xd: {  	s8 =	simm.s32 $0x80;
	[sflag:s4] =	ssyncset.done $0x0  }
0xe: {  	s9 =	simm.s32 $0x800;
	s7 =	sadd.s32 $0x2000, s12;
	[sflag:s4] =	ssyncadd.s32 $0xFFFFFC00  }
0xf: {  	[tilespmem:s9], [sflag:$0x1] =	stream.indirect.gather [hbm4b:s7+s8], $0x10, s2, s8, $0xb8;
	[tilespmem:$0x1800] =	vst v63  }
0x10: {  	s10 =	simm.s32 $0x1000;
	s11 =	simm.s32 $0x1  }
0x11: {  	[tilespmem:s10], [sflag:$0x2] =	stream.indirect.gather [hbm4b:s7+s8], $0x10, s8, s8, $0xb8;
	[tilespmem:$0x1800] =	vst v63  }
0x12: {  	_ =	swait.ge [sflag:s11], $0x800  }
0x13: {  	[sflag:s11] =	ssyncset.done $0x0  }
0x14: {  	s13 =	simm.s32 $0x3;
	s12 =	sadd.s32 $0x13000, s12;
	[sflag:s11] =	ssyncadd.s32 $0xFFFFF800  }
0x15: {  	[hbm4b:s12+s8] =	stream.indirect.scatter [tilespmem:s9], [sflag:$0x3], $0x10, s6, s8, $0xb8;
	[tilespmem:$0x1800] =	vst v63  }
0x16: {  	_ =	swait.ge [sflag:s13], $0x800  }
0x17: {  	[sflag:s13] =	ssyncset.done $0x0  }
0x18: {  	s14 =	simm.s32 $0x100;
	s15 =	simm.s32 $0x2;
	[sflag:s13] =	ssyncadd.s32 $0xFFFFF800  }
0x19: {  	[tilespmem:s9], [sflag:$0x1] =	stream.indirect.gather [hbm4b:s7+s8], $0x10, s14, s8, $0xb8;
	[tilespmem:$0x1800] =	vst v63  }
0x1a: {  	_ =	swait.ge [sflag:s15], $0x800  }
0x1b: {  	[sflag:s15] =	ssyncset.done $0x0  }
0x1c: {  	s17 =	simm.s32 $0x480;
	s16 =	simm.s32 $0x4;
	[sflag:s15] =	ssyncadd.s32 $0xFFFFF800  }
0x1d: {  	[hbm4b:s12+s8] =	stream.indirect.scatter [tilespmem:s10], [sflag:$0x4], $0x10, s17, s8, $0xb8;
	[tilespmem:$0x1800] =	vst v63  }
0x1e: {  	_ =	swait.ge [sflag:s16], $0x800  }
0x1f: {  	[sflag:s16] =	ssyncset.done $0x0  }
0x20: {  	s18 =	simm.s32 $0x180;
	[sflag:s16] =	ssyncadd.s32 $0xFFFFF800  }
0x21: {  	[tilespmem:s10], [sflag:$0x2] =	stream.indirect.gather [hbm4b:s7+s8], $0x10, s18, s8, $0xb8;
	[tilespmem:$0x1800] =	vst v63  }
0x22: {  	_ =	swait.ge [sflag:s11], $0x800  }
0x23: {  	[sflag:s11] =	ssyncset.done $0x0  }
0x24: {  	s19 =	simm.s32 $0x500;
	[sflag:s11] =	ssyncadd.s32 $0xFFFFF800  }
0x25: {  	[hbm4b:s12+s8] =	stream.indirect.scatter [tilespmem:s9], [sflag:$0x3], $0x10, s19, s8, $0xb8;
	[tilespmem:$0x1800] =	vst v63  }
0x26: {  	_ =	swait.ge [sflag:s13], $0x800  }
0x27: {  	[sflag:s13] =	ssyncset.done $0x0  }
0x28: {  	s20 =	simm.s32 $0x200;
	[sflag:s13] =	ssyncadd.s32 $0xFFFFF800  }
0x29: {  	[tilespmem:s9], [sflag:$0x1] =	stream.indirect.gather [hbm4b:s7+s8], $0x10, s20, s8, $0xb8;
	[tilespmem:$0x1800] =	vst v63  }
0x2a: {  	_ =	swait.ge [sflag:s15], $0x800  }
0x2b: {  	[sflag:s15] =	ssyncset.done $0x0  }
0x2c: {  	s21 =	simm.s32 $0x580;
	[sflag:s15] =	ssyncadd.s32 $0xFFFFF800  }
0x2d: {  	[hbm4b:s12+s8] =	stream.indirect.scatter [tilespmem:s10], [sflag:$0x4], $0x10, s21, s8, $0xb8;
	[tilespmem:$0x1800] =	vst v63  }
0x2e: {  	_ =	swait.ge [sflag:s16], $0x800  }
0x2f: {  	[sflag:s16] =	ssyncset.done $0x0  }
0x30: {  	s22 =	simm.s32 $0x280;
	[sflag:s16] =	ssyncadd.s32 $0xFFFFF800  }
0x31: {  	[tilespmem:s10], [sflag:$0x2] =	stream.indirect.gather [hbm4b:s7+s8], $0x10, s22, s8, $0xb8;
	[tilespmem:$0x1800] =	vst v63  }
0x32: {  	_ =	swait.ge [sflag:s11], $0x800  }
0x33: {  	[sflag:s11] =	ssyncset.done $0x0  }
0x34: {  	s23 =	simm.s32 $0x600;
	[sflag:s11] =	ssyncadd.s32 $0xFFFFF800  }
0x35: {  	[hbm4b:s12+s8] =	stream.indirect.scatter [tilespmem:s9], [sflag:$0x3], $0x10, s23, s8, $0xb8;
	[tilespmem:$0x1800] =	vst v63  }
0x36: {  	_ =	swait.ge [sflag:s13], $0x800  }
0x37: {  	[sflag:s13] =	ssyncset.done $0x0  }
0x38: {  	s24 =	simm.s32 $0x300;
	[sflag:s13] =	ssyncadd.s32 $0xFFFFF800  }
0x39: {  	[tilespmem:s9], [sflag:$0x1] =	stream.indirect.gather [hbm4b:s7+s8], $0x10, s24, s8, $0xb8;
	[tilespmem:$0x1800] =	vst v63  }
0x3a: {  	_ =	swait.ge [sflag:s15], $0x800  }
0x3b: {  	[sflag:s15] =	ssyncset.done $0x0  }
0x3c: {  	s25 =	simm.s32 $0x680;
	[sflag:s15] =	ssyncadd.s32 $0xFFFFF800  }
0x3d: {  	[hbm4b:s12+s8] =	stream.indirect.scatter [tilespmem:s10], [sflag:$0x4], $0x10, s25, s8, $0xb8;
	[tilespmem:$0x1800] =	vst v63  }
0x3e: {  	_ =	swait.ge [sflag:s16], $0x800  }
0x3f: {  	[sflag:s16] =	ssyncset.done $0x0  }
0x40: {  	s26 =	simm.s32 $0x380;
	[sflag:s16] =	ssyncadd.s32 $0xFFFFF800  }
0x41: {  	[tilespmem:s10], [sflag:$0x2] =	stream.indirect.gather [hbm4b:s7+s8], $0x10, s26, s8, $0xb8;
	[tilespmem:$0x1800] =	vst v63  }
0x42: {  	_ =	swait.ge [sflag:s11], $0x800  }
0x43: {  	s30 =	ssub.s32 $0x2, s29;
	[sflag:s11] =	ssyncset.done $0x0  }
0x44: {  	s28 =	simm.s32 $0x700;
	s31 =	sshrl.u32 s30, $0x1;
	[sflag:s11] =	ssyncadd.s32 $0xFFFFF800  }
0x45: {  	[hbm4b:s12+s8] =	stream.indirect.scatter [tilespmem:s9], [sflag:$0x3], $0x10, s28, s8, $0xb8;
	[tilespmem:$0x1800] =	vst v63  }
0x46: {  	s30 =	ssub.s32 s30, s31;
	_ =	swait.ge [sflag:s15], $0x800  }
0x47: {  	s30 =	smax.u32 s30, $0x1;
	[sflag:s15] =	ssyncset.done $0x0  }
0x48: {  	s29 =	simm.s32 $0x780;
	p0 =	sne.s32 s30, $0x1;
	[sflag:s15] =	ssyncadd.s32 $0xFFFFF800  }
0x49: {  	[hbm4b:s12+s8] =	stream.indirect.scatter [tilespmem:s10], [sflag:$0x4], $0x10, s29, s8, $0xb8;
	[tilespmem:$0x1800] =	vst v63  }
.Ltmp0:
0x4a: {  	_ =	swait.ge [sflag:s13], $0x800;
	(pc) =	sbr.rel @!p0 .LBB2_2-.Ltmp0, $4  }
0x4b: {  	[sflag:s13] =	ssyncset.done $0x0  }
0x4c: {  	[sflag:s13] =	ssyncadd.s32 $0xFFFFF800  }
0x4d: {  	_ =	swait.ge [sflag:s16], $0x800  }
0x4e: {  	s30 =	sadd.s32 $0xFFFFFFFF, s30;
	[sflag:s16] =	ssyncset.done $0x0  }
.LBB2_1:
0x4f: {  	p0 =	sne.s32 s30, $0x1;
	s30 =	sadd.s32 $0xFFFFFFFF, s30;
	[sflag:s16] =	ssyncadd.s32 $0xFFFFF800  }
0x50: {  	[tilespmem:s2], [sflag:$0x5] =	stream.linear.gather [hbm4b:s3+s2], $0x400, $0x38;
	[tilespmem:$0x1800] =	vst v63  }
0x51: {  	_ =	swait.ge [sflag:s4], $0x400  }
0x52: {  	[sflag:s4] =	ssyncset.done $0x0  }
0x53: {  	[sflag:s4] =	ssyncadd.s32 $0xFFFFFC00  }
0x54: {  	[tilespmem:s6], [sflag:$0x5] =	stream.linear.gather [hbm4b:s5+s2], $0x400, $0x38;
	[tilespmem:$0x1800] =	vst v63  }
0x55: {  	_ =	swait.ge [sflag:s4], $0x400  }
0x56: {  	[sflag:s4] =	ssyncset.done $0x0  }
0x57: {  	[sflag:s4] =	ssyncadd.s32 $0xFFFFFC00  }
0x58: {  	[tilespmem:s9], [sflag:$0x1] =	stream.indirect.gather [hbm4b:s7+s8], $0x10, s2, s8, $0xb8;
	[tilespmem:$0x1800] =	vst v63  }
0x59: {  	_ = 	snop  }
0x5a: {  	[tilespmem:s10], [sflag:$0x2] =	stream.indirect.gather [hbm4b:s7+s8], $0x10, s8, s8, $0xb8;
	[tilespmem:$0x1800] =	vst v63  }
0x5b: {  	_ =	swait.ge [sflag:s11], $0x800  }
0x5c: {  	[sflag:s11] =	ssyncset.done $0x0  }
0x5d: {  	[sflag:s11] =	ssyncadd.s32 $0xFFFFF800  }
0x5e: {  	[hbm4b:s12+s8] =	stream.indirect.scatter [tilespmem:s9], [sflag:$0x3], $0x10, s6, s8, $0xb8;
	[tilespmem:$0x1800] =	vst v63  }
0x5f: {  	_ =	swait.ge [sflag:s13], $0x800  }
0x60: {  	[sflag:s13] =	ssyncset.done $0x0  }
0x61: {  	[sflag:s13] =	ssyncadd.s32 $0xFFFFF800  }
0x62: {  	[tilespmem:s9], [sflag:$0x1] =	stream.indirect.gather [hbm4b:s7+s8], $0x10, s14, s8, $0xb8;
	[tilespmem:$0x1800] =	vst v63  }
0x63: {  	_ =	swait.ge [sflag:s15], $0x800  }
0x64: {  	[sflag:s15] =	ssyncset.done $0x0  }
0x65: {  	[sflag:s15] =	ssyncadd.s32 $0xFFFFF800  }
0x66: {  	[hbm4b:s12+s8] =	stream.indirect.scatter [tilespmem:s10], [sflag:$0x4], $0x10, s17, s8, $0xb8;
	[tilespmem:$0x1800] =	vst v63  }
0x67: {  	_ =	swait.ge [sflag:s16], $0x800  }
0x68: {  	[sflag:s16] =	ssyncset.done $0x0  }
0x69: {  	[sflag:s16] =	ssyncadd.s32 $0xFFFFF800  }
0x6a: {  	[tilespmem:s10], [sflag:$0x2] =	stream.indirect.gather [hbm4b:s7+s8], $0x10, s18, s8, $0xb8;
	[tilespmem:$0x1800] =	vst v63  }
0x6b: {  	_ =	swait.ge [sflag:s11], $0x800  }
0x6c: {  	[sflag:s11] =	ssyncset.done $0x0  }
0x6d: {  	[sflag:s11] =	ssyncadd.s32 $0xFFFFF800  }
0x6e: {  	[hbm4b:s12+s8] =	stream.indirect.scatter [tilespmem:s9], [sflag:$0x3], $0x10, s19, s8, $0xb8;
	[tilespmem:$0x1800] =	vst v63  }
0x6f: {  	_ =	swait.ge [sflag:s13], $0x800  }
0x70: {  	[sflag:s13] =	ssyncset.done $0x0  }
0x71: {  	[sflag:s13] =	ssyncadd.s32 $0xFFFFF800  }
0x72: {  	[tilespmem:s9], [sflag:$0x1] =	stream.indirect.gather [hbm4b:s7+s8], $0x10, s20, s8, $0xb8;
	[tilespmem:$0x1800] =	vst v63  }
0x73: {  	_ =	swait.ge [sflag:s15], $0x800  }
0x74: {  	[sflag:s15] =	ssyncset.done $0x0  }
0x75: {  	[sflag:s15] =	ssyncadd.s32 $0xFFFFF800  }
0x76: {  	[hbm4b:s12+s8] =	stream.indirect.scatter [tilespmem:s10], [sflag:$0x4], $0x10, s21, s8, $0xb8;
	[tilespmem:$0x1800] =	vst v63  }
0x77: {  	_ =	swait.ge [sflag:s16], $0x800  }
0x78: {  	[sflag:s16] =	ssyncset.done $0x0  }
0x79: {  	[sflag:s16] =	ssyncadd.s32 $0xFFFFF800  }
0x7a: {  	[tilespmem:s10], [sflag:$0x2] =	stream.indirect.gather [hbm4b:s7+s8], $0x10, s22, s8, $0xb8;
	[tilespmem:$0x1800] =	vst v63  }
0x7b: {  	_ =	swait.ge [sflag:s11], $0x800  }
0x7c: {  	[sflag:s11] =	ssyncset.done $0x0  }
0x7d: {  	[sflag:s11] =	ssyncadd.s32 $0xFFFFF800  }
0x7e: {  	[hbm4b:s12+s8] =	stream.indirect.scatter [tilespmem:s9], [sflag:$0x3], $0x10, s23, s8, $0xb8;
	[tilespmem:$0x1800] =	vst v63  }
0x7f: {  	_ =	swait.ge [sflag:s13], $0x800  }
0x80: {  	[sflag:s13] =	ssyncset.done $0x0  }
0x81: {  	[sflag:s13] =	ssyncadd.s32 $0xFFFFF800  }
0x82: {  	[tilespmem:s9], [sflag:$0x1] =	stream.indirect.gather [hbm4b:s7+s8], $0x10, s24, s8, $0xb8;
	[tilespmem:$0x1800] =	vst v63  }
0x83: {  	_ =	swait.ge [sflag:s15], $0x800  }
0x84: {  	[sflag:s15] =	ssyncset.done $0x0  }
0x85: {  	[sflag:s15] =	ssyncadd.s32 $0xFFFFF800  }
0x86: {  	[hbm4b:s12+s8] =	stream.indirect.scatter [tilespmem:s10], [sflag:$0x4], $0x10, s25, s8, $0xb8;
	[tilespmem:$0x1800] =	vst v63  }
0x87: {  	_ =	swait.ge [sflag:s16], $0x800  }
0x88: {  	[sflag:s16] =	ssyncset.done $0x0  }
0x89: {  	[sflag:s16] =	ssyncadd.s32 $0xFFFFF800  }
0x8a: {  	[tilespmem:s10], [sflag:$0x2] =	stream.indirect.gather [hbm4b:s7+s8], $0x10, s26, s8, $0xb8;
	[tilespmem:$0x1800] =	vst v63  }
0x8b: {  	_ =	swait.ge [sflag:s11], $0x800  }
0x8c: {  	[sflag:s11] =	ssyncset.done $0x0  }
0x8d: {  	[sflag:s11] =	ssyncadd.s32 $0xFFFFF800  }
0x8e: {  	[hbm4b:s12+s8] =	stream.indirect.scatter [tilespmem:s9], [sflag:$0x3], $0x10, s28, s8, $0xb8;
	[tilespmem:$0x1800] =	vst v63  }
0x8f: {  	_ =	swait.ge [sflag:s15], $0x800  }
0x90: {  	[sflag:s15] =	ssyncset.done $0x0  }
0x91: {  	[sflag:s15] =	ssyncadd.s32 $0xFFFFF800  }
0x92: {  	[hbm4b:s12+s8] =	stream.indirect.scatter [tilespmem:s10], [sflag:$0x4], $0x10, s29, s8, $0xb8;
	[tilespmem:$0x1800] =	vst v63  }
.Ltmp1:
0x93: {  	_ =	swait.ge [sflag:s13], $0x800;
	(pc) =	sbr.rel @p0 .LBB2_1-.Ltmp1, $4  }
0x94: {  	[sflag:s13] =	ssyncset.done $0x0  }
0x95: {  	[sflag:s13] =	ssyncadd.s32 $0xFFFFF800  }
0x96: {  	_ =	swait.ge [sflag:s16], $0x800  }
0x97: {  	[sflag:s16] =	ssyncset.done $0x0  }
.LBB2_2:
0x98: {  	[sflag:s16] =	ssyncadd.s32 $0xFFFFF800  }
0x99: {  	_ =	sfence.sel $0x180000  }
0x9a: {  	[bflag:$0x0] =	sbarrier.arrive $0xFFFF  }
0x9b: {  	p0 =	sne.s32 s1, $0x0;
	_ =	strace $0x9000004D  }
0x9c: {  	s0 =	sadd.s32 @!p0 $0x100000, s0;
	[bflag:$0x2] =	sbarrier.arrive $0xFFFF  }
0x9d: {  	[sflag:s0] =	ssyncadd.tile.s32 @!p0 $0x1;
	_ =	shalt  }
.Lfunc_end2:
_tile_overlayer_lowered:
.L_overlay_start_2:
0x9e: {  	(tag) =	ssettag $0x2  }
0x9f: {  	s0 =	rddreg [dreg:$0x0];
	s2 =	stileid.u32  }
0xa0: {  	s1 =	rddreg [dreg:$0x1];
	p0 =	sne.s32 s2, $0x0  }
0xa1: {  	s3 =	rddreg [dreg:$0x2];
	[bflag:$0x3] =	sbarrier.arrive $0xFFFF;
	s2 =	simm.s32 @!p0 $0x1C05  }
0xa2: {  	[timem:s3], [sflag:s2] =	dma.local @!p0 [hbm:s0], s1  }
0xa3: {  	s0 =	simm.s32 @!p0 $0x5  }
0xa4: {  	_ =	swait.ge @!p0 [sflag:s0], s1  }
0xa5: {  	s1 =	ssub.s32 @!p0 $0x0, s1;
	[sflag:s0] =	ssyncset.done @!p0 $0x0  }
0xa6: {  	[sflag:s0] =	ssyncadd.s32 @!p0 s1  }
0xa7: {  	[bflag:$0x3] =	sbarrier.arrive $0xFFFF  }
0xa8: {  	_ =	shalt  }

</sc_bundles>
